<compile_context>
chip_gen: v7x
topology: tpu7x:2x2x1
jax: 0.10.2.dev20260603
libtpu: 0.0.44.dev20260713+nightly
codegen_flags: <defaults>
</compile_context>

<pallas_src>
import jax
import jax.numpy as jnp
from jax import lax
from jax.experimental import pallas as pl
from jax.experimental.pallas import tpu as pltpu
from jax.experimental.pallas import tpu_sc as plsc

_E, _TOPK, _H, _I = 16, 2, 1024, 512
_NORM_MIN = 1e-12
_TB = 256
_T = 2048
_A = _T * _TOPK
_RB = 256
_NBLK = _A // _RB + _E
_PAD_ROWS = _NBLK * _RB
_DUMP = _A
_CAP = _T + _RB
_L = 16


def _router_kernel(x_ref, gwt_ref, logits_ref, w_ref, sel_ref, hist_ref):
    x = x_ref[...]
    logits = jnp.dot(x, gwt_ref[...], preferred_element_type=jnp.float32)
    logits_ref[...] = logits
    m = jnp.max(logits, axis=-1, keepdims=True)
    ex = jnp.exp(logits - m)
    probs = ex / jnp.sum(ex, axis=-1, keepdims=True)
    iota = lax.broadcasted_iota(jnp.int32, probs.shape, 1)
    m0 = jnp.max(probs, axis=-1, keepdims=True)
    e0 = jnp.min(jnp.where(probs == m0, iota, _E), axis=-1, keepdims=True)
    probs1 = jnp.where(iota == e0, -1.0, probs)
    m1 = jnp.max(probs1, axis=-1, keepdims=True)
    e1 = jnp.min(jnp.where(probs1 == m1, iota, _E), axis=-1, keepdims=True)
    s = jnp.maximum(m0 + m1, _NORM_MIN)
    w_ref[...] = jnp.concatenate([m0 / s, m1 / s], axis=1)
    sel_ref[...] = jnp.concatenate([e0, e1], axis=1)
    onehot = (iota == e0).astype(jnp.int32) + (iota == e1).astype(jnp.int32)
    hist_ref[...] = jnp.sum(onehot, axis=0, keepdims=True)[None]


def _splat(x):
    return lax.broadcast_in_dim(jnp.asarray(x, jnp.int32), (_L,), ())


def _dispatch_body(eids_hbm, x_hbm, hist_hbm, xs_hbm, ra_hbm, b2e_hbm,
                   eids_v, ra_buf, tok_buf, rows_a, rows_b, b2e_v, hist_v,
                   sem, sem2):
    cid = lax.axis_index("c")
    sid = lax.axis_index("s")
    lanes = lax.iota(jnp.int32, _L)
    sid_v = _splat(sid)
    zero_v = jnp.zeros((_L,), jnp.int32)
    one_v = jnp.ones((_L,), jnp.int32)
    dump_c = jnp.full((_L,), _DUMP, jnp.int32)

    pltpu.sync_copy(eids_hbm, eids_v)

    for k in range(_CAP // _L):
        ra_buf[k // 4, pl.ds((k % 4) * _L, _L)] = dump_c
    c6_v = jnp.full((_L,), 6, jnp.int32)
    c63_v = jnp.full((_L,), 63, jnp.int32)

    def cbody(j, cnt_splat):
        v = eids_v[pl.ds(j * _L, _L)]
        msk = v == sid_v
        idxvec = lanes + _splat(j * _L)
        rank = cnt_splat + jnp.cumsum(jnp.where(msk, one_v, zero_v)) - one_v
        rank = jnp.where(msk, rank, zero_v)
        plsc.store_scatter(ra_buf, [lax.shift_right_logical(rank, c6_v), rank & c63_v],
                           idxvec, mask=msk)
        return cnt_splat + plsc.all_reduce_population_count(msk)

    cnt_splat = lax.fori_loop(0, _A // _L, cbody, jnp.zeros((_L,), jnp.int32))

    pltpu.sync_copy(hist_hbm, hist_v)
    counts_vec = jnp.zeros((_L,), jnp.int32)
    for r in range(_T // _TB):
        counts_vec = counts_vec + hist_v[r]

    g_vec = lax.shift_right_logical(counts_vec + jnp.full((_L,), _RB - 1, jnp.int32),
                                    jnp.full((_L,), 8, jnp.int32))
    cum_incl = jnp.cumsum(g_vec)
    pstart_vec = (cum_incl - g_vec) * jnp.full((_L,), _RB, jnp.int32)
    mymask = lanes == sid_v
    g_s = jnp.sum(jnp.where(mymask, g_vec, zero_v))
    pstart = jnp.sum(jnp.where(mymask, pstart_vec, zero_v))
    total_blocks = jnp.sum(jnp.where(lanes == jnp.full((_L,), _L - 1, jnp.int32),
                                     cum_incl, zero_v))

    for k in range(_CAP // _L):
        v = ra_buf[k // 4, pl.ds((k % 4) * _L, _L)]
        tok_buf[pl.ds(k * _L, _L)] = jnp.where(v == dump_c, zero_v,
                                               lax.shift_right_logical(v, one_v))

    @pl.when(cid == 0)
    def _():
        def wr(k, carry):
            off = pl.multiple_of(k * 4, 4)
            pltpu.sync_copy(ra_buf.at[pl.ds(off, 4)],
                            ra_hbm.at[pl.ds(pl.multiple_of((pstart >> 6) + off, 4), 4)])
            return carry
        lax.fori_loop(0, g_s, wr, 0)

    @pl.when((cid == 0) & (sid == 0))
    def _():
        for jj in range(_NBLK // _L):
            bvec = lanes + jnp.full((_L,), jj * _L, jnp.int32)
            acc = jnp.zeros((_L,), jnp.int32)
            for e in range(_E):
                ce_v = jnp.where(lanes == jnp.full((_L,), e, jnp.int32),
                                 cum_incl, zero_v)
                ce_v = _splat(jnp.sum(ce_v))
                acc += jnp.where(bvec >= ce_v, one_v, zero_v)
            b2e_v[pl.ds(jj * _L, _L)] = jnp.minimum(acc, jnp.full((_L,), _E - 1, jnp.int32))
        b2e_v[pl.ds(_NBLK, _L)] = _splat(total_blocks)
        pltpu.sync_copy(b2e_v, b2e_hbm)

    c_s = jnp.sum(jnp.where(mymask, counts_vec, 0))
    nch = (c_s + 31) >> 5
    iters = (nch - cid + 1) >> 1
    maxoff = jnp.maximum(cid + 2 * (iters - 1), 0) * 32

    def gbody(i, carry):
        off1 = pl.multiple_of(jnp.minimum((cid + 4 * i) * 32, maxoff), 32)
        off2 = pl.multiple_of(jnp.minimum((cid + 4 * i + 2) * 32, maxoff), 32)
        cp1 = pltpu.async_copy(x_hbm.at[tok_buf.at[pl.ds(off1, 32)]], rows_a, sem)
        cp2 = pltpu.async_copy(x_hbm.at[tok_buf.at[pl.ds(off2, 32)]], rows_b, sem2)
        cp1.wait()
        pltpu.sync_copy(rows_a, xs_hbm.at[pl.ds(pl.multiple_of(pstart + off1, 32), 32)])
        cp2.wait()
        pltpu.sync_copy(rows_b, xs_hbm.at[pl.ds(pl.multiple_of(pstart + off2, 32), 32)])
        return carry

    lax.fori_loop(0, (iters + 1) >> 1, gbody, 0)


def _gmm_kernel(b2e_ref, x_ref, gw_ref, uw_ref, dw_ref, out_ref):
    @pl.when(pl.program_id(0) < b2e_ref[_NBLK])
    def _():
        x = x_ref[...]
        g = jnp.dot(x, gw_ref[0], preferred_element_type=jnp.float32)
        u = jnp.dot(x, uw_ref[0], preferred_element_type=jnp.float32)
        h = g * jax.nn.sigmoid(g) * u
        out_ref[...] = jnp.dot(h, dw_ref[0], preferred_element_type=jnp.float32)


def _unsort_body(ra_hbm, b2e_hbm, ys_hbm, ytok_hbm, idx_v, b2e_v, rows_a, sem_a):
    cid = lax.axis_index("c")
    sid = lax.axis_index("s")
    w = sid * 2 + cid
    rows_per_w = _PAD_ROWS // 32
    base = pl.multiple_of(w * rows_per_w, 32)
    nchw = _PAD_ROWS // 1024
    base8 = pl.multiple_of(jnp.minimum((w * nchw) // 8 * 8, _PAD_ROWS // 32 - 16), 8)
    roff = w * nchw - base8
    pltpu.sync_copy(ra_hbm.at[pl.ds(base8, 16)], idx_v)
    pltpu.sync_copy(b2e_hbm, b2e_v)
    lanes = lax.iota(jnp.int32, _L)
    dump_c = jnp.full((_L,), _DUMP, jnp.int32)
    zero_v = jnp.zeros((_L,), jnp.int32)
    one_v = jnp.ones((_L,), jnp.int32)
    dr_v = _splat(_DUMP + w)
    tv = b2e_v[pl.ds(_NBLK, _L)]
    tot_rows = jnp.sum(jnp.where(lanes == zero_v, tv, zero_v)) * _RB
    for j in range(_PAD_ROWS // 1024):
        r = roff + j

        @pl.when(base + j * 32 < tot_rows)
        def _():
            v1 = idx_v[r, pl.ds(0, _L)]
            v2 = idx_v[r, pl.ds(_L, _L)]
            nd = (jnp.sum(jnp.where(v1 == dump_c, one_v, zero_v)) +
                  jnp.sum(jnp.where(v2 == dump_c, one_v, zero_v)))
            h1 = lax.shift_right_logical(v1, one_v) + (v1 & one_v) * jnp.full((_L,), _T, jnp.int32)
            h2 = lax.shift_right_logical(v2, one_v) + (v2 & one_v) * jnp.full((_L,), _T, jnp.int32)
            idx_v[r, pl.ds(0, _L)] = jnp.where(v1 == dump_c, dr_v, h1)
            idx_v[r, pl.ds(_L, _L)] = jnp.where(v2 == dump_c, dr_v, h2)

            @pl.when(nd < 32)
            def _():
                pltpu.async_copy(ys_hbm.at[pl.ds(base + j * 32, 32)], rows_a, sem_a).wait()
                pltpu.sync_copy(rows_a, ytok_hbm.at[idx_v.at[r]])


def _shared_kernel(x_ref, sg_ref, su_ref, sd_ref, out_ref):
    x = x_ref[...]
    g = jnp.dot(x, sg_ref[...], preferred_element_type=jnp.float32)
    u = jnp.dot(x, su_ref[...], preferred_element_type=jnp.float32)
    h = g * jax.nn.sigmoid(g) * u
    out_ref[...] = jnp.dot(h, sd_ref[...], preferred_element_type=jnp.float32)


def _combine_kernel(sh_ref, w_ref, y0_ref, y1_ref, out_ref):
    w = w_ref[...]
    out_ref[...] = sh_ref[...] + y0_ref[...] * w[:, 0:1] + y1_ref[...] * w[:, 1:2]


def kernel(hidden_states, gate_w, expert_gate_w, expert_up_w, expert_down_w,
           shared_gate_w, shared_up_w, shared_down_w):
    b, s, hd = hidden_states.shape
    x = hidden_states.reshape(-1, hd)
    T = x.shape[0]
    nb = T // _TB

    logits, w, sel, hist = pl.pallas_call(
        _router_kernel,
        grid=(nb,),
        in_specs=[
            pl.BlockSpec((_TB, _H), lambda i: (i, 0)),
            pl.BlockSpec((_H, _E), lambda i: (0, 0)),
        ],
        out_specs=[
            pl.BlockSpec((_TB, _E), lambda i: (i, 0)),
            pl.BlockSpec((_TB, _TOPK), lambda i: (i, 0)),
            pl.BlockSpec((_TB, _TOPK), lambda i: (i, 0)),
            pl.BlockSpec((1, 1, _E), lambda i: (i, 0, 0)),
        ],
        out_shape=[
            jax.ShapeDtypeStruct((T, _E), jnp.float32),
            jax.ShapeDtypeStruct((T, _TOPK), jnp.float32),
            jax.ShapeDtypeStruct((T, _TOPK), jnp.int32),
            jax.ShapeDtypeStruct((T // _TB, 1, _E), jnp.int32),
        ],
    )(x, gate_w.T)

    eids = sel.reshape(-1)

    mesh = plsc.VectorSubcoreMesh(core_axis_name="c", subcore_axis_name="s",
                                  num_cores=2)
    dispatch = pl.kernel(
        _dispatch_body,
        out_type=[
            jax.ShapeDtypeStruct((_PAD_ROWS, _H), jnp.float32),
            jax.ShapeDtypeStruct((_PAD_ROWS // 64, 64), jnp.int32),
            jax.ShapeDtypeStruct((64,), jnp.int32),
        ],
        mesh=mesh,
        compiler_params=pltpu.CompilerParams(needs_layout_passes=False),
        scratch_types=[
            pltpu.VMEM((_A,), jnp.int32),
            pltpu.VMEM((_CAP // 64, 64), jnp.int32),
            pltpu.VMEM((_CAP,), jnp.int32),
            pltpu.VMEM((32, _H), jnp.float32),
            pltpu.VMEM((32, _H), jnp.float32),
            pltpu.VMEM((64,), jnp.int32),
            pltpu.VMEM((_T // _TB, _L), jnp.int32),
            pltpu.SemaphoreType.DMA,
            pltpu.SemaphoreType.DMA,
        ],
    )
    xs, ra, b2e = dispatch(eids, x, hist.reshape(T // _TB, _E))

    ys = pl.pallas_call(
        _gmm_kernel,
        grid_spec=pltpu.PrefetchScalarGridSpec(
            num_scalar_prefetch=1,
            grid=(_NBLK,),
            in_specs=[
                pl.BlockSpec((_RB, _H), lambda j, b2e_s: (j, 0)),
                pl.BlockSpec((1, _H, _I), lambda j, b2e_s: (b2e_s[j], 0, 0)),
                pl.BlockSpec((1, _H, _I), lambda j, b2e_s: (b2e_s[j], 0, 0)),
                pl.BlockSpec((1, _I, _H), lambda j, b2e_s: (b2e_s[j], 0, 0)),
            ],
            out_specs=pl.BlockSpec((_RB, _H), lambda j, b2e_s: (j, 0)),
        ),
        out_shape=jax.ShapeDtypeStruct((_PAD_ROWS, _H), jnp.float32),
    )(b2e, xs, expert_gate_w, expert_up_w, expert_down_w)

    unsort = pl.kernel(
        _unsort_body,
        out_type=jax.ShapeDtypeStruct((_A + 32, _H), jnp.float32),
        mesh=plsc.VectorSubcoreMesh(core_axis_name="c", subcore_axis_name="s",
                                    num_cores=2),
        compiler_params=pltpu.CompilerParams(needs_layout_passes=False),
        scratch_types=[
            pltpu.VMEM((16, 32), jnp.int32),
            pltpu.VMEM((64,), jnp.int32),
            pltpu.VMEM((32, _H), jnp.float32),
            pltpu.SemaphoreType.DMA,
        ],
    )
    ytok = unsort(ra.reshape(_PAD_ROWS // 32, 32), b2e, ys)

    sh = pl.pallas_call(
        _shared_kernel,
        grid=(nb,),
        in_specs=[
            pl.BlockSpec((_TB, _H), lambda i: (i, 0)),
            pl.BlockSpec((_H, _I), lambda i: (0, 0)),
            pl.BlockSpec((_H, _I), lambda i: (0, 0)),
            pl.BlockSpec((_I, _H), lambda i: (0, 0)),
        ],
        out_specs=pl.BlockSpec((_TB, _H), lambda i: (i, 0)),
        out_shape=jax.ShapeDtypeStruct((T, _H), jnp.float32),
    )(x, shared_gate_w, shared_up_w, shared_down_w)

    out = pl.pallas_call(
        _combine_kernel,
        grid=(nb,),
        in_specs=[
            pl.BlockSpec((_TB, _H), lambda i: (i, 0)),
            pl.BlockSpec((_TB, _TOPK), lambda i: (i, 0)),
            pl.BlockSpec((_TB, _H), lambda i: (i, 0)),
            pl.BlockSpec((_TB, _H), lambda i: (i + T // _TB, 0)),
        ],
        out_specs=pl.BlockSpec((_TB, _H), lambda i: (i, 0)),
        out_shape=jax.ShapeDtypeStruct((T, _H), jnp.float32),
    )(sh, w, ytok, ytok)

    return out.reshape(b, s, hd), logits

# --- scband reference (transcript-rebuilt; emitter-appended) ---
"""Pipeline reference for scband-ernie4-5-mo-esparse-mo-eblock-12945031430346 (READ-ONLY COPY).

The authoritative reference and input builder live on the scoring server;
editing this copy changes nothing except your own understanding.
"""

import jax, jax.numpy as jnp
import numpy as np

E = 16
TOPK = 2
H = 1024
I = 512
NORM_MIN = 1e-12
B, S = 1, 2048


def _silu(x):
    return x * jax.nn.sigmoid(x)


def setup_inputs(seed: int = 0):
    key = jax.random.key(seed)
    ks = jax.random.split(key, 8)
    s = 0.02
    return {
        "hidden_states": jax.random.normal(ks[0], (B, S, H), dtype=jnp.float32),
        "gate_w": jax.random.normal(ks[1], (E, H), dtype=jnp.float32) * s,
        "expert_gate_w": jax.random.normal(ks[2], (E, H, I), dtype=jnp.float32) * s,
        "expert_up_w": jax.random.normal(ks[3], (E, H, I), dtype=jnp.float32) * s,
        "expert_down_w": jax.random.normal(ks[4], (E, I, H), dtype=jnp.float32) * s,
        "shared_gate_w": jax.random.normal(ks[5], (H, I), dtype=jnp.float32) * s,
        "shared_up_w": jax.random.normal(ks[6], (H, I), dtype=jnp.float32) * s,
        "shared_down_w": jax.random.normal(ks[7], (I, H), dtype=jnp.float32) * s,
    }


def reference(hidden_states, gate_w, expert_gate_w, expert_up_w, expert_down_w,
              shared_gate_w, shared_up_w, shared_down_w):
    b, s, hd = hidden_states.shape
    x = hidden_states.reshape(-1, hd)
    T = x.shape[0]
    # router
    router_logits = x.astype(jnp.float32) @ gate_w.T
    probs = jax.nn.softmax(router_logits, axis=-1)
    routing_weights, selected_experts = jax.lax.top_k(probs, TOPK)
    routing_weights = routing_weights / jnp.clip(
        jnp.sum(routing_weights, axis=-1, keepdims=True), NORM_MIN)
    routing_weights = routing_weights.astype(x.dtype)
    # scatter top-k weights into full [T, E] combine matrix
    combine = jnp.zeros((T, E), dtype=x.dtype).at[
        jnp.arange(T)[:, None], selected_experts].add(routing_weights)
    out = jnp.zeros((T, hd), dtype=x.dtype)
    num_experts = expert_gate_w.shape[0]
    for e in range(num_experts):
        h = _silu(x @ expert_gate_w[e]) * (x @ expert_up_w[e])
        y = h @ expert_down_w[e]
        out = out + y * combine[:, e][:, None]
    # shared expert (full capacity on all tokens)
    shared = _silu(x @ shared_gate_w) * (x @ shared_up_w)
    out = out + shared @ shared_down_w
    return out.reshape(b, s, hd), router_logits

if __name__ == "__main__":
    import jax
    _d = setup_inputs()
    print(jax.jit(kernel)(*tuple(_d.values())))

</pallas_src>

<mosaic_0001>
#map = affine_map<(d0, d1) -> (0, 0)>
#map1 = affine_map<(d0, d1) -> (0)>
module attributes {stable_mosaic.version = 14 : i64} {
  func.func @_unsort_body(%arg0: i32, %arg1: i32, %arg2: memref<256x32xi32, #tpu.memory_space<hbm>>, %arg3: memref<64xi32, #tpu.memory_space<hbm>>, %arg4: memref<8192x1024xf32, #tpu.memory_space<hbm>>, %arg5: memref<4128x1024xf32, #tpu.memory_space<hbm>>, %arg6: memref<16x32xi32, #tpu.memory_space<vmem>>, %arg7: memref<64xi32, #tpu.memory_space<vmem>>, %arg8: memref<32x1024xf32, #tpu.memory_space<vmem>>, %arg9: memref<!tpu.dma_semaphore, #tpu.memory_space<semaphore_mem>>) attributes {dimension_semantics = [#tpu.dimension_semantics<core_parallel>, #tpu.dimension_semantics<subcore_parallel>], iteration_bounds = array<i64: 2, 16>, scalar_prefetch = 0 : i64, scratch_operands = 4 : i64, tpu.core_type = #tpu.core_type<sc_vector_subcore>, window_params = [{transform_indices = #map}, {transform_indices = #map1}, {transform_indices = #map}, {transform_indices = #map}]} {
    %mul3A = arith.constant 2 : i32
    %mul3A_0 = arith.muli %arg1, %mul3A : i32
    %add3A = arith.addi %mul3A_0, %arg0 : i32
    %mul3A_1 = arith.constant 256 : i32
    %mul3A_2 = arith.muli %add3A, %mul3A_1 : i32
    %multiple_of3A = tpu.assume_multiple %mul3A_2, 32 : i32
    %mul3A_3 = arith.constant 8 : i32
    %mul3A_4 = arith.muli %add3A, %mul3A_3 : i32
    %jit3A = arith.constant 8 : i32
    %div3A = arith.divsi %mul3A_4, %jit3A : i32
    %sign3A = arith.constant 0 : i32
    %sign3A_5 = arith.cmpi sgt, %mul3A_4, %sign3A : i32
    %sign3A_6 = arith.extui %sign3A_5 : i1 to i32
    %sign3A_7 = arith.constant 0 : i32
    %sign3A_8 = arith.cmpi slt, %mul3A_4, %sign3A_7 : i32
    %sign3A_9 = arith.extui %sign3A_8 : i1 to i32
    %sign3A_10 = arith.subi %sign3A_6, %sign3A_9 : i32
    %sign3A_11 = arith.constant 0 : i32
    %sign3A_12 = arith.cmpi sgt, %jit3A, %sign3A_11 : i32
    %sign3A_13 = arith.extui %sign3A_12 : i1 to i32
    %sign3A_14 = arith.constant 0 : i32
    %sign3A_15 = arith.cmpi slt, %jit3A, %sign3A_14 : i32
    %sign3A_16 = arith.extui %sign3A_15 : i1 to i32
    %sign3A_17 = arith.subi %sign3A_13, %sign3A_16 : i32
    %ne3A = arith.cmpi ne, %sign3A_10, %sign3A_17 : i32
    %rem3A = arith.remsi %mul3A_4, %jit3A : i32
    %ne3A_18 = arith.constant 0 : i32
    %ne3A_19 = arith.cmpi ne, %rem3A, %ne3A_18 : i32
    %and3A = arith.andi %ne3A, %ne3A_19 : i1
    %sub3A = arith.constant 1 : i32
    %sub3A_20 = arith.subi %div3A, %sub3A : i32
    %select_n3A = arith.select %and3A, %sub3A_20, %div3A : i32
    %mul3A_21 = arith.constant 8 : i32
    %mul3A_22 = arith.muli %select_n3A, %mul3A_21 : i32
    %min3A = arith.constant 240 : i32
    %min3A_23 = arith.minsi %mul3A_22, %min3A : i32
    %multiple_of3A_24 = tpu.assume_multiple %min3A_23, 8 : i32
    %mul3A_25 = arith.constant 8 : i32
    %mul3A_26 = arith.muli %add3A, %mul3A_25 : i32
    %sub3A_27 = arith.subi %mul3A_26, %multiple_of3A_24 : i32
    "tpu.region"() ({
      %run_scoped3A = tpu.sem_alloc : memref<!tpu.dma_semaphore, #tpu.memory_space<semaphore_mem>>
      %dma_start3A = arith.constant 0 : i32
      %dma_start3A_104 = tpu.memref_slice %arg2[%multiple_of3A_24, %dma_start3A] : memref<256x32xi32, #tpu.memory_space<hbm>> -> memref<16x32xi32, #tpu.memory_space<hbm>>
      %dma_start3A_105 = arith.constant 0 : i32
      %dma_start3A_106 = tpu.memref_slice %arg2[%multiple_of3A_24, %dma_start3A_105] : memref<256x32xi32, #tpu.memory_space<hbm>> -> memref<16x32xi32, #tpu.memory_space<hbm>>
      tpu.enqueue_dma source(%dma_start3A_106 : memref<16x32xi32, #tpu.memory_space<hbm>>) target(%arg6 : memref<16x32xi32, #tpu.memory_space<vmem>>) target_semaphore(%run_scoped3A : memref<!tpu.dma_semaphore, #tpu.memory_space<semaphore_mem>>)
      %dma_wait3A = arith.constant 0 : i32
      %dma_wait3A_107 = tpu.memref_slice %arg2[%multiple_of3A_24, %dma_wait3A] : memref<256x32xi32, #tpu.memory_space<hbm>> -> memref<16x32xi32, #tpu.memory_space<hbm>>
      %dma_wait3A_108 = arith.constant 0 : i32
      %dma_wait3A_109 = tpu.memref_slice %arg2[%multiple_of3A_24, %dma_wait3A_108] : memref<256x32xi32, #tpu.memory_space<hbm>> -> memref<16x32xi32, #tpu.memory_space<hbm>>
      tpu.wait_dma2 semaphore(%run_scoped3A : memref<!tpu.dma_semaphore, #tpu.memory_space<semaphore_mem>>) src(%dma_wait3A_109 : memref<16x32xi32, #tpu.memory_space<hbm>>) dst(%arg6 : memref<16x32xi32, #tpu.memory_space<vmem>>)
      tpu.yield
    }) : () -> ()
    "tpu.region"() ({
      %run_scoped3A = tpu.sem_alloc : memref<!tpu.dma_semaphore, #tpu.memory_space<semaphore_mem>>
      tpu.enqueue_dma source(%arg3 : memref<64xi32, #tpu.memory_space<hbm>>) target(%arg7 : memref<64xi32, #tpu.memory_space<vmem>>) target_semaphore(%run_scoped3A : memref<!tpu.dma_semaphore, #tpu.memory_space<semaphore_mem>>)
      tpu.wait_dma2 semaphore(%run_scoped3A : memref<!tpu.dma_semaphore, #tpu.memory_space<semaphore_mem>>) src(%arg3 : memref<64xi32, #tpu.memory_space<hbm>>) dst(%arg7 : memref<64xi32, #tpu.memory_space<vmem>>)
      tpu.yield
    }) : () -> ()
    %iota3A = tpu.iota {dimensions = array<i32: 0>} : vector<16xi32>
    %broadcast_in_dim3A = arith.constant 4096 : i32
    %broadcast_in_dim3A_28 = vector.broadcast %broadcast_in_dim3A : i32 to vector<16xi32>
    %broadcast_in_dim3A_29 = arith.constant 0 : i32
    %broadcast_in_dim3A_30 = vector.broadcast %broadcast_in_dim3A_29 : i32 to vector<16xi32>
    %broadcast_in_dim3A_31 = arith.constant 1 : i32
    %broadcast_in_dim3A_32 = vector.broadcast %broadcast_in_dim3A_31 : i32 to vector<16xi32>
    %add3A_33 = arith.constant 4096 : i32
    %add3A_34 = arith.addi %add3A_33, %add3A : i32
    %broadcast_in_dim3A_35 = vector.broadcast %add3A_34 : i32 to vector<16xi32>
    %get3A = arith.constant 32 : index
    %get3A_36 = tpu.vector_load %arg7[%get3A] {strides = array<i32>} : memref<64xi32, #tpu.memory_space<vmem>>, vector<16xi32>,
    %eq3A = arith.cmpi eq, %iota3A, %broadcast_in_dim3A_30 : vector<16xi32>
    %select_n3A_37 = arith.select %eq3A, %get3A_36, %broadcast_in_dim3A_30 : vector<16xi1>, vector<16xi32>
    %reduce_sum3A = arith.constant true
    %reduce_sum3A_38 = vector.broadcast %reduce_sum3A : i1 to vector<16xi1>
    %reduce_sum3A_39 = tpu.scan <sum>, %select_n3A_37 masked %reduce_sum3A_38 : vector<16xi32>, vector<16xi1> -> vector<16xi32>
    %reduce_sum3A_40 = vector.extract %reduce_sum3A_39[15] : i32 from vector<16xi32>
    %mul3A_41 = arith.constant 256 : i32
    %mul3A_42 = arith.muli %reduce_sum3A_40, %mul3A_41 : i32
    %add3A_43 = arith.constant 0 : i32
    %add3A_44 = arith.addi %sub3A_27, %add3A_43 : i32
    %add3A_45 = arith.constant 0 : i32
    %add3A_46 = arith.addi %multiple_of3A, %add3A_45 : i32
    %lt3A = arith.cmpi slt, %add3A_46, %mul3A_42 : i32
    %convert_element_type3A = arith.extui %lt3A : i1 to i32
    %cond3A = arith.constant 0 : i32
    %cond3A_47 = arith.cmpi ne, %convert_element_type3A, %cond3A : i32
    scf.if %cond3A_47 {
      %get3A_104 = arith.index_cast %add3A_44 : i32 to index
      %get3A_105 = arith.constant 0 : index
      %get3A_106 = tpu.vector_load %arg6[%get3A_104, %get3A_105] {strides = array<i32>} : memref<16x32xi32, #tpu.memory_space<vmem>>, vector<16xi32>,
      %get3A_107 = arith.index_cast %add3A_44 : i32 to index
      %get3A_108 = arith.constant 16 : index
      %get3A_109 = tpu.vector_load %arg6[%get3A_107, %get3A_108] {strides = array<i32>} : memref<16x32xi32, #tpu.memory_space<vmem>>, vector<16xi32>,
      %eq3A_110 = arith.cmpi eq, %get3A_106, %broadcast_in_dim3A_28 : vector<16xi32>
      %select_n3A_111 = arith.select %eq3A_110, %broadcast_in_dim3A_32, %broadcast_in_dim3A_30 : vector<16xi1>, vector<16xi32>
      %reduce_sum3A_112 = arith.constant true
      %reduce_sum3A_113 = vector.broadcast %reduce_sum3A_112 : i1 to vector<16xi1>
      %reduce_sum3A_114 = tpu.scan <sum>, %select_n3A_111 masked %reduce_sum3A_113 : vector<16xi32>, vector<16xi1> -> vector<16xi32>
      %reduce_sum3A_115 = vector.extract %reduce_sum3A_114[15] : i32 from vector<16xi32>
      %eq3A_116 = arith.cmpi eq, %get3A_109, %broadcast_in_dim3A_28 : vector<16xi32>
      %select_n3A_117 = arith.select %eq3A_116, %broadcast_in_dim3A_32, %broadcast_in_dim3A_30 : vector<16xi1>, vector<16xi32>
      %reduce_sum3A_118 = arith.constant true
      %reduce_sum3A_119 = vector.broadcast %reduce_sum3A_118 : i1 to vector<16xi1>
      %reduce_sum3A_120 = tpu.scan <sum>, %select_n3A_117 masked %reduce_sum3A_119 : vector<16xi32>, vector<16xi1> -> vector<16xi32>
      %reduce_sum3A_121 = vector.extract %reduce_sum3A_120[15] : i32 from vector<16xi32>
      %add3A_122 = arith.addi %reduce_sum3A_115, %reduce_sum3A_121 : i32
      %shift_right_logical3A = arith.shrui %get3A_106, %broadcast_in_dim3A_32 : vector<16xi32>
      %and3A_123 = arith.andi %get3A_106, %broadcast_in_dim3A_32 : vector<16xi32>
      %broadcast_in_dim3A_124 = arith.constant 2048 : i32
      %broadcast_in_dim3A_125 = vector.broadcast %broadcast_in_dim3A_124 : i32 to vector<16xi32>
      %mul3A_126 = arith.muli %and3A_123, %broadcast_in_dim3A_125 : vector<16xi32>
      %add3A_127 = arith.addi %shift_right_logical3A, %mul3A_126 : vector<16xi32>
      %shift_right_logical3A_128 = arith.shrui %get3A_109, %broadcast_in_dim3A_32 : vector<16xi32>
      %and3A_129 = arith.andi %get3A_109, %broadcast_in_dim3A_32 : vector<16xi32>
      %broadcast_in_dim3A_130 = arith.constant 2048 : i32
      %broadcast_in_dim3A_131 = vector.broadcast %broadcast_in_dim3A_130 : i32 to vector<16xi32>
      %mul3A_132 = arith.muli %and3A_129, %broadcast_in_dim3A_131 : vector<16xi32>
      %add3A_133 = arith.addi %shift_right_logical3A_128, %mul3A_132 : vector<16xi32>
      %eq3A_134 = arith.cmpi eq, %get3A_106, %broadcast_in_dim3A_28 : vector<16xi32>
      %select_n3A_135 = arith.select %eq3A_134, %broadcast_in_dim3A_35, %add3A_127 : vector<16xi1>, vector<16xi32>
      %swap3A = arith.index_cast %add3A_44 : i32 to index
      %swap3A_136 = arith.constant 0 : index
      %swap3A_137 = tpu.vector_load %arg6[%swap3A, %swap3A_136] {strides = array<i32>} : memref<16x32xi32, #tpu.memory_space<vmem>>, vector<16xi32>,
      tpu.vector_store %arg6[%swap3A, %swap3A_136], %select_n3A_135 {strides = array<i32>} : memref<16x32xi32, #tpu.memory_space<vmem>>, vector<16xi32>,
      %eq3A_138 = arith.cmpi eq, %get3A_109, %broadcast_in_dim3A_28 : vector<16xi32>
      %select_n3A_139 = arith.select %eq3A_138, %broadcast_in_dim3A_35, %add3A_133 : vector<16xi1>, vector<16xi32>
      %swap3A_140 = arith.index_cast %add3A_44 : i32 to index
      %swap3A_141 = arith.constant 16 : index
      %swap3A_142 = tpu.vector_load %arg6[%swap3A_140, %swap3A_141] {strides = array<i32>} : memref<16x32xi32, #tpu.memory_space<vmem>>, vector<16xi32>,
      tpu.vector_store %arg6[%swap3A_140, %swap3A_141], %select_n3A_139 {strides = array<i32>} : memref<16x32xi32, #tpu.memory_space<vmem>>, vector<16xi32>,
      %lt3A_143 = arith.constant 32 : i32
      %lt3A_144 = arith.cmpi slt, %add3A_122, %lt3A_143 : i32
      %convert_element_type3A_145 = arith.extui %lt3A_144 : i1 to i32
      %cond3A_146 = arith.constant 0 : i32
      %cond3A_147 = arith.cmpi ne, %convert_element_type3A_145, %cond3A_146 : i32
      scf.if %cond3A_147 {
        %add3A_148 = arith.constant 0 : i32
        %add3A_149 = arith.addi %multiple_of3A, %add3A_148 : i32
        %dma_start3A = arith.constant 0 : i32
        %dma_start3A_150 = tpu.memref_slice %arg4[%add3A_149, %dma_start3A] : memref<8192x1024xf32, #tpu.memory_space<hbm>> -> memref<32x1024xf32, #tpu.memory_space<hbm>>
        %dma_start3A_151 = arith.constant 0 : i32
        %dma_start3A_152 = tpu.memref_slice %arg4[%add3A_149, %dma_start3A_151] : memref<8192x1024xf32, #tpu.memory_space<hbm>> -> memref<32x1024xf32, #tpu.memory_space<hbm>>
        tpu.enqueue_dma source(%dma_start3A_152 : memref<32x1024xf32, #tpu.memory_space<hbm>>) target(%arg8 : memref<32x1024xf32, #tpu.memory_space<vmem>>) target_semaphore(%arg9 : memref<!tpu.dma_semaphore, #tpu.memory_space<semaphore_mem>>)
        %dma_wait3A = arith.constant 0 : i32
        %dma_wait3A_153 = tpu.memref_slice %arg4[%add3A_149, %dma_wait3A] : memref<8192x1024xf32, #tpu.memory_space<hbm>> -> memref<32x1024xf32, #tpu.memory_space<hbm>>
        %dma_wait3A_154 = arith.constant 0 : i32
        %dma_wait3A_155 = tpu.memref_slice %arg4[%add3A_149, %dma_wait3A_154] : memref<8192x1024xf32, #tpu.memory_space<hbm>> -> memref<32x1024xf32, #tpu.memory_space<hbm>>
        tpu.wait_dma2 semaphore(%arg9 : memref<!tpu.dma_semaphore, #tpu.memory_space<semaphore_mem>>) src(%dma_wait3A_155 : memref<32x1024xf32, #tpu.memory_space<hbm>>) dst(%arg8 : memref<32x1024xf32, #tpu.memory_space<vmem>>)
        "tpu.region"() ({
          %run_scoped3A = tpu.sem_alloc : memref<!tpu.dma_semaphore, #tpu.memory_space<semaphore_mem>>
          %dma_start3A_156 = arith.constant 0 : i32
          %dma_start3A_157 = tpu.memref_slice %arg6[%add3A_44, %dma_start3A_156] : memref<16x32xi32, #tpu.memory_space<vmem>> -> memref<1x32xi32, #tpu.memory_space<vmem>>
          %dma_start3A_158 = tpu.memref_squeeze %dma_start3A_157 : memref<1x32xi32, #tpu.memory_space<vmem>> -> memref<32xi32, #tpu.memory_space<vmem>>
          %dma_start3A_159 = arith.constant 0 : i32
          %dma_start3A_160 = arith.constant 0 : i32
          %dma_start3A_161 = tpu.memref_slice %arg5[%dma_start3A_159, %dma_start3A_160] : memref<4128x1024xf32, #tpu.memory_space<hbm>> -> memref<4128x1024xf32, #tpu.memory_space<hbm>>
          tpu.enqueue_indirect_dma source(%arg8 : memref<32x1024xf32, #tpu.memory_space<vmem>>) target(%dma_start3A_161 : memref<4128x1024xf32, #tpu.memory_space<hbm>>) offsets(%dma_start3A_158 : memref<32xi32, #tpu.memory_space<vmem>>) semaphore(%run_scoped3A : memref<!tpu.dma_semaphore, #tpu.memory_space<semaphore_mem>>)
          %dma_wait3A_162 = arith.constant 0 : i32
          %dma_wait3A_163 = tpu.memref_slice %arg6[%add3A_44, %dma_wait3A_162] : memref<16x32xi32, #tpu.memory_space<vmem>> -> memref<1x32xi32, #tpu.memory_space<vmem>>
          %dma_wait3A_164 = tpu.memref_squeeze %dma_wait3A_163 : memref<1x32xi32, #tpu.memory_space<vmem>> -> memref<32xi32, #tpu.memory_space<vmem>>
          %dma_wait3A_165 = arith.constant 0 : i32
          %dma_wait3A_166 = arith.constant 0 : i32
          %dma_wait3A_167 = tpu.memref_slice %arg5[%dma_wait3A_165, %dma_wait3A_166] : memref<4128x1024xf32, #tpu.memory_space<hbm>> -> memref<4128x1024xf32, #tpu.memory_space<hbm>>
          tpu.wait_indirect_dma semaphore(%run_scoped3A : memref<!tpu.dma_semaphore, #tpu.memory_space<semaphore_mem>>) src(%arg8 : memref<32x1024xf32, #tpu.memory_space<vmem>>) dst(%dma_wait3A_167 : memref<4128x1024xf32, #tpu.memory_space<hbm>>)
          tpu.yield
        }) : () -> ()
      } else {
      }
    } else {
    }
    %add3A_48 = arith.constant 1 : i32
    %add3A_49 = arith.addi %sub3A_27, %add3A_48 : i32
    %add3A_50 = arith.constant 32 : i32
    %add3A_51 = arith.addi %multiple_of3A, %add3A_50 : i32
    %lt3A_52 = arith.cmpi slt, %add3A_51, %mul3A_42 : i32
    %convert_element_type3A_53 = arith.extui %lt3A_52 : i1 to i32
    %cond3A_54 = arith.constant 0 : i32
    %cond3A_55 = arith.cmpi ne, %convert_element_type3A_53, %cond3A_54 : i32
    scf.if %cond3A_55 {
      %get3A_104 = arith.index_cast %add3A_49 : i32 to index
      %get3A_105 = arith.constant 0 : index
      %get3A_106 = tpu.vector_load %arg6[%get3A_104, %get3A_105] {strides = array<i32>} : memref<16x32xi32, #tpu.memory_space<vmem>>, vector<16xi32>,
      %get3A_107 = arith.index_cast %add3A_49 : i32 to index
      %get3A_108 = arith.constant 16 : index
      %get3A_109 = tpu.vector_load %arg6[%get3A_107, %get3A_108] {strides = array<i32>} : memref<16x32xi32, #tpu.memory_space<vmem>>, vector<16xi32>,
      %eq3A_110 = arith.cmpi eq, %get3A_106, %broadcast_in_dim3A_28 : vector<16xi32>
      %select_n3A_111 = arith.select %eq3A_110, %broadcast_in_dim3A_32, %broadcast_in_dim3A_30 : vector<16xi1>, vector<16xi32>
      %reduce_sum3A_112 = arith.constant true
      %reduce_sum3A_113 = vector.broadcast %reduce_sum3A_112 : i1 to vector<16xi1>
      %reduce_sum3A_114 = tpu.scan <sum>, %select_n3A_111 masked %reduce_sum3A_113 : vector<16xi32>, vector<16xi1> -> vector<16xi32>
      %reduce_sum3A_115 = vector.extract %reduce_sum3A_114[15] : i32 from vector<16xi32>
      %eq3A_116 = arith.cmpi eq, %get3A_109, %broadcast_in_dim3A_28 : vector<16xi32>
      %select_n3A_117 = arith.select %eq3A_116, %broadcast_in_dim3A_32, %broadcast_in_dim3A_30 : vector<16xi1>, vector<16xi32>
      %reduce_sum3A_118 = arith.constant true
      %reduce_sum3A_119 = vector.broadcast %reduce_sum3A_118 : i1 to vector<16xi1>
      %reduce_sum3A_120 = tpu.scan <sum>, %select_n3A_117 masked %reduce_sum3A_119 : vector<16xi32>, vector<16xi1> -> vector<16xi32>
      %reduce_sum3A_121 = vector.extract %reduce_sum3A_120[15] : i32 from vector<16xi32>
      %add3A_122 = arith.addi %reduce_sum3A_115, %reduce_sum3A_121 : i32
      %shift_right_logical3A = arith.shrui %get3A_106, %broadcast_in_dim3A_32 : vector<16xi32>
      %and3A_123 = arith.andi %get3A_106, %broadcast_in_dim3A_32 : vector<16xi32>
      %broadcast_in_dim3A_124 = arith.constant 2048 : i32
      %broadcast_in_dim3A_125 = vector.broadcast %broadcast_in_dim3A_124 : i32 to vector<16xi32>
      %mul3A_126 = arith.muli %and3A_123, %broadcast_in_dim3A_125 : vector<16xi32>
      %add3A_127 = arith.addi %shift_right_logical3A, %mul3A_126 : vector<16xi32>
      %shift_right_logical3A_128 = arith.shrui %get3A_109, %broadcast_in_dim3A_32 : vector<16xi32>
      %and3A_129 = arith.andi %get3A_109, %broadcast_in_dim3A_32 : vector<16xi32>
      %broadcast_in_dim3A_130 = arith.constant 2048 : i32
      %broadcast_in_dim3A_131 = vector.broadcast %broadcast_in_dim3A_130 : i32 to vector<16xi32>
      %mul3A_132 = arith.muli %and3A_129, %broadcast_in_dim3A_131 : vector<16xi32>
      %add3A_133 = arith.addi %shift_right_logical3A_128, %mul3A_132 : vector<16xi32>
      %eq3A_134 = arith.cmpi eq, %get3A_106, %broadcast_in_dim3A_28 : vector<16xi32>
      %select_n3A_135 = arith.select %eq3A_134, %broadcast_in_dim3A_35, %add3A_127 : vector<16xi1>, vector<16xi32>
      %swap3A = arith.index_cast %add3A_49 : i32 to index
      %swap3A_136 = arith.constant 0 : index
      %swap3A_137 = tpu.vector_load %arg6[%swap3A, %swap3A_136] {strides = array<i32>} : memref<16x32xi32, #tpu.memory_space<vmem>>, vector<16xi32>,
      tpu.vector_store %arg6[%swap3A, %swap3A_136], %select_n3A_135 {strides = array<i32>} : memref<16x32xi32, #tpu.memory_space<vmem>>, vector<16xi32>,
      %eq3A_138 = arith.cmpi eq, %get3A_109, %broadcast_in_dim3A_28 : vector<16xi32>
      %select_n3A_139 = arith.select %eq3A_138, %broadcast_in_dim3A_35, %add3A_133 : vector<16xi1>, vector<16xi32>
      %swap3A_140 = arith.index_cast %add3A_49 : i32 to index
      %swap3A_141 = arith.constant 16 : index
      %swap3A_142 = tpu.vector_load %arg6[%swap3A_140, %swap3A_141] {strides = array<i32>} : memref<16x32xi32, #tpu.memory_space<vmem>>, vector<16xi32>,
      tpu.vector_store %arg6[%swap3A_140, %swap3A_141], %select_n3A_139 {strides = array<i32>} : memref<16x32xi32, #tpu.memory_space<vmem>>, vector<16xi32>,
      %lt3A_143 = arith.constant 32 : i32
      %lt3A_144 = arith.cmpi slt, %add3A_122, %lt3A_143 : i32
      %convert_element_type3A_145 = arith.extui %lt3A_144 : i1 to i32
      %cond3A_146 = arith.constant 0 : i32
      %cond3A_147 = arith.cmpi ne, %convert_element_type3A_145, %cond3A_146 : i32
      scf.if %cond3A_147 {
        %add3A_148 = arith.constant 32 : i32
        %add3A_149 = arith.addi %multiple_of3A, %add3A_148 : i32
        %dma_start3A = arith.constant 0 : i32
        %dma_start3A_150 = tpu.memref_slice %arg4[%add3A_149, %dma_start3A] : memref<8192x1024xf32, #tpu.memory_space<hbm>> -> memref<32x1024xf32, #tpu.memory_space<hbm>>
        %dma_start3A_151 = arith.constant 0 : i32
        %dma_start3A_152 = tpu.memref_slice %arg4[%add3A_149, %dma_start3A_151] : memref<8192x1024xf32, #tpu.memory_space<hbm>> -> memref<32x1024xf32, #tpu.memory_space<hbm>>
        tpu.enqueue_dma source(%dma_start3A_152 : memref<32x1024xf32, #tpu.memory_space<hbm>>) target(%arg8 : memref<32x1024xf32, #tpu.memory_space<vmem>>) target_semaphore(%arg9 : memref<!tpu.dma_semaphore, #tpu.memory_space<semaphore_mem>>)
        %dma_wait3A = arith.constant 0 : i32
        %dma_wait3A_153 = tpu.memref_slice %arg4[%add3A_149, %dma_wait3A] : memref<8192x1024xf32, #tpu.memory_space<hbm>> -> memref<32x1024xf32, #tpu.memory_space<hbm>>
        %dma_wait3A_154 = arith.constant 0 : i32
        %dma_wait3A_155 = tpu.memref_slice %arg4[%add3A_149, %dma_wait3A_154] : memref<8192x1024xf32, #tpu.memory_space<hbm>> -> memref<32x1024xf32, #tpu.memory_space<hbm>>
        tpu.wait_dma2 semaphore(%arg9 : memref<!tpu.dma_semaphore, #tpu.memory_space<semaphore_mem>>) src(%dma_wait3A_155 : memref<32x1024xf32, #tpu.memory_space<hbm>>) dst(%arg8 : memref<32x1024xf32, #tpu.memory_space<vmem>>)
        "tpu.region"() ({
          %run_scoped3A = tpu.sem_alloc : memref<!tpu.dma_semaphore, #tpu.memory_space<semaphore_mem>>
          %dma_start3A_156 = arith.constant 0 : i32
          %dma_start3A_157 = tpu.memref_slice %arg6[%add3A_49, %dma_start3A_156] : memref<16x32xi32, #tpu.memory_space<vmem>> -> memref<1x32xi32, #tpu.memory_space<vmem>>
          %dma_start3A_158 = tpu.memref_squeeze %dma_start3A_157 : memref<1x32xi32, #tpu.memory_space<vmem>> -> memref<32xi32, #tpu.memory_space<vmem>>
          %dma_start3A_159 = arith.constant 0 : i32
          %dma_start3A_160 = arith.constant 0 : i32
          %dma_start3A_161 = tpu.memref_slice %arg5[%dma_start3A_159, %dma_start3A_160] : memref<4128x1024xf32, #tpu.memory_space<hbm>> -> memref<4128x1024xf32, #tpu.memory_space<hbm>>
          tpu.enqueue_indirect_dma source(%arg8 : memref<32x1024xf32, #tpu.memory_space<vmem>>) target(%dma_start3A_161 : memref<4128x1024xf32, #tpu.memory_space<hbm>>) offsets(%dma_start3A_158 : memref<32xi32, #tpu.memory_space<vmem>>) semaphore(%run_scoped3A : memref<!tpu.dma_semaphore, #tpu.memory_space<semaphore_mem>>)
          %dma_wait3A_162 = arith.constant 0 : i32
          %dma_wait3A_163 = tpu.memref_slice %arg6[%add3A_49, %dma_wait3A_162] : memref<16x32xi32, #tpu.memory_space<vmem>> -> memref<1x32xi32, #tpu.memory_space<vmem>>
          %dma_wait3A_164 = tpu.memref_squeeze %dma_wait3A_163 : memref<1x32xi32, #tpu.memory_space<vmem>> -> memref<32xi32, #tpu.memory_space<vmem>>
          %dma_wait3A_165 = arith.constant 0 : i32
          %dma_wait3A_166 = arith.constant 0 : i32
          %dma_wait3A_167 = tpu.memref_slice %arg5[%dma_wait3A_165, %dma_wait3A_166] : memref<4128x1024xf32, #tpu.memory_space<hbm>> -> memref<4128x1024xf32, #tpu.memory_space<hbm>>
          tpu.wait_indirect_dma semaphore(%run_scoped3A : memref<!tpu.dma_semaphore, #tpu.memory_space<semaphore_mem>>) src(%arg8 : memref<32x1024xf32, #tpu.memory_space<vmem>>) dst(%dma_wait3A_167 : memref<4128x1024xf32, #tpu.memory_space<hbm>>)
          tpu.yield
        }) : () -> ()
      } else {
      }
    } else {
    }
    %add3A_56 = arith.constant 2 : i32
    %add3A_57 = arith.addi %sub3A_27, %add3A_56 : i32
    %add3A_58 = arith.constant 64 : i32
    %add3A_59 = arith.addi %multiple_of3A, %add3A_58 : i32
    %lt3A_60 = arith.cmpi slt, %add3A_59, %mul3A_42 : i32
    %convert_element_type3A_61 = arith.extui %lt3A_60 : i1 to i32
    %cond3A_62 = arith.constant 0 : i32
    %cond3A_63 = arith.cmpi ne, %convert_element_type3A_61, %cond3A_62 : i32
    scf.if %cond3A_63 {
      %get3A_104 = arith.index_cast %add3A_57 : i32 to index
      %get3A_105 = arith.constant 0 : index
      %get3A_106 = tpu.vector_load %arg6[%get3A_104, %get3A_105] {strides = array<i32>} : memref<16x32xi32, #tpu.memory_space<vmem>>, vector<16xi32>,
      %get3A_107 = arith.index_cast %add3A_57 : i32 to index
      %get3A_108 = arith.constant 16 : index
      %get3A_109 = tpu.vector_load %arg6[%get3A_107, %get3A_108] {strides = array<i32>} : memref<16x32xi32, #tpu.memory_space<vmem>>, vector<16xi32>,
      %eq3A_110 = arith.cmpi eq, %get3A_106, %broadcast_in_dim3A_28 : vector<16xi32>
      %select_n3A_111 = arith.select %eq3A_110, %broadcast_in_dim3A_32, %broadcast_in_dim3A_30 : vector<16xi1>, vector<16xi32>
      %reduce_sum3A_112 = arith.constant true
      %reduce_sum3A_113 = vector.broadcast %reduce_sum3A_112 : i1 to vector<16xi1>
      %reduce_sum3A_114 = tpu.scan <sum>, %select_n3A_111 masked %reduce_sum3A_113 : vector<16xi32>, vector<16xi1> -> vector<16xi32>
      %reduce_sum3A_115 = vector.extract %reduce_sum3A_114[15] : i32 from vector<16xi32>
      %eq3A_116 = arith.cmpi eq, %get3A_109, %broadcast_in_dim3A_28 : vector<16xi32>
      %select_n3A_117 = arith.select %eq3A_116, %broadcast_in_dim3A_32, %broadcast_in_dim3A_30 : vector<16xi1>, vector<16xi32>
      %reduce_sum3A_118 = arith.constant true
      %reduce_sum3A_119 = vector.broadcast %reduce_sum3A_118 : i1 to vector<16xi1>
      %reduce_sum3A_120 = tpu.scan <sum>, %select_n3A_117 masked %reduce_sum3A_119 : vector<16xi32>, vector<16xi1> -> vector<16xi32>
      %reduce_sum3A_121 = vector.extract %reduce_sum3A_120[15] : i32 from vector<16xi32>
      %add3A_122 = arith.addi %reduce_sum3A_115, %reduce_sum3A_121 : i32
      %shift_right_logical3A = arith.shrui %get3A_106, %broadcast_in_dim3A_32 : vector<16xi32>
      %and3A_123 = arith.andi %get3A_106, %broadcast_in_dim3A_32 : vector<16xi32>
      %broadcast_in_dim3A_124 = arith.constant 2048 : i32
      %broadcast_in_dim3A_125 = vector.broadcast %broadcast_in_dim3A_124 : i32 to vector<16xi32>
      %mul3A_126 = arith.muli %and3A_123, %broadcast_in_dim3A_125 : vector<16xi32>
      %add3A_127 = arith.addi %shift_right_logical3A, %mul3A_126 : vector<16xi32>
      %shift_right_logical3A_128 = arith.shrui %get3A_109, %broadcast_in_dim3A_32 : vector<16xi32>
      %and3A_129 = arith.andi %get3A_109, %broadcast_in_dim3A_32 : vector<16xi32>
      %broadcast_in_dim3A_130 = arith.constant 2048 : i32
      %broadcast_in_dim3A_131 = vector.broadcast %broadcast_in_dim3A_130 : i32 to vector<16xi32>
      %mul3A_132 = arith.muli %and3A_129, %broadcast_in_dim3A_131 : vector<16xi32>
      %add3A_133 = arith.addi %shift_right_logical3A_128, %mul3A_132 : vector<16xi32>
      %eq3A_134 = arith.cmpi eq, %get3A_106, %broadcast_in_dim3A_28 : vector<16xi32>
      %select_n3A_135 = arith.select %eq3A_134, %broadcast_in_dim3A_35, %add3A_127 : vector<16xi1>, vector<16xi32>
      %swap3A = arith.index_cast %add3A_57 : i32 to index
      %swap3A_136 = arith.constant 0 : index
      %swap3A_137 = tpu.vector_load %arg6[%swap3A, %swap3A_136] {strides = array<i32>} : memref<16x32xi32, #tpu.memory_space<vmem>>, vector<16xi32>,
      tpu.vector_store %arg6[%swap3A, %swap3A_136], %select_n3A_135 {strides = array<i32>} : memref<16x32xi32, #tpu.memory_space<vmem>>, vector<16xi32>,
      %eq3A_138 = arith.cmpi eq, %get3A_109, %broadcast_in_dim3A_28 : vector<16xi32>
      %select_n3A_139 = arith.select %eq3A_138, %broadcast_in_dim3A_35, %add3A_133 : vector<16xi1>, vector<16xi32>
      %swap3A_140 = arith.index_cast %add3A_57 : i32 to index
      %swap3A_141 = arith.constant 16 : index
      %swap3A_142 = tpu.vector_load %arg6[%swap3A_140, %swap3A_141] {strides = array<i32>} : memref<16x32xi32, #tpu.memory_space<vmem>>, vector<16xi32>,
      tpu.vector_store %arg6[%swap3A_140, %swap3A_141], %select_n3A_139 {strides = array<i32>} : memref<16x32xi32, #tpu.memory_space<vmem>>, vector<16xi32>,
      %lt3A_143 = arith.constant 32 : i32
      %lt3A_144 = arith.cmpi slt, %add3A_122, %lt3A_143 : i32
      %convert_element_type3A_145 = arith.extui %lt3A_144 : i1 to i32
      %cond3A_146 = arith.constant 0 : i32
      %cond3A_147 = arith.cmpi ne, %convert_element_type3A_145, %cond3A_146 : i32
      scf.if %cond3A_147 {
        %add3A_148 = arith.constant 64 : i32
        %add3A_149 = arith.addi %multiple_of3A, %add3A_148 : i32
        %dma_start3A = arith.constant 0 : i32
        %dma_start3A_150 = tpu.memref_slice %arg4[%add3A_149, %dma_start3A] : memref<8192x1024xf32, #tpu.memory_space<hbm>> -> memref<32x1024xf32, #tpu.memory_space<hbm>>
        %dma_start3A_151 = arith.constant 0 : i32
        %dma_start3A_152 = tpu.memref_slice %arg4[%add3A_149, %dma_start3A_151] : memref<8192x1024xf32, #tpu.memory_space<hbm>> -> memref<32x1024xf32, #tpu.memory_space<hbm>>
        tpu.enqueue_dma source(%dma_start3A_152 : memref<32x1024xf32, #tpu.memory_space<hbm>>) target(%arg8 : memref<32x1024xf32, #tpu.memory_space<vmem>>) target_semaphore(%arg9 : memref<!tpu.dma_semaphore, #tpu.memory_space<semaphore_mem>>)
        %dma_wait3A = arith.constant 0 : i32
        %dma_wait3A_153 = tpu.memref_slice %arg4[%add3A_149, %dma_wait3A] : memref<8192x1024xf32, #tpu.memory_space<hbm>> -> memref<32x1024xf32, #tpu.memory_space<hbm>>
        %dma_wait3A_154 = arith.constant 0 : i32
        %dma_wait3A_155 = tpu.memref_slice %arg4[%add3A_149, %dma_wait3A_154] : memref<8192x1024xf32, #tpu.memory_space<hbm>> -> memref<32x1024xf32, #tpu.memory_space<hbm>>
        tpu.wait_dma2 semaphore(%arg9 : memref<!tpu.dma_semaphore, #tpu.memory_space<semaphore_mem>>) src(%dma_wait3A_155 : memref<32x1024xf32, #tpu.memory_space<hbm>>) dst(%arg8 : memref<32x1024xf32, #tpu.memory_space<vmem>>)
        "tpu.region"() ({
          %run_scoped3A = tpu.sem_alloc : memref<!tpu.dma_semaphore, #tpu.memory_space<semaphore_mem>>
          %dma_start3A_156 = arith.constant 0 : i32
          %dma_start3A_157 = tpu.memref_slice %arg6[%add3A_57, %dma_start3A_156] : memref<16x32xi32, #tpu.memory_space<vmem>> -> memref<1x32xi32, #tpu.memory_space<vmem>>
          %dma_start3A_158 = tpu.memref_squeeze %dma_start3A_157 : memref<1x32xi32, #tpu.memory_space<vmem>> -> memref<32xi32, #tpu.memory_space<vmem>>
          %dma_start3A_159 = arith.constant 0 : i32
          %dma_start3A_160 = arith.constant 0 : i32
          %dma_start3A_161 = tpu.memref_slice %arg5[%dma_start3A_159, %dma_start3A_160] : memref<4128x1024xf32, #tpu.memory_space<hbm>> -> memref<4128x1024xf32, #tpu.memory_space<hbm>>
          tpu.enqueue_indirect_dma source(%arg8 : memref<32x1024xf32, #tpu.memory_space<vmem>>) target(%dma_start3A_161 : memref<4128x1024xf32, #tpu.memory_space<hbm>>) offsets(%dma_start3A_158 : memref<32xi32, #tpu.memory_space<vmem>>) semaphore(%run_scoped3A : memref<!tpu.dma_semaphore, #tpu.memory_space<semaphore_mem>>)
          %dma_wait3A_162 = arith.constant 0 : i32
          %dma_wait3A_163 = tpu.memref_slice %arg6[%add3A_57, %dma_wait3A_162] : memref<16x32xi32, #tpu.memory_space<vmem>> -> memref<1x32xi32, #tpu.memory_space<vmem>>
          %dma_wait3A_164 = tpu.memref_squeeze %dma_wait3A_163 : memref<1x32xi32, #tpu.memory_space<vmem>> -> memref<32xi32, #tpu.memory_space<vmem>>
          %dma_wait3A_165 = arith.constant 0 : i32
          %dma_wait3A_166 = arith.constant 0 : i32
          %dma_wait3A_167 = tpu.memref_slice %arg5[%dma_wait3A_165, %dma_wait3A_166] : memref<4128x1024xf32, #tpu.memory_space<hbm>> -> memref<4128x1024xf32, #tpu.memory_space<hbm>>
          tpu.wait_indirect_dma semaphore(%run_scoped3A : memref<!tpu.dma_semaphore, #tpu.memory_space<semaphore_mem>>) src(%arg8 : memref<32x1024xf32, #tpu.memory_space<vmem>>) dst(%dma_wait3A_167 : memref<4128x1024xf32, #tpu.memory_space<hbm>>)
          tpu.yield
        }) : () -> ()
      } else {
      }
    } else {
    }
    %add3A_64 = arith.constant 3 : i32
    %add3A_65 = arith.addi %sub3A_27, %add3A_64 : i32
    %add3A_66 = arith.constant 96 : i32
    %add3A_67 = arith.addi %multiple_of3A, %add3A_66 : i32
    %lt3A_68 = arith.cmpi slt, %add3A_67, %mul3A_42 : i32
    %convert_element_type3A_69 = arith.extui %lt3A_68 : i1 to i32
    %cond3A_70 = arith.constant 0 : i32
    %cond3A_71 = arith.cmpi ne, %convert_element_type3A_69, %cond3A_70 : i32
    scf.if %cond3A_71 {
      %get3A_104 = arith.index_cast %add3A_65 : i32 to index
      %get3A_105 = arith.constant 0 : index
      %get3A_106 = tpu.vector_load %arg6[%get3A_104, %get3A_105] {strides = array<i32>} : memref<16x32xi32, #tpu.memory_space<vmem>>, vector<16xi32>,
      %get3A_107 = arith.index_cast %add3A_65 : i32 to index
      %get3A_108 = arith.constant 16 : index
      %get3A_109 = tpu.vector_load %arg6[%get3A_107, %get3A_108] {strides = array<i32>} : memref<16x32xi32, #tpu.memory_space<vmem>>, vector<16xi32>,
      %eq3A_110 = arith.cmpi eq, %get3A_106, %broadcast_in_dim3A_28 : vector<16xi32>
      %select_n3A_111 = arith.select %eq3A_110, %broadcast_in_dim3A_32, %broadcast_in_dim3A_30 : vector<16xi1>, vector<16xi32>
      %reduce_sum3A_112 = arith.constant true
      %reduce_sum3A_113 = vector.broadcast %reduce_sum3A_112 : i1 to vector<16xi1>
      %reduce_sum3A_114 = tpu.scan <sum>, %select_n3A_111 masked %reduce_sum3A_113 : vector<16xi32>, vector<16xi1> -> vector<16xi32>
      %reduce_sum3A_115 = vector.extract %reduce_sum3A_114[15] : i32 from vector<16xi32>
      %eq3A_116 = arith.cmpi eq, %get3A_109, %broadcast_in_dim3A_28 : vector<16xi32>
      %select_n3A_117 = arith.select %eq3A_116, %broadcast_in_dim3A_32, %broadcast_in_dim3A_30 : vector<16xi1>, vector<16xi32>
      %reduce_sum3A_118 = arith.constant true
      %reduce_sum3A_119 = vector.broadcast %reduce_sum3A_118 : i1 to vector<16xi1>
      %reduce_sum3A_120 = tpu.scan <sum>, %select_n3A_117 masked %reduce_sum3A_119 : vector<16xi32>, vector<16xi1> -> vector<16xi32>
      %reduce_sum3A_121 = vector.extract %reduce_sum3A_120[15] : i32 from vector<16xi32>
      %add3A_122 = arith.addi %reduce_sum3A_115, %reduce_sum3A_121 : i32
      %shift_right_logical3A = arith.shrui %get3A_106, %broadcast_in_dim3A_32 : vector<16xi32>
      %and3A_123 = arith.andi %get3A_106, %broadcast_in_dim3A_32 : vector<16xi32>
      %broadcast_in_dim3A_124 = arith.constant 2048 : i32
      %broadcast_in_dim3A_125 = vector.broadcast %broadcast_in_dim3A_124 : i32 to vector<16xi32>
      %mul3A_126 = arith.muli %and3A_123, %broadcast_in_dim3A_125 : vector<16xi32>
      %add3A_127 = arith.addi %shift_right_logical3A, %mul3A_126 : vector<16xi32>
      %shift_right_logical3A_128 = arith.shrui %get3A_109, %broadcast_in_dim3A_32 : vector<16xi32>
      %and3A_129 = arith.andi %get3A_109, %broadcast_in_dim3A_32 : vector<16xi32>
      %broadcast_in_dim3A_130 = arith.constant 2048 : i32
      %broadcast_in_dim3A_131 = vector.broadcast %broadcast_in_dim3A_130 : i32 to vector<16xi32>
      %mul3A_132 = arith.muli %and3A_129, %broadcast_in_dim3A_131 : vector<16xi32>
      %add3A_133 = arith.addi %shift_right_logical3A_128, %mul3A_132 : vector<16xi32>
      %eq3A_134 = arith.cmpi eq, %get3A_106, %broadcast_in_dim3A_28 : vector<16xi32>
      %select_n3A_135 = arith.select %eq3A_134, %broadcast_in_dim3A_35, %add3A_127 : vector<16xi1>, vector<16xi32>
      %swap3A = arith.index_cast %add3A_65 : i32 to index
      %swap3A_136 = arith.constant 0 : index
      %swap3A_137 = tpu.vector_load %arg6[%swap3A, %swap3A_136] {strides = array<i32>} : memref<16x32xi32, #tpu.memory_space<vmem>>, vector<16xi32>,
      tpu.vector_store %arg6[%swap3A, %swap3A_136], %select_n3A_135 {strides = array<i32>} : memref<16x32xi32, #tpu.memory_space<vmem>>, vector<16xi32>,
      %eq3A_138 = arith.cmpi eq, %get3A_109, %broadcast_in_dim3A_28 : vector<16xi32>
      %select_n3A_139 = arith.select %eq3A_138, %broadcast_in_dim3A_35, %add3A_133 : vector<16xi1>, vector<16xi32>
      %swap3A_140 = arith.index_cast %add3A_65 : i32 to index
      %swap3A_141 = arith.constant 16 : index
      %swap3A_142 = tpu.vector_load %arg6[%swap3A_140, %swap3A_141] {strides = array<i32>} : memref<16x32xi32, #tpu.memory_space<vmem>>, vector<16xi32>,
      tpu.vector_store %arg6[%swap3A_140, %swap3A_141], %select_n3A_139 {strides = array<i32>} : memref<16x32xi32, #tpu.memory_space<vmem>>, vector<16xi32>,
      %lt3A_143 = arith.constant 32 : i32
      %lt3A_144 = arith.cmpi slt, %add3A_122, %lt3A_143 : i32
      %convert_element_type3A_145 = arith.extui %lt3A_144 : i1 to i32
      %cond3A_146 = arith.constant 0 : i32
      %cond3A_147 = arith.cmpi ne, %convert_element_type3A_145, %cond3A_146 : i32
      scf.if %cond3A_147 {
        %add3A_148 = arith.constant 96 : i32
        %add3A_149 = arith.addi %multiple_of3A, %add3A_148 : i32
        %dma_start3A = arith.constant 0 : i32
        %dma_start3A_150 = tpu.memref_slice %arg4[%add3A_149, %dma_start3A] : memref<8192x1024xf32, #tpu.memory_space<hbm>> -> memref<32x1024xf32, #tpu.memory_space<hbm>>
        %dma_start3A_151 = arith.constant 0 : i32
        %dma_start3A_152 = tpu.memref_slice %arg4[%add3A_149, %dma_start3A_151] : memref<8192x1024xf32, #tpu.memory_space<hbm>> -> memref<32x1024xf32, #tpu.memory_space<hbm>>
        tpu.enqueue_dma source(%dma_start3A_152 : memref<32x1024xf32, #tpu.memory_space<hbm>>) target(%arg8 : memref<32x1024xf32, #tpu.memory_space<vmem>>) target_semaphore(%arg9 : memref<!tpu.dma_semaphore, #tpu.memory_space<semaphore_mem>>)
        %dma_wait3A = arith.constant 0 : i32
        %dma_wait3A_153 = tpu.memref_slice %arg4[%add3A_149, %dma_wait3A] : memref<8192x1024xf32, #tpu.memory_space<hbm>> -> memref<32x1024xf32, #tpu.memory_space<hbm>>
        %dma_wait3A_154 = arith.constant 0 : i32
        %dma_wait3A_155 = tpu.memref_slice %arg4[%add3A_149, %dma_wait3A_154] : memref<8192x1024xf32, #tpu.memory_space<hbm>> -> memref<32x1024xf32, #tpu.memory_space<hbm>>
        tpu.wait_dma2 semaphore(%arg9 : memref<!tpu.dma_semaphore, #tpu.memory_space<semaphore_mem>>) src(%dma_wait3A_155 : memref<32x1024xf32, #tpu.memory_space<hbm>>) dst(%arg8 : memref<32x1024xf32, #tpu.memory_space<vmem>>)
        "tpu.region"() ({
          %run_scoped3A = tpu.sem_alloc : memref<!tpu.dma_semaphore, #tpu.memory_space<semaphore_mem>>
          %dma_start3A_156 = arith.constant 0 : i32
          %dma_start3A_157 = tpu.memref_slice %arg6[%add3A_65, %dma_start3A_156] : memref<16x32xi32, #tpu.memory_space<vmem>> -> memref<1x32xi32, #tpu.memory_space<vmem>>
          %dma_start3A_158 = tpu.memref_squeeze %dma_start3A_157 : memref<1x32xi32, #tpu.memory_space<vmem>> -> memref<32xi32, #tpu.memory_space<vmem>>
          %dma_start3A_159 = arith.constant 0 : i32
          %dma_start3A_160 = arith.constant 0 : i32
          %dma_start3A_161 = tpu.memref_slice %arg5[%dma_start3A_159, %dma_start3A_160] : memref<4128x1024xf32, #tpu.memory_space<hbm>> -> memref<4128x1024xf32, #tpu.memory_space<hbm>>
          tpu.enqueue_indirect_dma source(%arg8 : memref<32x1024xf32, #tpu.memory_space<vmem>>) target(%dma_start3A_161 : memref<4128x1024xf32, #tpu.memory_space<hbm>>) offsets(%dma_start3A_158 : memref<32xi32, #tpu.memory_space<vmem>>) semaphore(%run_scoped3A : memref<!tpu.dma_semaphore, #tpu.memory_space<semaphore_mem>>)
          %dma_wait3A_162 = arith.constant 0 : i32
          %dma_wait3A_163 = tpu.memref_slice %arg6[%add3A_65, %dma_wait3A_162] : memref<16x32xi32, #tpu.memory_space<vmem>> -> memref<1x32xi32, #tpu.memory_space<vmem>>
          %dma_wait3A_164 = tpu.memref_squeeze %dma_wait3A_163 : memref<1x32xi32, #tpu.memory_space<vmem>> -> memref<32xi32, #tpu.memory_space<vmem>>
          %dma_wait3A_165 = arith.constant 0 : i32
          %dma_wait3A_166 = arith.constant 0 : i32
          %dma_wait3A_167 = tpu.memref_slice %arg5[%dma_wait3A_165, %dma_wait3A_166] : memref<4128x1024xf32, #tpu.memory_space<hbm>> -> memref<4128x1024xf32, #tpu.memory_space<hbm>>
          tpu.wait_indirect_dma semaphore(%run_scoped3A : memref<!tpu.dma_semaphore, #tpu.memory_space<semaphore_mem>>) src(%arg8 : memref<32x1024xf32, #tpu.memory_space<vmem>>) dst(%dma_wait3A_167 : memref<4128x1024xf32, #tpu.memory_space<hbm>>)
          tpu.yield
        }) : () -> ()
      } else {
      }
    } else {
    }
    %add3A_72 = arith.constant 4 : i32
    %add3A_73 = arith.addi %sub3A_27, %add3A_72 : i32
    %add3A_74 = arith.constant 128 : i32
    %add3A_75 = arith.addi %multiple_of3A, %add3A_74 : i32
    %lt3A_76 = arith.cmpi slt, %add3A_75, %mul3A_42 : i32
    %convert_element_type3A_77 = arith.extui %lt3A_76 : i1 to i32
    %cond3A_78 = arith.constant 0 : i32
    %cond3A_79 = arith.cmpi ne, %convert_element_type3A_77, %cond3A_78 : i32
    scf.if %cond3A_79 {
      %get3A_104 = arith.index_cast %add3A_73 : i32 to index
      %get3A_105 = arith.constant 0 : index
      %get3A_106 = tpu.vector_load %arg6[%get3A_104, %get3A_105] {strides = array<i32>} : memref<16x32xi32, #tpu.memory_space<vmem>>, vector<16xi32>,
      %get3A_107 = arith.index_cast %add3A_73 : i32 to index
      %get3A_108 = arith.constant 16 : index
      %get3A_109 = tpu.vector_load %arg6[%get3A_107, %get3A_108] {strides = array<i32>} : memref<16x32xi32, #tpu.memory_space<vmem>>, vector<16xi32>,
      %eq3A_110 = arith.cmpi eq, %get3A_106, %broadcast_in_dim3A_28 : vector<16xi32>
      %select_n3A_111 = arith.select %eq3A_110, %broadcast_in_dim3A_32, %broadcast_in_dim3A_30 : vector<16xi1>, vector<16xi32>
      %reduce_sum3A_112 = arith.constant true
      %reduce_sum3A_113 = vector.broadcast %reduce_sum3A_112 : i1 to vector<16xi1>
      %reduce_sum3A_114 = tpu.scan <sum>, %select_n3A_111 masked %reduce_sum3A_113 : vector<16xi32>, vector<16xi1> -> vector<16xi32>
      %reduce_sum3A_115 = vector.extract %reduce_sum3A_114[15] : i32 from vector<16xi32>
      %eq3A_116 = arith.cmpi eq, %get3A_109, %broadcast_in_dim3A_28 : vector<16xi32>
      %select_n3A_117 = arith.select %eq3A_116, %broadcast_in_dim3A_32, %broadcast_in_dim3A_30 : vector<16xi1>, vector<16xi32>
      %reduce_sum3A_118 = arith.constant true
      %reduce_sum3A_119 = vector.broadcast %reduce_sum3A_118 : i1 to vector<16xi1>
      %reduce_sum3A_120 = tpu.scan <sum>, %select_n3A_117 masked %reduce_sum3A_119 : vector<16xi32>, vector<16xi1> -> vector<16xi32>
      %reduce_sum3A_121 = vector.extract %reduce_sum3A_120[15] : i32 from vector<16xi32>
      %add3A_122 = arith.addi %reduce_sum3A_115, %reduce_sum3A_121 : i32
      %shift_right_logical3A = arith.shrui %get3A_106, %broadcast_in_dim3A_32 : vector<16xi32>
      %and3A_123 = arith.andi %get3A_106, %broadcast_in_dim3A_32 : vector<16xi32>
      %broadcast_in_dim3A_124 = arith.constant 2048 : i32
      %broadcast_in_dim3A_125 = vector.broadcast %broadcast_in_dim3A_124 : i32 to vector<16xi32>
      %mul3A_126 = arith.muli %and3A_123, %broadcast_in_dim3A_125 : vector<16xi32>
      %add3A_127 = arith.addi %shift_right_logical3A, %mul3A_126 : vector<16xi32>
      %shift_right_logical3A_128 = arith.shrui %get3A_109, %broadcast_in_dim3A_32 : vector<16xi32>
      %and3A_129 = arith.andi %get3A_109, %broadcast_in_dim3A_32 : vector<16xi32>
      %broadcast_in_dim3A_130 = arith.constant 2048 : i32
      %broadcast_in_dim3A_131 = vector.broadcast %broadcast_in_dim3A_130 : i32 to vector<16xi32>
      %mul3A_132 = arith.muli %and3A_129, %broadcast_in_dim3A_131 : vector<16xi32>
      %add3A_133 = arith.addi %shift_right_logical3A_128, %mul3A_132 : vector<16xi32>
      %eq3A_134 = arith.cmpi eq, %get3A_106, %broadcast_in_dim3A_28 : vector<16xi32>
      %select_n3A_135 = arith.select %eq3A_134, %broadcast_in_dim3A_35, %add3A_127 : vector<16xi1>, vector<16xi32>
      %swap3A = arith.index_cast %add3A_73 : i32 to index
      %swap3A_136 = arith.constant 0 : index
      %swap3A_137 = tpu.vector_load %arg6[%swap3A, %swap3A_136] {strides = array<i32>} : memref<16x32xi32, #tpu.memory_space<vmem>>, vector<16xi32>,
      tpu.vector_store %arg6[%swap3A, %swap3A_136], %select_n3A_135 {strides = array<i32>} : memref<16x32xi32, #tpu.memory_space<vmem>>, vector<16xi32>,
      %eq3A_138 = arith.cmpi eq, %get3A_109, %broadcast_in_dim3A_28 : vector<16xi32>
      %select_n3A_139 = arith.select %eq3A_138, %broadcast_in_dim3A_35, %add3A_133 : vector<16xi1>, vector<16xi32>
      %swap3A_140 = arith.index_cast %add3A_73 : i32 to index
      %swap3A_141 = arith.constant 16 : index
      %swap3A_142 = tpu.vector_load %arg6[%swap3A_140, %swap3A_141] {strides = array<i32>} : memref<16x32xi32, #tpu.memory_space<vmem>>, vector<16xi32>,
      tpu.vector_store %arg6[%swap3A_140, %swap3A_141], %select_n3A_139 {strides = array<i32>} : memref<16x32xi32, #tpu.memory_space<vmem>>, vector<16xi32>,
      %lt3A_143 = arith.constant 32 : i32
      %lt3A_144 = arith.cmpi slt, %add3A_122, %lt3A_143 : i32
      %convert_element_type3A_145 = arith.extui %lt3A_144 : i1 to i32
      %cond3A_146 = arith.constant 0 : i32
      %cond3A_147 = arith.cmpi ne, %convert_element_type3A_145, %cond3A_146 : i32
      scf.if %cond3A_147 {
        %add3A_148 = arith.constant 128 : i32
        %add3A_149 = arith.addi %multiple_of3A, %add3A_148 : i32
        %dma_start3A = arith.constant 0 : i32
        %dma_start3A_150 = tpu.memref_slice %arg4[%add3A_149, %dma_start3A] : memref<8192x1024xf32, #tpu.memory_space<hbm>> -> memref<32x1024xf32, #tpu.memory_space<hbm>>
        %dma_start3A_151 = arith.constant 0 : i32
        %dma_start3A_152 = tpu.memref_slice %arg4[%add3A_149, %dma_start3A_151] : memref<8192x1024xf32, #tpu.memory_space<hbm>> -> memref<32x1024xf32, #tpu.memory_space<hbm>>
        tpu.enqueue_dma source(%dma_start3A_152 : memref<32x1024xf32, #tpu.memory_space<hbm>>) target(%arg8 : memref<32x1024xf32, #tpu.memory_space<vmem>>) target_semaphore(%arg9 : memref<!tpu.dma_semaphore, #tpu.memory_space<semaphore_mem>>)
        %dma_wait3A = arith.constant 0 : i32
        %dma_wait3A_153 = tpu.memref_slice %arg4[%add3A_149, %dma_wait3A] : memref<8192x1024xf32, #tpu.memory_space<hbm>> -> memref<32x1024xf32, #tpu.memory_space<hbm>>
        %dma_wait3A_154 = arith.constant 0 : i32
        %dma_wait3A_155 = tpu.memref_slice %arg4[%add3A_149, %dma_wait3A_154] : memref<8192x1024xf32, #tpu.memory_space<hbm>> -> memref<32x1024xf32, #tpu.memory_space<hbm>>
        tpu.wait_dma2 semaphore(%arg9 : memref<!tpu.dma_semaphore, #tpu.memory_space<semaphore_mem>>) src(%dma_wait3A_155 : memref<32x1024xf32, #tpu.memory_space<hbm>>) dst(%arg8 : memref<32x1024xf32, #tpu.memory_space<vmem>>)
        "tpu.region"() ({
          %run_scoped3A = tpu.sem_alloc : memref<!tpu.dma_semaphore, #tpu.memory_space<semaphore_mem>>
          %dma_start3A_156 = arith.constant 0 : i32
          %dma_start3A_157 = tpu.memref_slice %arg6[%add3A_73, %dma_start3A_156] : memref<16x32xi32, #tpu.memory_space<vmem>> -> memref<1x32xi32, #tpu.memory_space<vmem>>
          %dma_start3A_158 = tpu.memref_squeeze %dma_start3A_157 : memref<1x32xi32, #tpu.memory_space<vmem>> -> memref<32xi32, #tpu.memory_space<vmem>>
          %dma_start3A_159 = arith.constant 0 : i32
          %dma_start3A_160 = arith.constant 0 : i32
          %dma_start3A_161 = tpu.memref_slice %arg5[%dma_start3A_159, %dma_start3A_160] : memref<4128x1024xf32, #tpu.memory_space<hbm>> -> memref<4128x1024xf32, #tpu.memory_space<hbm>>
          tpu.enqueue_indirect_dma source(%arg8 : memref<32x1024xf32, #tpu.memory_space<vmem>>) target(%dma_start3A_161 : memref<4128x1024xf32, #tpu.memory_space<hbm>>) offsets(%dma_start3A_158 : memref<32xi32, #tpu.memory_space<vmem>>) semaphore(%run_scoped3A : memref<!tpu.dma_semaphore, #tpu.memory_space<semaphore_mem>>)
          %dma_wait3A_162 = arith.constant 0 : i32
          %dma_wait3A_163 = tpu.memref_slice %arg6[%add3A_73, %dma_wait3A_162] : memref<16x32xi32, #tpu.memory_space<vmem>> -> memref<1x32xi32, #tpu.memory_space<vmem>>
          %dma_wait3A_164 = tpu.memref_squeeze %dma_wait3A_163 : memref<1x32xi32, #tpu.memory_space<vmem>> -> memref<32xi32, #tpu.memory_space<vmem>>
          %dma_wait3A_165 = arith.constant 0 : i32
          %dma_wait3A_166 = arith.constant 0 : i32
          %dma_wait3A_167 = tpu.memref_slice %arg5[%dma_wait3A_165, %dma_wait3A_166] : memref<4128x1024xf32, #tpu.memory_space<hbm>> -> memref<4128x1024xf32, #tpu.memory_space<hbm>>
          tpu.wait_indirect_dma semaphore(%run_scoped3A : memref<!tpu.dma_semaphore, #tpu.memory_space<semaphore_mem>>) src(%arg8 : memref<32x1024xf32, #tpu.memory_space<vmem>>) dst(%dma_wait3A_167 : memref<4128x1024xf32, #tpu.memory_space<hbm>>)
          tpu.yield
        }) : () -> ()
      } else {
      }
    } else {
    }
    %add3A_80 = arith.constant 5 : i32
    %add3A_81 = arith.addi %sub3A_27, %add3A_80 : i32
    %add3A_82 = arith.constant 160 : i32
    %add3A_83 = arith.addi %multiple_of3A, %add3A_82 : i32
    %lt3A_84 = arith.cmpi slt, %add3A_83, %mul3A_42 : i32
    %convert_element_type3A_85 = arith.extui %lt3A_84 : i1 to i32
    %cond3A_86 = arith.constant 0 : i32
    %cond3A_87 = arith.cmpi ne, %convert_element_type3A_85, %cond3A_86 : i32
    scf.if %cond3A_87 {
      %get3A_104 = arith.index_cast %add3A_81 : i32 to index
      %get3A_105 = arith.constant 0 : index
      %get3A_106 = tpu.vector_load %arg6[%get3A_104, %get3A_105] {strides = array<i32>} : memref<16x32xi32, #tpu.memory_space<vmem>>, vector<16xi32>,
      %get3A_107 = arith.index_cast %add3A_81 : i32 to index
      %get3A_108 = arith.constant 16 : index
      %get3A_109 = tpu.vector_load %arg6[%get3A_107, %get3A_108] {strides = array<i32>} : memref<16x32xi32, #tpu.memory_space<vmem>>, vector<16xi32>,
      %eq3A_110 = arith.cmpi eq, %get3A_106, %broadcast_in_dim3A_28 : vector<16xi32>
      %select_n3A_111 = arith.select %eq3A_110, %broadcast_in_dim3A_32, %broadcast_in_dim3A_30 : vector<16xi1>, vector<16xi32>
      %reduce_sum3A_112 = arith.constant true
      %reduce_sum3A_113 = vector.broadcast %reduce_sum3A_112 : i1 to vector<16xi1>
      %reduce_sum3A_114 = tpu.scan <sum>, %select_n3A_111 masked %reduce_sum3A_113 : vector<16xi32>, vector<16xi1> -> vector<16xi32>
      %reduce_sum3A_115 = vector.extract %reduce_sum3A_114[15] : i32 from vector<16xi32>
      %eq3A_116 = arith.cmpi eq, %get3A_109, %broadcast_in_dim3A_28 : vector<16xi32>
      %select_n3A_117 = arith.select %eq3A_116, %broadcast_in_dim3A_32, %broadcast_in_dim3A_30 : vector<16xi1>, vector<16xi32>
      %reduce_sum3A_118 = arith.constant true
      %reduce_sum3A_119 = vector.broadcast %reduce_sum3A_118 : i1 to vector<16xi1>
      %reduce_sum3A_120 = tpu.scan <sum>, %select_n3A_117 masked %reduce_sum3A_119 : vector<16xi32>, vector<16xi1> -> vector<16xi32>
      %reduce_sum3A_121 = vector.extract %reduce_sum3A_120[15] : i32 from vector<16xi32>
      %add3A_122 = arith.addi %reduce_sum3A_115, %reduce_sum3A_121 : i32
      %shift_right_logical3A = arith.shrui %get3A_106, %broadcast_in_dim3A_32 : vector<16xi32>
      %and3A_123 = arith.andi %get3A_106, %broadcast_in_dim3A_32 : vector<16xi32>
      %broadcast_in_dim3A_124 = arith.constant 2048 : i32
      %broadcast_in_dim3A_125 = vector.broadcast %broadcast_in_dim3A_124 : i32 to vector<16xi32>
      %mul3A_126 = arith.muli %and3A_123, %broadcast_in_dim3A_125 : vector<16xi32>
      %add3A_127 = arith.addi %shift_right_logical3A, %mul3A_126 : vector<16xi32>
      %shift_right_logical3A_128 = arith.shrui %get3A_109, %broadcast_in_dim3A_32 : vector<16xi32>
      %and3A_129 = arith.andi %get3A_109, %broadcast_in_dim3A_32 : vector<16xi32>
      %broadcast_in_dim3A_130 = arith.constant 2048 : i32
      %broadcast_in_dim3A_131 = vector.broadcast %broadcast_in_dim3A_130 : i32 to vector<16xi32>
      %mul3A_132 = arith.muli %and3A_129, %broadcast_in_dim3A_131 : vector<16xi32>
      %add3A_133 = arith.addi %shift_right_logical3A_128, %mul3A_132 : vector<16xi32>
      %eq3A_134 = arith.cmpi eq, %get3A_106, %broadcast_in_dim3A_28 : vector<16xi32>
      %select_n3A_135 = arith.select %eq3A_134, %broadcast_in_dim3A_35, %add3A_127 : vector<16xi1>, vector<16xi32>
      %swap3A = arith.index_cast %add3A_81 : i32 to index
      %swap3A_136 = arith.constant 0 : index
      %swap3A_137 = tpu.vector_load %arg6[%swap3A, %swap3A_136] {strides = array<i32>} : memref<16x32xi32, #tpu.memory_space<vmem>>, vector<16xi32>,
      tpu.vector_store %arg6[%swap3A, %swap3A_136], %select_n3A_135 {strides = array<i32>} : memref<16x32xi32, #tpu.memory_space<vmem>>, vector<16xi32>,
      %eq3A_138 = arith.cmpi eq, %get3A_109, %broadcast_in_dim3A_28 : vector<16xi32>
      %select_n3A_139 = arith.select %eq3A_138, %broadcast_in_dim3A_35, %add3A_133 : vector<16xi1>, vector<16xi32>
      %swap3A_140 = arith.index_cast %add3A_81 : i32 to index
      %swap3A_141 = arith.constant 16 : index
      %swap3A_142 = tpu.vector_load %arg6[%swap3A_140, %swap3A_141] {strides = array<i32>} : memref<16x32xi32, #tpu.memory_space<vmem>>, vector<16xi32>,
      tpu.vector_store %arg6[%swap3A_140, %swap3A_141], %select_n3A_139 {strides = array<i32>} : memref<16x32xi32, #tpu.memory_space<vmem>>, vector<16xi32>,
      %lt3A_143 = arith.constant 32 : i32
      %lt3A_144 = arith.cmpi slt, %add3A_122, %lt3A_143 : i32
      %convert_element_type3A_145 = arith.extui %lt3A_144 : i1 to i32
      %cond3A_146 = arith.constant 0 : i32
      %cond3A_147 = arith.cmpi ne, %convert_element_type3A_145, %cond3A_146 : i32
      scf.if %cond3A_147 {
        %add3A_148 = arith.constant 160 : i32
        %add3A_149 = arith.addi %multiple_of3A, %add3A_148 : i32
        %dma_start3A = arith.constant 0 : i32
        %dma_start3A_150 = tpu.memref_slice %arg4[%add3A_149, %dma_start3A] : memref<8192x1024xf32, #tpu.memory_space<hbm>> -> memref<32x1024xf32, #tpu.memory_space<hbm>>
        %dma_start3A_151 = arith.constant 0 : i32
        %dma_start3A_152 = tpu.memref_slice %arg4[%add3A_149, %dma_start3A_151] : memref<8192x1024xf32, #tpu.memory_space<hbm>> -> memref<32x1024xf32, #tpu.memory_space<hbm>>
        tpu.enqueue_dma source(%dma_start3A_152 : memref<32x1024xf32, #tpu.memory_space<hbm>>) target(%arg8 : memref<32x1024xf32, #tpu.memory_space<vmem>>) target_semaphore(%arg9 : memref<!tpu.dma_semaphore, #tpu.memory_space<semaphore_mem>>)
        %dma_wait3A = arith.constant 0 : i32
        %dma_wait3A_153 = tpu.memref_slice %arg4[%add3A_149, %dma_wait3A] : memref<8192x1024xf32, #tpu.memory_space<hbm>> -> memref<32x1024xf32, #tpu.memory_space<hbm>>
        %dma_wait3A_154 = arith.constant 0 : i32
        %dma_wait3A_155 = tpu.memref_slice %arg4[%add3A_149, %dma_wait3A_154] : memref<8192x1024xf32, #tpu.memory_space<hbm>> -> memref<32x1024xf32, #tpu.memory_space<hbm>>
        tpu.wait_dma2 semaphore(%arg9 : memref<!tpu.dma_semaphore, #tpu.memory_space<semaphore_mem>>) src(%dma_wait3A_155 : memref<32x1024xf32, #tpu.memory_space<hbm>>) dst(%arg8 : memref<32x1024xf32, #tpu.memory_space<vmem>>)
        "tpu.region"() ({
          %run_scoped3A = tpu.sem_alloc : memref<!tpu.dma_semaphore, #tpu.memory_space<semaphore_mem>>
          %dma_start3A_156 = arith.constant 0 : i32
          %dma_start3A_157 = tpu.memref_slice %arg6[%add3A_81, %dma_start3A_156] : memref<16x32xi32, #tpu.memory_space<vmem>> -> memref<1x32xi32, #tpu.memory_space<vmem>>
          %dma_start3A_158 = tpu.memref_squeeze %dma_start3A_157 : memref<1x32xi32, #tpu.memory_space<vmem>> -> memref<32xi32, #tpu.memory_space<vmem>>
          %dma_start3A_159 = arith.constant 0 : i32
          %dma_start3A_160 = arith.constant 0 : i32
          %dma_start3A_161 = tpu.memref_slice %arg5[%dma_start3A_159, %dma_start3A_160] : memref<4128x1024xf32, #tpu.memory_space<hbm>> -> memref<4128x1024xf32, #tpu.memory_space<hbm>>
          tpu.enqueue_indirect_dma source(%arg8 : memref<32x1024xf32, #tpu.memory_space<vmem>>) target(%dma_start3A_161 : memref<4128x1024xf32, #tpu.memory_space<hbm>>) offsets(%dma_start3A_158 : memref<32xi32, #tpu.memory_space<vmem>>) semaphore(%run_scoped3A : memref<!tpu.dma_semaphore, #tpu.memory_space<semaphore_mem>>)
          %dma_wait3A_162 = arith.constant 0 : i32
          %dma_wait3A_163 = tpu.memref_slice %arg6[%add3A_81, %dma_wait3A_162] : memref<16x32xi32, #tpu.memory_space<vmem>> -> memref<1x32xi32, #tpu.memory_space<vmem>>
          %dma_wait3A_164 = tpu.memref_squeeze %dma_wait3A_163 : memref<1x32xi32, #tpu.memory_space<vmem>> -> memref<32xi32, #tpu.memory_space<vmem>>
          %dma_wait3A_165 = arith.constant 0 : i32
          %dma_wait3A_166 = arith.constant 0 : i32
          %dma_wait3A_167 = tpu.memref_slice %arg5[%dma_wait3A_165, %dma_wait3A_166] : memref<4128x1024xf32, #tpu.memory_space<hbm>> -> memref<4128x1024xf32, #tpu.memory_space<hbm>>
          tpu.wait_indirect_dma semaphore(%run_scoped3A : memref<!tpu.dma_semaphore, #tpu.memory_space<semaphore_mem>>) src(%arg8 : memref<32x1024xf32, #tpu.memory_space<vmem>>) dst(%dma_wait3A_167 : memref<4128x1024xf32, #tpu.memory_space<hbm>>)
          tpu.yield
        }) : () -> ()
      } else {
      }
    } else {
    }
    %add3A_88 = arith.constant 6 : i32
    %add3A_89 = arith.addi %sub3A_27, %add3A_88 : i32
    %add3A_90 = arith.constant 192 : i32
    %add3A_91 = arith.addi %multiple_of3A, %add3A_90 : i32
    %lt3A_92 = arith.cmpi slt, %add3A_91, %mul3A_42 : i32
    %convert_element_type3A_93 = arith.extui %lt3A_92 : i1 to i32
    %cond3A_94 = arith.constant 0 : i32
    %cond3A_95 = arith.cmpi ne, %convert_element_type3A_93, %cond3A_94 : i32
    scf.if %cond3A_95 {
      %get3A_104 = arith.index_cast %add3A_89 : i32 to index
      %get3A_105 = arith.constant 0 : index
      %get3A_106 = tpu.vector_load %arg6[%get3A_104, %get3A_105] {strides = array<i32>} : memref<16x32xi32, #tpu.memory_space<vmem>>, vector<16xi32>,
      %get3A_107 = arith.index_cast %add3A_89 : i32 to index
      %get3A_108 = arith.constant 16 : index
      %get3A_109 = tpu.vector_load %arg6[%get3A_107, %get3A_108] {strides = array<i32>} : memref<16x32xi32, #tpu.memory_space<vmem>>, vector<16xi32>,
      %eq3A_110 = arith.cmpi eq, %get3A_106, %broadcast_in_dim3A_28 : vector<16xi32>
      %select_n3A_111 = arith.select %eq3A_110, %broadcast_in_dim3A_32, %broadcast_in_dim3A_30 : vector<16xi1>, vector<16xi32>
      %reduce_sum3A_112 = arith.constant true
      %reduce_sum3A_113 = vector.broadcast %reduce_sum3A_112 : i1 to vector<16xi1>
      %reduce_sum3A_114 = tpu.scan <sum>, %select_n3A_111 masked %reduce_sum3A_113 : vector<16xi32>, vector<16xi1> -> vector<16xi32>
      %reduce_sum3A_115 = vector.extract %reduce_sum3A_114[15] : i32 from vector<16xi32>
      %eq3A_116 = arith.cmpi eq, %get3A_109, %broadcast_in_dim3A_28 : vector<16xi32>
      %select_n3A_117 = arith.select %eq3A_116, %broadcast_in_dim3A_32, %broadcast_in_dim3A_30 : vector<16xi1>, vector<16xi32>
      %reduce_sum3A_118 = arith.constant true
      %reduce_sum3A_119 = vector.broadcast %reduce_sum3A_118 : i1 to vector<16xi1>
      %reduce_sum3A_120 = tpu.scan <sum>, %select_n3A_117 masked %reduce_sum3A_119 : vector<16xi32>, vector<16xi1> -> vector<16xi32>
      %reduce_sum3A_121 = vector.extract %reduce_sum3A_120[15] : i32 from vector<16xi32>
      %add3A_122 = arith.addi %reduce_sum3A_115, %reduce_sum3A_121 : i32
      %shift_right_logical3A = arith.shrui %get3A_106, %broadcast_in_dim3A_32 : vector<16xi32>
      %and3A_123 = arith.andi %get3A_106, %broadcast_in_dim3A_32 : vector<16xi32>
      %broadcast_in_dim3A_124 = arith.constant 2048 : i32
      %broadcast_in_dim3A_125 = vector.broadcast %broadcast_in_dim3A_124 : i32 to vector<16xi32>
      %mul3A_126 = arith.muli %and3A_123, %broadcast_in_dim3A_125 : vector<16xi32>
      %add3A_127 = arith.addi %shift_right_logical3A, %mul3A_126 : vector<16xi32>
      %shift_right_logical3A_128 = arith.shrui %get3A_109, %broadcast_in_dim3A_32 : vector<16xi32>
      %and3A_129 = arith.andi %get3A_109, %broadcast_in_dim3A_32 : vector<16xi32>
      %broadcast_in_dim3A_130 = arith.constant 2048 : i32
      %broadcast_in_dim3A_131 = vector.broadcast %broadcast_in_dim3A_130 : i32 to vector<16xi32>
      %mul3A_132 = arith.muli %and3A_129, %broadcast_in_dim3A_131 : vector<16xi32>
      %add3A_133 = arith.addi %shift_right_logical3A_128, %mul3A_132 : vector<16xi32>
      %eq3A_134 = arith.cmpi eq, %get3A_106, %broadcast_in_dim3A_28 : vector<16xi32>
      %select_n3A_135 = arith.select %eq3A_134, %broadcast_in_dim3A_35, %add3A_127 : vector<16xi1>, vector<16xi32>
      %swap3A = arith.index_cast %add3A_89 : i32 to index
      %swap3A_136 = arith.constant 0 : index
      %swap3A_137 = tpu.vector_load %arg6[%swap3A, %swap3A_136] {strides = array<i32>} : memref<16x32xi32, #tpu.memory_space<vmem>>, vector<16xi32>,
      tpu.vector_store %arg6[%swap3A, %swap3A_136], %select_n3A_135 {strides = array<i32>} : memref<16x32xi32, #tpu.memory_space<vmem>>, vector<16xi32>,
      %eq3A_138 = arith.cmpi eq, %get3A_109, %broadcast_in_dim3A_28 : vector<16xi32>
      %select_n3A_139 = arith.select %eq3A_138, %broadcast_in_dim3A_35, %add3A_133 : vector<16xi1>, vector<16xi32>
      %swap3A_140 = arith.index_cast %add3A_89 : i32 to index
      %swap3A_141 = arith.constant 16 : index
      %swap3A_142 = tpu.vector_load %arg6[%swap3A_140, %swap3A_141] {strides = array<i32>} : memref<16x32xi32, #tpu.memory_space<vmem>>, vector<16xi32>,
      tpu.vector_store %arg6[%swap3A_140, %swap3A_141], %select_n3A_139 {strides = array<i32>} : memref<16x32xi32, #tpu.memory_space<vmem>>, vector<16xi32>,
      %lt3A_143 = arith.constant 32 : i32
      %lt3A_144 = arith.cmpi slt, %add3A_122, %lt3A_143 : i32
      %convert_element_type3A_145 = arith.extui %lt3A_144 : i1 to i32
      %cond3A_146 = arith.constant 0 : i32
      %cond3A_147 = arith.cmpi ne, %convert_element_type3A_145, %cond3A_146 : i32
      scf.if %cond3A_147 {
        %add3A_148 = arith.constant 192 : i32
        %add3A_149 = arith.addi %multiple_of3A, %add3A_148 : i32
        %dma_start3A = arith.constant 0 : i32
        %dma_start3A_150 = tpu.memref_slice %arg4[%add3A_149, %dma_start3A] : memref<8192x1024xf32, #tpu.memory_space<hbm>> -> memref<32x1024xf32, #tpu.memory_space<hbm>>
        %dma_start3A_151 = arith.constant 0 : i32
        %dma_start3A_152 = tpu.memref_slice %arg4[%add3A_149, %dma_start3A_151] : memref<8192x1024xf32, #tpu.memory_space<hbm>> -> memref<32x1024xf32, #tpu.memory_space<hbm>>
        tpu.enqueue_dma source(%dma_start3A_152 : memref<32x1024xf32, #tpu.memory_space<hbm>>) target(%arg8 : memref<32x1024xf32, #tpu.memory_space<vmem>>) target_semaphore(%arg9 : memref<!tpu.dma_semaphore, #tpu.memory_space<semaphore_mem>>)
        %dma_wait3A = arith.constant 0 : i32
        %dma_wait3A_153 = tpu.memref_slice %arg4[%add3A_149, %dma_wait3A] : memref<8192x1024xf32, #tpu.memory_space<hbm>> -> memref<32x1024xf32, #tpu.memory_space<hbm>>
        %dma_wait3A_154 = arith.constant 0 : i32
        %dma_wait3A_155 = tpu.memref_slice %arg4[%add3A_149, %dma_wait3A_154] : memref<8192x1024xf32, #tpu.memory_space<hbm>> -> memref<32x1024xf32, #tpu.memory_space<hbm>>
        tpu.wait_dma2 semaphore(%arg9 : memref<!tpu.dma_semaphore, #tpu.memory_space<semaphore_mem>>) src(%dma_wait3A_155 : memref<32x1024xf32, #tpu.memory_space<hbm>>) dst(%arg8 : memref<32x1024xf32, #tpu.memory_space<vmem>>)
        "tpu.region"() ({
          %run_scoped3A = tpu.sem_alloc : memref<!tpu.dma_semaphore, #tpu.memory_space<semaphore_mem>>
          %dma_start3A_156 = arith.constant 0 : i32
          %dma_start3A_157 = tpu.memref_slice %arg6[%add3A_89, %dma_start3A_156] : memref<16x32xi32, #tpu.memory_space<vmem>> -> memref<1x32xi32, #tpu.memory_space<vmem>>
          %dma_start3A_158 = tpu.memref_squeeze %dma_start3A_157 : memref<1x32xi32, #tpu.memory_space<vmem>> -> memref<32xi32, #tpu.memory_space<vmem>>
          %dma_start3A_159 = arith.constant 0 : i32
          %dma_start3A_160 = arith.constant 0 : i32
          %dma_start3A_161 = tpu.memref_slice %arg5[%dma_start3A_159, %dma_start3A_160] : memref<4128x1024xf32, #tpu.memory_space<hbm>> -> memref<4128x1024xf32, #tpu.memory_space<hbm>>
          tpu.enqueue_indirect_dma source(%arg8 : memref<32x1024xf32, #tpu.memory_space<vmem>>) target(%dma_start3A_161 : memref<4128x1024xf32, #tpu.memory_space<hbm>>) offsets(%dma_start3A_158 : memref<32xi32, #tpu.memory_space<vmem>>) semaphore(%run_scoped3A : memref<!tpu.dma_semaphore, #tpu.memory_space<semaphore_mem>>)
          %dma_wait3A_162 = arith.constant 0 : i32
          %dma_wait3A_163 = tpu.memref_slice %arg6[%add3A_89, %dma_wait3A_162] : memref<16x32xi32, #tpu.memory_space<vmem>> -> memref<1x32xi32, #tpu.memory_space<vmem>>
          %dma_wait3A_164 = tpu.memref_squeeze %dma_wait3A_163 : memref<1x32xi32, #tpu.memory_space<vmem>> -> memref<32xi32, #tpu.memory_space<vmem>>
          %dma_wait3A_165 = arith.constant 0 : i32
          %dma_wait3A_166 = arith.constant 0 : i32
          %dma_wait3A_167 = tpu.memref_slice %arg5[%dma_wait3A_165, %dma_wait3A_166] : memref<4128x1024xf32, #tpu.memory_space<hbm>> -> memref<4128x1024xf32, #tpu.memory_space<hbm>>
          tpu.wait_indirect_dma semaphore(%run_scoped3A : memref<!tpu.dma_semaphore, #tpu.memory_space<semaphore_mem>>) src(%arg8 : memref<32x1024xf32, #tpu.memory_space<vmem>>) dst(%dma_wait3A_167 : memref<4128x1024xf32, #tpu.memory_space<hbm>>)
          tpu.yield
        }) : () -> ()
      } else {
      }
    } else {
    }
    %add3A_96 = arith.constant 7 : i32
    %add3A_97 = arith.addi %sub3A_27, %add3A_96 : i32
    %add3A_98 = arith.constant 224 : i32
    %add3A_99 = arith.addi %multiple_of3A, %add3A_98 : i32
    %lt3A_100 = arith.cmpi slt, %add3A_99, %mul3A_42 : i32
    %convert_element_type3A_101 = arith.extui %lt3A_100 : i1 to i32
    %cond3A_102 = arith.constant 0 : i32
    %cond3A_103 = arith.cmpi ne, %convert_element_type3A_101, %cond3A_102 : i32
    scf.if %cond3A_103 {
      %get3A_104 = arith.index_cast %add3A_97 : i32 to index
      %get3A_105 = arith.constant 0 : index
      %get3A_106 = tpu.vector_load %arg6[%get3A_104, %get3A_105] {strides = array<i32>} : memref<16x32xi32, #tpu.memory_space<vmem>>, vector<16xi32>,
      %get3A_107 = arith.index_cast %add3A_97 : i32 to index
      %get3A_108 = arith.constant 16 : index
      %get3A_109 = tpu.vector_load %arg6[%get3A_107, %get3A_108] {strides = array<i32>} : memref<16x32xi32, #tpu.memory_space<vmem>>, vector<16xi32>,
      %eq3A_110 = arith.cmpi eq, %get3A_106, %broadcast_in_dim3A_28 : vector<16xi32>
      %select_n3A_111 = arith.select %eq3A_110, %broadcast_in_dim3A_32, %broadcast_in_dim3A_30 : vector<16xi1>, vector<16xi32>
      %reduce_sum3A_112 = arith.constant true
      %reduce_sum3A_113 = vector.broadcast %reduce_sum3A_112 : i1 to vector<16xi1>
      %reduce_sum3A_114 = tpu.scan <sum>, %select_n3A_111 masked %reduce_sum3A_113 : vector<16xi32>, vector<16xi1> -> vector<16xi32>
      %reduce_sum3A_115 = vector.extract %reduce_sum3A_114[15] : i32 from vector<16xi32>
      %eq3A_116 = arith.cmpi eq, %get3A_109, %broadcast_in_dim3A_28 : vector<16xi32>
      %select_n3A_117 = arith.select %eq3A_116, %broadcast_in_dim3A_32, %broadcast_in_dim3A_30 : vector<16xi1>, vector<16xi32>
      %reduce_sum3A_118 = arith.constant true
      %reduce_sum3A_119 = vector.broadcast %reduce_sum3A_118 : i1 to vector<16xi1>
      %reduce_sum3A_120 = tpu.scan <sum>, %select_n3A_117 masked %reduce_sum3A_119 : vector<16xi32>, vector<16xi1> -> vector<16xi32>
      %reduce_sum3A_121 = vector.extract %reduce_sum3A_120[15] : i32 from vector<16xi32>
      %add3A_122 = arith.addi %reduce_sum3A_115, %reduce_sum3A_121 : i32
      %shift_right_logical3A = arith.shrui %get3A_106, %broadcast_in_dim3A_32 : vector<16xi32>
      %and3A_123 = arith.andi %get3A_106, %broadcast_in_dim3A_32 : vector<16xi32>
      %broadcast_in_dim3A_124 = arith.constant 2048 : i32
      %broadcast_in_dim3A_125 = vector.broadcast %broadcast_in_dim3A_124 : i32 to vector<16xi32>
      %mul3A_126 = arith.muli %and3A_123, %broadcast_in_dim3A_125 : vector<16xi32>
      %add3A_127 = arith.addi %shift_right_logical3A, %mul3A_126 : vector<16xi32>
      %shift_right_logical3A_128 = arith.shrui %get3A_109, %broadcast_in_dim3A_32 : vector<16xi32>
      %and3A_129 = arith.andi %get3A_109, %broadcast_in_dim3A_32 : vector<16xi32>
      %broadcast_in_dim3A_130 = arith.constant 2048 : i32
      %broadcast_in_dim3A_131 = vector.broadcast %broadcast_in_dim3A_130 : i32 to vector<16xi32>
      %mul3A_132 = arith.muli %and3A_129, %broadcast_in_dim3A_131 : vector<16xi32>
      %add3A_133 = arith.addi %shift_right_logical3A_128, %mul3A_132 : vector<16xi32>
      %eq3A_134 = arith.cmpi eq, %get3A_106, %broadcast_in_dim3A_28 : vector<16xi32>
      %select_n3A_135 = arith.select %eq3A_134, %broadcast_in_dim3A_35, %add3A_127 : vector<16xi1>, vector<16xi32>
      %swap3A = arith.index_cast %add3A_97 : i32 to index
      %swap3A_136 = arith.constant 0 : index
      %swap3A_137 = tpu.vector_load %arg6[%swap3A, %swap3A_136] {strides = array<i32>} : memref<16x32xi32, #tpu.memory_space<vmem>>, vector<16xi32>,
      tpu.vector_store %arg6[%swap3A, %swap3A_136], %select_n3A_135 {strides = array<i32>} : memref<16x32xi32, #tpu.memory_space<vmem>>, vector<16xi32>,
      %eq3A_138 = arith.cmpi eq, %get3A_109, %broadcast_in_dim3A_28 : vector<16xi32>
      %select_n3A_139 = arith.select %eq3A_138, %broadcast_in_dim3A_35, %add3A_133 : vector<16xi1>, vector<16xi32>
      %swap3A_140 = arith.index_cast %add3A_97 : i32 to index
      %swap3A_141 = arith.constant 16 : index
      %swap3A_142 = tpu.vector_load %arg6[%swap3A_140, %swap3A_141] {strides = array<i32>} : memref<16x32xi32, #tpu.memory_space<vmem>>, vector<16xi32>,
      tpu.vector_store %arg6[%swap3A_140, %swap3A_141], %select_n3A_139 {strides = array<i32>} : memref<16x32xi32, #tpu.memory_space<vmem>>, vector<16xi32>,
      %lt3A_143 = arith.constant 32 : i32
      %lt3A_144 = arith.cmpi slt, %add3A_122, %lt3A_143 : i32
      %convert_element_type3A_145 = arith.extui %lt3A_144 : i1 to i32
      %cond3A_146 = arith.constant 0 : i32
      %cond3A_147 = arith.cmpi ne, %convert_element_type3A_145, %cond3A_146 : i32
      scf.if %cond3A_147 {
        %add3A_148 = arith.constant 224 : i32
        %add3A_149 = arith.addi %multiple_of3A, %add3A_148 : i32
        %dma_start3A = arith.constant 0 : i32
        %dma_start3A_150 = tpu.memref_slice %arg4[%add3A_149, %dma_start3A] : memref<8192x1024xf32, #tpu.memory_space<hbm>> -> memref<32x1024xf32, #tpu.memory_space<hbm>>
        %dma_start3A_151 = arith.constant 0 : i32
        %dma_start3A_152 = tpu.memref_slice %arg4[%add3A_149, %dma_start3A_151] : memref<8192x1024xf32, #tpu.memory_space<hbm>> -> memref<32x1024xf32, #tpu.memory_space<hbm>>
        tpu.enqueue_dma source(%dma_start3A_152 : memref<32x1024xf32, #tpu.memory_space<hbm>>) target(%arg8 : memref<32x1024xf32, #tpu.memory_space<vmem>>) target_semaphore(%arg9 : memref<!tpu.dma_semaphore, #tpu.memory_space<semaphore_mem>>)
        %dma_wait3A = arith.constant 0 : i32
        %dma_wait3A_153 = tpu.memref_slice %arg4[%add3A_149, %dma_wait3A] : memref<8192x1024xf32, #tpu.memory_space<hbm>> -> memref<32x1024xf32, #tpu.memory_space<hbm>>
        %dma_wait3A_154 = arith.constant 0 : i32
        %dma_wait3A_155 = tpu.memref_slice %arg4[%add3A_149, %dma_wait3A_154] : memref<8192x1024xf32, #tpu.memory_space<hbm>> -> memref<32x1024xf32, #tpu.memory_space<hbm>>
        tpu.wait_dma2 semaphore(%arg9 : memref<!tpu.dma_semaphore, #tpu.memory_space<semaphore_mem>>) src(%dma_wait3A_155 : memref<32x1024xf32, #tpu.memory_space<hbm>>) dst(%arg8 : memref<32x1024xf32, #tpu.memory_space<vmem>>)
        "tpu.region"() ({
          %run_scoped3A = tpu.sem_alloc : memref<!tpu.dma_semaphore, #tpu.memory_space<semaphore_mem>>
          %dma_start3A_156 = arith.constant 0 : i32
          %dma_start3A_157 = tpu.memref_slice %arg6[%add3A_97, %dma_start3A_156] : memref<16x32xi32, #tpu.memory_space<vmem>> -> memref<1x32xi32, #tpu.memory_space<vmem>>
          %dma_start3A_158 = tpu.memref_squeeze %dma_start3A_157 : memref<1x32xi32, #tpu.memory_space<vmem>> -> memref<32xi32, #tpu.memory_space<vmem>>
          %dma_start3A_159 = arith.constant 0 : i32
          %dma_start3A_160 = arith.constant 0 : i32
          %dma_start3A_161 = tpu.memref_slice %arg5[%dma_start3A_159, %dma_start3A_160] : memref<4128x1024xf32, #tpu.memory_space<hbm>> -> memref<4128x1024xf32, #tpu.memory_space<hbm>>
          tpu.enqueue_indirect_dma source(%arg8 : memref<32x1024xf32, #tpu.memory_space<vmem>>) target(%dma_start3A_161 : memref<4128x1024xf32, #tpu.memory_space<hbm>>) offsets(%dma_start3A_158 : memref<32xi32, #tpu.memory_space<vmem>>) semaphore(%run_scoped3A : memref<!tpu.dma_semaphore, #tpu.memory_space<semaphore_mem>>)
          %dma_wait3A_162 = arith.constant 0 : i32
          %dma_wait3A_163 = tpu.memref_slice %arg6[%add3A_97, %dma_wait3A_162] : memref<16x32xi32, #tpu.memory_space<vmem>> -> memref<1x32xi32, #tpu.memory_space<vmem>>
          %dma_wait3A_164 = tpu.memref_squeeze %dma_wait3A_163 : memref<1x32xi32, #tpu.memory_space<vmem>> -> memref<32xi32, #tpu.memory_space<vmem>>
          %dma_wait3A_165 = arith.constant 0 : i32
          %dma_wait3A_166 = arith.constant 0 : i32
          %dma_wait3A_167 = tpu.memref_slice %arg5[%dma_wait3A_165, %dma_wait3A_166] : memref<4128x1024xf32, #tpu.memory_space<hbm>> -> memref<4128x1024xf32, #tpu.memory_space<hbm>>
          tpu.wait_indirect_dma semaphore(%run_scoped3A : memref<!tpu.dma_semaphore, #tpu.memory_space<semaphore_mem>>) src(%arg8 : memref<32x1024xf32, #tpu.memory_space<vmem>>) dst(%dma_wait3A_167 : memref<4128x1024xf32, #tpu.memory_space<hbm>>)
          tpu.yield
        }) : () -> ()
      } else {
      }
    } else {
    }
    return
  }
}

#map = affine_map<(d0, d1) -> (0)>
#map1 = affine_map<(d0, d1) -> (0, 0)>
module attributes {stable_mosaic.version = 14 : i64} {
  func.func @_dispatch_body(%arg0: i32, %arg1: i32, %arg2: memref<4096xi32, #tpu.memory_space<hbm>>, %arg3: memref<2048x1024xf32, #tpu.memory_space<hbm>>, %arg4: memref<8x16xi32, #tpu.memory_space<hbm>>, %arg5: memref<8192x1024xf32, #tpu.memory_space<hbm>>, %arg6: memref<128x64xi32, #tpu.memory_space<hbm>>, %arg7: memref<64xi32, #tpu.memory_space<hbm>>, %arg8: memref<4096xi32, #tpu.memory_space<vmem>>, %arg9: memref<36x64xi32, #tpu.memory_space<vmem>>, %arg10: memref<2304xi32, #tpu.memory_space<vmem>>, %arg11: memref<32x1024xf32, #tpu.memory_space<vmem>>, %arg12: memref<32x1024xf32, #tpu.memory_space<vmem>>, %arg13: memref<64xi32, #tpu.memory_space<vmem>>, %arg14: memref<8x16xi32, #tpu.memory_space<vmem>>, %arg15: memref<!tpu.dma_semaphore, #tpu.memory_space<semaphore_mem>>, %arg16: memref<!tpu.dma_semaphore, #tpu.memory_space<semaphore_mem>>) attributes {dimension_semantics = [#tpu.dimension_semantics<core_parallel>, #tpu.dimension_semantics<subcore_parallel>], iteration_bounds = array<i64: 2, 16>, scalar_prefetch = 0 : i64, scratch_operands = 9 : i64, tpu.core_type = #tpu.core_type<sc_vector_subcore>, window_params = [{transform_indices = #map}, {transform_indices = #map1}, {transform_indices = #map1}, {transform_indices = #map1}, {transform_indices = #map1}, {transform_indices = #map}]} {
    %iota3A = tpu.iota {dimensions = array<i32: 0>} : vector<16xi32>
    %broadcast_in_dim3A = vector.broadcast %arg1 : i32 to vector<16xi32>
    %broadcast_in_dim3A_0 = arith.constant 0 : i32
    %broadcast_in_dim3A_1 = vector.broadcast %broadcast_in_dim3A_0 : i32 to vector<16xi32>
    %broadcast_in_dim3A_2 = arith.constant 1 : i32
    %broadcast_in_dim3A_3 = vector.broadcast %broadcast_in_dim3A_2 : i32 to vector<16xi32>
    %broadcast_in_dim3A_4 = arith.constant 4096 : i32
    %broadcast_in_dim3A_5 = vector.broadcast %broadcast_in_dim3A_4 : i32 to vector<16xi32>
    "tpu.region"() ({
      %run_scoped3A = tpu.sem_alloc : memref<!tpu.dma_semaphore, #tpu.memory_space<semaphore_mem>>
      tpu.enqueue_dma source(%arg2 : memref<4096xi32, #tpu.memory_space<hbm>>) target(%arg8 : memref<4096xi32, #tpu.memory_space<vmem>>) target_semaphore(%run_scoped3A : memref<!tpu.dma_semaphore, #tpu.memory_space<semaphore_mem>>)
      tpu.wait_dma2 semaphore(%run_scoped3A : memref<!tpu.dma_semaphore, #tpu.memory_space<semaphore_mem>>) src(%arg2 : memref<4096xi32, #tpu.memory_space<hbm>>) dst(%arg8 : memref<4096xi32, #tpu.memory_space<vmem>>)
      tpu.yield
    }) : () -> ()
    %swap3A = arith.constant 0 : i32
    %swap3A_6 = arith.index_cast %swap3A : i32 to index
    %swap3A_7 = arith.constant 0 : index
    %swap3A_8 = tpu.vector_load %arg9[%swap3A_6, %swap3A_7] {strides = array<i32>} : memref<36x64xi32, #tpu.memory_space<vmem>>, vector<16xi32>,
    tpu.vector_store %arg9[%swap3A_6, %swap3A_7], %broadcast_in_dim3A_5 {strides = array<i32>} : memref<36x64xi32, #tpu.memory_space<vmem>>, vector<16xi32>,
    %swap3A_9 = arith.constant 0 : i32
    %swap3A_10 = arith.index_cast %swap3A_9 : i32 to index
    %swap3A_11 = arith.constant 16 : index
    %swap3A_12 = tpu.vector_load %arg9[%swap3A_10, %swap3A_11] {strides = array<i32>} : memref<36x64xi32, #tpu.memory_space<vmem>>, vector<16xi32>,
    tpu.vector_store %arg9[%swap3A_10, %swap3A_11], %broadcast_in_dim3A_5 {strides = array<i32>} : memref<36x64xi32, #tpu.memory_space<vmem>>, vector<16xi32>,
    %swap3A_13 = arith.constant 0 : i32
    %swap3A_14 = arith.index_cast %swap3A_13 : i32 to index
    %swap3A_15 = arith.constant 32 : index
    %swap3A_16 = tpu.vector_load %arg9[%swap3A_14, %swap3A_15] {strides = array<i32>} : memref<36x64xi32, #tpu.memory_space<vmem>>, vector<16xi32>,
    tpu.vector_store %arg9[%swap3A_14, %swap3A_15], %broadcast_in_dim3A_5 {strides = array<i32>} : memref<36x64xi32, #tpu.memory_space<vmem>>, vector<16xi32>,
    %swap3A_17 = arith.constant 0 : i32
    %swap3A_18 = arith.index_cast %swap3A_17 : i32 to index
    %swap3A_19 = arith.constant 48 : index
    %swap3A_20 = tpu.vector_load %arg9[%swap3A_18, %swap3A_19] {strides = array<i32>} : memref<36x64xi32, #tpu.memory_space<vmem>>, vector<16xi32>,
    tpu.vector_store %arg9[%swap3A_18, %swap3A_19], %broadcast_in_dim3A_5 {strides = array<i32>} : memref<36x64xi32, #tpu.memory_space<vmem>>, vector<16xi32>,
    %swap3A_21 = arith.constant 1 : i32
    %swap3A_22 = arith.index_cast %swap3A_21 : i32 to index
    %swap3A_23 = arith.constant 0 : index
    %swap3A_24 = tpu.vector_load %arg9[%swap3A_22, %swap3A_23] {strides = array<i32>} : memref<36x64xi32, #tpu.memory_space<vmem>>, vector<16xi32>,
    tpu.vector_store %arg9[%swap3A_22, %swap3A_23], %broadcast_in_dim3A_5 {strides = array<i32>} : memref<36x64xi32, #tpu.memory_space<vmem>>, vector<16xi32>,
    %swap3A_25 = arith.constant 1 : i32
    %swap3A_26 = arith.index_cast %swap3A_25 : i32 to index
    %swap3A_27 = arith.constant 16 : index
    %swap3A_28 = tpu.vector_load %arg9[%swap3A_26, %swap3A_27] {strides = array<i32>} : memref<36x64xi32, #tpu.memory_space<vmem>>, vector<16xi32>,
    tpu.vector_store %arg9[%swap3A_26, %swap3A_27], %broadcast_in_dim3A_5 {strides = array<i32>} : memref<36x64xi32, #tpu.memory_space<vmem>>, vector<16xi32>,
    %swap3A_29 = arith.constant 1 : i32
    %swap3A_30 = arith.index_cast %swap3A_29 : i32 to index
    %swap3A_31 = arith.constant 32 : index
    %swap3A_32 = tpu.vector_load %arg9[%swap3A_30, %swap3A_31] {strides = array<i32>} : memref<36x64xi32, #tpu.memory_space<vmem>>, vector<16xi32>,
    tpu.vector_store %arg9[%swap3A_30, %swap3A_31], %broadcast_in_dim3A_5 {strides = array<i32>} : memref<36x64xi32, #tpu.memory_space<vmem>>, vector<16xi32>,
    %swap3A_33 = arith.constant 1 : i32
    %swap3A_34 = arith.index_cast %swap3A_33 : i32 to index
    %swap3A_35 = arith.constant 48 : index
    %swap3A_36 = tpu.vector_load %arg9[%swap3A_34, %swap3A_35] {strides = array<i32>} : memref<36x64xi32, #tpu.memory_space<vmem>>, vector<16xi32>,
    tpu.vector_store %arg9[%swap3A_34, %swap3A_35], %broadcast_in_dim3A_5 {strides = array<i32>} : memref<36x64xi32, #tpu.memory_space<vmem>>, vector<16xi32>,
    %swap3A_37 = arith.constant 2 : i32
    %swap3A_38 = arith.index_cast %swap3A_37 : i32 to index
    %swap3A_39 = arith.constant 0 : index
    %swap3A_40 = tpu.vector_load %arg9[%swap3A_38, %swap3A_39] {strides = array<i32>} : memref<36x64xi32, #tpu.memory_space<vmem>>, vector<16xi32>,
    tpu.vector_store %arg9[%swap3A_38, %swap3A_39], %broadcast_in_dim3A_5 {strides = array<i32>} : memref<36x64xi32, #tpu.memory_space<vmem>>, vector<16xi32>,
    %swap3A_41 = arith.constant 2 : i32
    %swap3A_42 = arith.index_cast %swap3A_41 : i32 to index
    %swap3A_43 = arith.constant 16 : index
    %swap3A_44 = tpu.vector_load %arg9[%swap3A_42, %swap3A_43] {strides = array<i32>} : memref<36x64xi32, #tpu.memory_space<vmem>>, vector<16xi32>,
    tpu.vector_store %arg9[%swap3A_42, %swap3A_43], %broadcast_in_dim3A_5 {strides = array<i32>} : memref<36x64xi32, #tpu.memory_space<vmem>>, vector<16xi32>,
    %swap3A_45 = arith.constant 2 : i32
    %swap3A_46 = arith.index_cast %swap3A_45 : i32 to index
    %swap3A_47 = arith.constant 32 : index
    %swap3A_48 = tpu.vector_load %arg9[%swap3A_46, %swap3A_47] {strides = array<i32>} : memref<36x64xi32, #tpu.memory_space<vmem>>, vector<16xi32>,
    tpu.vector_store %arg9[%swap3A_46, %swap3A_47], %broadcast_in_dim3A_5 {strides = array<i32>} : memref<36x64xi32, #tpu.memory_space<vmem>>, vector<16xi32>,
    %swap3A_49 = arith.constant 2 : i32
    %swap3A_50 = arith.index_cast %swap3A_49 : i32 to index
    %swap3A_51 = arith.constant 48 : index
    %swap3A_52 = tpu.vector_load %arg9[%swap3A_50, %swap3A_51] {strides = array<i32>} : memref<36x64xi32, #tpu.memory_space<vmem>>, vector<16xi32>,
    tpu.vector_store %arg9[%swap3A_50, %swap3A_51], %broadcast_in_dim3A_5 {strides = array<i32>} : memref<36x64xi32, #tpu.memory_space<vmem>>, vector<16xi32>,
    %swap3A_53 = arith.constant 3 : i32
    %swap3A_54 = arith.index_cast %swap3A_53 : i32 to index
    %swap3A_55 = arith.constant 0 : index
    %swap3A_56 = tpu.vector_load %arg9[%swap3A_54, %swap3A_55] {strides = array<i32>} : memref<36x64xi32, #tpu.memory_space<vmem>>, vector<16xi32>,
    tpu.vector_store %arg9[%swap3A_54, %swap3A_55], %broadcast_in_dim3A_5 {strides = array<i32>} : memref<36x64xi32, #tpu.memory_space<vmem>>, vector<16xi32>,
    %swap3A_57 = arith.constant 3 : i32
    %swap3A_58 = arith.index_cast %swap3A_57 : i32 to index
    %swap3A_59 = arith.constant 16 : index
    %swap3A_60 = tpu.vector_load %arg9[%swap3A_58, %swap3A_59] {strides = array<i32>} : memref<36x64xi32, #tpu.memory_space<vmem>>, vector<16xi32>,
    tpu.vector_store %arg9[%swap3A_58, %swap3A_59], %broadcast_in_dim3A_5 {strides = array<i32>} : memref<36x64xi32, #tpu.memory_space<vmem>>, vector<16xi32>,
    %swap3A_61 = arith.constant 3 : i32
    %swap3A_62 = arith.index_cast %swap3A_61 : i32 to index
    %swap3A_63 = arith.constant 32 : index
    %swap3A_64 = tpu.vector_load %arg9[%swap3A_62, %swap3A_63] {strides = array<i32>} : memref<36x64xi32, #tpu.memory_space<vmem>>, vector<16xi32>,
    tpu.vector_store %arg9[%swap3A_62, %swap3A_63], %broadcast_in_dim3A_5 {strides = array<i32>} : memref<36x64xi32, #tpu.memory_space<vmem>>, vector<16xi32>,
    %swap3A_65 = arith.constant 3 : i32
    %swap3A_66 = arith.index_cast %swap3A_65 : i32 to index
    %swap3A_67 = arith.constant 48 : index
    %swap3A_68 = tpu.vector_load %arg9[%swap3A_66, %swap3A_67] {strides = array<i32>} : memref<36x64xi32, #tpu.memory_space<vmem>>, vector<16xi32>,
    tpu.vector_store %arg9[%swap3A_66, %swap3A_67], %broadcast_in_dim3A_5 {strides = array<i32>} : memref<36x64xi32, #tpu.memory_space<vmem>>, vector<16xi32>,
    %swap3A_69 = arith.constant 4 : i32
    %swap3A_70 = arith.index_cast %swap3A_69 : i32 to index
    %swap3A_71 = arith.constant 0 : index
    %swap3A_72 = tpu.vector_load %arg9[%swap3A_70, %swap3A_71] {strides = array<i32>} : memref<36x64xi32, #tpu.memory_space<vmem>>, vector<16xi32>,
    tpu.vector_store %arg9[%swap3A_70, %swap3A_71], %broadcast_in_dim3A_5 {strides = array<i32>} : memref<36x64xi32, #tpu.memory_space<vmem>>, vector<16xi32>,
    %swap3A_73 = arith.constant 4 : i32
    %swap3A_74 = arith.index_cast %swap3A_73 : i32 to index
    %swap3A_75 = arith.constant 16 : index
    %swap3A_76 = tpu.vector_load %arg9[%swap3A_74, %swap3A_75] {strides = array<i32>} : memref<36x64xi32, #tpu.memory_space<vmem>>, vector<16xi32>,
    tpu.vector_store %arg9[%swap3A_74, %swap3A_75], %broadcast_in_dim3A_5 {strides = array<i32>} : memref<36x64xi32, #tpu.memory_space<vmem>>, vector<16xi32>,
    %swap3A_77 = arith.constant 4 : i32
    %swap3A_78 = arith.index_cast %swap3A_77 : i32 to index
    %swap3A_79 = arith.constant 32 : index
    %swap3A_80 = tpu.vector_load %arg9[%swap3A_78, %swap3A_79] {strides = array<i32>} : memref<36x64xi32, #tpu.memory_space<vmem>>, vector<16xi32>,
    tpu.vector_store %arg9[%swap3A_78, %swap3A_79], %broadcast_in_dim3A_5 {strides = array<i32>} : memref<36x64xi32, #tpu.memory_space<vmem>>, vector<16xi32>,
    %swap3A_81 = arith.constant 4 : i32
    %swap3A_82 = arith.index_cast %swap3A_81 : i32 to index
    %swap3A_83 = arith.constant 48 : index
    %swap3A_84 = tpu.vector_load %arg9[%swap3A_82, %swap3A_83] {strides = array<i32>} : memref<36x64xi32, #tpu.memory_space<vmem>>, vector<16xi32>,
    tpu.vector_store %arg9[%swap3A_82, %swap3A_83], %broadcast_in_dim3A_5 {strides = array<i32>} : memref<36x64xi32, #tpu.memory_space<vmem>>, vector<16xi32>,
    %swap3A_85 = arith.constant 5 : i32
    %swap3A_86 = arith.index_cast %swap3A_85 : i32 to index
    %swap3A_87 = arith.constant 0 : index
    %swap3A_88 = tpu.vector_load %arg9[%swap3A_86, %swap3A_87] {strides = array<i32>} : memref<36x64xi32, #tpu.memory_space<vmem>>, vector<16xi32>,
    tpu.vector_store %arg9[%swap3A_86, %swap3A_87], %broadcast_in_dim3A_5 {strides = array<i32>} : memref<36x64xi32, #tpu.memory_space<vmem>>, vector<16xi32>,
    %swap3A_89 = arith.constant 5 : i32
    %swap3A_90 = arith.index_cast %swap3A_89 : i32 to index
    %swap3A_91 = arith.constant 16 : index
    %swap3A_92 = tpu.vector_load %arg9[%swap3A_90, %swap3A_91] {strides = array<i32>} : memref<36x64xi32, #tpu.memory_space<vmem>>, vector<16xi32>,
    tpu.vector_store %arg9[%swap3A_90, %swap3A_91], %broadcast_in_dim3A_5 {strides = array<i32>} : memref<36x64xi32, #tpu.memory_space<vmem>>, vector<16xi32>,
    %swap3A_93 = arith.constant 5 : i32
    %swap3A_94 = arith.index_cast %swap3A_93 : i32 to index
    %swap3A_95 = arith.constant 32 : index
    %swap3A_96 = tpu.vector_load %arg9[%swap3A_94, %swap3A_95] {strides = array<i32>} : memref<36x64xi32, #tpu.memory_space<vmem>>, vector<16xi32>,
    tpu.vector_store %arg9[%swap3A_94, %swap3A_95], %broadcast_in_dim3A_5 {strides = array<i32>} : memref<36x64xi32, #tpu.memory_space<vmem>>, vector<16xi32>,
    %swap3A_97 = arith.constant 5 : i32
    %swap3A_98 = arith.index_cast %swap3A_97 : i32 to index
    %swap3A_99 = arith.constant 48 : index
    %swap3A_100 = tpu.vector_load %arg9[%swap3A_98, %swap3A_99] {strides = array<i32>} : memref<36x64xi32, #tpu.memory_space<vmem>>, vector<16xi32>,
    tpu.vector_store %arg9[%swap3A_98, %swap3A_99], %broadcast_in_dim3A_5 {strides = array<i32>} : memref<36x64xi32, #tpu.memory_space<vmem>>, vector<16xi32>,
    %swap3A_101 = arith.constant 6 : i32
    %swap3A_102 = arith.index_cast %swap3A_101 : i32 to index
    %swap3A_103 = arith.constant 0 : index
    %swap3A_104 = tpu.vector_load %arg9[%swap3A_102, %swap3A_103] {strides = array<i32>} : memref<36x64xi32, #tpu.memory_space<vmem>>, vector<16xi32>,
    tpu.vector_store %arg9[%swap3A_102, %swap3A_103], %broadcast_in_dim3A_5 {strides = array<i32>} : memref<36x64xi32, #tpu.memory_space<vmem>>, vector<16xi32>,
    %swap3A_105 = arith.constant 6 : i32
    %swap3A_106 = arith.index_cast %swap3A_105 : i32 to index
    %swap3A_107 = arith.constant 16 : index
    %swap3A_108 = tpu.vector_load %arg9[%swap3A_106, %swap3A_107] {strides = array<i32>} : memref<36x64xi32, #tpu.memory_space<vmem>>, vector<16xi32>,
    tpu.vector_store %arg9[%swap3A_106, %swap3A_107], %broadcast_in_dim3A_5 {strides = array<i32>} : memref<36x64xi32, #tpu.memory_space<vmem>>, vector<16xi32>,
    %swap3A_109 = arith.constant 6 : i32
    %swap3A_110 = arith.index_cast %swap3A_109 : i32 to index
    %swap3A_111 = arith.constant 32 : index
    %swap3A_112 = tpu.vector_load %arg9[%swap3A_110, %swap3A_111] {strides = array<i32>} : memref<36x64xi32, #tpu.memory_space<vmem>>, vector<16xi32>,
    tpu.vector_store %arg9[%swap3A_110, %swap3A_111], %broadcast_in_dim3A_5 {strides = array<i32>} : memref<36x64xi32, #tpu.memory_space<vmem>>, vector<16xi32>,
    %swap3A_113 = arith.constant 6 : i32
    %swap3A_114 = arith.index_cast %swap3A_113 : i32 to index
    %swap3A_115 = arith.constant 48 : index
    %swap3A_116 = tpu.vector_load %arg9[%swap3A_114, %swap3A_115] {strides = array<i32>} : memref<36x64xi32, #tpu.memory_space<vmem>>, vector<16xi32>,
    tpu.vector_store %arg9[%swap3A_114, %swap3A_115], %broadcast_in_dim3A_5 {strides = array<i32>} : memref<36x64xi32, #tpu.memory_space<vmem>>, vector<16xi32>,
    %swap3A_117 = arith.constant 7 : i32
    %swap3A_118 = arith.index_cast %swap3A_117 : i32 to index
    %swap3A_119 = arith.constant 0 : index
    %swap3A_120 = tpu.vector_load %arg9[%swap3A_118, %swap3A_119] {strides = array<i32>} : memref<36x64xi32, #tpu.memory_space<vmem>>, vector<16xi32>,
    tpu.vector_store %arg9[%swap3A_118, %swap3A_119], %broadcast_in_dim3A_5 {strides = array<i32>} : memref<36x64xi32, #tpu.memory_space<vmem>>, vector<16xi32>,
    %swap3A_121 = arith.constant 7 : i32
    %swap3A_122 = arith.index_cast %swap3A_121 : i32 to index
    %swap3A_123 = arith.constant 16 : index
    %swap3A_124 = tpu.vector_load %arg9[%swap3A_122, %swap3A_123] {strides = array<i32>} : memref<36x64xi32, #tpu.memory_space<vmem>>, vector<16xi32>,
    tpu.vector_store %arg9[%swap3A_122, %swap3A_123], %broadcast_in_dim3A_5 {strides = array<i32>} : memref<36x64xi32, #tpu.memory_space<vmem>>, vector<16xi32>,
    %swap3A_125 = arith.constant 7 : i32
    %swap3A_126 = arith.index_cast %swap3A_125 : i32 to index
    %swap3A_127 = arith.constant 32 : index
    %swap3A_128 = tpu.vector_load %arg9[%swap3A_126, %swap3A_127] {strides = array<i32>} : memref<36x64xi32, #tpu.memory_space<vmem>>, vector<16xi32>,
    tpu.vector_store %arg9[%swap3A_126, %swap3A_127], %broadcast_in_dim3A_5 {strides = array<i32>} : memref<36x64xi32, #tpu.memory_space<vmem>>, vector<16xi32>,
    %swap3A_129 = arith.constant 7 : i32
    %swap3A_130 = arith.index_cast %swap3A_129 : i32 to index
    %swap3A_131 = arith.constant 48 : index
    %swap3A_132 = tpu.vector_load %arg9[%swap3A_130, %swap3A_131] {strides = array<i32>} : memref<36x64xi32, #tpu.memory_space<vmem>>, vector<16xi32>,
    tpu.vector_store %arg9[%swap3A_130, %swap3A_131], %broadcast_in_dim3A_5 {strides = array<i32>} : memref<36x64xi32, #tpu.memory_space<vmem>>, vector<16xi32>,
    %swap3A_133 = arith.constant 8 : i32
    %swap3A_134 = arith.index_cast %swap3A_133 : i32 to index
    %swap3A_135 = arith.constant 0 : index
    %swap3A_136 = tpu.vector_load %arg9[%swap3A_134, %swap3A_135] {strides = array<i32>} : memref<36x64xi32, #tpu.memory_space<vmem>>, vector<16xi32>,
    tpu.vector_store %arg9[%swap3A_134, %swap3A_135], %broadcast_in_dim3A_5 {strides = array<i32>} : memref<36x64xi32, #tpu.memory_space<vmem>>, vector<16xi32>,
    %swap3A_137 = arith.constant 8 : i32
    %swap3A_138 = arith.index_cast %swap3A_137 : i32 to index
    %swap3A_139 = arith.constant 16 : index
    %swap3A_140 = tpu.vector_load %arg9[%swap3A_138, %swap3A_139] {strides = array<i32>} : memref<36x64xi32, #tpu.memory_space<vmem>>, vector<16xi32>,
    tpu.vector_store %arg9[%swap3A_138, %swap3A_139], %broadcast_in_dim3A_5 {strides = array<i32>} : memref<36x64xi32, #tpu.memory_space<vmem>>, vector<16xi32>,
    %swap3A_141 = arith.constant 8 : i32
    %swap3A_142 = arith.index_cast %swap3A_141 : i32 to index
    %swap3A_143 = arith.constant 32 : index
    %swap3A_144 = tpu.vector_load %arg9[%swap3A_142, %swap3A_143] {strides = array<i32>} : memref<36x64xi32, #tpu.memory_space<vmem>>, vector<16xi32>,
    tpu.vector_store %arg9[%swap3A_142, %swap3A_143], %broadcast_in_dim3A_5 {strides = array<i32>} : memref<36x64xi32, #tpu.memory_space<vmem>>, vector<16xi32>,
    %swap3A_145 = arith.constant 8 : i32
    %swap3A_146 = arith.index_cast %swap3A_145 : i32 to index
    %swap3A_147 = arith.constant 48 : index
    %swap3A_148 = tpu.vector_load %arg9[%swap3A_146, %swap3A_147] {strides = array<i32>} : memref<36x64xi32, #tpu.memory_space<vmem>>, vector<16xi32>,
    tpu.vector_store %arg9[%swap3A_146, %swap3A_147], %broadcast_in_dim3A_5 {strides = array<i32>} : memref<36x64xi32, #tpu.memory_space<vmem>>, vector<16xi32>,
    %swap3A_149 = arith.constant 9 : i32
    %swap3A_150 = arith.index_cast %swap3A_149 : i32 to index
    %swap3A_151 = arith.constant 0 : index
    %swap3A_152 = tpu.vector_load %arg9[%swap3A_150, %swap3A_151] {strides = array<i32>} : memref<36x64xi32, #tpu.memory_space<vmem>>, vector<16xi32>,
    tpu.vector_store %arg9[%swap3A_150, %swap3A_151], %broadcast_in_dim3A_5 {strides = array<i32>} : memref<36x64xi32, #tpu.memory_space<vmem>>, vector<16xi32>,
    %swap3A_153 = arith.constant 9 : i32
    %swap3A_154 = arith.index_cast %swap3A_153 : i32 to index
    %swap3A_155 = arith.constant 16 : index
    %swap3A_156 = tpu.vector_load %arg9[%swap3A_154, %swap3A_155] {strides = array<i32>} : memref<36x64xi32, #tpu.memory_space<vmem>>, vector<16xi32>,
    tpu.vector_store %arg9[%swap3A_154, %swap3A_155], %broadcast_in_dim3A_5 {strides = array<i32>} : memref<36x64xi32, #tpu.memory_space<vmem>>, vector<16xi32>,
    %swap3A_157 = arith.constant 9 : i32
    %swap3A_158 = arith.index_cast %swap3A_157 : i32 to index
    %swap3A_159 = arith.constant 32 : index
    %swap3A_160 = tpu.vector_load %arg9[%swap3A_158, %swap3A_159] {strides = array<i32>} : memref<36x64xi32, #tpu.memory_space<vmem>>, vector<16xi32>,
    tpu.vector_store %arg9[%swap3A_158, %swap3A_159], %broadcast_in_dim3A_5 {strides = array<i32>} : memref<36x64xi32, #tpu.memory_space<vmem>>, vector<16xi32>,
    %swap3A_161 = arith.constant 9 : i32
    %swap3A_162 = arith.index_cast %swap3A_161 : i32 to index
    %swap3A_163 = arith.constant 48 : index
    %swap3A_164 = tpu.vector_load %arg9[%swap3A_162, %swap3A_163] {strides = array<i32>} : memref<36x64xi32, #tpu.memory_space<vmem>>, vector<16xi32>,
    tpu.vector_store %arg9[%swap3A_162, %swap3A_163], %broadcast_in_dim3A_5 {strides = array<i32>} : memref<36x64xi32, #tpu.memory_space<vmem>>, vector<16xi32>,
    %swap3A_165 = arith.constant 10 : i32
    %swap3A_166 = arith.index_cast %swap3A_165 : i32 to index
    %swap3A_167 = arith.constant 0 : index
    %swap3A_168 = tpu.vector_load %arg9[%swap3A_166, %swap3A_167] {strides = array<i32>} : memref<36x64xi32, #tpu.memory_space<vmem>>, vector<16xi32>,
    tpu.vector_store %arg9[%swap3A_166, %swap3A_167], %broadcast_in_dim3A_5 {strides = array<i32>} : memref<36x64xi32, #tpu.memory_space<vmem>>, vector<16xi32>,
    %swap3A_169 = arith.constant 10 : i32
    %swap3A_170 = arith.index_cast %swap3A_169 : i32 to index
    %swap3A_171 = arith.constant 16 : index
    %swap3A_172 = tpu.vector_load %arg9[%swap3A_170, %swap3A_171] {strides = array<i32>} : memref<36x64xi32, #tpu.memory_space<vmem>>, vector<16xi32>,
    tpu.vector_store %arg9[%swap3A_170, %swap3A_171], %broadcast_in_dim3A_5 {strides = array<i32>} : memref<36x64xi32, #tpu.memory_space<vmem>>, vector<16xi32>,
    %swap3A_173 = arith.constant 10 : i32
    %swap3A_174 = arith.index_cast %swap3A_173 : i32 to index
    %swap3A_175 = arith.constant 32 : index
    %swap3A_176 = tpu.vector_load %arg9[%swap3A_174, %swap3A_175] {strides = array<i32>} : memref<36x64xi32, #tpu.memory_space<vmem>>, vector<16xi32>,
    tpu.vector_store %arg9[%swap3A_174, %swap3A_175], %broadcast_in_dim3A_5 {strides = array<i32>} : memref<36x64xi32, #tpu.memory_space<vmem>>, vector<16xi32>,
    %swap3A_177 = arith.constant 10 : i32
    %swap3A_178 = arith.index_cast %swap3A_177 : i32 to index
    %swap3A_179 = arith.constant 48 : index
    %swap3A_180 = tpu.vector_load %arg9[%swap3A_178, %swap3A_179] {strides = array<i32>} : memref<36x64xi32, #tpu.memory_space<vmem>>, vector<16xi32>,
    tpu.vector_store %arg9[%swap3A_178, %swap3A_179], %broadcast_in_dim3A_5 {strides = array<i32>} : memref<36x64xi32, #tpu.memory_space<vmem>>, vector<16xi32>,
    %swap3A_181 = arith.constant 11 : i32
    %swap3A_182 = arith.index_cast %swap3A_181 : i32 to index
    %swap3A_183 = arith.constant 0 : index
    %swap3A_184 = tpu.vector_load %arg9[%swap3A_182, %swap3A_183] {strides = array<i32>} : memref<36x64xi32, #tpu.memory_space<vmem>>, vector<16xi32>,
    tpu.vector_store %arg9[%swap3A_182, %swap3A_183], %broadcast_in_dim3A_5 {strides = array<i32>} : memref<36x64xi32, #tpu.memory_space<vmem>>, vector<16xi32>,
    %swap3A_185 = arith.constant 11 : i32
    %swap3A_186 = arith.index_cast %swap3A_185 : i32 to index
    %swap3A_187 = arith.constant 16 : index
    %swap3A_188 = tpu.vector_load %arg9[%swap3A_186, %swap3A_187] {strides = array<i32>} : memref<36x64xi32, #tpu.memory_space<vmem>>, vector<16xi32>,
    tpu.vector_store %arg9[%swap3A_186, %swap3A_187], %broadcast_in_dim3A_5 {strides = array<i32>} : memref<36x64xi32, #tpu.memory_space<vmem>>, vector<16xi32>,
    %swap3A_189 = arith.constant 11 : i32
    %swap3A_190 = arith.index_cast %swap3A_189 : i32 to index
    %swap3A_191 = arith.constant 32 : index
    %swap3A_192 = tpu.vector_load %arg9[%swap3A_190, %swap3A_191] {strides = array<i32>} : memref<36x64xi32, #tpu.memory_space<vmem>>, vector<16xi32>,
    tpu.vector_store %arg9[%swap3A_190, %swap3A_191], %broadcast_in_dim3A_5 {strides = array<i32>} : memref<36x64xi32, #tpu.memory_space<vmem>>, vector<16xi32>,
    %swap3A_193 = arith.constant 11 : i32
    %swap3A_194 = arith.index_cast %swap3A_193 : i32 to index
    %swap3A_195 = arith.constant 48 : index
    %swap3A_196 = tpu.vector_load %arg9[%swap3A_194, %swap3A_195] {strides = array<i32>} : memref<36x64xi32, #tpu.memory_space<vmem>>, vector<16xi32>,
    tpu.vector_store %arg9[%swap3A_194, %swap3A_195], %broadcast_in_dim3A_5 {strides = array<i32>} : memref<36x64xi32, #tpu.memory_space<vmem>>, vector<16xi32>,
    %swap3A_197 = arith.constant 12 : i32
    %swap3A_198 = arith.index_cast %swap3A_197 : i32 to index
    %swap3A_199 = arith.constant 0 : index
    %swap3A_200 = tpu.vector_load %arg9[%swap3A_198, %swap3A_199] {strides = array<i32>} : memref<36x64xi32, #tpu.memory_space<vmem>>, vector<16xi32>,
    tpu.vector_store %arg9[%swap3A_198, %swap3A_199], %broadcast_in_dim3A_5 {strides = array<i32>} : memref<36x64xi32, #tpu.memory_space<vmem>>, vector<16xi32>,
    %swap3A_201 = arith.constant 12 : i32
    %swap3A_202 = arith.index_cast %swap3A_201 : i32 to index
    %swap3A_203 = arith.constant 16 : index
    %swap3A_204 = tpu.vector_load %arg9[%swap3A_202, %swap3A_203] {strides = array<i32>} : memref<36x64xi32, #tpu.memory_space<vmem>>, vector<16xi32>,
    tpu.vector_store %arg9[%swap3A_202, %swap3A_203], %broadcast_in_dim3A_5 {strides = array<i32>} : memref<36x64xi32, #tpu.memory_space<vmem>>, vector<16xi32>,
    %swap3A_205 = arith.constant 12 : i32
    %swap3A_206 = arith.index_cast %swap3A_205 : i32 to index
    %swap3A_207 = arith.constant 32 : index
    %swap3A_208 = tpu.vector_load %arg9[%swap3A_206, %swap3A_207] {strides = array<i32>} : memref<36x64xi32, #tpu.memory_space<vmem>>, vector<16xi32>,
    tpu.vector_store %arg9[%swap3A_206, %swap3A_207], %broadcast_in_dim3A_5 {strides = array<i32>} : memref<36x64xi32, #tpu.memory_space<vmem>>, vector<16xi32>,
    %swap3A_209 = arith.constant 12 : i32
    %swap3A_210 = arith.index_cast %swap3A_209 : i32 to index
    %swap3A_211 = arith.constant 48 : index
    %swap3A_212 = tpu.vector_load %arg9[%swap3A_210, %swap3A_211] {strides = array<i32>} : memref<36x64xi32, #tpu.memory_space<vmem>>, vector<16xi32>,
    tpu.vector_store %arg9[%swap3A_210, %swap3A_211], %broadcast_in_dim3A_5 {strides = array<i32>} : memref<36x64xi32, #tpu.memory_space<vmem>>, vector<16xi32>,
    %swap3A_213 = arith.constant 13 : i32
    %swap3A_214 = arith.index_cast %swap3A_213 : i32 to index
    %swap3A_215 = arith.constant 0 : index
    %swap3A_216 = tpu.vector_load %arg9[%swap3A_214, %swap3A_215] {strides = array<i32>} : memref<36x64xi32, #tpu.memory_space<vmem>>, vector<16xi32>,
    tpu.vector_store %arg9[%swap3A_214, %swap3A_215], %broadcast_in_dim3A_5 {strides = array<i32>} : memref<36x64xi32, #tpu.memory_space<vmem>>, vector<16xi32>,
    %swap3A_217 = arith.constant 13 : i32
    %swap3A_218 = arith.index_cast %swap3A_217 : i32 to index
    %swap3A_219 = arith.constant 16 : index
    %swap3A_220 = tpu.vector_load %arg9[%swap3A_218, %swap3A_219] {strides = array<i32>} : memref<36x64xi32, #tpu.memory_space<vmem>>, vector<16xi32>,
    tpu.vector_store %arg9[%swap3A_218, %swap3A_219], %broadcast_in_dim3A_5 {strides = array<i32>} : memref<36x64xi32, #tpu.memory_space<vmem>>, vector<16xi32>,
    %swap3A_221 = arith.constant 13 : i32
    %swap3A_222 = arith.index_cast %swap3A_221 : i32 to index
    %swap3A_223 = arith.constant 32 : index
    %swap3A_224 = tpu.vector_load %arg9[%swap3A_222, %swap3A_223] {strides = array<i32>} : memref<36x64xi32, #tpu.memory_space<vmem>>, vector<16xi32>,
    tpu.vector_store %arg9[%swap3A_222, %swap3A_223], %broadcast_in_dim3A_5 {strides = array<i32>} : memref<36x64xi32, #tpu.memory_space<vmem>>, vector<16xi32>,
    %swap3A_225 = arith.constant 13 : i32
    %swap3A_226 = arith.index_cast %swap3A_225 : i32 to index
    %swap3A_227 = arith.constant 48 : index
    %swap3A_228 = tpu.vector_load %arg9[%swap3A_226, %swap3A_227] {strides = array<i32>} : memref<36x64xi32, #tpu.memory_space<vmem>>, vector<16xi32>,
    tpu.vector_store %arg9[%swap3A_226, %swap3A_227], %broadcast_in_dim3A_5 {strides = array<i32>} : memref<36x64xi32, #tpu.memory_space<vmem>>, vector<16xi32>,
    %swap3A_229 = arith.constant 14 : i32
    %swap3A_230 = arith.index_cast %swap3A_229 : i32 to index
    %swap3A_231 = arith.constant 0 : index
    %swap3A_232 = tpu.vector_load %arg9[%swap3A_230, %swap3A_231] {strides = array<i32>} : memref<36x64xi32, #tpu.memory_space<vmem>>, vector<16xi32>,
    tpu.vector_store %arg9[%swap3A_230, %swap3A_231], %broadcast_in_dim3A_5 {strides = array<i32>} : memref<36x64xi32, #tpu.memory_space<vmem>>, vector<16xi32>,
    %swap3A_233 = arith.constant 14 : i32
    %swap3A_234 = arith.index_cast %swap3A_233 : i32 to index
    %swap3A_235 = arith.constant 16 : index
    %swap3A_236 = tpu.vector_load %arg9[%swap3A_234, %swap3A_235] {strides = array<i32>} : memref<36x64xi32, #tpu.memory_space<vmem>>, vector<16xi32>,
    tpu.vector_store %arg9[%swap3A_234, %swap3A_235], %broadcast_in_dim3A_5 {strides = array<i32>} : memref<36x64xi32, #tpu.memory_space<vmem>>, vector<16xi32>,
    %swap3A_237 = arith.constant 14 : i32
    %swap3A_238 = arith.index_cast %swap3A_237 : i32 to index
    %swap3A_239 = arith.constant 32 : index
    %swap3A_240 = tpu.vector_load %arg9[%swap3A_238, %swap3A_239] {strides = array<i32>} : memref<36x64xi32, #tpu.memory_space<vmem>>, vector<16xi32>,
    tpu.vector_store %arg9[%swap3A_238, %swap3A_239], %broadcast_in_dim3A_5 {strides = array<i32>} : memref<36x64xi32, #tpu.memory_space<vmem>>, vector<16xi32>,
    %swap3A_241 = arith.constant 14 : i32
    %swap3A_242 = arith.index_cast %swap3A_241 : i32 to index
    %swap3A_243 = arith.constant 48 : index
    %swap3A_244 = tpu.vector_load %arg9[%swap3A_242, %swap3A_243] {strides = array<i32>} : memref<36x64xi32, #tpu.memory_space<vmem>>, vector<16xi32>,
    tpu.vector_store %arg9[%swap3A_242, %swap3A_243], %broadcast_in_dim3A_5 {strides = array<i32>} : memref<36x64xi32, #tpu.memory_space<vmem>>, vector<16xi32>,
    %swap3A_245 = arith.constant 15 : i32
    %swap3A_246 = arith.index_cast %swap3A_245 : i32 to index
    %swap3A_247 = arith.constant 0 : index
    %swap3A_248 = tpu.vector_load %arg9[%swap3A_246, %swap3A_247] {strides = array<i32>} : memref<36x64xi32, #tpu.memory_space<vmem>>, vector<16xi32>,
    tpu.vector_store %arg9[%swap3A_246, %swap3A_247], %broadcast_in_dim3A_5 {strides = array<i32>} : memref<36x64xi32, #tpu.memory_space<vmem>>, vector<16xi32>,
    %swap3A_249 = arith.constant 15 : i32
    %swap3A_250 = arith.index_cast %swap3A_249 : i32 to index
    %swap3A_251 = arith.constant 16 : index
    %swap3A_252 = tpu.vector_load %arg9[%swap3A_250, %swap3A_251] {strides = array<i32>} : memref<36x64xi32, #tpu.memory_space<vmem>>, vector<16xi32>,
    tpu.vector_store %arg9[%swap3A_250, %swap3A_251], %broadcast_in_dim3A_5 {strides = array<i32>} : memref<36x64xi32, #tpu.memory_space<vmem>>, vector<16xi32>,
    %swap3A_253 = arith.constant 15 : i32
    %swap3A_254 = arith.index_cast %swap3A_253 : i32 to index
    %swap3A_255 = arith.constant 32 : index
    %swap3A_256 = tpu.vector_load %arg9[%swap3A_254, %swap3A_255] {strides = array<i32>} : memref<36x64xi32, #tpu.memory_space<vmem>>, vector<16xi32>,
    tpu.vector_store %arg9[%swap3A_254, %swap3A_255], %broadcast_in_dim3A_5 {strides = array<i32>} : memref<36x64xi32, #tpu.memory_space<vmem>>, vector<16xi32>,
    %swap3A_257 = arith.constant 15 : i32
    %swap3A_258 = arith.index_cast %swap3A_257 : i32 to index
    %swap3A_259 = arith.constant 48 : index
    %swap3A_260 = tpu.vector_load %arg9[%swap3A_258, %swap3A_259] {strides = array<i32>} : memref<36x64xi32, #tpu.memory_space<vmem>>, vector<16xi32>,
    tpu.vector_store %arg9[%swap3A_258, %swap3A_259], %broadcast_in_dim3A_5 {strides = array<i32>} : memref<36x64xi32, #tpu.memory_space<vmem>>, vector<16xi32>,
    %swap3A_261 = arith.constant 16 : i32
    %swap3A_262 = arith.index_cast %swap3A_261 : i32 to index
    %swap3A_263 = arith.constant 0 : index
    %swap3A_264 = tpu.vector_load %arg9[%swap3A_262, %swap3A_263] {strides = array<i32>} : memref<36x64xi32, #tpu.memory_space<vmem>>, vector<16xi32>,
    tpu.vector_store %arg9[%swap3A_262, %swap3A_263], %broadcast_in_dim3A_5 {strides = array<i32>} : memref<36x64xi32, #tpu.memory_space<vmem>>, vector<16xi32>,
    %swap3A_265 = arith.constant 16 : i32
    %swap3A_266 = arith.index_cast %swap3A_265 : i32 to index
    %swap3A_267 = arith.constant 16 : index
    %swap3A_268 = tpu.vector_load %arg9[%swap3A_266, %swap3A_267] {strides = array<i32>} : memref<36x64xi32, #tpu.memory_space<vmem>>, vector<16xi32>,
    tpu.vector_store %arg9[%swap3A_266, %swap3A_267], %broadcast_in_dim3A_5 {strides = array<i32>} : memref<36x64xi32, #tpu.memory_space<vmem>>, vector<16xi32>,
    %swap3A_269 = arith.constant 16 : i32
    %swap3A_270 = arith.index_cast %swap3A_269 : i32 to index
    %swap3A_271 = arith.constant 32 : index
    %swap3A_272 = tpu.vector_load %arg9[%swap3A_270, %swap3A_271] {strides = array<i32>} : memref<36x64xi32, #tpu.memory_space<vmem>>, vector<16xi32>,
    tpu.vector_store %arg9[%swap3A_270, %swap3A_271], %broadcast_in_dim3A_5 {strides = array<i32>} : memref<36x64xi32, #tpu.memory_space<vmem>>, vector<16xi32>,
    %swap3A_273 = arith.constant 16 : i32
    %swap3A_274 = arith.index_cast %swap3A_273 : i32 to index
    %swap3A_275 = arith.constant 48 : index
    %swap3A_276 = tpu.vector_load %arg9[%swap3A_274, %swap3A_275] {strides = array<i32>} : memref<36x64xi32, #tpu.memory_space<vmem>>, vector<16xi32>,
    tpu.vector_store %arg9[%swap3A_274, %swap3A_275], %broadcast_in_dim3A_5 {strides = array<i32>} : memref<36x64xi32, #tpu.memory_space<vmem>>, vector<16xi32>,
    %swap3A_277 = arith.constant 17 : i32
    %swap3A_278 = arith.index_cast %swap3A_277 : i32 to index
    %swap3A_279 = arith.constant 0 : index
    %swap3A_280 = tpu.vector_load %arg9[%swap3A_278, %swap3A_279] {strides = array<i32>} : memref<36x64xi32, #tpu.memory_space<vmem>>, vector<16xi32>,
    tpu.vector_store %arg9[%swap3A_278, %swap3A_279], %broadcast_in_dim3A_5 {strides = array<i32>} : memref<36x64xi32, #tpu.memory_space<vmem>>, vector<16xi32>,
    %swap3A_281 = arith.constant 17 : i32
    %swap3A_282 = arith.index_cast %swap3A_281 : i32 to index
    %swap3A_283 = arith.constant 16 : index
    %swap3A_284 = tpu.vector_load %arg9[%swap3A_282, %swap3A_283] {strides = array<i32>} : memref<36x64xi32, #tpu.memory_space<vmem>>, vector<16xi32>,
    tpu.vector_store %arg9[%swap3A_282, %swap3A_283], %broadcast_in_dim3A_5 {strides = array<i32>} : memref<36x64xi32, #tpu.memory_space<vmem>>, vector<16xi32>,
    %swap3A_285 = arith.constant 17 : i32
    %swap3A_286 = arith.index_cast %swap3A_285 : i32 to index
    %swap3A_287 = arith.constant 32 : index
    %swap3A_288 = tpu.vector_load %arg9[%swap3A_286, %swap3A_287] {strides = array<i32>} : memref<36x64xi32, #tpu.memory_space<vmem>>, vector<16xi32>,
    tpu.vector_store %arg9[%swap3A_286, %swap3A_287], %broadcast_in_dim3A_5 {strides = array<i32>} : memref<36x64xi32, #tpu.memory_space<vmem>>, vector<16xi32>,
    %swap3A_289 = arith.constant 17 : i32
    %swap3A_290 = arith.index_cast %swap3A_289 : i32 to index
    %swap3A_291 = arith.constant 48 : index
    %swap3A_292 = tpu.vector_load %arg9[%swap3A_290, %swap3A_291] {strides = array<i32>} : memref<36x64xi32, #tpu.memory_space<vmem>>, vector<16xi32>,
    tpu.vector_store %arg9[%swap3A_290, %swap3A_291], %broadcast_in_dim3A_5 {strides = array<i32>} : memref<36x64xi32, #tpu.memory_space<vmem>>, vector<16xi32>,
    %swap3A_293 = arith.constant 18 : i32
    %swap3A_294 = arith.index_cast %swap3A_293 : i32 to index
    %swap3A_295 = arith.constant 0 : index
    %swap3A_296 = tpu.vector_load %arg9[%swap3A_294, %swap3A_295] {strides = array<i32>} : memref<36x64xi32, #tpu.memory_space<vmem>>, vector<16xi32>,
    tpu.vector_store %arg9[%swap3A_294, %swap3A_295], %broadcast_in_dim3A_5 {strides = array<i32>} : memref<36x64xi32, #tpu.memory_space<vmem>>, vector<16xi32>,
    %swap3A_297 = arith.constant 18 : i32
    %swap3A_298 = arith.index_cast %swap3A_297 : i32 to index
    %swap3A_299 = arith.constant 16 : index
    %swap3A_300 = tpu.vector_load %arg9[%swap3A_298, %swap3A_299] {strides = array<i32>} : memref<36x64xi32, #tpu.memory_space<vmem>>, vector<16xi32>,
    tpu.vector_store %arg9[%swap3A_298, %swap3A_299], %broadcast_in_dim3A_5 {strides = array<i32>} : memref<36x64xi32, #tpu.memory_space<vmem>>, vector<16xi32>,
    %swap3A_301 = arith.constant 18 : i32
    %swap3A_302 = arith.index_cast %swap3A_301 : i32 to index
    %swap3A_303 = arith.constant 32 : index
    %swap3A_304 = tpu.vector_load %arg9[%swap3A_302, %swap3A_303] {strides = array<i32>} : memref<36x64xi32, #tpu.memory_space<vmem>>, vector<16xi32>,
    tpu.vector_store %arg9[%swap3A_302, %swap3A_303], %broadcast_in_dim3A_5 {strides = array<i32>} : memref<36x64xi32, #tpu.memory_space<vmem>>, vector<16xi32>,
    %swap3A_305 = arith.constant 18 : i32
    %swap3A_306 = arith.index_cast %swap3A_305 : i32 to index
    %swap3A_307 = arith.constant 48 : index
    %swap3A_308 = tpu.vector_load %arg9[%swap3A_306, %swap3A_307] {strides = array<i32>} : memref<36x64xi32, #tpu.memory_space<vmem>>, vector<16xi32>,
    tpu.vector_store %arg9[%swap3A_306, %swap3A_307], %broadcast_in_dim3A_5 {strides = array<i32>} : memref<36x64xi32, #tpu.memory_space<vmem>>, vector<16xi32>,
    %swap3A_309 = arith.constant 19 : i32
    %swap3A_310 = arith.index_cast %swap3A_309 : i32 to index
    %swap3A_311 = arith.constant 0 : index
    %swap3A_312 = tpu.vector_load %arg9[%swap3A_310, %swap3A_311] {strides = array<i32>} : memref<36x64xi32, #tpu.memory_space<vmem>>, vector<16xi32>,
    tpu.vector_store %arg9[%swap3A_310, %swap3A_311], %broadcast_in_dim3A_5 {strides = array<i32>} : memref<36x64xi32, #tpu.memory_space<vmem>>, vector<16xi32>,
    %swap3A_313 = arith.constant 19 : i32
    %swap3A_314 = arith.index_cast %swap3A_313 : i32 to index
    %swap3A_315 = arith.constant 16 : index
    %swap3A_316 = tpu.vector_load %arg9[%swap3A_314, %swap3A_315] {strides = array<i32>} : memref<36x64xi32, #tpu.memory_space<vmem>>, vector<16xi32>,
    tpu.vector_store %arg9[%swap3A_314, %swap3A_315], %broadcast_in_dim3A_5 {strides = array<i32>} : memref<36x64xi32, #tpu.memory_space<vmem>>, vector<16xi32>,
    %swap3A_317 = arith.constant 19 : i32
    %swap3A_318 = arith.index_cast %swap3A_317 : i32 to index
    %swap3A_319 = arith.constant 32 : index
    %swap3A_320 = tpu.vector_load %arg9[%swap3A_318, %swap3A_319] {strides = array<i32>} : memref<36x64xi32, #tpu.memory_space<vmem>>, vector<16xi32>,
    tpu.vector_store %arg9[%swap3A_318, %swap3A_319], %broadcast_in_dim3A_5 {strides = array<i32>} : memref<36x64xi32, #tpu.memory_space<vmem>>, vector<16xi32>,
    %swap3A_321 = arith.constant 19 : i32
    %swap3A_322 = arith.index_cast %swap3A_321 : i32 to index
    %swap3A_323 = arith.constant 48 : index
    %swap3A_324 = tpu.vector_load %arg9[%swap3A_322, %swap3A_323] {strides = array<i32>} : memref<36x64xi32, #tpu.memory_space<vmem>>, vector<16xi32>,
    tpu.vector_store %arg9[%swap3A_322, %swap3A_323], %broadcast_in_dim3A_5 {strides = array<i32>} : memref<36x64xi32, #tpu.memory_space<vmem>>, vector<16xi32>,
    %swap3A_325 = arith.constant 20 : i32
    %swap3A_326 = arith.index_cast %swap3A_325 : i32 to index
    %swap3A_327 = arith.constant 0 : index
    %swap3A_328 = tpu.vector_load %arg9[%swap3A_326, %swap3A_327] {strides = array<i32>} : memref<36x64xi32, #tpu.memory_space<vmem>>, vector<16xi32>,
    tpu.vector_store %arg9[%swap3A_326, %swap3A_327], %broadcast_in_dim3A_5 {strides = array<i32>} : memref<36x64xi32, #tpu.memory_space<vmem>>, vector<16xi32>,
    %swap3A_329 = arith.constant 20 : i32
    %swap3A_330 = arith.index_cast %swap3A_329 : i32 to index
    %swap3A_331 = arith.constant 16 : index
    %swap3A_332 = tpu.vector_load %arg9[%swap3A_330, %swap3A_331] {strides = array<i32>} : memref<36x64xi32, #tpu.memory_space<vmem>>, vector<16xi32>,
    tpu.vector_store %arg9[%swap3A_330, %swap3A_331], %broadcast_in_dim3A_5 {strides = array<i32>} : memref<36x64xi32, #tpu.memory_space<vmem>>, vector<16xi32>,
    %swap3A_333 = arith.constant 20 : i32
    %swap3A_334 = arith.index_cast %swap3A_333 : i32 to index
    %swap3A_335 = arith.constant 32 : index
    %swap3A_336 = tpu.vector_load %arg9[%swap3A_334, %swap3A_335] {strides = array<i32>} : memref<36x64xi32, #tpu.memory_space<vmem>>, vector<16xi32>,
    tpu.vector_store %arg9[%swap3A_334, %swap3A_335], %broadcast_in_dim3A_5 {strides = array<i32>} : memref<36x64xi32, #tpu.memory_space<vmem>>, vector<16xi32>,
    %swap3A_337 = arith.constant 20 : i32
    %swap3A_338 = arith.index_cast %swap3A_337 : i32 to index
    %swap3A_339 = arith.constant 48 : index
    %swap3A_340 = tpu.vector_load %arg9[%swap3A_338, %swap3A_339] {strides = array<i32>} : memref<36x64xi32, #tpu.memory_space<vmem>>, vector<16xi32>,
    tpu.vector_store %arg9[%swap3A_338, %swap3A_339], %broadcast_in_dim3A_5 {strides = array<i32>} : memref<36x64xi32, #tpu.memory_space<vmem>>, vector<16xi32>,
    %swap3A_341 = arith.constant 21 : i32
    %swap3A_342 = arith.index_cast %swap3A_341 : i32 to index
    %swap3A_343 = arith.constant 0 : index
    %swap3A_344 = tpu.vector_load %arg9[%swap3A_342, %swap3A_343] {strides = array<i32>} : memref<36x64xi32, #tpu.memory_space<vmem>>, vector<16xi32>,
    tpu.vector_store %arg9[%swap3A_342, %swap3A_343], %broadcast_in_dim3A_5 {strides = array<i32>} : memref<36x64xi32, #tpu.memory_space<vmem>>, vector<16xi32>,
    %swap3A_345 = arith.constant 21 : i32
    %swap3A_346 = arith.index_cast %swap3A_345 : i32 to index
    %swap3A_347 = arith.constant 16 : index
    %swap3A_348 = tpu.vector_load %arg9[%swap3A_346, %swap3A_347] {strides = array<i32>} : memref<36x64xi32, #tpu.memory_space<vmem>>, vector<16xi32>,
    tpu.vector_store %arg9[%swap3A_346, %swap3A_347], %broadcast_in_dim3A_5 {strides = array<i32>} : memref<36x64xi32, #tpu.memory_space<vmem>>, vector<16xi32>,
    %swap3A_349 = arith.constant 21 : i32
    %swap3A_350 = arith.index_cast %swap3A_349 : i32 to index
    %swap3A_351 = arith.constant 32 : index
    %swap3A_352 = tpu.vector_load %arg9[%swap3A_350, %swap3A_351] {strides = array<i32>} : memref<36x64xi32, #tpu.memory_space<vmem>>, vector<16xi32>,
    tpu.vector_store %arg9[%swap3A_350, %swap3A_351], %broadcast_in_dim3A_5 {strides = array<i32>} : memref<36x64xi32, #tpu.memory_space<vmem>>, vector<16xi32>,
    %swap3A_353 = arith.constant 21 : i32
    %swap3A_354 = arith.index_cast %swap3A_353 : i32 to index
    %swap3A_355 = arith.constant 48 : index
    %swap3A_356 = tpu.vector_load %arg9[%swap3A_354, %swap3A_355] {strides = array<i32>} : memref<36x64xi32, #tpu.memory_space<vmem>>, vector<16xi32>,
    tpu.vector_store %arg9[%swap3A_354, %swap3A_355], %broadcast_in_dim3A_5 {strides = array<i32>} : memref<36x64xi32, #tpu.memory_space<vmem>>, vector<16xi32>,
    %swap3A_357 = arith.constant 22 : i32
    %swap3A_358 = arith.index_cast %swap3A_357 : i32 to index
    %swap3A_359 = arith.constant 0 : index
    %swap3A_360 = tpu.vector_load %arg9[%swap3A_358, %swap3A_359] {strides = array<i32>} : memref<36x64xi32, #tpu.memory_space<vmem>>, vector<16xi32>,
    tpu.vector_store %arg9[%swap3A_358, %swap3A_359], %broadcast_in_dim3A_5 {strides = array<i32>} : memref<36x64xi32, #tpu.memory_space<vmem>>, vector<16xi32>,
    %swap3A_361 = arith.constant 22 : i32
    %swap3A_362 = arith.index_cast %swap3A_361 : i32 to index
    %swap3A_363 = arith.constant 16 : index
    %swap3A_364 = tpu.vector_load %arg9[%swap3A_362, %swap3A_363] {strides = array<i32>} : memref<36x64xi32, #tpu.memory_space<vmem>>, vector<16xi32>,
    tpu.vector_store %arg9[%swap3A_362, %swap3A_363], %broadcast_in_dim3A_5 {strides = array<i32>} : memref<36x64xi32, #tpu.memory_space<vmem>>, vector<16xi32>,
    %swap3A_365 = arith.constant 22 : i32
    %swap3A_366 = arith.index_cast %swap3A_365 : i32 to index
    %swap3A_367 = arith.constant 32 : index
    %swap3A_368 = tpu.vector_load %arg9[%swap3A_366, %swap3A_367] {strides = array<i32>} : memref<36x64xi32, #tpu.memory_space<vmem>>, vector<16xi32>,
    tpu.vector_store %arg9[%swap3A_366, %swap3A_367], %broadcast_in_dim3A_5 {strides = array<i32>} : memref<36x64xi32, #tpu.memory_space<vmem>>, vector<16xi32>,
    %swap3A_369 = arith.constant 22 : i32
    %swap3A_370 = arith.index_cast %swap3A_369 : i32 to index
    %swap3A_371 = arith.constant 48 : index
    %swap3A_372 = tpu.vector_load %arg9[%swap3A_370, %swap3A_371] {strides = array<i32>} : memref<36x64xi32, #tpu.memory_space<vmem>>, vector<16xi32>,
    tpu.vector_store %arg9[%swap3A_370, %swap3A_371], %broadcast_in_dim3A_5 {strides = array<i32>} : memref<36x64xi32, #tpu.memory_space<vmem>>, vector<16xi32>,
    %swap3A_373 = arith.constant 23 : i32
    %swap3A_374 = arith.index_cast %swap3A_373 : i32 to index
    %swap3A_375 = arith.constant 0 : index
    %swap3A_376 = tpu.vector_load %arg9[%swap3A_374, %swap3A_375] {strides = array<i32>} : memref<36x64xi32, #tpu.memory_space<vmem>>, vector<16xi32>,
    tpu.vector_store %arg9[%swap3A_374, %swap3A_375], %broadcast_in_dim3A_5 {strides = array<i32>} : memref<36x64xi32, #tpu.memory_space<vmem>>, vector<16xi32>,
    %swap3A_377 = arith.constant 23 : i32
    %swap3A_378 = arith.index_cast %swap3A_377 : i32 to index
    %swap3A_379 = arith.constant 16 : index
    %swap3A_380 = tpu.vector_load %arg9[%swap3A_378, %swap3A_379] {strides = array<i32>} : memref<36x64xi32, #tpu.memory_space<vmem>>, vector<16xi32>,
    tpu.vector_store %arg9[%swap3A_378, %swap3A_379], %broadcast_in_dim3A_5 {strides = array<i32>} : memref<36x64xi32, #tpu.memory_space<vmem>>, vector<16xi32>,
    %swap3A_381 = arith.constant 23 : i32
    %swap3A_382 = arith.index_cast %swap3A_381 : i32 to index
    %swap3A_383 = arith.constant 32 : index
    %swap3A_384 = tpu.vector_load %arg9[%swap3A_382, %swap3A_383] {strides = array<i32>} : memref<36x64xi32, #tpu.memory_space<vmem>>, vector<16xi32>,
    tpu.vector_store %arg9[%swap3A_382, %swap3A_383], %broadcast_in_dim3A_5 {strides = array<i32>} : memref<36x64xi32, #tpu.memory_space<vmem>>, vector<16xi32>,
    %swap3A_385 = arith.constant 23 : i32
    %swap3A_386 = arith.index_cast %swap3A_385 : i32 to index
    %swap3A_387 = arith.constant 48 : index
    %swap3A_388 = tpu.vector_load %arg9[%swap3A_386, %swap3A_387] {strides = array<i32>} : memref<36x64xi32, #tpu.memory_space<vmem>>, vector<16xi32>,
    tpu.vector_store %arg9[%swap3A_386, %swap3A_387], %broadcast_in_dim3A_5 {strides = array<i32>} : memref<36x64xi32, #tpu.memory_space<vmem>>, vector<16xi32>,
    %swap3A_389 = arith.constant 24 : i32
    %swap3A_390 = arith.index_cast %swap3A_389 : i32 to index
    %swap3A_391 = arith.constant 0 : index
    %swap3A_392 = tpu.vector_load %arg9[%swap3A_390, %swap3A_391] {strides = array<i32>} : memref<36x64xi32, #tpu.memory_space<vmem>>, vector<16xi32>,
    tpu.vector_store %arg9[%swap3A_390, %swap3A_391], %broadcast_in_dim3A_5 {strides = array<i32>} : memref<36x64xi32, #tpu.memory_space<vmem>>, vector<16xi32>,
    %swap3A_393 = arith.constant 24 : i32
    %swap3A_394 = arith.index_cast %swap3A_393 : i32 to index
    %swap3A_395 = arith.constant 16 : index
    %swap3A_396 = tpu.vector_load %arg9[%swap3A_394, %swap3A_395] {strides = array<i32>} : memref<36x64xi32, #tpu.memory_space<vmem>>, vector<16xi32>,
    tpu.vector_store %arg9[%swap3A_394, %swap3A_395], %broadcast_in_dim3A_5 {strides = array<i32>} : memref<36x64xi32, #tpu.memory_space<vmem>>, vector<16xi32>,
    %swap3A_397 = arith.constant 24 : i32
    %swap3A_398 = arith.index_cast %swap3A_397 : i32 to index
    %swap3A_399 = arith.constant 32 : index
    %swap3A_400 = tpu.vector_load %arg9[%swap3A_398, %swap3A_399] {strides = array<i32>} : memref<36x64xi32, #tpu.memory_space<vmem>>, vector<16xi32>,
    tpu.vector_store %arg9[%swap3A_398, %swap3A_399], %broadcast_in_dim3A_5 {strides = array<i32>} : memref<36x64xi32, #tpu.memory_space<vmem>>, vector<16xi32>,
    %swap3A_401 = arith.constant 24 : i32
    %swap3A_402 = arith.index_cast %swap3A_401 : i32 to index
    %swap3A_403 = arith.constant 48 : index
    %swap3A_404 = tpu.vector_load %arg9[%swap3A_402, %swap3A_403] {strides = array<i32>} : memref<36x64xi32, #tpu.memory_space<vmem>>, vector<16xi32>,
    tpu.vector_store %arg9[%swap3A_402, %swap3A_403], %broadcast_in_dim3A_5 {strides = array<i32>} : memref<36x64xi32, #tpu.memory_space<vmem>>, vector<16xi32>,
    %swap3A_405 = arith.constant 25 : i32
    %swap3A_406 = arith.index_cast %swap3A_405 : i32 to index
    %swap3A_407 = arith.constant 0 : index
    %swap3A_408 = tpu.vector_load %arg9[%swap3A_406, %swap3A_407] {strides = array<i32>} : memref<36x64xi32, #tpu.memory_space<vmem>>, vector<16xi32>,
    tpu.vector_store %arg9[%swap3A_406, %swap3A_407], %broadcast_in_dim3A_5 {strides = array<i32>} : memref<36x64xi32, #tpu.memory_space<vmem>>, vector<16xi32>,
    %swap3A_409 = arith.constant 25 : i32
    %swap3A_410 = arith.index_cast %swap3A_409 : i32 to index
    %swap3A_411 = arith.constant 16 : index
    %swap3A_412 = tpu.vector_load %arg9[%swap3A_410, %swap3A_411] {strides = array<i32>} : memref<36x64xi32, #tpu.memory_space<vmem>>, vector<16xi32>,
    tpu.vector_store %arg9[%swap3A_410, %swap3A_411], %broadcast_in_dim3A_5 {strides = array<i32>} : memref<36x64xi32, #tpu.memory_space<vmem>>, vector<16xi32>,
    %swap3A_413 = arith.constant 25 : i32
    %swap3A_414 = arith.index_cast %swap3A_413 : i32 to index
    %swap3A_415 = arith.constant 32 : index
    %swap3A_416 = tpu.vector_load %arg9[%swap3A_414, %swap3A_415] {strides = array<i32>} : memref<36x64xi32, #tpu.memory_space<vmem>>, vector<16xi32>,
    tpu.vector_store %arg9[%swap3A_414, %swap3A_415], %broadcast_in_dim3A_5 {strides = array<i32>} : memref<36x64xi32, #tpu.memory_space<vmem>>, vector<16xi32>,
    %swap3A_417 = arith.constant 25 : i32
    %swap3A_418 = arith.index_cast %swap3A_417 : i32 to index
    %swap3A_419 = arith.constant 48 : index
    %swap3A_420 = tpu.vector_load %arg9[%swap3A_418, %swap3A_419] {strides = array<i32>} : memref<36x64xi32, #tpu.memory_space<vmem>>, vector<16xi32>,
    tpu.vector_store %arg9[%swap3A_418, %swap3A_419], %broadcast_in_dim3A_5 {strides = array<i32>} : memref<36x64xi32, #tpu.memory_space<vmem>>, vector<16xi32>,
    %swap3A_421 = arith.constant 26 : i32
    %swap3A_422 = arith.index_cast %swap3A_421 : i32 to index
    %swap3A_423 = arith.constant 0 : index
    %swap3A_424 = tpu.vector_load %arg9[%swap3A_422, %swap3A_423] {strides = array<i32>} : memref<36x64xi32, #tpu.memory_space<vmem>>, vector<16xi32>,
    tpu.vector_store %arg9[%swap3A_422, %swap3A_423], %broadcast_in_dim3A_5 {strides = array<i32>} : memref<36x64xi32, #tpu.memory_space<vmem>>, vector<16xi32>,
    %swap3A_425 = arith.constant 26 : i32
    %swap3A_426 = arith.index_cast %swap3A_425 : i32 to index
    %swap3A_427 = arith.constant 16 : index
    %swap3A_428 = tpu.vector_load %arg9[%swap3A_426, %swap3A_427] {strides = array<i32>} : memref<36x64xi32, #tpu.memory_space<vmem>>, vector<16xi32>,
    tpu.vector_store %arg9[%swap3A_426, %swap3A_427], %broadcast_in_dim3A_5 {strides = array<i32>} : memref<36x64xi32, #tpu.memory_space<vmem>>, vector<16xi32>,
    %swap3A_429 = arith.constant 26 : i32
    %swap3A_430 = arith.index_cast %swap3A_429 : i32 to index
    %swap3A_431 = arith.constant 32 : index
    %swap3A_432 = tpu.vector_load %arg9[%swap3A_430, %swap3A_431] {strides = array<i32>} : memref<36x64xi32, #tpu.memory_space<vmem>>, vector<16xi32>,
    tpu.vector_store %arg9[%swap3A_430, %swap3A_431], %broadcast_in_dim3A_5 {strides = array<i32>} : memref<36x64xi32, #tpu.memory_space<vmem>>, vector<16xi32>,
    %swap3A_433 = arith.constant 26 : i32
    %swap3A_434 = arith.index_cast %swap3A_433 : i32 to index
    %swap3A_435 = arith.constant 48 : index
    %swap3A_436 = tpu.vector_load %arg9[%swap3A_434, %swap3A_435] {strides = array<i32>} : memref<36x64xi32, #tpu.memory_space<vmem>>, vector<16xi32>,
    tpu.vector_store %arg9[%swap3A_434, %swap3A_435], %broadcast_in_dim3A_5 {strides = array<i32>} : memref<36x64xi32, #tpu.memory_space<vmem>>, vector<16xi32>,
    %swap3A_437 = arith.constant 27 : i32
    %swap3A_438 = arith.index_cast %swap3A_437 : i32 to index
    %swap3A_439 = arith.constant 0 : index
    %swap3A_440 = tpu.vector_load %arg9[%swap3A_438, %swap3A_439] {strides = array<i32>} : memref<36x64xi32, #tpu.memory_space<vmem>>, vector<16xi32>,
    tpu.vector_store %arg9[%swap3A_438, %swap3A_439], %broadcast_in_dim3A_5 {strides = array<i32>} : memref<36x64xi32, #tpu.memory_space<vmem>>, vector<16xi32>,
    %swap3A_441 = arith.constant 27 : i32
    %swap3A_442 = arith.index_cast %swap3A_441 : i32 to index
    %swap3A_443 = arith.constant 16 : index
    %swap3A_444 = tpu.vector_load %arg9[%swap3A_442, %swap3A_443] {strides = array<i32>} : memref<36x64xi32, #tpu.memory_space<vmem>>, vector<16xi32>,
    tpu.vector_store %arg9[%swap3A_442, %swap3A_443], %broadcast_in_dim3A_5 {strides = array<i32>} : memref<36x64xi32, #tpu.memory_space<vmem>>, vector<16xi32>,
    %swap3A_445 = arith.constant 27 : i32
    %swap3A_446 = arith.index_cast %swap3A_445 : i32 to index
    %swap3A_447 = arith.constant 32 : index
    %swap3A_448 = tpu.vector_load %arg9[%swap3A_446, %swap3A_447] {strides = array<i32>} : memref<36x64xi32, #tpu.memory_space<vmem>>, vector<16xi32>,
    tpu.vector_store %arg9[%swap3A_446, %swap3A_447], %broadcast_in_dim3A_5 {strides = array<i32>} : memref<36x64xi32, #tpu.memory_space<vmem>>, vector<16xi32>,
    %swap3A_449 = arith.constant 27 : i32
    %swap3A_450 = arith.index_cast %swap3A_449 : i32 to index
    %swap3A_451 = arith.constant 48 : index
    %swap3A_452 = tpu.vector_load %arg9[%swap3A_450, %swap3A_451] {strides = array<i32>} : memref<36x64xi32, #tpu.memory_space<vmem>>, vector<16xi32>,
    tpu.vector_store %arg9[%swap3A_450, %swap3A_451], %broadcast_in_dim3A_5 {strides = array<i32>} : memref<36x64xi32, #tpu.memory_space<vmem>>, vector<16xi32>,
    %swap3A_453 = arith.constant 28 : i32
    %swap3A_454 = arith.index_cast %swap3A_453 : i32 to index
    %swap3A_455 = arith.constant 0 : index
    %swap3A_456 = tpu.vector_load %arg9[%swap3A_454, %swap3A_455] {strides = array<i32>} : memref<36x64xi32, #tpu.memory_space<vmem>>, vector<16xi32>,
    tpu.vector_store %arg9[%swap3A_454, %swap3A_455], %broadcast_in_dim3A_5 {strides = array<i32>} : memref<36x64xi32, #tpu.memory_space<vmem>>, vector<16xi32>,
    %swap3A_457 = arith.constant 28 : i32
    %swap3A_458 = arith.index_cast %swap3A_457 : i32 to index
    %swap3A_459 = arith.constant 16 : index
    %swap3A_460 = tpu.vector_load %arg9[%swap3A_458, %swap3A_459] {strides = array<i32>} : memref<36x64xi32, #tpu.memory_space<vmem>>, vector<16xi32>,
    tpu.vector_store %arg9[%swap3A_458, %swap3A_459], %broadcast_in_dim3A_5 {strides = array<i32>} : memref<36x64xi32, #tpu.memory_space<vmem>>, vector<16xi32>,
    %swap3A_461 = arith.constant 28 : i32
    %swap3A_462 = arith.index_cast %swap3A_461 : i32 to index
    %swap3A_463 = arith.constant 32 : index
    %swap3A_464 = tpu.vector_load %arg9[%swap3A_462, %swap3A_463] {strides = array<i32>} : memref<36x64xi32, #tpu.memory_space<vmem>>, vector<16xi32>,
    tpu.vector_store %arg9[%swap3A_462, %swap3A_463], %broadcast_in_dim3A_5 {strides = array<i32>} : memref<36x64xi32, #tpu.memory_space<vmem>>, vector<16xi32>,
    %swap3A_465 = arith.constant 28 : i32
    %swap3A_466 = arith.index_cast %swap3A_465 : i32 to index
    %swap3A_467 = arith.constant 48 : index
    %swap3A_468 = tpu.vector_load %arg9[%swap3A_466, %swap3A_467] {strides = array<i32>} : memref<36x64xi32, #tpu.memory_space<vmem>>, vector<16xi32>,
    tpu.vector_store %arg9[%swap3A_466, %swap3A_467], %broadcast_in_dim3A_5 {strides = array<i32>} : memref<36x64xi32, #tpu.memory_space<vmem>>, vector<16xi32>,
    %swap3A_469 = arith.constant 29 : i32
    %swap3A_470 = arith.index_cast %swap3A_469 : i32 to index
    %swap3A_471 = arith.constant 0 : index
    %swap3A_472 = tpu.vector_load %arg9[%swap3A_470, %swap3A_471] {strides = array<i32>} : memref<36x64xi32, #tpu.memory_space<vmem>>, vector<16xi32>,
    tpu.vector_store %arg9[%swap3A_470, %swap3A_471], %broadcast_in_dim3A_5 {strides = array<i32>} : memref<36x64xi32, #tpu.memory_space<vmem>>, vector<16xi32>,
    %swap3A_473 = arith.constant 29 : i32
    %swap3A_474 = arith.index_cast %swap3A_473 : i32 to index
    %swap3A_475 = arith.constant 16 : index
    %swap3A_476 = tpu.vector_load %arg9[%swap3A_474, %swap3A_475] {strides = array<i32>} : memref<36x64xi32, #tpu.memory_space<vmem>>, vector<16xi32>,
    tpu.vector_store %arg9[%swap3A_474, %swap3A_475], %broadcast_in_dim3A_5 {strides = array<i32>} : memref<36x64xi32, #tpu.memory_space<vmem>>, vector<16xi32>,
    %swap3A_477 = arith.constant 29 : i32
    %swap3A_478 = arith.index_cast %swap3A_477 : i32 to index
    %swap3A_479 = arith.constant 32 : index
    %swap3A_480 = tpu.vector_load %arg9[%swap3A_478, %swap3A_479] {strides = array<i32>} : memref<36x64xi32, #tpu.memory_space<vmem>>, vector<16xi32>,
    tpu.vector_store %arg9[%swap3A_478, %swap3A_479], %broadcast_in_dim3A_5 {strides = array<i32>} : memref<36x64xi32, #tpu.memory_space<vmem>>, vector<16xi32>,
    %swap3A_481 = arith.constant 29 : i32
    %swap3A_482 = arith.index_cast %swap3A_481 : i32 to index
    %swap3A_483 = arith.constant 48 : index
    %swap3A_484 = tpu.vector_load %arg9[%swap3A_482, %swap3A_483] {strides = array<i32>} : memref<36x64xi32, #tpu.memory_space<vmem>>, vector<16xi32>,
    tpu.vector_store %arg9[%swap3A_482, %swap3A_483], %broadcast_in_dim3A_5 {strides = array<i32>} : memref<36x64xi32, #tpu.memory_space<vmem>>, vector<16xi32>,
    %swap3A_485 = arith.constant 30 : i32
    %swap3A_486 = arith.index_cast %swap3A_485 : i32 to index
    %swap3A_487 = arith.constant 0 : index
    %swap3A_488 = tpu.vector_load %arg9[%swap3A_486, %swap3A_487] {strides = array<i32>} : memref<36x64xi32, #tpu.memory_space<vmem>>, vector<16xi32>,
    tpu.vector_store %arg9[%swap3A_486, %swap3A_487], %broadcast_in_dim3A_5 {strides = array<i32>} : memref<36x64xi32, #tpu.memory_space<vmem>>, vector<16xi32>,
    %swap3A_489 = arith.constant 30 : i32
    %swap3A_490 = arith.index_cast %swap3A_489 : i32 to index
    %swap3A_491 = arith.constant 16 : index
    %swap3A_492 = tpu.vector_load %arg9[%swap3A_490, %swap3A_491] {strides = array<i32>} : memref<36x64xi32, #tpu.memory_space<vmem>>, vector<16xi32>,
    tpu.vector_store %arg9[%swap3A_490, %swap3A_491], %broadcast_in_dim3A_5 {strides = array<i32>} : memref<36x64xi32, #tpu.memory_space<vmem>>, vector<16xi32>,
    %swap3A_493 = arith.constant 30 : i32
    %swap3A_494 = arith.index_cast %swap3A_493 : i32 to index
    %swap3A_495 = arith.constant 32 : index
    %swap3A_496 = tpu.vector_load %arg9[%swap3A_494, %swap3A_495] {strides = array<i32>} : memref<36x64xi32, #tpu.memory_space<vmem>>, vector<16xi32>,
    tpu.vector_store %arg9[%swap3A_494, %swap3A_495], %broadcast_in_dim3A_5 {strides = array<i32>} : memref<36x64xi32, #tpu.memory_space<vmem>>, vector<16xi32>,
    %swap3A_497 = arith.constant 30 : i32
    %swap3A_498 = arith.index_cast %swap3A_497 : i32 to index
    %swap3A_499 = arith.constant 48 : index
    %swap3A_500 = tpu.vector_load %arg9[%swap3A_498, %swap3A_499] {strides = array<i32>} : memref<36x64xi32, #tpu.memory_space<vmem>>, vector<16xi32>,
    tpu.vector_store %arg9[%swap3A_498, %swap3A_499], %broadcast_in_dim3A_5 {strides = array<i32>} : memref<36x64xi32, #tpu.memory_space<vmem>>, vector<16xi32>,
    %swap3A_501 = arith.constant 31 : i32
    %swap3A_502 = arith.index_cast %swap3A_501 : i32 to index
    %swap3A_503 = arith.constant 0 : index
    %swap3A_504 = tpu.vector_load %arg9[%swap3A_502, %swap3A_503] {strides = array<i32>} : memref<36x64xi32, #tpu.memory_space<vmem>>, vector<16xi32>,
    tpu.vector_store %arg9[%swap3A_502, %swap3A_503], %broadcast_in_dim3A_5 {strides = array<i32>} : memref<36x64xi32, #tpu.memory_space<vmem>>, vector<16xi32>,
    %swap3A_505 = arith.constant 31 : i32
    %swap3A_506 = arith.index_cast %swap3A_505 : i32 to index
    %swap3A_507 = arith.constant 16 : index
    %swap3A_508 = tpu.vector_load %arg9[%swap3A_506, %swap3A_507] {strides = array<i32>} : memref<36x64xi32, #tpu.memory_space<vmem>>, vector<16xi32>,
    tpu.vector_store %arg9[%swap3A_506, %swap3A_507], %broadcast_in_dim3A_5 {strides = array<i32>} : memref<36x64xi32, #tpu.memory_space<vmem>>, vector<16xi32>,
    %swap3A_509 = arith.constant 31 : i32
    %swap3A_510 = arith.index_cast %swap3A_509 : i32 to index
    %swap3A_511 = arith.constant 32 : index
    %swap3A_512 = tpu.vector_load %arg9[%swap3A_510, %swap3A_511] {strides = array<i32>} : memref<36x64xi32, #tpu.memory_space<vmem>>, vector<16xi32>,
    tpu.vector_store %arg9[%swap3A_510, %swap3A_511], %broadcast_in_dim3A_5 {strides = array<i32>} : memref<36x64xi32, #tpu.memory_space<vmem>>, vector<16xi32>,
    %swap3A_513 = arith.constant 31 : i32
    %swap3A_514 = arith.index_cast %swap3A_513 : i32 to index
    %swap3A_515 = arith.constant 48 : index
    %swap3A_516 = tpu.vector_load %arg9[%swap3A_514, %swap3A_515] {strides = array<i32>} : memref<36x64xi32, #tpu.memory_space<vmem>>, vector<16xi32>,
    tpu.vector_store %arg9[%swap3A_514, %swap3A_515], %broadcast_in_dim3A_5 {strides = array<i32>} : memref<36x64xi32, #tpu.memory_space<vmem>>, vector<16xi32>,
    %swap3A_517 = arith.constant 32 : i32
    %swap3A_518 = arith.index_cast %swap3A_517 : i32 to index
    %swap3A_519 = arith.constant 0 : index
    %swap3A_520 = tpu.vector_load %arg9[%swap3A_518, %swap3A_519] {strides = array<i32>} : memref<36x64xi32, #tpu.memory_space<vmem>>, vector<16xi32>,
    tpu.vector_store %arg9[%swap3A_518, %swap3A_519], %broadcast_in_dim3A_5 {strides = array<i32>} : memref<36x64xi32, #tpu.memory_space<vmem>>, vector<16xi32>,
    %swap3A_521 = arith.constant 32 : i32
    %swap3A_522 = arith.index_cast %swap3A_521 : i32 to index
    %swap3A_523 = arith.constant 16 : index
    %swap3A_524 = tpu.vector_load %arg9[%swap3A_522, %swap3A_523] {strides = array<i32>} : memref<36x64xi32, #tpu.memory_space<vmem>>, vector<16xi32>,
    tpu.vector_store %arg9[%swap3A_522, %swap3A_523], %broadcast_in_dim3A_5 {strides = array<i32>} : memref<36x64xi32, #tpu.memory_space<vmem>>, vector<16xi32>,
    %swap3A_525 = arith.constant 32 : i32
    %swap3A_526 = arith.index_cast %swap3A_525 : i32 to index
    %swap3A_527 = arith.constant 32 : index
    %swap3A_528 = tpu.vector_load %arg9[%swap3A_526, %swap3A_527] {strides = array<i32>} : memref<36x64xi32, #tpu.memory_space<vmem>>, vector<16xi32>,
    tpu.vector_store %arg9[%swap3A_526, %swap3A_527], %broadcast_in_dim3A_5 {strides = array<i32>} : memref<36x64xi32, #tpu.memory_space<vmem>>, vector<16xi32>,
    %swap3A_529 = arith.constant 32 : i32
    %swap3A_530 = arith.index_cast %swap3A_529 : i32 to index
    %swap3A_531 = arith.constant 48 : index
    %swap3A_532 = tpu.vector_load %arg9[%swap3A_530, %swap3A_531] {strides = array<i32>} : memref<36x64xi32, #tpu.memory_space<vmem>>, vector<16xi32>,
    tpu.vector_store %arg9[%swap3A_530, %swap3A_531], %broadcast_in_dim3A_5 {strides = array<i32>} : memref<36x64xi32, #tpu.memory_space<vmem>>, vector<16xi32>,
    %swap3A_533 = arith.constant 33 : i32
    %swap3A_534 = arith.index_cast %swap3A_533 : i32 to index
    %swap3A_535 = arith.constant 0 : index
    %swap3A_536 = tpu.vector_load %arg9[%swap3A_534, %swap3A_535] {strides = array<i32>} : memref<36x64xi32, #tpu.memory_space<vmem>>, vector<16xi32>,
    tpu.vector_store %arg9[%swap3A_534, %swap3A_535], %broadcast_in_dim3A_5 {strides = array<i32>} : memref<36x64xi32, #tpu.memory_space<vmem>>, vector<16xi32>,
    %swap3A_537 = arith.constant 33 : i32
    %swap3A_538 = arith.index_cast %swap3A_537 : i32 to index
    %swap3A_539 = arith.constant 16 : index
    %swap3A_540 = tpu.vector_load %arg9[%swap3A_538, %swap3A_539] {strides = array<i32>} : memref<36x64xi32, #tpu.memory_space<vmem>>, vector<16xi32>,
    tpu.vector_store %arg9[%swap3A_538, %swap3A_539], %broadcast_in_dim3A_5 {strides = array<i32>} : memref<36x64xi32, #tpu.memory_space<vmem>>, vector<16xi32>,
    %swap3A_541 = arith.constant 33 : i32
    %swap3A_542 = arith.index_cast %swap3A_541 : i32 to index
    %swap3A_543 = arith.constant 32 : index
    %swap3A_544 = tpu.vector_load %arg9[%swap3A_542, %swap3A_543] {strides = array<i32>} : memref<36x64xi32, #tpu.memory_space<vmem>>, vector<16xi32>,
    tpu.vector_store %arg9[%swap3A_542, %swap3A_543], %broadcast_in_dim3A_5 {strides = array<i32>} : memref<36x64xi32, #tpu.memory_space<vmem>>, vector<16xi32>,
    %swap3A_545 = arith.constant 33 : i32
    %swap3A_546 = arith.index_cast %swap3A_545 : i32 to index
    %swap3A_547 = arith.constant 48 : index
    %swap3A_548 = tpu.vector_load %arg9[%swap3A_546, %swap3A_547] {strides = array<i32>} : memref<36x64xi32, #tpu.memory_space<vmem>>, vector<16xi32>,
    tpu.vector_store %arg9[%swap3A_546, %swap3A_547], %broadcast_in_dim3A_5 {strides = array<i32>} : memref<36x64xi32, #tpu.memory_space<vmem>>, vector<16xi32>,
    %swap3A_549 = arith.constant 34 : i32
    %swap3A_550 = arith.index_cast %swap3A_549 : i32 to index
    %swap3A_551 = arith.constant 0 : index
    %swap3A_552 = tpu.vector_load %arg9[%swap3A_550, %swap3A_551] {strides = array<i32>} : memref<36x64xi32, #tpu.memory_space<vmem>>, vector<16xi32>,
    tpu.vector_store %arg9[%swap3A_550, %swap3A_551], %broadcast_in_dim3A_5 {strides = array<i32>} : memref<36x64xi32, #tpu.memory_space<vmem>>, vector<16xi32>,
    %swap3A_553 = arith.constant 34 : i32
    %swap3A_554 = arith.index_cast %swap3A_553 : i32 to index
    %swap3A_555 = arith.constant 16 : index
    %swap3A_556 = tpu.vector_load %arg9[%swap3A_554, %swap3A_555] {strides = array<i32>} : memref<36x64xi32, #tpu.memory_space<vmem>>, vector<16xi32>,
    tpu.vector_store %arg9[%swap3A_554, %swap3A_555], %broadcast_in_dim3A_5 {strides = array<i32>} : memref<36x64xi32, #tpu.memory_space<vmem>>, vector<16xi32>,
    %swap3A_557 = arith.constant 34 : i32
    %swap3A_558 = arith.index_cast %swap3A_557 : i32 to index
    %swap3A_559 = arith.constant 32 : index
    %swap3A_560 = tpu.vector_load %arg9[%swap3A_558, %swap3A_559] {strides = array<i32>} : memref<36x64xi32, #tpu.memory_space<vmem>>, vector<16xi32>,
    tpu.vector_store %arg9[%swap3A_558, %swap3A_559], %broadcast_in_dim3A_5 {strides = array<i32>} : memref<36x64xi32, #tpu.memory_space<vmem>>, vector<16xi32>,
    %swap3A_561 = arith.constant 34 : i32
    %swap3A_562 = arith.index_cast %swap3A_561 : i32 to index
    %swap3A_563 = arith.constant 48 : index
    %swap3A_564 = tpu.vector_load %arg9[%swap3A_562, %swap3A_563] {strides = array<i32>} : memref<36x64xi32, #tpu.memory_space<vmem>>, vector<16xi32>,
    tpu.vector_store %arg9[%swap3A_562, %swap3A_563], %broadcast_in_dim3A_5 {strides = array<i32>} : memref<36x64xi32, #tpu.memory_space<vmem>>, vector<16xi32>,
    %swap3A_565 = arith.constant 35 : i32
    %swap3A_566 = arith.index_cast %swap3A_565 : i32 to index
    %swap3A_567 = arith.constant 0 : index
    %swap3A_568 = tpu.vector_load %arg9[%swap3A_566, %swap3A_567] {strides = array<i32>} : memref<36x64xi32, #tpu.memory_space<vmem>>, vector<16xi32>,
    tpu.vector_store %arg9[%swap3A_566, %swap3A_567], %broadcast_in_dim3A_5 {strides = array<i32>} : memref<36x64xi32, #tpu.memory_space<vmem>>, vector<16xi32>,
    %swap3A_569 = arith.constant 35 : i32
    %swap3A_570 = arith.index_cast %swap3A_569 : i32 to index
    %swap3A_571 = arith.constant 16 : index
    %swap3A_572 = tpu.vector_load %arg9[%swap3A_570, %swap3A_571] {strides = array<i32>} : memref<36x64xi32, #tpu.memory_space<vmem>>, vector<16xi32>,
    tpu.vector_store %arg9[%swap3A_570, %swap3A_571], %broadcast_in_dim3A_5 {strides = array<i32>} : memref<36x64xi32, #tpu.memory_space<vmem>>, vector<16xi32>,
    %swap3A_573 = arith.constant 35 : i32
    %swap3A_574 = arith.index_cast %swap3A_573 : i32 to index
    %swap3A_575 = arith.constant 32 : index
    %swap3A_576 = tpu.vector_load %arg9[%swap3A_574, %swap3A_575] {strides = array<i32>} : memref<36x64xi32, #tpu.memory_space<vmem>>, vector<16xi32>,
    tpu.vector_store %arg9[%swap3A_574, %swap3A_575], %broadcast_in_dim3A_5 {strides = array<i32>} : memref<36x64xi32, #tpu.memory_space<vmem>>, vector<16xi32>,
    %swap3A_577 = arith.constant 35 : i32
    %swap3A_578 = arith.index_cast %swap3A_577 : i32 to index
    %swap3A_579 = arith.constant 48 : index
    %swap3A_580 = tpu.vector_load %arg9[%swap3A_578, %swap3A_579] {strides = array<i32>} : memref<36x64xi32, #tpu.memory_space<vmem>>, vector<16xi32>,
    tpu.vector_store %arg9[%swap3A_578, %swap3A_579], %broadcast_in_dim3A_5 {strides = array<i32>} : memref<36x64xi32, #tpu.memory_space<vmem>>, vector<16xi32>,
    %broadcast_in_dim3A_581 = arith.constant 6 : i32
    %broadcast_in_dim3A_582 = vector.broadcast %broadcast_in_dim3A_581 : i32 to vector<16xi32>
    %broadcast_in_dim3A_583 = arith.constant 63 : i32
    %broadcast_in_dim3A_584 = vector.broadcast %broadcast_in_dim3A_583 : i32 to vector<16xi32>
    %broadcast_in_dim3A_585 = arith.constant 0 : i32
    %broadcast_in_dim3A_586 = vector.broadcast %broadcast_in_dim3A_585 : i32 to vector<16xi32>
    %scan3A = arith.constant 0 : i32
    %scan3A_587 = arith.constant 256 : i32
    %scan3A_588 = arith.addi %scan3A, %scan3A_587 : i32
    %scan3A_589 = arith.constant 1 : i32
    %scan3A_590 = scf.for %scan3A_1998 = %scan3A to %scan3A_588 step %scan3A_589 iter_args(%scan3A_1999 = %broadcast_in_dim3A_586) -> (vector<16xi32>)  : i32 {
      %mul3A_2000 = arith.constant 16 : i32
      %mul3A_2001 = arith.muli %scan3A_1998, %mul3A_2000 : i32
      %get3A_2002 = arith.index_cast %mul3A_2001 : i32 to index
      %get3A_2003 = tpu.vector_load %arg8[%get3A_2002] {strides = array<i32>} : memref<4096xi32, #tpu.memory_space<vmem>>, vector<16xi32>,
      %eq3A_2004 = arith.cmpi eq, %get3A_2003, %broadcast_in_dim3A : vector<16xi32>
      %mul3A_2005 = arith.constant 16 : i32
      %mul3A_2006 = arith.muli %scan3A_1998, %mul3A_2005 : i32
      %broadcast_in_dim3A_2007 = vector.broadcast %mul3A_2006 : i32 to vector<16xi32>
      %add3A_2008 = arith.addi %iota3A, %broadcast_in_dim3A_2007 : vector<16xi32>
      %select_n3A_2009 = arith.select %eq3A_2004, %broadcast_in_dim3A_3, %broadcast_in_dim3A_1 : vector<16xi1>, vector<16xi32>
      %cumsum3A_2010 = arith.constant true
      %cumsum3A_2011 = vector.broadcast %cumsum3A_2010 : i1 to vector<16xi1>
      %cumsum3A_2012 = tpu.scan <sum>, %select_n3A_2009 masked %cumsum3A_2011 : vector<16xi32>, vector<16xi1> -> vector<16xi32>
      %add3A_2013 = arith.addi %scan3A_1999, %cumsum3A_2012 : vector<16xi32>
      %sub3A_2014 = arith.subi %add3A_2013, %broadcast_in_dim3A_3 : vector<16xi32>
      %select_n3A_2015 = arith.select %eq3A_2004, %sub3A_2014, %broadcast_in_dim3A_1 : vector<16xi1>, vector<16xi32>
      %shift_right_logical3A_2016 = arith.shrui %select_n3A_2015, %broadcast_in_dim3A_582 : vector<16xi32>
      %and3A_2017 = arith.andi %select_n3A_2015, %broadcast_in_dim3A_584 : vector<16xi32>
      tpu.vector_store_idx %arg9[%shift_right_logical3A_2016, %and3A_2017], %add3A_2008 masked %eq3A_2004 : memref<36x64xi32, #tpu.memory_space<vmem>>[vector<16xi32>, vector<16xi32>], vector<16xi32>, vector<16xi1>
      %all_reduce_population_count3A = tpu.all_reduce %eq3A_2004 {dim = 0 : i64, kind = #tpu.reduction_kind<sum>} : vector<16xi1> -> vector<16xi32>
      %add3A_2018 = arith.addi %scan3A_1999, %all_reduce_population_count3A : vector<16xi32>
      scf.yield %add3A_2018 : vector<16xi32>
    }
    %scan3A_591 = arith.constant 256 : i32
    "tpu.region"() ({
      %run_scoped3A = tpu.sem_alloc : memref<!tpu.dma_semaphore, #tpu.memory_space<semaphore_mem>>
      tpu.enqueue_dma source(%arg4 : memref<8x16xi32, #tpu.memory_space<hbm>>) target(%arg14 : memref<8x16xi32, #tpu.memory_space<vmem>>) target_semaphore(%run_scoped3A : memref<!tpu.dma_semaphore, #tpu.memory_space<semaphore_mem>>)
      tpu.wait_dma2 semaphore(%run_scoped3A : memref<!tpu.dma_semaphore, #tpu.memory_space<semaphore_mem>>) src(%arg4 : memref<8x16xi32, #tpu.memory_space<hbm>>) dst(%arg14 : memref<8x16xi32, #tpu.memory_space<vmem>>)
      tpu.yield
    }) : () -> ()
    %broadcast_in_dim3A_592 = arith.constant 0 : i32
    %broadcast_in_dim3A_593 = vector.broadcast %broadcast_in_dim3A_592 : i32 to vector<16xi32>
    %get3A = arith.constant 0 : i32
    %get3A_594 = arith.index_cast %get3A : i32 to index
    %get3A_595 = arith.constant 0 : index
    %get3A_596 = tpu.vector_load %arg14[%get3A_594, %get3A_595] {strides = array<i32>} : memref<8x16xi32, #tpu.memory_space<vmem>>, vector<16xi32>,
    %add3A = arith.addi %broadcast_in_dim3A_593, %get3A_596 : vector<16xi32>
    %get3A_597 = arith.constant 1 : i32
    %get3A_598 = arith.index_cast %get3A_597 : i32 to index
    %get3A_599 = arith.constant 0 : index
    %get3A_600 = tpu.vector_load %arg14[%get3A_598, %get3A_599] {strides = array<i32>} : memref<8x16xi32, #tpu.memory_space<vmem>>, vector<16xi32>,
    %add3A_601 = arith.addi %add3A, %get3A_600 : vector<16xi32>
    %get3A_602 = arith.constant 2 : i32
    %get3A_603 = arith.index_cast %get3A_602 : i32 to index
    %get3A_604 = arith.constant 0 : index
    %get3A_605 = tpu.vector_load %arg14[%get3A_603, %get3A_604] {strides = array<i32>} : memref<8x16xi32, #tpu.memory_space<vmem>>, vector<16xi32>,
    %add3A_606 = arith.addi %add3A_601, %get3A_605 : vector<16xi32>
    %get3A_607 = arith.constant 3 : i32
    %get3A_608 = arith.index_cast %get3A_607 : i32 to index
    %get3A_609 = arith.constant 0 : index
    %get3A_610 = tpu.vector_load %arg14[%get3A_608, %get3A_609] {strides = array<i32>} : memref<8x16xi32, #tpu.memory_space<vmem>>, vector<16xi32>,
    %add3A_611 = arith.addi %add3A_606, %get3A_610 : vector<16xi32>
    %get3A_612 = arith.constant 4 : i32
    %get3A_613 = arith.index_cast %get3A_612 : i32 to index
    %get3A_614 = arith.constant 0 : index
    %get3A_615 = tpu.vector_load %arg14[%get3A_613, %get3A_614] {strides = array<i32>} : memref<8x16xi32, #tpu.memory_space<vmem>>, vector<16xi32>,
    %add3A_616 = arith.addi %add3A_611, %get3A_615 : vector<16xi32>
    %get3A_617 = arith.constant 5 : i32
    %get3A_618 = arith.index_cast %get3A_617 : i32 to index
    %get3A_619 = arith.constant 0 : index
    %get3A_620 = tpu.vector_load %arg14[%get3A_618, %get3A_619] {strides = array<i32>} : memref<8x16xi32, #tpu.memory_space<vmem>>, vector<16xi32>,
    %add3A_621 = arith.addi %add3A_616, %get3A_620 : vector<16xi32>
    %get3A_622 = arith.constant 6 : i32
    %get3A_623 = arith.index_cast %get3A_622 : i32 to index
    %get3A_624 = arith.constant 0 : index
    %get3A_625 = tpu.vector_load %arg14[%get3A_623, %get3A_624] {strides = array<i32>} : memref<8x16xi32, #tpu.memory_space<vmem>>, vector<16xi32>,
    %add3A_626 = arith.addi %add3A_621, %get3A_625 : vector<16xi32>
    %get3A_627 = arith.constant 7 : i32
    %get3A_628 = arith.index_cast %get3A_627 : i32 to index
    %get3A_629 = arith.constant 0 : index
    %get3A_630 = tpu.vector_load %arg14[%get3A_628, %get3A_629] {strides = array<i32>} : memref<8x16xi32, #tpu.memory_space<vmem>>, vector<16xi32>,
    %add3A_631 = arith.addi %add3A_626, %get3A_630 : vector<16xi32>
    %broadcast_in_dim3A_632 = arith.constant 255 : i32
    %broadcast_in_dim3A_633 = vector.broadcast %broadcast_in_dim3A_632 : i32 to vector<16xi32>
    %add3A_634 = arith.addi %add3A_631, %broadcast_in_dim3A_633 : vector<16xi32>
    %broadcast_in_dim3A_635 = arith.constant 8 : i32
    %broadcast_in_dim3A_636 = vector.broadcast %broadcast_in_dim3A_635 : i32 to vector<16xi32>
    %shift_right_logical3A = arith.shrui %add3A_634, %broadcast_in_dim3A_636 : vector<16xi32>
    %cumsum3A = arith.constant true
    %cumsum3A_637 = vector.broadcast %cumsum3A : i1 to vector<16xi1>
    %cumsum3A_638 = tpu.scan <sum>, %shift_right_logical3A masked %cumsum3A_637 : vector<16xi32>, vector<16xi1> -> vector<16xi32>
    %sub3A = arith.subi %cumsum3A_638, %shift_right_logical3A : vector<16xi32>
    %broadcast_in_dim3A_639 = arith.constant 256 : i32
    %broadcast_in_dim3A_640 = vector.broadcast %broadcast_in_dim3A_639 : i32 to vector<16xi32>
    %mul3A = arith.muli %sub3A, %broadcast_in_dim3A_640 : vector<16xi32>
    %eq3A = arith.cmpi eq, %iota3A, %broadcast_in_dim3A : vector<16xi32>
    %select_n3A = arith.select %eq3A, %shift_right_logical3A, %broadcast_in_dim3A_1 : vector<16xi1>, vector<16xi32>
    %reduce_sum3A = arith.constant true
    %reduce_sum3A_641 = vector.broadcast %reduce_sum3A : i1 to vector<16xi1>
    %reduce_sum3A_642 = tpu.scan <sum>, %select_n3A masked %reduce_sum3A_641 : vector<16xi32>, vector<16xi1> -> vector<16xi32>
    %reduce_sum3A_643 = vector.extract %reduce_sum3A_642[15] : i32 from vector<16xi32>
    %select_n3A_644 = arith.select %eq3A, %mul3A, %broadcast_in_dim3A_1 : vector<16xi1>, vector<16xi32>
    %reduce_sum3A_645 = arith.constant true
    %reduce_sum3A_646 = vector.broadcast %reduce_sum3A_645 : i1 to vector<16xi1>
    %reduce_sum3A_647 = tpu.scan <sum>, %select_n3A_644 masked %reduce_sum3A_646 : vector<16xi32>, vector<16xi1> -> vector<16xi32>
    %reduce_sum3A_648 = vector.extract %reduce_sum3A_647[15] : i32 from vector<16xi32>
    %broadcast_in_dim3A_649 = arith.constant 15 : i32
    %broadcast_in_dim3A_650 = vector.broadcast %broadcast_in_dim3A_649 : i32 to vector<16xi32>
    %eq3A_651 = arith.cmpi eq, %iota3A, %broadcast_in_dim3A_650 : vector<16xi32>
    %select_n3A_652 = arith.select %eq3A_651, %cumsum3A_638, %broadcast_in_dim3A_1 : vector<16xi1>, vector<16xi32>
    %reduce_sum3A_653 = arith.constant true
    %reduce_sum3A_654 = vector.broadcast %reduce_sum3A_653 : i1 to vector<16xi1>
    %reduce_sum3A_655 = tpu.scan <sum>, %select_n3A_652 masked %reduce_sum3A_654 : vector<16xi32>, vector<16xi1> -> vector<16xi32>
    %reduce_sum3A_656 = vector.extract %reduce_sum3A_655[15] : i32 from vector<16xi32>
    %get3A_657 = arith.constant 0 : i32
    %get3A_658 = arith.index_cast %get3A_657 : i32 to index
    %get3A_659 = arith.constant 0 : index
    %get3A_660 = tpu.vector_load %arg9[%get3A_658, %get3A_659] {strides = array<i32>} : memref<36x64xi32, #tpu.memory_space<vmem>>, vector<16xi32>,
    %eq3A_661 = arith.cmpi eq, %get3A_660, %broadcast_in_dim3A_5 : vector<16xi32>
    %shift_right_logical3A_662 = arith.shrui %get3A_660, %broadcast_in_dim3A_3 : vector<16xi32>
    %select_n3A_663 = arith.select %eq3A_661, %broadcast_in_dim3A_1, %shift_right_logical3A_662 : vector<16xi1>, vector<16xi32>
    %swap3A_664 = arith.constant 0 : index
    %swap3A_665 = tpu.vector_load %arg10[%swap3A_664] {strides = array<i32>} : memref<2304xi32, #tpu.memory_space<vmem>>, vector<16xi32>,
    tpu.vector_store %arg10[%swap3A_664], %select_n3A_663 {strides = array<i32>} : memref<2304xi32, #tpu.memory_space<vmem>>, vector<16xi32>,
    %get3A_666 = arith.constant 0 : i32
    %get3A_667 = arith.index_cast %get3A_666 : i32 to index
    %get3A_668 = arith.constant 16 : index
    %get3A_669 = tpu.vector_load %arg9[%get3A_667, %get3A_668] {strides = array<i32>} : memref<36x64xi32, #tpu.memory_space<vmem>>, vector<16xi32>,
    %eq3A_670 = arith.cmpi eq, %get3A_669, %broadcast_in_dim3A_5 : vector<16xi32>
    %shift_right_logical3A_671 = arith.shrui %get3A_669, %broadcast_in_dim3A_3 : vector<16xi32>
    %select_n3A_672 = arith.select %eq3A_670, %broadcast_in_dim3A_1, %shift_right_logical3A_671 : vector<16xi1>, vector<16xi32>
    %swap3A_673 = arith.constant 16 : index
    %swap3A_674 = tpu.vector_load %arg10[%swap3A_673] {strides = array<i32>} : memref<2304xi32, #tpu.memory_space<vmem>>, vector<16xi32>,
    tpu.vector_store %arg10[%swap3A_673], %select_n3A_672 {strides = array<i32>} : memref<2304xi32, #tpu.memory_space<vmem>>, vector<16xi32>,
    %get3A_675 = arith.constant 0 : i32
    %get3A_676 = arith.index_cast %get3A_675 : i32 to index
    %get3A_677 = arith.constant 32 : index
    %get3A_678 = tpu.vector_load %arg9[%get3A_676, %get3A_677] {strides = array<i32>} : memref<36x64xi32, #tpu.memory_space<vmem>>, vector<16xi32>,
    %eq3A_679 = arith.cmpi eq, %get3A_678, %broadcast_in_dim3A_5 : vector<16xi32>
    %shift_right_logical3A_680 = arith.shrui %get3A_678, %broadcast_in_dim3A_3 : vector<16xi32>
    %select_n3A_681 = arith.select %eq3A_679, %broadcast_in_dim3A_1, %shift_right_logical3A_680 : vector<16xi1>, vector<16xi32>
    %swap3A_682 = arith.constant 32 : index
    %swap3A_683 = tpu.vector_load %arg10[%swap3A_682] {strides = array<i32>} : memref<2304xi32, #tpu.memory_space<vmem>>, vector<16xi32>,
    tpu.vector_store %arg10[%swap3A_682], %select_n3A_681 {strides = array<i32>} : memref<2304xi32, #tpu.memory_space<vmem>>, vector<16xi32>,
    %get3A_684 = arith.constant 0 : i32
    %get3A_685 = arith.index_cast %get3A_684 : i32 to index
    %get3A_686 = arith.constant 48 : index
    %get3A_687 = tpu.vector_load %arg9[%get3A_685, %get3A_686] {strides = array<i32>} : memref<36x64xi32, #tpu.memory_space<vmem>>, vector<16xi32>,
    %eq3A_688 = arith.cmpi eq, %get3A_687, %broadcast_in_dim3A_5 : vector<16xi32>
    %shift_right_logical3A_689 = arith.shrui %get3A_687, %broadcast_in_dim3A_3 : vector<16xi32>
    %select_n3A_690 = arith.select %eq3A_688, %broadcast_in_dim3A_1, %shift_right_logical3A_689 : vector<16xi1>, vector<16xi32>
    %swap3A_691 = arith.constant 48 : index
    %swap3A_692 = tpu.vector_load %arg10[%swap3A_691] {strides = array<i32>} : memref<2304xi32, #tpu.memory_space<vmem>>, vector<16xi32>,
    tpu.vector_store %arg10[%swap3A_691], %select_n3A_690 {strides = array<i32>} : memref<2304xi32, #tpu.memory_space<vmem>>, vector<16xi32>,
    %get3A_693 = arith.constant 1 : i32
    %get3A_694 = arith.index_cast %get3A_693 : i32 to index
    %get3A_695 = arith.constant 0 : index
    %get3A_696 = tpu.vector_load %arg9[%get3A_694, %get3A_695] {strides = array<i32>} : memref<36x64xi32, #tpu.memory_space<vmem>>, vector<16xi32>,
    %eq3A_697 = arith.cmpi eq, %get3A_696, %broadcast_in_dim3A_5 : vector<16xi32>
    %shift_right_logical3A_698 = arith.shrui %get3A_696, %broadcast_in_dim3A_3 : vector<16xi32>
    %select_n3A_699 = arith.select %eq3A_697, %broadcast_in_dim3A_1, %shift_right_logical3A_698 : vector<16xi1>, vector<16xi32>
    %swap3A_700 = arith.constant 64 : index
    %swap3A_701 = tpu.vector_load %arg10[%swap3A_700] {strides = array<i32>} : memref<2304xi32, #tpu.memory_space<vmem>>, vector<16xi32>,
    tpu.vector_store %arg10[%swap3A_700], %select_n3A_699 {strides = array<i32>} : memref<2304xi32, #tpu.memory_space<vmem>>, vector<16xi32>,
    %get3A_702 = arith.constant 1 : i32
    %get3A_703 = arith.index_cast %get3A_702 : i32 to index
    %get3A_704 = arith.constant 16 : index
    %get3A_705 = tpu.vector_load %arg9[%get3A_703, %get3A_704] {strides = array<i32>} : memref<36x64xi32, #tpu.memory_space<vmem>>, vector<16xi32>,
    %eq3A_706 = arith.cmpi eq, %get3A_705, %broadcast_in_dim3A_5 : vector<16xi32>
    %shift_right_logical3A_707 = arith.shrui %get3A_705, %broadcast_in_dim3A_3 : vector<16xi32>
    %select_n3A_708 = arith.select %eq3A_706, %broadcast_in_dim3A_1, %shift_right_logical3A_707 : vector<16xi1>, vector<16xi32>
    %swap3A_709 = arith.constant 80 : index
    %swap3A_710 = tpu.vector_load %arg10[%swap3A_709] {strides = array<i32>} : memref<2304xi32, #tpu.memory_space<vmem>>, vector<16xi32>,
    tpu.vector_store %arg10[%swap3A_709], %select_n3A_708 {strides = array<i32>} : memref<2304xi32, #tpu.memory_space<vmem>>, vector<16xi32>,
    %get3A_711 = arith.constant 1 : i32
    %get3A_712 = arith.index_cast %get3A_711 : i32 to index
    %get3A_713 = arith.constant 32 : index
    %get3A_714 = tpu.vector_load %arg9[%get3A_712, %get3A_713] {strides = array<i32>} : memref<36x64xi32, #tpu.memory_space<vmem>>, vector<16xi32>,
    %eq3A_715 = arith.cmpi eq, %get3A_714, %broadcast_in_dim3A_5 : vector<16xi32>
    %shift_right_logical3A_716 = arith.shrui %get3A_714, %broadcast_in_dim3A_3 : vector<16xi32>
    %select_n3A_717 = arith.select %eq3A_715, %broadcast_in_dim3A_1, %shift_right_logical3A_716 : vector<16xi1>, vector<16xi32>
    %swap3A_718 = arith.constant 96 : index
    %swap3A_719 = tpu.vector_load %arg10[%swap3A_718] {strides = array<i32>} : memref<2304xi32, #tpu.memory_space<vmem>>, vector<16xi32>,
    tpu.vector_store %arg10[%swap3A_718], %select_n3A_717 {strides = array<i32>} : memref<2304xi32, #tpu.memory_space<vmem>>, vector<16xi32>,
    %get3A_720 = arith.constant 1 : i32
    %get3A_721 = arith.index_cast %get3A_720 : i32 to index
    %get3A_722 = arith.constant 48 : index
    %get3A_723 = tpu.vector_load %arg9[%get3A_721, %get3A_722] {strides = array<i32>} : memref<36x64xi32, #tpu.memory_space<vmem>>, vector<16xi32>,
    %eq3A_724 = arith.cmpi eq, %get3A_723, %broadcast_in_dim3A_5 : vector<16xi32>
    %shift_right_logical3A_725 = arith.shrui %get3A_723, %broadcast_in_dim3A_3 : vector<16xi32>
    %select_n3A_726 = arith.select %eq3A_724, %broadcast_in_dim3A_1, %shift_right_logical3A_725 : vector<16xi1>, vector<16xi32>
    %swap3A_727 = arith.constant 112 : index
    %swap3A_728 = tpu.vector_load %arg10[%swap3A_727] {strides = array<i32>} : memref<2304xi32, #tpu.memory_space<vmem>>, vector<16xi32>,
    tpu.vector_store %arg10[%swap3A_727], %select_n3A_726 {strides = array<i32>} : memref<2304xi32, #tpu.memory_space<vmem>>, vector<16xi32>,
    %get3A_729 = arith.constant 2 : i32
    %get3A_730 = arith.index_cast %get3A_729 : i32 to index
    %get3A_731 = arith.constant 0 : index
    %get3A_732 = tpu.vector_load %arg9[%get3A_730, %get3A_731] {strides = array<i32>} : memref<36x64xi32, #tpu.memory_space<vmem>>, vector<16xi32>,
    %eq3A_733 = arith.cmpi eq, %get3A_732, %broadcast_in_dim3A_5 : vector<16xi32>
    %shift_right_logical3A_734 = arith.shrui %get3A_732, %broadcast_in_dim3A_3 : vector<16xi32>
    %select_n3A_735 = arith.select %eq3A_733, %broadcast_in_dim3A_1, %shift_right_logical3A_734 : vector<16xi1>, vector<16xi32>
    %swap3A_736 = arith.constant 128 : index
    %swap3A_737 = tpu.vector_load %arg10[%swap3A_736] {strides = array<i32>} : memref<2304xi32, #tpu.memory_space<vmem>>, vector<16xi32>,
    tpu.vector_store %arg10[%swap3A_736], %select_n3A_735 {strides = array<i32>} : memref<2304xi32, #tpu.memory_space<vmem>>, vector<16xi32>,
    %get3A_738 = arith.constant 2 : i32
    %get3A_739 = arith.index_cast %get3A_738 : i32 to index
    %get3A_740 = arith.constant 16 : index
    %get3A_741 = tpu.vector_load %arg9[%get3A_739, %get3A_740] {strides = array<i32>} : memref<36x64xi32, #tpu.memory_space<vmem>>, vector<16xi32>,
    %eq3A_742 = arith.cmpi eq, %get3A_741, %broadcast_in_dim3A_5 : vector<16xi32>
    %shift_right_logical3A_743 = arith.shrui %get3A_741, %broadcast_in_dim3A_3 : vector<16xi32>
    %select_n3A_744 = arith.select %eq3A_742, %broadcast_in_dim3A_1, %shift_right_logical3A_743 : vector<16xi1>, vector<16xi32>
    %swap3A_745 = arith.constant 144 : index
    %swap3A_746 = tpu.vector_load %arg10[%swap3A_745] {strides = array<i32>} : memref<2304xi32, #tpu.memory_space<vmem>>, vector<16xi32>,
    tpu.vector_store %arg10[%swap3A_745], %select_n3A_744 {strides = array<i32>} : memref<2304xi32, #tpu.memory_space<vmem>>, vector<16xi32>,
    %get3A_747 = arith.constant 2 : i32
    %get3A_748 = arith.index_cast %get3A_747 : i32 to index
    %get3A_749 = arith.constant 32 : index
    %get3A_750 = tpu.vector_load %arg9[%get3A_748, %get3A_749] {strides = array<i32>} : memref<36x64xi32, #tpu.memory_space<vmem>>, vector<16xi32>,
    %eq3A_751 = arith.cmpi eq, %get3A_750, %broadcast_in_dim3A_5 : vector<16xi32>
    %shift_right_logical3A_752 = arith.shrui %get3A_750, %broadcast_in_dim3A_3 : vector<16xi32>
    %select_n3A_753 = arith.select %eq3A_751, %broadcast_in_dim3A_1, %shift_right_logical3A_752 : vector<16xi1>, vector<16xi32>
    %swap3A_754 = arith.constant 160 : index
    %swap3A_755 = tpu.vector_load %arg10[%swap3A_754] {strides = array<i32>} : memref<2304xi32, #tpu.memory_space<vmem>>, vector<16xi32>,
    tpu.vector_store %arg10[%swap3A_754], %select_n3A_753 {strides = array<i32>} : memref<2304xi32, #tpu.memory_space<vmem>>, vector<16xi32>,
    %get3A_756 = arith.constant 2 : i32
    %get3A_757 = arith.index_cast %get3A_756 : i32 to index
    %get3A_758 = arith.constant 48 : index
    %get3A_759 = tpu.vector_load %arg9[%get3A_757, %get3A_758] {strides = array<i32>} : memref<36x64xi32, #tpu.memory_space<vmem>>, vector<16xi32>,
    %eq3A_760 = arith.cmpi eq, %get3A_759, %broadcast_in_dim3A_5 : vector<16xi32>
    %shift_right_logical3A_761 = arith.shrui %get3A_759, %broadcast_in_dim3A_3 : vector<16xi32>
    %select_n3A_762 = arith.select %eq3A_760, %broadcast_in_dim3A_1, %shift_right_logical3A_761 : vector<16xi1>, vector<16xi32>
    %swap3A_763 = arith.constant 176 : index
    %swap3A_764 = tpu.vector_load %arg10[%swap3A_763] {strides = array<i32>} : memref<2304xi32, #tpu.memory_space<vmem>>, vector<16xi32>,
    tpu.vector_store %arg10[%swap3A_763], %select_n3A_762 {strides = array<i32>} : memref<2304xi32, #tpu.memory_space<vmem>>, vector<16xi32>,
    %get3A_765 = arith.constant 3 : i32
    %get3A_766 = arith.index_cast %get3A_765 : i32 to index
    %get3A_767 = arith.constant 0 : index
    %get3A_768 = tpu.vector_load %arg9[%get3A_766, %get3A_767] {strides = array<i32>} : memref<36x64xi32, #tpu.memory_space<vmem>>, vector<16xi32>,
    %eq3A_769 = arith.cmpi eq, %get3A_768, %broadcast_in_dim3A_5 : vector<16xi32>
    %shift_right_logical3A_770 = arith.shrui %get3A_768, %broadcast_in_dim3A_3 : vector<16xi32>
    %select_n3A_771 = arith.select %eq3A_769, %broadcast_in_dim3A_1, %shift_right_logical3A_770 : vector<16xi1>, vector<16xi32>
    %swap3A_772 = arith.constant 192 : index
    %swap3A_773 = tpu.vector_load %arg10[%swap3A_772] {strides = array<i32>} : memref<2304xi32, #tpu.memory_space<vmem>>, vector<16xi32>,
    tpu.vector_store %arg10[%swap3A_772], %select_n3A_771 {strides = array<i32>} : memref<2304xi32, #tpu.memory_space<vmem>>, vector<16xi32>,
    %get3A_774 = arith.constant 3 : i32
    %get3A_775 = arith.index_cast %get3A_774 : i32 to index
    %get3A_776 = arith.constant 16 : index
    %get3A_777 = tpu.vector_load %arg9[%get3A_775, %get3A_776] {strides = array<i32>} : memref<36x64xi32, #tpu.memory_space<vmem>>, vector<16xi32>,
    %eq3A_778 = arith.cmpi eq, %get3A_777, %broadcast_in_dim3A_5 : vector<16xi32>
    %shift_right_logical3A_779 = arith.shrui %get3A_777, %broadcast_in_dim3A_3 : vector<16xi32>
    %select_n3A_780 = arith.select %eq3A_778, %broadcast_in_dim3A_1, %shift_right_logical3A_779 : vector<16xi1>, vector<16xi32>
    %swap3A_781 = arith.constant 208 : index
    %swap3A_782 = tpu.vector_load %arg10[%swap3A_781] {strides = array<i32>} : memref<2304xi32, #tpu.memory_space<vmem>>, vector<16xi32>,
    tpu.vector_store %arg10[%swap3A_781], %select_n3A_780 {strides = array<i32>} : memref<2304xi32, #tpu.memory_space<vmem>>, vector<16xi32>,
    %get3A_783 = arith.constant 3 : i32
    %get3A_784 = arith.index_cast %get3A_783 : i32 to index
    %get3A_785 = arith.constant 32 : index
    %get3A_786 = tpu.vector_load %arg9[%get3A_784, %get3A_785] {strides = array<i32>} : memref<36x64xi32, #tpu.memory_space<vmem>>, vector<16xi32>,
    %eq3A_787 = arith.cmpi eq, %get3A_786, %broadcast_in_dim3A_5 : vector<16xi32>
    %shift_right_logical3A_788 = arith.shrui %get3A_786, %broadcast_in_dim3A_3 : vector<16xi32>
    %select_n3A_789 = arith.select %eq3A_787, %broadcast_in_dim3A_1, %shift_right_logical3A_788 : vector<16xi1>, vector<16xi32>
    %swap3A_790 = arith.constant 224 : index
    %swap3A_791 = tpu.vector_load %arg10[%swap3A_790] {strides = array<i32>} : memref<2304xi32, #tpu.memory_space<vmem>>, vector<16xi32>,
    tpu.vector_store %arg10[%swap3A_790], %select_n3A_789 {strides = array<i32>} : memref<2304xi32, #tpu.memory_space<vmem>>, vector<16xi32>,
    %get3A_792 = arith.constant 3 : i32
    %get3A_793 = arith.index_cast %get3A_792 : i32 to index
    %get3A_794 = arith.constant 48 : index
    %get3A_795 = tpu.vector_load %arg9[%get3A_793, %get3A_794] {strides = array<i32>} : memref<36x64xi32, #tpu.memory_space<vmem>>, vector<16xi32>,
    %eq3A_796 = arith.cmpi eq, %get3A_795, %broadcast_in_dim3A_5 : vector<16xi32>
    %shift_right_logical3A_797 = arith.shrui %get3A_795, %broadcast_in_dim3A_3 : vector<16xi32>
    %select_n3A_798 = arith.select %eq3A_796, %broadcast_in_dim3A_1, %shift_right_logical3A_797 : vector<16xi1>, vector<16xi32>
    %swap3A_799 = arith.constant 240 : index
    %swap3A_800 = tpu.vector_load %arg10[%swap3A_799] {strides = array<i32>} : memref<2304xi32, #tpu.memory_space<vmem>>, vector<16xi32>,
    tpu.vector_store %arg10[%swap3A_799], %select_n3A_798 {strides = array<i32>} : memref<2304xi32, #tpu.memory_space<vmem>>, vector<16xi32>,
    %get3A_801 = arith.constant 4 : i32
    %get3A_802 = arith.index_cast %get3A_801 : i32 to index
    %get3A_803 = arith.constant 0 : index
    %get3A_804 = tpu.vector_load %arg9[%get3A_802, %get3A_803] {strides = array<i32>} : memref<36x64xi32, #tpu.memory_space<vmem>>, vector<16xi32>,
    %eq3A_805 = arith.cmpi eq, %get3A_804, %broadcast_in_dim3A_5 : vector<16xi32>
    %shift_right_logical3A_806 = arith.shrui %get3A_804, %broadcast_in_dim3A_3 : vector<16xi32>
    %select_n3A_807 = arith.select %eq3A_805, %broadcast_in_dim3A_1, %shift_right_logical3A_806 : vector<16xi1>, vector<16xi32>
    %swap3A_808 = arith.constant 256 : index
    %swap3A_809 = tpu.vector_load %arg10[%swap3A_808] {strides = array<i32>} : memref<2304xi32, #tpu.memory_space<vmem>>, vector<16xi32>,
    tpu.vector_store %arg10[%swap3A_808], %select_n3A_807 {strides = array<i32>} : memref<2304xi32, #tpu.memory_space<vmem>>, vector<16xi32>,
    %get3A_810 = arith.constant 4 : i32
    %get3A_811 = arith.index_cast %get3A_810 : i32 to index
    %get3A_812 = arith.constant 16 : index
    %get3A_813 = tpu.vector_load %arg9[%get3A_811, %get3A_812] {strides = array<i32>} : memref<36x64xi32, #tpu.memory_space<vmem>>, vector<16xi32>,
    %eq3A_814 = arith.cmpi eq, %get3A_813, %broadcast_in_dim3A_5 : vector<16xi32>
    %shift_right_logical3A_815 = arith.shrui %get3A_813, %broadcast_in_dim3A_3 : vector<16xi32>
    %select_n3A_816 = arith.select %eq3A_814, %broadcast_in_dim3A_1, %shift_right_logical3A_815 : vector<16xi1>, vector<16xi32>
    %swap3A_817 = arith.constant 272 : index
    %swap3A_818 = tpu.vector_load %arg10[%swap3A_817] {strides = array<i32>} : memref<2304xi32, #tpu.memory_space<vmem>>, vector<16xi32>,
    tpu.vector_store %arg10[%swap3A_817], %select_n3A_816 {strides = array<i32>} : memref<2304xi32, #tpu.memory_space<vmem>>, vector<16xi32>,
    %get3A_819 = arith.constant 4 : i32
    %get3A_820 = arith.index_cast %get3A_819 : i32 to index
    %get3A_821 = arith.constant 32 : index
    %get3A_822 = tpu.vector_load %arg9[%get3A_820, %get3A_821] {strides = array<i32>} : memref<36x64xi32, #tpu.memory_space<vmem>>, vector<16xi32>,
    %eq3A_823 = arith.cmpi eq, %get3A_822, %broadcast_in_dim3A_5 : vector<16xi32>
    %shift_right_logical3A_824 = arith.shrui %get3A_822, %broadcast_in_dim3A_3 : vector<16xi32>
    %select_n3A_825 = arith.select %eq3A_823, %broadcast_in_dim3A_1, %shift_right_logical3A_824 : vector<16xi1>, vector<16xi32>
    %swap3A_826 = arith.constant 288 : index
    %swap3A_827 = tpu.vector_load %arg10[%swap3A_826] {strides = array<i32>} : memref<2304xi32, #tpu.memory_space<vmem>>, vector<16xi32>,
    tpu.vector_store %arg10[%swap3A_826], %select_n3A_825 {strides = array<i32>} : memref<2304xi32, #tpu.memory_space<vmem>>, vector<16xi32>,
    %get3A_828 = arith.constant 4 : i32
    %get3A_829 = arith.index_cast %get3A_828 : i32 to index
    %get3A_830 = arith.constant 48 : index
    %get3A_831 = tpu.vector_load %arg9[%get3A_829, %get3A_830] {strides = array<i32>} : memref<36x64xi32, #tpu.memory_space<vmem>>, vector<16xi32>,
    %eq3A_832 = arith.cmpi eq, %get3A_831, %broadcast_in_dim3A_5 : vector<16xi32>
    %shift_right_logical3A_833 = arith.shrui %get3A_831, %broadcast_in_dim3A_3 : vector<16xi32>
    %select_n3A_834 = arith.select %eq3A_832, %broadcast_in_dim3A_1, %shift_right_logical3A_833 : vector<16xi1>, vector<16xi32>
    %swap3A_835 = arith.constant 304 : index
    %swap3A_836 = tpu.vector_load %arg10[%swap3A_835] {strides = array<i32>} : memref<2304xi32, #tpu.memory_space<vmem>>, vector<16xi32>,
    tpu.vector_store %arg10[%swap3A_835], %select_n3A_834 {strides = array<i32>} : memref<2304xi32, #tpu.memory_space<vmem>>, vector<16xi32>,
    %get3A_837 = arith.constant 5 : i32
    %get3A_838 = arith.index_cast %get3A_837 : i32 to index
    %get3A_839 = arith.constant 0 : index
    %get3A_840 = tpu.vector_load %arg9[%get3A_838, %get3A_839] {strides = array<i32>} : memref<36x64xi32, #tpu.memory_space<vmem>>, vector<16xi32>,
    %eq3A_841 = arith.cmpi eq, %get3A_840, %broadcast_in_dim3A_5 : vector<16xi32>
    %shift_right_logical3A_842 = arith.shrui %get3A_840, %broadcast_in_dim3A_3 : vector<16xi32>
    %select_n3A_843 = arith.select %eq3A_841, %broadcast_in_dim3A_1, %shift_right_logical3A_842 : vector<16xi1>, vector<16xi32>
    %swap3A_844 = arith.constant 320 : index
    %swap3A_845 = tpu.vector_load %arg10[%swap3A_844] {strides = array<i32>} : memref<2304xi32, #tpu.memory_space<vmem>>, vector<16xi32>,
    tpu.vector_store %arg10[%swap3A_844], %select_n3A_843 {strides = array<i32>} : memref<2304xi32, #tpu.memory_space<vmem>>, vector<16xi32>,
    %get3A_846 = arith.constant 5 : i32
    %get3A_847 = arith.index_cast %get3A_846 : i32 to index
    %get3A_848 = arith.constant 16 : index
    %get3A_849 = tpu.vector_load %arg9[%get3A_847, %get3A_848] {strides = array<i32>} : memref<36x64xi32, #tpu.memory_space<vmem>>, vector<16xi32>,
    %eq3A_850 = arith.cmpi eq, %get3A_849, %broadcast_in_dim3A_5 : vector<16xi32>
    %shift_right_logical3A_851 = arith.shrui %get3A_849, %broadcast_in_dim3A_3 : vector<16xi32>
    %select_n3A_852 = arith.select %eq3A_850, %broadcast_in_dim3A_1, %shift_right_logical3A_851 : vector<16xi1>, vector<16xi32>
    %swap3A_853 = arith.constant 336 : index
    %swap3A_854 = tpu.vector_load %arg10[%swap3A_853] {strides = array<i32>} : memref<2304xi32, #tpu.memory_space<vmem>>, vector<16xi32>,
    tpu.vector_store %arg10[%swap3A_853], %select_n3A_852 {strides = array<i32>} : memref<2304xi32, #tpu.memory_space<vmem>>, vector<16xi32>,
    %get3A_855 = arith.constant 5 : i32
    %get3A_856 = arith.index_cast %get3A_855 : i32 to index
    %get3A_857 = arith.constant 32 : index
    %get3A_858 = tpu.vector_load %arg9[%get3A_856, %get3A_857] {strides = array<i32>} : memref<36x64xi32, #tpu.memory_space<vmem>>, vector<16xi32>,
    %eq3A_859 = arith.cmpi eq, %get3A_858, %broadcast_in_dim3A_5 : vector<16xi32>
    %shift_right_logical3A_860 = arith.shrui %get3A_858, %broadcast_in_dim3A_3 : vector<16xi32>
    %select_n3A_861 = arith.select %eq3A_859, %broadcast_in_dim3A_1, %shift_right_logical3A_860 : vector<16xi1>, vector<16xi32>
    %swap3A_862 = arith.constant 352 : index
    %swap3A_863 = tpu.vector_load %arg10[%swap3A_862] {strides = array<i32>} : memref<2304xi32, #tpu.memory_space<vmem>>, vector<16xi32>,
    tpu.vector_store %arg10[%swap3A_862], %select_n3A_861 {strides = array<i32>} : memref<2304xi32, #tpu.memory_space<vmem>>, vector<16xi32>,
    %get3A_864 = arith.constant 5 : i32
    %get3A_865 = arith.index_cast %get3A_864 : i32 to index
    %get3A_866 = arith.constant 48 : index
    %get3A_867 = tpu.vector_load %arg9[%get3A_865, %get3A_866] {strides = array<i32>} : memref<36x64xi32, #tpu.memory_space<vmem>>, vector<16xi32>,
    %eq3A_868 = arith.cmpi eq, %get3A_867, %broadcast_in_dim3A_5 : vector<16xi32>
    %shift_right_logical3A_869 = arith.shrui %get3A_867, %broadcast_in_dim3A_3 : vector<16xi32>
    %select_n3A_870 = arith.select %eq3A_868, %broadcast_in_dim3A_1, %shift_right_logical3A_869 : vector<16xi1>, vector<16xi32>
    %swap3A_871 = arith.constant 368 : index
    %swap3A_872 = tpu.vector_load %arg10[%swap3A_871] {strides = array<i32>} : memref<2304xi32, #tpu.memory_space<vmem>>, vector<16xi32>,
    tpu.vector_store %arg10[%swap3A_871], %select_n3A_870 {strides = array<i32>} : memref<2304xi32, #tpu.memory_space<vmem>>, vector<16xi32>,
    %get3A_873 = arith.constant 6 : i32
    %get3A_874 = arith.index_cast %get3A_873 : i32 to index
    %get3A_875 = arith.constant 0 : index
    %get3A_876 = tpu.vector_load %arg9[%get3A_874, %get3A_875] {strides = array<i32>} : memref<36x64xi32, #tpu.memory_space<vmem>>, vector<16xi32>,
    %eq3A_877 = arith.cmpi eq, %get3A_876, %broadcast_in_dim3A_5 : vector<16xi32>
    %shift_right_logical3A_878 = arith.shrui %get3A_876, %broadcast_in_dim3A_3 : vector<16xi32>
    %select_n3A_879 = arith.select %eq3A_877, %broadcast_in_dim3A_1, %shift_right_logical3A_878 : vector<16xi1>, vector<16xi32>
    %swap3A_880 = arith.constant 384 : index
    %swap3A_881 = tpu.vector_load %arg10[%swap3A_880] {strides = array<i32>} : memref<2304xi32, #tpu.memory_space<vmem>>, vector<16xi32>,
    tpu.vector_store %arg10[%swap3A_880], %select_n3A_879 {strides = array<i32>} : memref<2304xi32, #tpu.memory_space<vmem>>, vector<16xi32>,
    %get3A_882 = arith.constant 6 : i32
    %get3A_883 = arith.index_cast %get3A_882 : i32 to index
    %get3A_884 = arith.constant 16 : index
    %get3A_885 = tpu.vector_load %arg9[%get3A_883, %get3A_884] {strides = array<i32>} : memref<36x64xi32, #tpu.memory_space<vmem>>, vector<16xi32>,
    %eq3A_886 = arith.cmpi eq, %get3A_885, %broadcast_in_dim3A_5 : vector<16xi32>
    %shift_right_logical3A_887 = arith.shrui %get3A_885, %broadcast_in_dim3A_3 : vector<16xi32>
    %select_n3A_888 = arith.select %eq3A_886, %broadcast_in_dim3A_1, %shift_right_logical3A_887 : vector<16xi1>, vector<16xi32>
    %swap3A_889 = arith.constant 400 : index
    %swap3A_890 = tpu.vector_load %arg10[%swap3A_889] {strides = array<i32>} : memref<2304xi32, #tpu.memory_space<vmem>>, vector<16xi32>,
    tpu.vector_store %arg10[%swap3A_889], %select_n3A_888 {strides = array<i32>} : memref<2304xi32, #tpu.memory_space<vmem>>, vector<16xi32>,
    %get3A_891 = arith.constant 6 : i32
    %get3A_892 = arith.index_cast %get3A_891 : i32 to index
    %get3A_893 = arith.constant 32 : index
    %get3A_894 = tpu.vector_load %arg9[%get3A_892, %get3A_893] {strides = array<i32>} : memref<36x64xi32, #tpu.memory_space<vmem>>, vector<16xi32>,
    %eq3A_895 = arith.cmpi eq, %get3A_894, %broadcast_in_dim3A_5 : vector<16xi32>
    %shift_right_logical3A_896 = arith.shrui %get3A_894, %broadcast_in_dim3A_3 : vector<16xi32>
    %select_n3A_897 = arith.select %eq3A_895, %broadcast_in_dim3A_1, %shift_right_logical3A_896 : vector<16xi1>, vector<16xi32>
    %swap3A_898 = arith.constant 416 : index
    %swap3A_899 = tpu.vector_load %arg10[%swap3A_898] {strides = array<i32>} : memref<2304xi32, #tpu.memory_space<vmem>>, vector<16xi32>,
    tpu.vector_store %arg10[%swap3A_898], %select_n3A_897 {strides = array<i32>} : memref<2304xi32, #tpu.memory_space<vmem>>, vector<16xi32>,
    %get3A_900 = arith.constant 6 : i32
    %get3A_901 = arith.index_cast %get3A_900 : i32 to index
    %get3A_902 = arith.constant 48 : index
    %get3A_903 = tpu.vector_load %arg9[%get3A_901, %get3A_902] {strides = array<i32>} : memref<36x64xi32, #tpu.memory_space<vmem>>, vector<16xi32>,
    %eq3A_904 = arith.cmpi eq, %get3A_903, %broadcast_in_dim3A_5 : vector<16xi32>
    %shift_right_logical3A_905 = arith.shrui %get3A_903, %broadcast_in_dim3A_3 : vector<16xi32>
    %select_n3A_906 = arith.select %eq3A_904, %broadcast_in_dim3A_1, %shift_right_logical3A_905 : vector<16xi1>, vector<16xi32>
    %swap3A_907 = arith.constant 432 : index
    %swap3A_908 = tpu.vector_load %arg10[%swap3A_907] {strides = array<i32>} : memref<2304xi32, #tpu.memory_space<vmem>>, vector<16xi32>,
    tpu.vector_store %arg10[%swap3A_907], %select_n3A_906 {strides = array<i32>} : memref<2304xi32, #tpu.memory_space<vmem>>, vector<16xi32>,
    %get3A_909 = arith.constant 7 : i32
    %get3A_910 = arith.index_cast %get3A_909 : i32 to index
    %get3A_911 = arith.constant 0 : index
    %get3A_912 = tpu.vector_load %arg9[%get3A_910, %get3A_911] {strides = array<i32>} : memref<36x64xi32, #tpu.memory_space<vmem>>, vector<16xi32>,
    %eq3A_913 = arith.cmpi eq, %get3A_912, %broadcast_in_dim3A_5 : vector<16xi32>
    %shift_right_logical3A_914 = arith.shrui %get3A_912, %broadcast_in_dim3A_3 : vector<16xi32>
    %select_n3A_915 = arith.select %eq3A_913, %broadcast_in_dim3A_1, %shift_right_logical3A_914 : vector<16xi1>, vector<16xi32>
    %swap3A_916 = arith.constant 448 : index
    %swap3A_917 = tpu.vector_load %arg10[%swap3A_916] {strides = array<i32>} : memref<2304xi32, #tpu.memory_space<vmem>>, vector<16xi32>,
    tpu.vector_store %arg10[%swap3A_916], %select_n3A_915 {strides = array<i32>} : memref<2304xi32, #tpu.memory_space<vmem>>, vector<16xi32>,
    %get3A_918 = arith.constant 7 : i32
    %get3A_919 = arith.index_cast %get3A_918 : i32 to index
    %get3A_920 = arith.constant 16 : index
    %get3A_921 = tpu.vector_load %arg9[%get3A_919, %get3A_920] {strides = array<i32>} : memref<36x64xi32, #tpu.memory_space<vmem>>, vector<16xi32>,
    %eq3A_922 = arith.cmpi eq, %get3A_921, %broadcast_in_dim3A_5 : vector<16xi32>
    %shift_right_logical3A_923 = arith.shrui %get3A_921, %broadcast_in_dim3A_3 : vector<16xi32>
    %select_n3A_924 = arith.select %eq3A_922, %broadcast_in_dim3A_1, %shift_right_logical3A_923 : vector<16xi1>, vector<16xi32>
    %swap3A_925 = arith.constant 464 : index
    %swap3A_926 = tpu.vector_load %arg10[%swap3A_925] {strides = array<i32>} : memref<2304xi32, #tpu.memory_space<vmem>>, vector<16xi32>,
    tpu.vector_store %arg10[%swap3A_925], %select_n3A_924 {strides = array<i32>} : memref<2304xi32, #tpu.memory_space<vmem>>, vector<16xi32>,
    %get3A_927 = arith.constant 7 : i32
    %get3A_928 = arith.index_cast %get3A_927 : i32 to index
    %get3A_929 = arith.constant 32 : index
    %get3A_930 = tpu.vector_load %arg9[%get3A_928, %get3A_929] {strides = array<i32>} : memref<36x64xi32, #tpu.memory_space<vmem>>, vector<16xi32>,
    %eq3A_931 = arith.cmpi eq, %get3A_930, %broadcast_in_dim3A_5 : vector<16xi32>
    %shift_right_logical3A_932 = arith.shrui %get3A_930, %broadcast_in_dim3A_3 : vector<16xi32>
    %select_n3A_933 = arith.select %eq3A_931, %broadcast_in_dim3A_1, %shift_right_logical3A_932 : vector<16xi1>, vector<16xi32>
    %swap3A_934 = arith.constant 480 : index
    %swap3A_935 = tpu.vector_load %arg10[%swap3A_934] {strides = array<i32>} : memref<2304xi32, #tpu.memory_space<vmem>>, vector<16xi32>,
    tpu.vector_store %arg10[%swap3A_934], %select_n3A_933 {strides = array<i32>} : memref<2304xi32, #tpu.memory_space<vmem>>, vector<16xi32>,
    %get3A_936 = arith.constant 7 : i32
    %get3A_937 = arith.index_cast %get3A_936 : i32 to index
    %get3A_938 = arith.constant 48 : index
    %get3A_939 = tpu.vector_load %arg9[%get3A_937, %get3A_938] {strides = array<i32>} : memref<36x64xi32, #tpu.memory_space<vmem>>, vector<16xi32>,
    %eq3A_940 = arith.cmpi eq, %get3A_939, %broadcast_in_dim3A_5 : vector<16xi32>
    %shift_right_logical3A_941 = arith.shrui %get3A_939, %broadcast_in_dim3A_3 : vector<16xi32>
    %select_n3A_942 = arith.select %eq3A_940, %broadcast_in_dim3A_1, %shift_right_logical3A_941 : vector<16xi1>, vector<16xi32>
    %swap3A_943 = arith.constant 496 : index
    %swap3A_944 = tpu.vector_load %arg10[%swap3A_943] {strides = array<i32>} : memref<2304xi32, #tpu.memory_space<vmem>>, vector<16xi32>,
    tpu.vector_store %arg10[%swap3A_943], %select_n3A_942 {strides = array<i32>} : memref<2304xi32, #tpu.memory_space<vmem>>, vector<16xi32>,
    %get3A_945 = arith.constant 8 : i32
    %get3A_946 = arith.index_cast %get3A_945 : i32 to index
    %get3A_947 = arith.constant 0 : index
    %get3A_948 = tpu.vector_load %arg9[%get3A_946, %get3A_947] {strides = array<i32>} : memref<36x64xi32, #tpu.memory_space<vmem>>, vector<16xi32>,
    %eq3A_949 = arith.cmpi eq, %get3A_948, %broadcast_in_dim3A_5 : vector<16xi32>
    %shift_right_logical3A_950 = arith.shrui %get3A_948, %broadcast_in_dim3A_3 : vector<16xi32>
    %select_n3A_951 = arith.select %eq3A_949, %broadcast_in_dim3A_1, %shift_right_logical3A_950 : vector<16xi1>, vector<16xi32>
    %swap3A_952 = arith.constant 512 : index
    %swap3A_953 = tpu.vector_load %arg10[%swap3A_952] {strides = array<i32>} : memref<2304xi32, #tpu.memory_space<vmem>>, vector<16xi32>,
    tpu.vector_store %arg10[%swap3A_952], %select_n3A_951 {strides = array<i32>} : memref<2304xi32, #tpu.memory_space<vmem>>, vector<16xi32>,
    %get3A_954 = arith.constant 8 : i32
    %get3A_955 = arith.index_cast %get3A_954 : i32 to index
    %get3A_956 = arith.constant 16 : index
    %get3A_957 = tpu.vector_load %arg9[%get3A_955, %get3A_956] {strides = array<i32>} : memref<36x64xi32, #tpu.memory_space<vmem>>, vector<16xi32>,
    %eq3A_958 = arith.cmpi eq, %get3A_957, %broadcast_in_dim3A_5 : vector<16xi32>
    %shift_right_logical3A_959 = arith.shrui %get3A_957, %broadcast_in_dim3A_3 : vector<16xi32>
    %select_n3A_960 = arith.select %eq3A_958, %broadcast_in_dim3A_1, %shift_right_logical3A_959 : vector<16xi1>, vector<16xi32>
    %swap3A_961 = arith.constant 528 : index
    %swap3A_962 = tpu.vector_load %arg10[%swap3A_961] {strides = array<i32>} : memref<2304xi32, #tpu.memory_space<vmem>>, vector<16xi32>,
    tpu.vector_store %arg10[%swap3A_961], %select_n3A_960 {strides = array<i32>} : memref<2304xi32, #tpu.memory_space<vmem>>, vector<16xi32>,
    %get3A_963 = arith.constant 8 : i32
    %get3A_964 = arith.index_cast %get3A_963 : i32 to index
    %get3A_965 = arith.constant 32 : index
    %get3A_966 = tpu.vector_load %arg9[%get3A_964, %get3A_965] {strides = array<i32>} : memref<36x64xi32, #tpu.memory_space<vmem>>, vector<16xi32>,
    %eq3A_967 = arith.cmpi eq, %get3A_966, %broadcast_in_dim3A_5 : vector<16xi32>
    %shift_right_logical3A_968 = arith.shrui %get3A_966, %broadcast_in_dim3A_3 : vector<16xi32>
    %select_n3A_969 = arith.select %eq3A_967, %broadcast_in_dim3A_1, %shift_right_logical3A_968 : vector<16xi1>, vector<16xi32>
    %swap3A_970 = arith.constant 544 : index
    %swap3A_971 = tpu.vector_load %arg10[%swap3A_970] {strides = array<i32>} : memref<2304xi32, #tpu.memory_space<vmem>>, vector<16xi32>,
    tpu.vector_store %arg10[%swap3A_970], %select_n3A_969 {strides = array<i32>} : memref<2304xi32, #tpu.memory_space<vmem>>, vector<16xi32>,
    %get3A_972 = arith.constant 8 : i32
    %get3A_973 = arith.index_cast %get3A_972 : i32 to index
    %get3A_974 = arith.constant 48 : index
    %get3A_975 = tpu.vector_load %arg9[%get3A_973, %get3A_974] {strides = array<i32>} : memref<36x64xi32, #tpu.memory_space<vmem>>, vector<16xi32>,
    %eq3A_976 = arith.cmpi eq, %get3A_975, %broadcast_in_dim3A_5 : vector<16xi32>
    %shift_right_logical3A_977 = arith.shrui %get3A_975, %broadcast_in_dim3A_3 : vector<16xi32>
    %select_n3A_978 = arith.select %eq3A_976, %broadcast_in_dim3A_1, %shift_right_logical3A_977 : vector<16xi1>, vector<16xi32>
    %swap3A_979 = arith.constant 560 : index
    %swap3A_980 = tpu.vector_load %arg10[%swap3A_979] {strides = array<i32>} : memref<2304xi32, #tpu.memory_space<vmem>>, vector<16xi32>,
    tpu.vector_store %arg10[%swap3A_979], %select_n3A_978 {strides = array<i32>} : memref<2304xi32, #tpu.memory_space<vmem>>, vector<16xi32>,
    %get3A_981 = arith.constant 9 : i32
    %get3A_982 = arith.index_cast %get3A_981 : i32 to index
    %get3A_983 = arith.constant 0 : index
    %get3A_984 = tpu.vector_load %arg9[%get3A_982, %get3A_983] {strides = array<i32>} : memref<36x64xi32, #tpu.memory_space<vmem>>, vector<16xi32>,
    %eq3A_985 = arith.cmpi eq, %get3A_984, %broadcast_in_dim3A_5 : vector<16xi32>
    %shift_right_logical3A_986 = arith.shrui %get3A_984, %broadcast_in_dim3A_3 : vector<16xi32>
    %select_n3A_987 = arith.select %eq3A_985, %broadcast_in_dim3A_1, %shift_right_logical3A_986 : vector<16xi1>, vector<16xi32>
    %swap3A_988 = arith.constant 576 : index
    %swap3A_989 = tpu.vector_load %arg10[%swap3A_988] {strides = array<i32>} : memref<2304xi32, #tpu.memory_space<vmem>>, vector<16xi32>,
    tpu.vector_store %arg10[%swap3A_988], %select_n3A_987 {strides = array<i32>} : memref<2304xi32, #tpu.memory_space<vmem>>, vector<16xi32>,
    %get3A_990 = arith.constant 9 : i32
    %get3A_991 = arith.index_cast %get3A_990 : i32 to index
    %get3A_992 = arith.constant 16 : index
    %get3A_993 = tpu.vector_load %arg9[%get3A_991, %get3A_992] {strides = array<i32>} : memref<36x64xi32, #tpu.memory_space<vmem>>, vector<16xi32>,
    %eq3A_994 = arith.cmpi eq, %get3A_993, %broadcast_in_dim3A_5 : vector<16xi32>
    %shift_right_logical3A_995 = arith.shrui %get3A_993, %broadcast_in_dim3A_3 : vector<16xi32>
    %select_n3A_996 = arith.select %eq3A_994, %broadcast_in_dim3A_1, %shift_right_logical3A_995 : vector<16xi1>, vector<16xi32>
    %swap3A_997 = arith.constant 592 : index
    %swap3A_998 = tpu.vector_load %arg10[%swap3A_997] {strides = array<i32>} : memref<2304xi32, #tpu.memory_space<vmem>>, vector<16xi32>,
    tpu.vector_store %arg10[%swap3A_997], %select_n3A_996 {strides = array<i32>} : memref<2304xi32, #tpu.memory_space<vmem>>, vector<16xi32>,
    %get3A_999 = arith.constant 9 : i32
    %get3A_1000 = arith.index_cast %get3A_999 : i32 to index
    %get3A_1001 = arith.constant 32 : index
    %get3A_1002 = tpu.vector_load %arg9[%get3A_1000, %get3A_1001] {strides = array<i32>} : memref<36x64xi32, #tpu.memory_space<vmem>>, vector<16xi32>,
    %eq3A_1003 = arith.cmpi eq, %get3A_1002, %broadcast_in_dim3A_5 : vector<16xi32>
    %shift_right_logical3A_1004 = arith.shrui %get3A_1002, %broadcast_in_dim3A_3 : vector<16xi32>
    %select_n3A_1005 = arith.select %eq3A_1003, %broadcast_in_dim3A_1, %shift_right_logical3A_1004 : vector<16xi1>, vector<16xi32>
    %swap3A_1006 = arith.constant 608 : index
    %swap3A_1007 = tpu.vector_load %arg10[%swap3A_1006] {strides = array<i32>} : memref<2304xi32, #tpu.memory_space<vmem>>, vector<16xi32>,
    tpu.vector_store %arg10[%swap3A_1006], %select_n3A_1005 {strides = array<i32>} : memref<2304xi32, #tpu.memory_space<vmem>>, vector<16xi32>,
    %get3A_1008 = arith.constant 9 : i32
    %get3A_1009 = arith.index_cast %get3A_1008 : i32 to index
    %get3A_1010 = arith.constant 48 : index
    %get3A_1011 = tpu.vector_load %arg9[%get3A_1009, %get3A_1010] {strides = array<i32>} : memref<36x64xi32, #tpu.memory_space<vmem>>, vector<16xi32>,
    %eq3A_1012 = arith.cmpi eq, %get3A_1011, %broadcast_in_dim3A_5 : vector<16xi32>
    %shift_right_logical3A_1013 = arith.shrui %get3A_1011, %broadcast_in_dim3A_3 : vector<16xi32>
    %select_n3A_1014 = arith.select %eq3A_1012, %broadcast_in_dim3A_1, %shift_right_logical3A_1013 : vector<16xi1>, vector<16xi32>
    %swap3A_1015 = arith.constant 624 : index
    %swap3A_1016 = tpu.vector_load %arg10[%swap3A_1015] {strides = array<i32>} : memref<2304xi32, #tpu.memory_space<vmem>>, vector<16xi32>,
    tpu.vector_store %arg10[%swap3A_1015], %select_n3A_1014 {strides = array<i32>} : memref<2304xi32, #tpu.memory_space<vmem>>, vector<16xi32>,
    %get3A_1017 = arith.constant 10 : i32
    %get3A_1018 = arith.index_cast %get3A_1017 : i32 to index
    %get3A_1019 = arith.constant 0 : index
    %get3A_1020 = tpu.vector_load %arg9[%get3A_1018, %get3A_1019] {strides = array<i32>} : memref<36x64xi32, #tpu.memory_space<vmem>>, vector<16xi32>,
    %eq3A_1021 = arith.cmpi eq, %get3A_1020, %broadcast_in_dim3A_5 : vector<16xi32>
    %shift_right_logical3A_1022 = arith.shrui %get3A_1020, %broadcast_in_dim3A_3 : vector<16xi32>
    %select_n3A_1023 = arith.select %eq3A_1021, %broadcast_in_dim3A_1, %shift_right_logical3A_1022 : vector<16xi1>, vector<16xi32>
    %swap3A_1024 = arith.constant 640 : index
    %swap3A_1025 = tpu.vector_load %arg10[%swap3A_1024] {strides = array<i32>} : memref<2304xi32, #tpu.memory_space<vmem>>, vector<16xi32>,
    tpu.vector_store %arg10[%swap3A_1024], %select_n3A_1023 {strides = array<i32>} : memref<2304xi32, #tpu.memory_space<vmem>>, vector<16xi32>,
    %get3A_1026 = arith.constant 10 : i32
    %get3A_1027 = arith.index_cast %get3A_1026 : i32 to index
    %get3A_1028 = arith.constant 16 : index
    %get3A_1029 = tpu.vector_load %arg9[%get3A_1027, %get3A_1028] {strides = array<i32>} : memref<36x64xi32, #tpu.memory_space<vmem>>, vector<16xi32>,
    %eq3A_1030 = arith.cmpi eq, %get3A_1029, %broadcast_in_dim3A_5 : vector<16xi32>
    %shift_right_logical3A_1031 = arith.shrui %get3A_1029, %broadcast_in_dim3A_3 : vector<16xi32>
    %select_n3A_1032 = arith.select %eq3A_1030, %broadcast_in_dim3A_1, %shift_right_logical3A_1031 : vector<16xi1>, vector<16xi32>
    %swap3A_1033 = arith.constant 656 : index
    %swap3A_1034 = tpu.vector_load %arg10[%swap3A_1033] {strides = array<i32>} : memref<2304xi32, #tpu.memory_space<vmem>>, vector<16xi32>,
    tpu.vector_store %arg10[%swap3A_1033], %select_n3A_1032 {strides = array<i32>} : memref<2304xi32, #tpu.memory_space<vmem>>, vector<16xi32>,
    %get3A_1035 = arith.constant 10 : i32
    %get3A_1036 = arith.index_cast %get3A_1035 : i32 to index
    %get3A_1037 = arith.constant 32 : index
    %get3A_1038 = tpu.vector_load %arg9[%get3A_1036, %get3A_1037] {strides = array<i32>} : memref<36x64xi32, #tpu.memory_space<vmem>>, vector<16xi32>,
    %eq3A_1039 = arith.cmpi eq, %get3A_1038, %broadcast_in_dim3A_5 : vector<16xi32>
    %shift_right_logical3A_1040 = arith.shrui %get3A_1038, %broadcast_in_dim3A_3 : vector<16xi32>
    %select_n3A_1041 = arith.select %eq3A_1039, %broadcast_in_dim3A_1, %shift_right_logical3A_1040 : vector<16xi1>, vector<16xi32>
    %swap3A_1042 = arith.constant 672 : index
    %swap3A_1043 = tpu.vector_load %arg10[%swap3A_1042] {strides = array<i32>} : memref<2304xi32, #tpu.memory_space<vmem>>, vector<16xi32>,
    tpu.vector_store %arg10[%swap3A_1042], %select_n3A_1041 {strides = array<i32>} : memref<2304xi32, #tpu.memory_space<vmem>>, vector<16xi32>,
    %get3A_1044 = arith.constant 10 : i32
    %get3A_1045 = arith.index_cast %get3A_1044 : i32 to index
    %get3A_1046 = arith.constant 48 : index
    %get3A_1047 = tpu.vector_load %arg9[%get3A_1045, %get3A_1046] {strides = array<i32>} : memref<36x64xi32, #tpu.memory_space<vmem>>, vector<16xi32>,
    %eq3A_1048 = arith.cmpi eq, %get3A_1047, %broadcast_in_dim3A_5 : vector<16xi32>
    %shift_right_logical3A_1049 = arith.shrui %get3A_1047, %broadcast_in_dim3A_3 : vector<16xi32>
    %select_n3A_1050 = arith.select %eq3A_1048, %broadcast_in_dim3A_1, %shift_right_logical3A_1049 : vector<16xi1>, vector<16xi32>
    %swap3A_1051 = arith.constant 688 : index
    %swap3A_1052 = tpu.vector_load %arg10[%swap3A_1051] {strides = array<i32>} : memref<2304xi32, #tpu.memory_space<vmem>>, vector<16xi32>,
    tpu.vector_store %arg10[%swap3A_1051], %select_n3A_1050 {strides = array<i32>} : memref<2304xi32, #tpu.memory_space<vmem>>, vector<16xi32>,
    %get3A_1053 = arith.constant 11 : i32
    %get3A_1054 = arith.index_cast %get3A_1053 : i32 to index
    %get3A_1055 = arith.constant 0 : index
    %get3A_1056 = tpu.vector_load %arg9[%get3A_1054, %get3A_1055] {strides = array<i32>} : memref<36x64xi32, #tpu.memory_space<vmem>>, vector<16xi32>,
    %eq3A_1057 = arith.cmpi eq, %get3A_1056, %broadcast_in_dim3A_5 : vector<16xi32>
    %shift_right_logical3A_1058 = arith.shrui %get3A_1056, %broadcast_in_dim3A_3 : vector<16xi32>
    %select_n3A_1059 = arith.select %eq3A_1057, %broadcast_in_dim3A_1, %shift_right_logical3A_1058 : vector<16xi1>, vector<16xi32>
    %swap3A_1060 = arith.constant 704 : index
    %swap3A_1061 = tpu.vector_load %arg10[%swap3A_1060] {strides = array<i32>} : memref<2304xi32, #tpu.memory_space<vmem>>, vector<16xi32>,
    tpu.vector_store %arg10[%swap3A_1060], %select_n3A_1059 {strides = array<i32>} : memref<2304xi32, #tpu.memory_space<vmem>>, vector<16xi32>,
    %get3A_1062 = arith.constant 11 : i32
    %get3A_1063 = arith.index_cast %get3A_1062 : i32 to index
    %get3A_1064 = arith.constant 16 : index
    %get3A_1065 = tpu.vector_load %arg9[%get3A_1063, %get3A_1064] {strides = array<i32>} : memref<36x64xi32, #tpu.memory_space<vmem>>, vector<16xi32>,
    %eq3A_1066 = arith.cmpi eq, %get3A_1065, %broadcast_in_dim3A_5 : vector<16xi32>
    %shift_right_logical3A_1067 = arith.shrui %get3A_1065, %broadcast_in_dim3A_3 : vector<16xi32>
    %select_n3A_1068 = arith.select %eq3A_1066, %broadcast_in_dim3A_1, %shift_right_logical3A_1067 : vector<16xi1>, vector<16xi32>
    %swap3A_1069 = arith.constant 720 : index
    %swap3A_1070 = tpu.vector_load %arg10[%swap3A_1069] {strides = array<i32>} : memref<2304xi32, #tpu.memory_space<vmem>>, vector<16xi32>,
    tpu.vector_store %arg10[%swap3A_1069], %select_n3A_1068 {strides = array<i32>} : memref<2304xi32, #tpu.memory_space<vmem>>, vector<16xi32>,
    %get3A_1071 = arith.constant 11 : i32
    %get3A_1072 = arith.index_cast %get3A_1071 : i32 to index
    %get3A_1073 = arith.constant 32 : index
    %get3A_1074 = tpu.vector_load %arg9[%get3A_1072, %get3A_1073] {strides = array<i32>} : memref<36x64xi32, #tpu.memory_space<vmem>>, vector<16xi32>,
    %eq3A_1075 = arith.cmpi eq, %get3A_1074, %broadcast_in_dim3A_5 : vector<16xi32>
    %shift_right_logical3A_1076 = arith.shrui %get3A_1074, %broadcast_in_dim3A_3 : vector<16xi32>
    %select_n3A_1077 = arith.select %eq3A_1075, %broadcast_in_dim3A_1, %shift_right_logical3A_1076 : vector<16xi1>, vector<16xi32>
    %swap3A_1078 = arith.constant 736 : index
    %swap3A_1079 = tpu.vector_load %arg10[%swap3A_1078] {strides = array<i32>} : memref<2304xi32, #tpu.memory_space<vmem>>, vector<16xi32>,
    tpu.vector_store %arg10[%swap3A_1078], %select_n3A_1077 {strides = array<i32>} : memref<2304xi32, #tpu.memory_space<vmem>>, vector<16xi32>,
    %get3A_1080 = arith.constant 11 : i32
    %get3A_1081 = arith.index_cast %get3A_1080 : i32 to index
    %get3A_1082 = arith.constant 48 : index
    %get3A_1083 = tpu.vector_load %arg9[%get3A_1081, %get3A_1082] {strides = array<i32>} : memref<36x64xi32, #tpu.memory_space<vmem>>, vector<16xi32>,
    %eq3A_1084 = arith.cmpi eq, %get3A_1083, %broadcast_in_dim3A_5 : vector<16xi32>
    %shift_right_logical3A_1085 = arith.shrui %get3A_1083, %broadcast_in_dim3A_3 : vector<16xi32>
    %select_n3A_1086 = arith.select %eq3A_1084, %broadcast_in_dim3A_1, %shift_right_logical3A_1085 : vector<16xi1>, vector<16xi32>
    %swap3A_1087 = arith.constant 752 : index
    %swap3A_1088 = tpu.vector_load %arg10[%swap3A_1087] {strides = array<i32>} : memref<2304xi32, #tpu.memory_space<vmem>>, vector<16xi32>,
    tpu.vector_store %arg10[%swap3A_1087], %select_n3A_1086 {strides = array<i32>} : memref<2304xi32, #tpu.memory_space<vmem>>, vector<16xi32>,
    %get3A_1089 = arith.constant 12 : i32
    %get3A_1090 = arith.index_cast %get3A_1089 : i32 to index
    %get3A_1091 = arith.constant 0 : index
    %get3A_1092 = tpu.vector_load %arg9[%get3A_1090, %get3A_1091] {strides = array<i32>} : memref<36x64xi32, #tpu.memory_space<vmem>>, vector<16xi32>,
    %eq3A_1093 = arith.cmpi eq, %get3A_1092, %broadcast_in_dim3A_5 : vector<16xi32>
    %shift_right_logical3A_1094 = arith.shrui %get3A_1092, %broadcast_in_dim3A_3 : vector<16xi32>
    %select_n3A_1095 = arith.select %eq3A_1093, %broadcast_in_dim3A_1, %shift_right_logical3A_1094 : vector<16xi1>, vector<16xi32>
    %swap3A_1096 = arith.constant 768 : index
    %swap3A_1097 = tpu.vector_load %arg10[%swap3A_1096] {strides = array<i32>} : memref<2304xi32, #tpu.memory_space<vmem>>, vector<16xi32>,
    tpu.vector_store %arg10[%swap3A_1096], %select_n3A_1095 {strides = array<i32>} : memref<2304xi32, #tpu.memory_space<vmem>>, vector<16xi32>,
    %get3A_1098 = arith.constant 12 : i32
    %get3A_1099 = arith.index_cast %get3A_1098 : i32 to index
    %get3A_1100 = arith.constant 16 : index
    %get3A_1101 = tpu.vector_load %arg9[%get3A_1099, %get3A_1100] {strides = array<i32>} : memref<36x64xi32, #tpu.memory_space<vmem>>, vector<16xi32>,
    %eq3A_1102 = arith.cmpi eq, %get3A_1101, %broadcast_in_dim3A_5 : vector<16xi32>
    %shift_right_logical3A_1103 = arith.shrui %get3A_1101, %broadcast_in_dim3A_3 : vector<16xi32>
    %select_n3A_1104 = arith.select %eq3A_1102, %broadcast_in_dim3A_1, %shift_right_logical3A_1103 : vector<16xi1>, vector<16xi32>
    %swap3A_1105 = arith.constant 784 : index
    %swap3A_1106 = tpu.vector_load %arg10[%swap3A_1105] {strides = array<i32>} : memref<2304xi32, #tpu.memory_space<vmem>>, vector<16xi32>,
    tpu.vector_store %arg10[%swap3A_1105], %select_n3A_1104 {strides = array<i32>} : memref<2304xi32, #tpu.memory_space<vmem>>, vector<16xi32>,
    %get3A_1107 = arith.constant 12 : i32
    %get3A_1108 = arith.index_cast %get3A_1107 : i32 to index
    %get3A_1109 = arith.constant 32 : index
    %get3A_1110 = tpu.vector_load %arg9[%get3A_1108, %get3A_1109] {strides = array<i32>} : memref<36x64xi32, #tpu.memory_space<vmem>>, vector<16xi32>,
    %eq3A_1111 = arith.cmpi eq, %get3A_1110, %broadcast_in_dim3A_5 : vector<16xi32>
    %shift_right_logical3A_1112 = arith.shrui %get3A_1110, %broadcast_in_dim3A_3 : vector<16xi32>
    %select_n3A_1113 = arith.select %eq3A_1111, %broadcast_in_dim3A_1, %shift_right_logical3A_1112 : vector<16xi1>, vector<16xi32>
    %swap3A_1114 = arith.constant 800 : index
    %swap3A_1115 = tpu.vector_load %arg10[%swap3A_1114] {strides = array<i32>} : memref<2304xi32, #tpu.memory_space<vmem>>, vector<16xi32>,
    tpu.vector_store %arg10[%swap3A_1114], %select_n3A_1113 {strides = array<i32>} : memref<2304xi32, #tpu.memory_space<vmem>>, vector<16xi32>,
    %get3A_1116 = arith.constant 12 : i32
    %get3A_1117 = arith.index_cast %get3A_1116 : i32 to index
    %get3A_1118 = arith.constant 48 : index
    %get3A_1119 = tpu.vector_load %arg9[%get3A_1117, %get3A_1118] {strides = array<i32>} : memref<36x64xi32, #tpu.memory_space<vmem>>, vector<16xi32>,
    %eq3A_1120 = arith.cmpi eq, %get3A_1119, %broadcast_in_dim3A_5 : vector<16xi32>
    %shift_right_logical3A_1121 = arith.shrui %get3A_1119, %broadcast_in_dim3A_3 : vector<16xi32>
    %select_n3A_1122 = arith.select %eq3A_1120, %broadcast_in_dim3A_1, %shift_right_logical3A_1121 : vector<16xi1>, vector<16xi32>
    %swap3A_1123 = arith.constant 816 : index
    %swap3A_1124 = tpu.vector_load %arg10[%swap3A_1123] {strides = array<i32>} : memref<2304xi32, #tpu.memory_space<vmem>>, vector<16xi32>,
    tpu.vector_store %arg10[%swap3A_1123], %select_n3A_1122 {strides = array<i32>} : memref<2304xi32, #tpu.memory_space<vmem>>, vector<16xi32>,
    %get3A_1125 = arith.constant 13 : i32
    %get3A_1126 = arith.index_cast %get3A_1125 : i32 to index
    %get3A_1127 = arith.constant 0 : index
    %get3A_1128 = tpu.vector_load %arg9[%get3A_1126, %get3A_1127] {strides = array<i32>} : memref<36x64xi32, #tpu.memory_space<vmem>>, vector<16xi32>,
    %eq3A_1129 = arith.cmpi eq, %get3A_1128, %broadcast_in_dim3A_5 : vector<16xi32>
    %shift_right_logical3A_1130 = arith.shrui %get3A_1128, %broadcast_in_dim3A_3 : vector<16xi32>
    %select_n3A_1131 = arith.select %eq3A_1129, %broadcast_in_dim3A_1, %shift_right_logical3A_1130 : vector<16xi1>, vector<16xi32>
    %swap3A_1132 = arith.constant 832 : index
    %swap3A_1133 = tpu.vector_load %arg10[%swap3A_1132] {strides = array<i32>} : memref<2304xi32, #tpu.memory_space<vmem>>, vector<16xi32>,
    tpu.vector_store %arg10[%swap3A_1132], %select_n3A_1131 {strides = array<i32>} : memref<2304xi32, #tpu.memory_space<vmem>>, vector<16xi32>,
    %get3A_1134 = arith.constant 13 : i32
    %get3A_1135 = arith.index_cast %get3A_1134 : i32 to index
    %get3A_1136 = arith.constant 16 : index
    %get3A_1137 = tpu.vector_load %arg9[%get3A_1135, %get3A_1136] {strides = array<i32>} : memref<36x64xi32, #tpu.memory_space<vmem>>, vector<16xi32>,
    %eq3A_1138 = arith.cmpi eq, %get3A_1137, %broadcast_in_dim3A_5 : vector<16xi32>
    %shift_right_logical3A_1139 = arith.shrui %get3A_1137, %broadcast_in_dim3A_3 : vector<16xi32>
    %select_n3A_1140 = arith.select %eq3A_1138, %broadcast_in_dim3A_1, %shift_right_logical3A_1139 : vector<16xi1>, vector<16xi32>
    %swap3A_1141 = arith.constant 848 : index
    %swap3A_1142 = tpu.vector_load %arg10[%swap3A_1141] {strides = array<i32>} : memref<2304xi32, #tpu.memory_space<vmem>>, vector<16xi32>,
    tpu.vector_store %arg10[%swap3A_1141], %select_n3A_1140 {strides = array<i32>} : memref<2304xi32, #tpu.memory_space<vmem>>, vector<16xi32>,
    %get3A_1143 = arith.constant 13 : i32
    %get3A_1144 = arith.index_cast %get3A_1143 : i32 to index
    %get3A_1145 = arith.constant 32 : index
    %get3A_1146 = tpu.vector_load %arg9[%get3A_1144, %get3A_1145] {strides = array<i32>} : memref<36x64xi32, #tpu.memory_space<vmem>>, vector<16xi32>,
    %eq3A_1147 = arith.cmpi eq, %get3A_1146, %broadcast_in_dim3A_5 : vector<16xi32>
    %shift_right_logical3A_1148 = arith.shrui %get3A_1146, %broadcast_in_dim3A_3 : vector<16xi32>
    %select_n3A_1149 = arith.select %eq3A_1147, %broadcast_in_dim3A_1, %shift_right_logical3A_1148 : vector<16xi1>, vector<16xi32>
    %swap3A_1150 = arith.constant 864 : index
    %swap3A_1151 = tpu.vector_load %arg10[%swap3A_1150] {strides = array<i32>} : memref<2304xi32, #tpu.memory_space<vmem>>, vector<16xi32>,
    tpu.vector_store %arg10[%swap3A_1150], %select_n3A_1149 {strides = array<i32>} : memref<2304xi32, #tpu.memory_space<vmem>>, vector<16xi32>,
    %get3A_1152 = arith.constant 13 : i32
    %get3A_1153 = arith.index_cast %get3A_1152 : i32 to index
    %get3A_1154 = arith.constant 48 : index
    %get3A_1155 = tpu.vector_load %arg9[%get3A_1153, %get3A_1154] {strides = array<i32>} : memref<36x64xi32, #tpu.memory_space<vmem>>, vector<16xi32>,
    %eq3A_1156 = arith.cmpi eq, %get3A_1155, %broadcast_in_dim3A_5 : vector<16xi32>
    %shift_right_logical3A_1157 = arith.shrui %get3A_1155, %broadcast_in_dim3A_3 : vector<16xi32>
    %select_n3A_1158 = arith.select %eq3A_1156, %broadcast_in_dim3A_1, %shift_right_logical3A_1157 : vector<16xi1>, vector<16xi32>
    %swap3A_1159 = arith.constant 880 : index
    %swap3A_1160 = tpu.vector_load %arg10[%swap3A_1159] {strides = array<i32>} : memref<2304xi32, #tpu.memory_space<vmem>>, vector<16xi32>,
    tpu.vector_store %arg10[%swap3A_1159], %select_n3A_1158 {strides = array<i32>} : memref<2304xi32, #tpu.memory_space<vmem>>, vector<16xi32>,
    %get3A_1161 = arith.constant 14 : i32
    %get3A_1162 = arith.index_cast %get3A_1161 : i32 to index
    %get3A_1163 = arith.constant 0 : index
    %get3A_1164 = tpu.vector_load %arg9[%get3A_1162, %get3A_1163] {strides = array<i32>} : memref<36x64xi32, #tpu.memory_space<vmem>>, vector<16xi32>,
    %eq3A_1165 = arith.cmpi eq, %get3A_1164, %broadcast_in_dim3A_5 : vector<16xi32>
    %shift_right_logical3A_1166 = arith.shrui %get3A_1164, %broadcast_in_dim3A_3 : vector<16xi32>
    %select_n3A_1167 = arith.select %eq3A_1165, %broadcast_in_dim3A_1, %shift_right_logical3A_1166 : vector<16xi1>, vector<16xi32>
    %swap3A_1168 = arith.constant 896 : index
    %swap3A_1169 = tpu.vector_load %arg10[%swap3A_1168] {strides = array<i32>} : memref<2304xi32, #tpu.memory_space<vmem>>, vector<16xi32>,
    tpu.vector_store %arg10[%swap3A_1168], %select_n3A_1167 {strides = array<i32>} : memref<2304xi32, #tpu.memory_space<vmem>>, vector<16xi32>,
    %get3A_1170 = arith.constant 14 : i32
    %get3A_1171 = arith.index_cast %get3A_1170 : i32 to index
    %get3A_1172 = arith.constant 16 : index
    %get3A_1173 = tpu.vector_load %arg9[%get3A_1171, %get3A_1172] {strides = array<i32>} : memref<36x64xi32, #tpu.memory_space<vmem>>, vector<16xi32>,
    %eq3A_1174 = arith.cmpi eq, %get3A_1173, %broadcast_in_dim3A_5 : vector<16xi32>
    %shift_right_logical3A_1175 = arith.shrui %get3A_1173, %broadcast_in_dim3A_3 : vector<16xi32>
    %select_n3A_1176 = arith.select %eq3A_1174, %broadcast_in_dim3A_1, %shift_right_logical3A_1175 : vector<16xi1>, vector<16xi32>
    %swap3A_1177 = arith.constant 912 : index
    %swap3A_1178 = tpu.vector_load %arg10[%swap3A_1177] {strides = array<i32>} : memref<2304xi32, #tpu.memory_space<vmem>>, vector<16xi32>,
    tpu.vector_store %arg10[%swap3A_1177], %select_n3A_1176 {strides = array<i32>} : memref<2304xi32, #tpu.memory_space<vmem>>, vector<16xi32>,
    %get3A_1179 = arith.constant 14 : i32
    %get3A_1180 = arith.index_cast %get3A_1179 : i32 to index
    %get3A_1181 = arith.constant 32 : index
    %get3A_1182 = tpu.vector_load %arg9[%get3A_1180, %get3A_1181] {strides = array<i32>} : memref<36x64xi32, #tpu.memory_space<vmem>>, vector<16xi32>,
    %eq3A_1183 = arith.cmpi eq, %get3A_1182, %broadcast_in_dim3A_5 : vector<16xi32>
    %shift_right_logical3A_1184 = arith.shrui %get3A_1182, %broadcast_in_dim3A_3 : vector<16xi32>
    %select_n3A_1185 = arith.select %eq3A_1183, %broadcast_in_dim3A_1, %shift_right_logical3A_1184 : vector<16xi1>, vector<16xi32>
    %swap3A_1186 = arith.constant 928 : index
    %swap3A_1187 = tpu.vector_load %arg10[%swap3A_1186] {strides = array<i32>} : memref<2304xi32, #tpu.memory_space<vmem>>, vector<16xi32>,
    tpu.vector_store %arg10[%swap3A_1186], %select_n3A_1185 {strides = array<i32>} : memref<2304xi32, #tpu.memory_space<vmem>>, vector<16xi32>,
    %get3A_1188 = arith.constant 14 : i32
    %get3A_1189 = arith.index_cast %get3A_1188 : i32 to index
    %get3A_1190 = arith.constant 48 : index
    %get3A_1191 = tpu.vector_load %arg9[%get3A_1189, %get3A_1190] {strides = array<i32>} : memref<36x64xi32, #tpu.memory_space<vmem>>, vector<16xi32>,
    %eq3A_1192 = arith.cmpi eq, %get3A_1191, %broadcast_in_dim3A_5 : vector<16xi32>
    %shift_right_logical3A_1193 = arith.shrui %get3A_1191, %broadcast_in_dim3A_3 : vector<16xi32>
    %select_n3A_1194 = arith.select %eq3A_1192, %broadcast_in_dim3A_1, %shift_right_logical3A_1193 : vector<16xi1>, vector<16xi32>
    %swap3A_1195 = arith.constant 944 : index
    %swap3A_1196 = tpu.vector_load %arg10[%swap3A_1195] {strides = array<i32>} : memref<2304xi32, #tpu.memory_space<vmem>>, vector<16xi32>,
    tpu.vector_store %arg10[%swap3A_1195], %select_n3A_1194 {strides = array<i32>} : memref<2304xi32, #tpu.memory_space<vmem>>, vector<16xi32>,
    %get3A_1197 = arith.constant 15 : i32
    %get3A_1198 = arith.index_cast %get3A_1197 : i32 to index
    %get3A_1199 = arith.constant 0 : index
    %get3A_1200 = tpu.vector_load %arg9[%get3A_1198, %get3A_1199] {strides = array<i32>} : memref<36x64xi32, #tpu.memory_space<vmem>>, vector<16xi32>,
    %eq3A_1201 = arith.cmpi eq, %get3A_1200, %broadcast_in_dim3A_5 : vector<16xi32>
    %shift_right_logical3A_1202 = arith.shrui %get3A_1200, %broadcast_in_dim3A_3 : vector<16xi32>
    %select_n3A_1203 = arith.select %eq3A_1201, %broadcast_in_dim3A_1, %shift_right_logical3A_1202 : vector<16xi1>, vector<16xi32>
    %swap3A_1204 = arith.constant 960 : index
    %swap3A_1205 = tpu.vector_load %arg10[%swap3A_1204] {strides = array<i32>} : memref<2304xi32, #tpu.memory_space<vmem>>, vector<16xi32>,
    tpu.vector_store %arg10[%swap3A_1204], %select_n3A_1203 {strides = array<i32>} : memref<2304xi32, #tpu.memory_space<vmem>>, vector<16xi32>,
    %get3A_1206 = arith.constant 15 : i32
    %get3A_1207 = arith.index_cast %get3A_1206 : i32 to index
    %get3A_1208 = arith.constant 16 : index
    %get3A_1209 = tpu.vector_load %arg9[%get3A_1207, %get3A_1208] {strides = array<i32>} : memref<36x64xi32, #tpu.memory_space<vmem>>, vector<16xi32>,
    %eq3A_1210 = arith.cmpi eq, %get3A_1209, %broadcast_in_dim3A_5 : vector<16xi32>
    %shift_right_logical3A_1211 = arith.shrui %get3A_1209, %broadcast_in_dim3A_3 : vector<16xi32>
    %select_n3A_1212 = arith.select %eq3A_1210, %broadcast_in_dim3A_1, %shift_right_logical3A_1211 : vector<16xi1>, vector<16xi32>
    %swap3A_1213 = arith.constant 976 : index
    %swap3A_1214 = tpu.vector_load %arg10[%swap3A_1213] {strides = array<i32>} : memref<2304xi32, #tpu.memory_space<vmem>>, vector<16xi32>,
    tpu.vector_store %arg10[%swap3A_1213], %select_n3A_1212 {strides = array<i32>} : memref<2304xi32, #tpu.memory_space<vmem>>, vector<16xi32>,
    %get3A_1215 = arith.constant 15 : i32
    %get3A_1216 = arith.index_cast %get3A_1215 : i32 to index
    %get3A_1217 = arith.constant 32 : index
    %get3A_1218 = tpu.vector_load %arg9[%get3A_1216, %get3A_1217] {strides = array<i32>} : memref<36x64xi32, #tpu.memory_space<vmem>>, vector<16xi32>,
    %eq3A_1219 = arith.cmpi eq, %get3A_1218, %broadcast_in_dim3A_5 : vector<16xi32>
    %shift_right_logical3A_1220 = arith.shrui %get3A_1218, %broadcast_in_dim3A_3 : vector<16xi32>
    %select_n3A_1221 = arith.select %eq3A_1219, %broadcast_in_dim3A_1, %shift_right_logical3A_1220 : vector<16xi1>, vector<16xi32>
    %swap3A_1222 = arith.constant 992 : index
    %swap3A_1223 = tpu.vector_load %arg10[%swap3A_1222] {strides = array<i32>} : memref<2304xi32, #tpu.memory_space<vmem>>, vector<16xi32>,
    tpu.vector_store %arg10[%swap3A_1222], %select_n3A_1221 {strides = array<i32>} : memref<2304xi32, #tpu.memory_space<vmem>>, vector<16xi32>,
    %get3A_1224 = arith.constant 15 : i32
    %get3A_1225 = arith.index_cast %get3A_1224 : i32 to index
    %get3A_1226 = arith.constant 48 : index
    %get3A_1227 = tpu.vector_load %arg9[%get3A_1225, %get3A_1226] {strides = array<i32>} : memref<36x64xi32, #tpu.memory_space<vmem>>, vector<16xi32>,
    %eq3A_1228 = arith.cmpi eq, %get3A_1227, %broadcast_in_dim3A_5 : vector<16xi32>
    %shift_right_logical3A_1229 = arith.shrui %get3A_1227, %broadcast_in_dim3A_3 : vector<16xi32>
    %select_n3A_1230 = arith.select %eq3A_1228, %broadcast_in_dim3A_1, %shift_right_logical3A_1229 : vector<16xi1>, vector<16xi32>
    %swap3A_1231 = arith.constant 1008 : index
    %swap3A_1232 = tpu.vector_load %arg10[%swap3A_1231] {strides = array<i32>} : memref<2304xi32, #tpu.memory_space<vmem>>, vector<16xi32>,
    tpu.vector_store %arg10[%swap3A_1231], %select_n3A_1230 {strides = array<i32>} : memref<2304xi32, #tpu.memory_space<vmem>>, vector<16xi32>,
    %get3A_1233 = arith.constant 16 : i32
    %get3A_1234 = arith.index_cast %get3A_1233 : i32 to index
    %get3A_1235 = arith.constant 0 : index
    %get3A_1236 = tpu.vector_load %arg9[%get3A_1234, %get3A_1235] {strides = array<i32>} : memref<36x64xi32, #tpu.memory_space<vmem>>, vector<16xi32>,
    %eq3A_1237 = arith.cmpi eq, %get3A_1236, %broadcast_in_dim3A_5 : vector<16xi32>
    %shift_right_logical3A_1238 = arith.shrui %get3A_1236, %broadcast_in_dim3A_3 : vector<16xi32>
    %select_n3A_1239 = arith.select %eq3A_1237, %broadcast_in_dim3A_1, %shift_right_logical3A_1238 : vector<16xi1>, vector<16xi32>
    %swap3A_1240 = arith.constant 1024 : index
    %swap3A_1241 = tpu.vector_load %arg10[%swap3A_1240] {strides = array<i32>} : memref<2304xi32, #tpu.memory_space<vmem>>, vector<16xi32>,
    tpu.vector_store %arg10[%swap3A_1240], %select_n3A_1239 {strides = array<i32>} : memref<2304xi32, #tpu.memory_space<vmem>>, vector<16xi32>,
    %get3A_1242 = arith.constant 16 : i32
    %get3A_1243 = arith.index_cast %get3A_1242 : i32 to index
    %get3A_1244 = arith.constant 16 : index
    %get3A_1245 = tpu.vector_load %arg9[%get3A_1243, %get3A_1244] {strides = array<i32>} : memref<36x64xi32, #tpu.memory_space<vmem>>, vector<16xi32>,
    %eq3A_1246 = arith.cmpi eq, %get3A_1245, %broadcast_in_dim3A_5 : vector<16xi32>
    %shift_right_logical3A_1247 = arith.shrui %get3A_1245, %broadcast_in_dim3A_3 : vector<16xi32>
    %select_n3A_1248 = arith.select %eq3A_1246, %broadcast_in_dim3A_1, %shift_right_logical3A_1247 : vector<16xi1>, vector<16xi32>
    %swap3A_1249 = arith.constant 1040 : index
    %swap3A_1250 = tpu.vector_load %arg10[%swap3A_1249] {strides = array<i32>} : memref<2304xi32, #tpu.memory_space<vmem>>, vector<16xi32>,
    tpu.vector_store %arg10[%swap3A_1249], %select_n3A_1248 {strides = array<i32>} : memref<2304xi32, #tpu.memory_space<vmem>>, vector<16xi32>,
    %get3A_1251 = arith.constant 16 : i32
    %get3A_1252 = arith.index_cast %get3A_1251 : i32 to index
    %get3A_1253 = arith.constant 32 : index
    %get3A_1254 = tpu.vector_load %arg9[%get3A_1252, %get3A_1253] {strides = array<i32>} : memref<36x64xi32, #tpu.memory_space<vmem>>, vector<16xi32>,
    %eq3A_1255 = arith.cmpi eq, %get3A_1254, %broadcast_in_dim3A_5 : vector<16xi32>
    %shift_right_logical3A_1256 = arith.shrui %get3A_1254, %broadcast_in_dim3A_3 : vector<16xi32>
    %select_n3A_1257 = arith.select %eq3A_1255, %broadcast_in_dim3A_1, %shift_right_logical3A_1256 : vector<16xi1>, vector<16xi32>
    %swap3A_1258 = arith.constant 1056 : index
    %swap3A_1259 = tpu.vector_load %arg10[%swap3A_1258] {strides = array<i32>} : memref<2304xi32, #tpu.memory_space<vmem>>, vector<16xi32>,
    tpu.vector_store %arg10[%swap3A_1258], %select_n3A_1257 {strides = array<i32>} : memref<2304xi32, #tpu.memory_space<vmem>>, vector<16xi32>,
    %get3A_1260 = arith.constant 16 : i32
    %get3A_1261 = arith.index_cast %get3A_1260 : i32 to index
    %get3A_1262 = arith.constant 48 : index
    %get3A_1263 = tpu.vector_load %arg9[%get3A_1261, %get3A_1262] {strides = array<i32>} : memref<36x64xi32, #tpu.memory_space<vmem>>, vector<16xi32>,
    %eq3A_1264 = arith.cmpi eq, %get3A_1263, %broadcast_in_dim3A_5 : vector<16xi32>
    %shift_right_logical3A_1265 = arith.shrui %get3A_1263, %broadcast_in_dim3A_3 : vector<16xi32>
    %select_n3A_1266 = arith.select %eq3A_1264, %broadcast_in_dim3A_1, %shift_right_logical3A_1265 : vector<16xi1>, vector<16xi32>
    %swap3A_1267 = arith.constant 1072 : index
    %swap3A_1268 = tpu.vector_load %arg10[%swap3A_1267] {strides = array<i32>} : memref<2304xi32, #tpu.memory_space<vmem>>, vector<16xi32>,
    tpu.vector_store %arg10[%swap3A_1267], %select_n3A_1266 {strides = array<i32>} : memref<2304xi32, #tpu.memory_space<vmem>>, vector<16xi32>,
    %get3A_1269 = arith.constant 17 : i32
    %get3A_1270 = arith.index_cast %get3A_1269 : i32 to index
    %get3A_1271 = arith.constant 0 : index
    %get3A_1272 = tpu.vector_load %arg9[%get3A_1270, %get3A_1271] {strides = array<i32>} : memref<36x64xi32, #tpu.memory_space<vmem>>, vector<16xi32>,
    %eq3A_1273 = arith.cmpi eq, %get3A_1272, %broadcast_in_dim3A_5 : vector<16xi32>
    %shift_right_logical3A_1274 = arith.shrui %get3A_1272, %broadcast_in_dim3A_3 : vector<16xi32>
    %select_n3A_1275 = arith.select %eq3A_1273, %broadcast_in_dim3A_1, %shift_right_logical3A_1274 : vector<16xi1>, vector<16xi32>
    %swap3A_1276 = arith.constant 1088 : index
    %swap3A_1277 = tpu.vector_load %arg10[%swap3A_1276] {strides = array<i32>} : memref<2304xi32, #tpu.memory_space<vmem>>, vector<16xi32>,
    tpu.vector_store %arg10[%swap3A_1276], %select_n3A_1275 {strides = array<i32>} : memref<2304xi32, #tpu.memory_space<vmem>>, vector<16xi32>,
    %get3A_1278 = arith.constant 17 : i32
    %get3A_1279 = arith.index_cast %get3A_1278 : i32 to index
    %get3A_1280 = arith.constant 16 : index
    %get3A_1281 = tpu.vector_load %arg9[%get3A_1279, %get3A_1280] {strides = array<i32>} : memref<36x64xi32, #tpu.memory_space<vmem>>, vector<16xi32>,
    %eq3A_1282 = arith.cmpi eq, %get3A_1281, %broadcast_in_dim3A_5 : vector<16xi32>
    %shift_right_logical3A_1283 = arith.shrui %get3A_1281, %broadcast_in_dim3A_3 : vector<16xi32>
    %select_n3A_1284 = arith.select %eq3A_1282, %broadcast_in_dim3A_1, %shift_right_logical3A_1283 : vector<16xi1>, vector<16xi32>
    %swap3A_1285 = arith.constant 1104 : index
    %swap3A_1286 = tpu.vector_load %arg10[%swap3A_1285] {strides = array<i32>} : memref<2304xi32, #tpu.memory_space<vmem>>, vector<16xi32>,
    tpu.vector_store %arg10[%swap3A_1285], %select_n3A_1284 {strides = array<i32>} : memref<2304xi32, #tpu.memory_space<vmem>>, vector<16xi32>,
    %get3A_1287 = arith.constant 17 : i32
    %get3A_1288 = arith.index_cast %get3A_1287 : i32 to index
    %get3A_1289 = arith.constant 32 : index
    %get3A_1290 = tpu.vector_load %arg9[%get3A_1288, %get3A_1289] {strides = array<i32>} : memref<36x64xi32, #tpu.memory_space<vmem>>, vector<16xi32>,
    %eq3A_1291 = arith.cmpi eq, %get3A_1290, %broadcast_in_dim3A_5 : vector<16xi32>
    %shift_right_logical3A_1292 = arith.shrui %get3A_1290, %broadcast_in_dim3A_3 : vector<16xi32>
    %select_n3A_1293 = arith.select %eq3A_1291, %broadcast_in_dim3A_1, %shift_right_logical3A_1292 : vector<16xi1>, vector<16xi32>
    %swap3A_1294 = arith.constant 1120 : index
    %swap3A_1295 = tpu.vector_load %arg10[%swap3A_1294] {strides = array<i32>} : memref<2304xi32, #tpu.memory_space<vmem>>, vector<16xi32>,
    tpu.vector_store %arg10[%swap3A_1294], %select_n3A_1293 {strides = array<i32>} : memref<2304xi32, #tpu.memory_space<vmem>>, vector<16xi32>,
    %get3A_1296 = arith.constant 17 : i32
    %get3A_1297 = arith.index_cast %get3A_1296 : i32 to index
    %get3A_1298 = arith.constant 48 : index
    %get3A_1299 = tpu.vector_load %arg9[%get3A_1297, %get3A_1298] {strides = array<i32>} : memref<36x64xi32, #tpu.memory_space<vmem>>, vector<16xi32>,
    %eq3A_1300 = arith.cmpi eq, %get3A_1299, %broadcast_in_dim3A_5 : vector<16xi32>
    %shift_right_logical3A_1301 = arith.shrui %get3A_1299, %broadcast_in_dim3A_3 : vector<16xi32>
    %select_n3A_1302 = arith.select %eq3A_1300, %broadcast_in_dim3A_1, %shift_right_logical3A_1301 : vector<16xi1>, vector<16xi32>
    %swap3A_1303 = arith.constant 1136 : index
    %swap3A_1304 = tpu.vector_load %arg10[%swap3A_1303] {strides = array<i32>} : memref<2304xi32, #tpu.memory_space<vmem>>, vector<16xi32>,
    tpu.vector_store %arg10[%swap3A_1303], %select_n3A_1302 {strides = array<i32>} : memref<2304xi32, #tpu.memory_space<vmem>>, vector<16xi32>,
    %get3A_1305 = arith.constant 18 : i32
    %get3A_1306 = arith.index_cast %get3A_1305 : i32 to index
    %get3A_1307 = arith.constant 0 : index
    %get3A_1308 = tpu.vector_load %arg9[%get3A_1306, %get3A_1307] {strides = array<i32>} : memref<36x64xi32, #tpu.memory_space<vmem>>, vector<16xi32>,
    %eq3A_1309 = arith.cmpi eq, %get3A_1308, %broadcast_in_dim3A_5 : vector<16xi32>
    %shift_right_logical3A_1310 = arith.shrui %get3A_1308, %broadcast_in_dim3A_3 : vector<16xi32>
    %select_n3A_1311 = arith.select %eq3A_1309, %broadcast_in_dim3A_1, %shift_right_logical3A_1310 : vector<16xi1>, vector<16xi32>
    %swap3A_1312 = arith.constant 1152 : index
    %swap3A_1313 = tpu.vector_load %arg10[%swap3A_1312] {strides = array<i32>} : memref<2304xi32, #tpu.memory_space<vmem>>, vector<16xi32>,
    tpu.vector_store %arg10[%swap3A_1312], %select_n3A_1311 {strides = array<i32>} : memref<2304xi32, #tpu.memory_space<vmem>>, vector<16xi32>,
    %get3A_1314 = arith.constant 18 : i32
    %get3A_1315 = arith.index_cast %get3A_1314 : i32 to index
    %get3A_1316 = arith.constant 16 : index
    %get3A_1317 = tpu.vector_load %arg9[%get3A_1315, %get3A_1316] {strides = array<i32>} : memref<36x64xi32, #tpu.memory_space<vmem>>, vector<16xi32>,
    %eq3A_1318 = arith.cmpi eq, %get3A_1317, %broadcast_in_dim3A_5 : vector<16xi32>
    %shift_right_logical3A_1319 = arith.shrui %get3A_1317, %broadcast_in_dim3A_3 : vector<16xi32>
    %select_n3A_1320 = arith.select %eq3A_1318, %broadcast_in_dim3A_1, %shift_right_logical3A_1319 : vector<16xi1>, vector<16xi32>
    %swap3A_1321 = arith.constant 1168 : index
    %swap3A_1322 = tpu.vector_load %arg10[%swap3A_1321] {strides = array<i32>} : memref<2304xi32, #tpu.memory_space<vmem>>, vector<16xi32>,
    tpu.vector_store %arg10[%swap3A_1321], %select_n3A_1320 {strides = array<i32>} : memref<2304xi32, #tpu.memory_space<vmem>>, vector<16xi32>,
    %get3A_1323 = arith.constant 18 : i32
    %get3A_1324 = arith.index_cast %get3A_1323 : i32 to index
    %get3A_1325 = arith.constant 32 : index
    %get3A_1326 = tpu.vector_load %arg9[%get3A_1324, %get3A_1325] {strides = array<i32>} : memref<36x64xi32, #tpu.memory_space<vmem>>, vector<16xi32>,
    %eq3A_1327 = arith.cmpi eq, %get3A_1326, %broadcast_in_dim3A_5 : vector<16xi32>
    %shift_right_logical3A_1328 = arith.shrui %get3A_1326, %broadcast_in_dim3A_3 : vector<16xi32>
    %select_n3A_1329 = arith.select %eq3A_1327, %broadcast_in_dim3A_1, %shift_right_logical3A_1328 : vector<16xi1>, vector<16xi32>
    %swap3A_1330 = arith.constant 1184 : index
    %swap3A_1331 = tpu.vector_load %arg10[%swap3A_1330] {strides = array<i32>} : memref<2304xi32, #tpu.memory_space<vmem>>, vector<16xi32>,
    tpu.vector_store %arg10[%swap3A_1330], %select_n3A_1329 {strides = array<i32>} : memref<2304xi32, #tpu.memory_space<vmem>>, vector<16xi32>,
    %get3A_1332 = arith.constant 18 : i32
    %get3A_1333 = arith.index_cast %get3A_1332 : i32 to index
    %get3A_1334 = arith.constant 48 : index
    %get3A_1335 = tpu.vector_load %arg9[%get3A_1333, %get3A_1334] {strides = array<i32>} : memref<36x64xi32, #tpu.memory_space<vmem>>, vector<16xi32>,
    %eq3A_1336 = arith.cmpi eq, %get3A_1335, %broadcast_in_dim3A_5 : vector<16xi32>
    %shift_right_logical3A_1337 = arith.shrui %get3A_1335, %broadcast_in_dim3A_3 : vector<16xi32>
    %select_n3A_1338 = arith.select %eq3A_1336, %broadcast_in_dim3A_1, %shift_right_logical3A_1337 : vector<16xi1>, vector<16xi32>
    %swap3A_1339 = arith.constant 1200 : index
    %swap3A_1340 = tpu.vector_load %arg10[%swap3A_1339] {strides = array<i32>} : memref<2304xi32, #tpu.memory_space<vmem>>, vector<16xi32>,
    tpu.vector_store %arg10[%swap3A_1339], %select_n3A_1338 {strides = array<i32>} : memref<2304xi32, #tpu.memory_space<vmem>>, vector<16xi32>,
    %get3A_1341 = arith.constant 19 : i32
    %get3A_1342 = arith.index_cast %get3A_1341 : i32 to index
    %get3A_1343 = arith.constant 0 : index
    %get3A_1344 = tpu.vector_load %arg9[%get3A_1342, %get3A_1343] {strides = array<i32>} : memref<36x64xi32, #tpu.memory_space<vmem>>, vector<16xi32>,
    %eq3A_1345 = arith.cmpi eq, %get3A_1344, %broadcast_in_dim3A_5 : vector<16xi32>
    %shift_right_logical3A_1346 = arith.shrui %get3A_1344, %broadcast_in_dim3A_3 : vector<16xi32>
    %select_n3A_1347 = arith.select %eq3A_1345, %broadcast_in_dim3A_1, %shift_right_logical3A_1346 : vector<16xi1>, vector<16xi32>
    %swap3A_1348 = arith.constant 1216 : index
    %swap3A_1349 = tpu.vector_load %arg10[%swap3A_1348] {strides = array<i32>} : memref<2304xi32, #tpu.memory_space<vmem>>, vector<16xi32>,
    tpu.vector_store %arg10[%swap3A_1348], %select_n3A_1347 {strides = array<i32>} : memref<2304xi32, #tpu.memory_space<vmem>>, vector<16xi32>,
    %get3A_1350 = arith.constant 19 : i32
    %get3A_1351 = arith.index_cast %get3A_1350 : i32 to index
    %get3A_1352 = arith.constant 16 : index
    %get3A_1353 = tpu.vector_load %arg9[%get3A_1351, %get3A_1352] {strides = array<i32>} : memref<36x64xi32, #tpu.memory_space<vmem>>, vector<16xi32>,
    %eq3A_1354 = arith.cmpi eq, %get3A_1353, %broadcast_in_dim3A_5 : vector<16xi32>
    %shift_right_logical3A_1355 = arith.shrui %get3A_1353, %broadcast_in_dim3A_3 : vector<16xi32>
    %select_n3A_1356 = arith.select %eq3A_1354, %broadcast_in_dim3A_1, %shift_right_logical3A_1355 : vector<16xi1>, vector<16xi32>
    %swap3A_1357 = arith.constant 1232 : index
    %swap3A_1358 = tpu.vector_load %arg10[%swap3A_1357] {strides = array<i32>} : memref<2304xi32, #tpu.memory_space<vmem>>, vector<16xi32>,
    tpu.vector_store %arg10[%swap3A_1357], %select_n3A_1356 {strides = array<i32>} : memref<2304xi32, #tpu.memory_space<vmem>>, vector<16xi32>,
    %get3A_1359 = arith.constant 19 : i32
    %get3A_1360 = arith.index_cast %get3A_1359 : i32 to index
    %get3A_1361 = arith.constant 32 : index
    %get3A_1362 = tpu.vector_load %arg9[%get3A_1360, %get3A_1361] {strides = array<i32>} : memref<36x64xi32, #tpu.memory_space<vmem>>, vector<16xi32>,
    %eq3A_1363 = arith.cmpi eq, %get3A_1362, %broadcast_in_dim3A_5 : vector<16xi32>
    %shift_right_logical3A_1364 = arith.shrui %get3A_1362, %broadcast_in_dim3A_3 : vector<16xi32>
    %select_n3A_1365 = arith.select %eq3A_1363, %broadcast_in_dim3A_1, %shift_right_logical3A_1364 : vector<16xi1>, vector<16xi32>
    %swap3A_1366 = arith.constant 1248 : index
    %swap3A_1367 = tpu.vector_load %arg10[%swap3A_1366] {strides = array<i32>} : memref<2304xi32, #tpu.memory_space<vmem>>, vector<16xi32>,
    tpu.vector_store %arg10[%swap3A_1366], %select_n3A_1365 {strides = array<i32>} : memref<2304xi32, #tpu.memory_space<vmem>>, vector<16xi32>,
    %get3A_1368 = arith.constant 19 : i32
    %get3A_1369 = arith.index_cast %get3A_1368 : i32 to index
    %get3A_1370 = arith.constant 48 : index
    %get3A_1371 = tpu.vector_load %arg9[%get3A_1369, %get3A_1370] {strides = array<i32>} : memref<36x64xi32, #tpu.memory_space<vmem>>, vector<16xi32>,
    %eq3A_1372 = arith.cmpi eq, %get3A_1371, %broadcast_in_dim3A_5 : vector<16xi32>
    %shift_right_logical3A_1373 = arith.shrui %get3A_1371, %broadcast_in_dim3A_3 : vector<16xi32>
    %select_n3A_1374 = arith.select %eq3A_1372, %broadcast_in_dim3A_1, %shift_right_logical3A_1373 : vector<16xi1>, vector<16xi32>
    %swap3A_1375 = arith.constant 1264 : index
    %swap3A_1376 = tpu.vector_load %arg10[%swap3A_1375] {strides = array<i32>} : memref<2304xi32, #tpu.memory_space<vmem>>, vector<16xi32>,
    tpu.vector_store %arg10[%swap3A_1375], %select_n3A_1374 {strides = array<i32>} : memref<2304xi32, #tpu.memory_space<vmem>>, vector<16xi32>,
    %get3A_1377 = arith.constant 20 : i32
    %get3A_1378 = arith.index_cast %get3A_1377 : i32 to index
    %get3A_1379 = arith.constant 0 : index
    %get3A_1380 = tpu.vector_load %arg9[%get3A_1378, %get3A_1379] {strides = array<i32>} : memref<36x64xi32, #tpu.memory_space<vmem>>, vector<16xi32>,
    %eq3A_1381 = arith.cmpi eq, %get3A_1380, %broadcast_in_dim3A_5 : vector<16xi32>
    %shift_right_logical3A_1382 = arith.shrui %get3A_1380, %broadcast_in_dim3A_3 : vector<16xi32>
    %select_n3A_1383 = arith.select %eq3A_1381, %broadcast_in_dim3A_1, %shift_right_logical3A_1382 : vector<16xi1>, vector<16xi32>
    %swap3A_1384 = arith.constant 1280 : index
    %swap3A_1385 = tpu.vector_load %arg10[%swap3A_1384] {strides = array<i32>} : memref<2304xi32, #tpu.memory_space<vmem>>, vector<16xi32>,
    tpu.vector_store %arg10[%swap3A_1384], %select_n3A_1383 {strides = array<i32>} : memref<2304xi32, #tpu.memory_space<vmem>>, vector<16xi32>,
    %get3A_1386 = arith.constant 20 : i32
    %get3A_1387 = arith.index_cast %get3A_1386 : i32 to index
    %get3A_1388 = arith.constant 16 : index
    %get3A_1389 = tpu.vector_load %arg9[%get3A_1387, %get3A_1388] {strides = array<i32>} : memref<36x64xi32, #tpu.memory_space<vmem>>, vector<16xi32>,
    %eq3A_1390 = arith.cmpi eq, %get3A_1389, %broadcast_in_dim3A_5 : vector<16xi32>
    %shift_right_logical3A_1391 = arith.shrui %get3A_1389, %broadcast_in_dim3A_3 : vector<16xi32>
    %select_n3A_1392 = arith.select %eq3A_1390, %broadcast_in_dim3A_1, %shift_right_logical3A_1391 : vector<16xi1>, vector<16xi32>
    %swap3A_1393 = arith.constant 1296 : index
    %swap3A_1394 = tpu.vector_load %arg10[%swap3A_1393] {strides = array<i32>} : memref<2304xi32, #tpu.memory_space<vmem>>, vector<16xi32>,
    tpu.vector_store %arg10[%swap3A_1393], %select_n3A_1392 {strides = array<i32>} : memref<2304xi32, #tpu.memory_space<vmem>>, vector<16xi32>,
    %get3A_1395 = arith.constant 20 : i32
    %get3A_1396 = arith.index_cast %get3A_1395 : i32 to index
    %get3A_1397 = arith.constant 32 : index
    %get3A_1398 = tpu.vector_load %arg9[%get3A_1396, %get3A_1397] {strides = array<i32>} : memref<36x64xi32, #tpu.memory_space<vmem>>, vector<16xi32>,
    %eq3A_1399 = arith.cmpi eq, %get3A_1398, %broadcast_in_dim3A_5 : vector<16xi32>
    %shift_right_logical3A_1400 = arith.shrui %get3A_1398, %broadcast_in_dim3A_3 : vector<16xi32>
    %select_n3A_1401 = arith.select %eq3A_1399, %broadcast_in_dim3A_1, %shift_right_logical3A_1400 : vector<16xi1>, vector<16xi32>
    %swap3A_1402 = arith.constant 1312 : index
    %swap3A_1403 = tpu.vector_load %arg10[%swap3A_1402] {strides = array<i32>} : memref<2304xi32, #tpu.memory_space<vmem>>, vector<16xi32>,
    tpu.vector_store %arg10[%swap3A_1402], %select_n3A_1401 {strides = array<i32>} : memref<2304xi32, #tpu.memory_space<vmem>>, vector<16xi32>,
    %get3A_1404 = arith.constant 20 : i32
    %get3A_1405 = arith.index_cast %get3A_1404 : i32 to index
    %get3A_1406 = arith.constant 48 : index
    %get3A_1407 = tpu.vector_load %arg9[%get3A_1405, %get3A_1406] {strides = array<i32>} : memref<36x64xi32, #tpu.memory_space<vmem>>, vector<16xi32>,
    %eq3A_1408 = arith.cmpi eq, %get3A_1407, %broadcast_in_dim3A_5 : vector<16xi32>
    %shift_right_logical3A_1409 = arith.shrui %get3A_1407, %broadcast_in_dim3A_3 : vector<16xi32>
    %select_n3A_1410 = arith.select %eq3A_1408, %broadcast_in_dim3A_1, %shift_right_logical3A_1409 : vector<16xi1>, vector<16xi32>
    %swap3A_1411 = arith.constant 1328 : index
    %swap3A_1412 = tpu.vector_load %arg10[%swap3A_1411] {strides = array<i32>} : memref<2304xi32, #tpu.memory_space<vmem>>, vector<16xi32>,
    tpu.vector_store %arg10[%swap3A_1411], %select_n3A_1410 {strides = array<i32>} : memref<2304xi32, #tpu.memory_space<vmem>>, vector<16xi32>,
    %get3A_1413 = arith.constant 21 : i32
    %get3A_1414 = arith.index_cast %get3A_1413 : i32 to index
    %get3A_1415 = arith.constant 0 : index
    %get3A_1416 = tpu.vector_load %arg9[%get3A_1414, %get3A_1415] {strides = array<i32>} : memref<36x64xi32, #tpu.memory_space<vmem>>, vector<16xi32>,
    %eq3A_1417 = arith.cmpi eq, %get3A_1416, %broadcast_in_dim3A_5 : vector<16xi32>
    %shift_right_logical3A_1418 = arith.shrui %get3A_1416, %broadcast_in_dim3A_3 : vector<16xi32>
    %select_n3A_1419 = arith.select %eq3A_1417, %broadcast_in_dim3A_1, %shift_right_logical3A_1418 : vector<16xi1>, vector<16xi32>
    %swap3A_1420 = arith.constant 1344 : index
    %swap3A_1421 = tpu.vector_load %arg10[%swap3A_1420] {strides = array<i32>} : memref<2304xi32, #tpu.memory_space<vmem>>, vector<16xi32>,
    tpu.vector_store %arg10[%swap3A_1420], %select_n3A_1419 {strides = array<i32>} : memref<2304xi32, #tpu.memory_space<vmem>>, vector<16xi32>,
    %get3A_1422 = arith.constant 21 : i32
    %get3A_1423 = arith.index_cast %get3A_1422 : i32 to index
    %get3A_1424 = arith.constant 16 : index
    %get3A_1425 = tpu.vector_load %arg9[%get3A_1423, %get3A_1424] {strides = array<i32>} : memref<36x64xi32, #tpu.memory_space<vmem>>, vector<16xi32>,
    %eq3A_1426 = arith.cmpi eq, %get3A_1425, %broadcast_in_dim3A_5 : vector<16xi32>
    %shift_right_logical3A_1427 = arith.shrui %get3A_1425, %broadcast_in_dim3A_3 : vector<16xi32>
    %select_n3A_1428 = arith.select %eq3A_1426, %broadcast_in_dim3A_1, %shift_right_logical3A_1427 : vector<16xi1>, vector<16xi32>
    %swap3A_1429 = arith.constant 1360 : index
    %swap3A_1430 = tpu.vector_load %arg10[%swap3A_1429] {strides = array<i32>} : memref<2304xi32, #tpu.memory_space<vmem>>, vector<16xi32>,
    tpu.vector_store %arg10[%swap3A_1429], %select_n3A_1428 {strides = array<i32>} : memref<2304xi32, #tpu.memory_space<vmem>>, vector<16xi32>,
    %get3A_1431 = arith.constant 21 : i32
    %get3A_1432 = arith.index_cast %get3A_1431 : i32 to index
    %get3A_1433 = arith.constant 32 : index
    %get3A_1434 = tpu.vector_load %arg9[%get3A_1432, %get3A_1433] {strides = array<i32>} : memref<36x64xi32, #tpu.memory_space<vmem>>, vector<16xi32>,
    %eq3A_1435 = arith.cmpi eq, %get3A_1434, %broadcast_in_dim3A_5 : vector<16xi32>
    %shift_right_logical3A_1436 = arith.shrui %get3A_1434, %broadcast_in_dim3A_3 : vector<16xi32>
    %select_n3A_1437 = arith.select %eq3A_1435, %broadcast_in_dim3A_1, %shift_right_logical3A_1436 : vector<16xi1>, vector<16xi32>
    %swap3A_1438 = arith.constant 1376 : index
    %swap3A_1439 = tpu.vector_load %arg10[%swap3A_1438] {strides = array<i32>} : memref<2304xi32, #tpu.memory_space<vmem>>, vector<16xi32>,
    tpu.vector_store %arg10[%swap3A_1438], %select_n3A_1437 {strides = array<i32>} : memref<2304xi32, #tpu.memory_space<vmem>>, vector<16xi32>,
    %get3A_1440 = arith.constant 21 : i32
    %get3A_1441 = arith.index_cast %get3A_1440 : i32 to index
    %get3A_1442 = arith.constant 48 : index
    %get3A_1443 = tpu.vector_load %arg9[%get3A_1441, %get3A_1442] {strides = array<i32>} : memref<36x64xi32, #tpu.memory_space<vmem>>, vector<16xi32>,
    %eq3A_1444 = arith.cmpi eq, %get3A_1443, %broadcast_in_dim3A_5 : vector<16xi32>
    %shift_right_logical3A_1445 = arith.shrui %get3A_1443, %broadcast_in_dim3A_3 : vector<16xi32>
    %select_n3A_1446 = arith.select %eq3A_1444, %broadcast_in_dim3A_1, %shift_right_logical3A_1445 : vector<16xi1>, vector<16xi32>
    %swap3A_1447 = arith.constant 1392 : index
    %swap3A_1448 = tpu.vector_load %arg10[%swap3A_1447] {strides = array<i32>} : memref<2304xi32, #tpu.memory_space<vmem>>, vector<16xi32>,
    tpu.vector_store %arg10[%swap3A_1447], %select_n3A_1446 {strides = array<i32>} : memref<2304xi32, #tpu.memory_space<vmem>>, vector<16xi32>,
    %get3A_1449 = arith.constant 22 : i32
    %get3A_1450 = arith.index_cast %get3A_1449 : i32 to index
    %get3A_1451 = arith.constant 0 : index
    %get3A_1452 = tpu.vector_load %arg9[%get3A_1450, %get3A_1451] {strides = array<i32>} : memref<36x64xi32, #tpu.memory_space<vmem>>, vector<16xi32>,
    %eq3A_1453 = arith.cmpi eq, %get3A_1452, %broadcast_in_dim3A_5 : vector<16xi32>
    %shift_right_logical3A_1454 = arith.shrui %get3A_1452, %broadcast_in_dim3A_3 : vector<16xi32>
    %select_n3A_1455 = arith.select %eq3A_1453, %broadcast_in_dim3A_1, %shift_right_logical3A_1454 : vector<16xi1>, vector<16xi32>
    %swap3A_1456 = arith.constant 1408 : index
    %swap3A_1457 = tpu.vector_load %arg10[%swap3A_1456] {strides = array<i32>} : memref<2304xi32, #tpu.memory_space<vmem>>, vector<16xi32>,
    tpu.vector_store %arg10[%swap3A_1456], %select_n3A_1455 {strides = array<i32>} : memref<2304xi32, #tpu.memory_space<vmem>>, vector<16xi32>,
    %get3A_1458 = arith.constant 22 : i32
    %get3A_1459 = arith.index_cast %get3A_1458 : i32 to index
    %get3A_1460 = arith.constant 16 : index
    %get3A_1461 = tpu.vector_load %arg9[%get3A_1459, %get3A_1460] {strides = array<i32>} : memref<36x64xi32, #tpu.memory_space<vmem>>, vector<16xi32>,
    %eq3A_1462 = arith.cmpi eq, %get3A_1461, %broadcast_in_dim3A_5 : vector<16xi32>
    %shift_right_logical3A_1463 = arith.shrui %get3A_1461, %broadcast_in_dim3A_3 : vector<16xi32>
    %select_n3A_1464 = arith.select %eq3A_1462, %broadcast_in_dim3A_1, %shift_right_logical3A_1463 : vector<16xi1>, vector<16xi32>
    %swap3A_1465 = arith.constant 1424 : index
    %swap3A_1466 = tpu.vector_load %arg10[%swap3A_1465] {strides = array<i32>} : memref<2304xi32, #tpu.memory_space<vmem>>, vector<16xi32>,
    tpu.vector_store %arg10[%swap3A_1465], %select_n3A_1464 {strides = array<i32>} : memref<2304xi32, #tpu.memory_space<vmem>>, vector<16xi32>,
    %get3A_1467 = arith.constant 22 : i32
    %get3A_1468 = arith.index_cast %get3A_1467 : i32 to index
    %get3A_1469 = arith.constant 32 : index
    %get3A_1470 = tpu.vector_load %arg9[%get3A_1468, %get3A_1469] {strides = array<i32>} : memref<36x64xi32, #tpu.memory_space<vmem>>, vector<16xi32>,
    %eq3A_1471 = arith.cmpi eq, %get3A_1470, %broadcast_in_dim3A_5 : vector<16xi32>
    %shift_right_logical3A_1472 = arith.shrui %get3A_1470, %broadcast_in_dim3A_3 : vector<16xi32>
    %select_n3A_1473 = arith.select %eq3A_1471, %broadcast_in_dim3A_1, %shift_right_logical3A_1472 : vector<16xi1>, vector<16xi32>
    %swap3A_1474 = arith.constant 1440 : index
    %swap3A_1475 = tpu.vector_load %arg10[%swap3A_1474] {strides = array<i32>} : memref<2304xi32, #tpu.memory_space<vmem>>, vector<16xi32>,
    tpu.vector_store %arg10[%swap3A_1474], %select_n3A_1473 {strides = array<i32>} : memref<2304xi32, #tpu.memory_space<vmem>>, vector<16xi32>,
    %get3A_1476 = arith.constant 22 : i32
    %get3A_1477 = arith.index_cast %get3A_1476 : i32 to index
    %get3A_1478 = arith.constant 48 : index
    %get3A_1479 = tpu.vector_load %arg9[%get3A_1477, %get3A_1478] {strides = array<i32>} : memref<36x64xi32, #tpu.memory_space<vmem>>, vector<16xi32>,
    %eq3A_1480 = arith.cmpi eq, %get3A_1479, %broadcast_in_dim3A_5 : vector<16xi32>
    %shift_right_logical3A_1481 = arith.shrui %get3A_1479, %broadcast_in_dim3A_3 : vector<16xi32>
    %select_n3A_1482 = arith.select %eq3A_1480, %broadcast_in_dim3A_1, %shift_right_logical3A_1481 : vector<16xi1>, vector<16xi32>
    %swap3A_1483 = arith.constant 1456 : index
    %swap3A_1484 = tpu.vector_load %arg10[%swap3A_1483] {strides = array<i32>} : memref<2304xi32, #tpu.memory_space<vmem>>, vector<16xi32>,
    tpu.vector_store %arg10[%swap3A_1483], %select_n3A_1482 {strides = array<i32>} : memref<2304xi32, #tpu.memory_space<vmem>>, vector<16xi32>,
    %get3A_1485 = arith.constant 23 : i32
    %get3A_1486 = arith.index_cast %get3A_1485 : i32 to index
    %get3A_1487 = arith.constant 0 : index
    %get3A_1488 = tpu.vector_load %arg9[%get3A_1486, %get3A_1487] {strides = array<i32>} : memref<36x64xi32, #tpu.memory_space<vmem>>, vector<16xi32>,
    %eq3A_1489 = arith.cmpi eq, %get3A_1488, %broadcast_in_dim3A_5 : vector<16xi32>
    %shift_right_logical3A_1490 = arith.shrui %get3A_1488, %broadcast_in_dim3A_3 : vector<16xi32>
    %select_n3A_1491 = arith.select %eq3A_1489, %broadcast_in_dim3A_1, %shift_right_logical3A_1490 : vector<16xi1>, vector<16xi32>
    %swap3A_1492 = arith.constant 1472 : index
    %swap3A_1493 = tpu.vector_load %arg10[%swap3A_1492] {strides = array<i32>} : memref<2304xi32, #tpu.memory_space<vmem>>, vector<16xi32>,
    tpu.vector_store %arg10[%swap3A_1492], %select_n3A_1491 {strides = array<i32>} : memref<2304xi32, #tpu.memory_space<vmem>>, vector<16xi32>,
    %get3A_1494 = arith.constant 23 : i32
    %get3A_1495 = arith.index_cast %get3A_1494 : i32 to index
    %get3A_1496 = arith.constant 16 : index
    %get3A_1497 = tpu.vector_load %arg9[%get3A_1495, %get3A_1496] {strides = array<i32>} : memref<36x64xi32, #tpu.memory_space<vmem>>, vector<16xi32>,
    %eq3A_1498 = arith.cmpi eq, %get3A_1497, %broadcast_in_dim3A_5 : vector<16xi32>
    %shift_right_logical3A_1499 = arith.shrui %get3A_1497, %broadcast_in_dim3A_3 : vector<16xi32>
    %select_n3A_1500 = arith.select %eq3A_1498, %broadcast_in_dim3A_1, %shift_right_logical3A_1499 : vector<16xi1>, vector<16xi32>
    %swap3A_1501 = arith.constant 1488 : index
    %swap3A_1502 = tpu.vector_load %arg10[%swap3A_1501] {strides = array<i32>} : memref<2304xi32, #tpu.memory_space<vmem>>, vector<16xi32>,
    tpu.vector_store %arg10[%swap3A_1501], %select_n3A_1500 {strides = array<i32>} : memref<2304xi32, #tpu.memory_space<vmem>>, vector<16xi32>,
    %get3A_1503 = arith.constant 23 : i32
    %get3A_1504 = arith.index_cast %get3A_1503 : i32 to index
    %get3A_1505 = arith.constant 32 : index
    %get3A_1506 = tpu.vector_load %arg9[%get3A_1504, %get3A_1505] {strides = array<i32>} : memref<36x64xi32, #tpu.memory_space<vmem>>, vector<16xi32>,
    %eq3A_1507 = arith.cmpi eq, %get3A_1506, %broadcast_in_dim3A_5 : vector<16xi32>
    %shift_right_logical3A_1508 = arith.shrui %get3A_1506, %broadcast_in_dim3A_3 : vector<16xi32>
    %select_n3A_1509 = arith.select %eq3A_1507, %broadcast_in_dim3A_1, %shift_right_logical3A_1508 : vector<16xi1>, vector<16xi32>
    %swap3A_1510 = arith.constant 1504 : index
    %swap3A_1511 = tpu.vector_load %arg10[%swap3A_1510] {strides = array<i32>} : memref<2304xi32, #tpu.memory_space<vmem>>, vector<16xi32>,
    tpu.vector_store %arg10[%swap3A_1510], %select_n3A_1509 {strides = array<i32>} : memref<2304xi32, #tpu.memory_space<vmem>>, vector<16xi32>,
    %get3A_1512 = arith.constant 23 : i32
    %get3A_1513 = arith.index_cast %get3A_1512 : i32 to index
    %get3A_1514 = arith.constant 48 : index
    %get3A_1515 = tpu.vector_load %arg9[%get3A_1513, %get3A_1514] {strides = array<i32>} : memref<36x64xi32, #tpu.memory_space<vmem>>, vector<16xi32>,
    %eq3A_1516 = arith.cmpi eq, %get3A_1515, %broadcast_in_dim3A_5 : vector<16xi32>
    %shift_right_logical3A_1517 = arith.shrui %get3A_1515, %broadcast_in_dim3A_3 : vector<16xi32>
    %select_n3A_1518 = arith.select %eq3A_1516, %broadcast_in_dim3A_1, %shift_right_logical3A_1517 : vector<16xi1>, vector<16xi32>
    %swap3A_1519 = arith.constant 1520 : index
    %swap3A_1520 = tpu.vector_load %arg10[%swap3A_1519] {strides = array<i32>} : memref<2304xi32, #tpu.memory_space<vmem>>, vector<16xi32>,
    tpu.vector_store %arg10[%swap3A_1519], %select_n3A_1518 {strides = array<i32>} : memref<2304xi32, #tpu.memory_space<vmem>>, vector<16xi32>,
    %get3A_1521 = arith.constant 24 : i32
    %get3A_1522 = arith.index_cast %get3A_1521 : i32 to index
    %get3A_1523 = arith.constant 0 : index
    %get3A_1524 = tpu.vector_load %arg9[%get3A_1522, %get3A_1523] {strides = array<i32>} : memref<36x64xi32, #tpu.memory_space<vmem>>, vector<16xi32>,
    %eq3A_1525 = arith.cmpi eq, %get3A_1524, %broadcast_in_dim3A_5 : vector<16xi32>
    %shift_right_logical3A_1526 = arith.shrui %get3A_1524, %broadcast_in_dim3A_3 : vector<16xi32>
    %select_n3A_1527 = arith.select %eq3A_1525, %broadcast_in_dim3A_1, %shift_right_logical3A_1526 : vector<16xi1>, vector<16xi32>
    %swap3A_1528 = arith.constant 1536 : index
    %swap3A_1529 = tpu.vector_load %arg10[%swap3A_1528] {strides = array<i32>} : memref<2304xi32, #tpu.memory_space<vmem>>, vector<16xi32>,
    tpu.vector_store %arg10[%swap3A_1528], %select_n3A_1527 {strides = array<i32>} : memref<2304xi32, #tpu.memory_space<vmem>>, vector<16xi32>,
    %get3A_1530 = arith.constant 24 : i32
    %get3A_1531 = arith.index_cast %get3A_1530 : i32 to index
    %get3A_1532 = arith.constant 16 : index
    %get3A_1533 = tpu.vector_load %arg9[%get3A_1531, %get3A_1532] {strides = array<i32>} : memref<36x64xi32, #tpu.memory_space<vmem>>, vector<16xi32>,
    %eq3A_1534 = arith.cmpi eq, %get3A_1533, %broadcast_in_dim3A_5 : vector<16xi32>
    %shift_right_logical3A_1535 = arith.shrui %get3A_1533, %broadcast_in_dim3A_3 : vector<16xi32>
    %select_n3A_1536 = arith.select %eq3A_1534, %broadcast_in_dim3A_1, %shift_right_logical3A_1535 : vector<16xi1>, vector<16xi32>
    %swap3A_1537 = arith.constant 1552 : index
    %swap3A_1538 = tpu.vector_load %arg10[%swap3A_1537] {strides = array<i32>} : memref<2304xi32, #tpu.memory_space<vmem>>, vector<16xi32>,
    tpu.vector_store %arg10[%swap3A_1537], %select_n3A_1536 {strides = array<i32>} : memref<2304xi32, #tpu.memory_space<vmem>>, vector<16xi32>,
    %get3A_1539 = arith.constant 24 : i32
    %get3A_1540 = arith.index_cast %get3A_1539 : i32 to index
    %get3A_1541 = arith.constant 32 : index
    %get3A_1542 = tpu.vector_load %arg9[%get3A_1540, %get3A_1541] {strides = array<i32>} : memref<36x64xi32, #tpu.memory_space<vmem>>, vector<16xi32>,
    %eq3A_1543 = arith.cmpi eq, %get3A_1542, %broadcast_in_dim3A_5 : vector<16xi32>
    %shift_right_logical3A_1544 = arith.shrui %get3A_1542, %broadcast_in_dim3A_3 : vector<16xi32>
    %select_n3A_1545 = arith.select %eq3A_1543, %broadcast_in_dim3A_1, %shift_right_logical3A_1544 : vector<16xi1>, vector<16xi32>
    %swap3A_1546 = arith.constant 1568 : index
    %swap3A_1547 = tpu.vector_load %arg10[%swap3A_1546] {strides = array<i32>} : memref<2304xi32, #tpu.memory_space<vmem>>, vector<16xi32>,
    tpu.vector_store %arg10[%swap3A_1546], %select_n3A_1545 {strides = array<i32>} : memref<2304xi32, #tpu.memory_space<vmem>>, vector<16xi32>,
    %get3A_1548 = arith.constant 24 : i32
    %get3A_1549 = arith.index_cast %get3A_1548 : i32 to index
    %get3A_1550 = arith.constant 48 : index
    %get3A_1551 = tpu.vector_load %arg9[%get3A_1549, %get3A_1550] {strides = array<i32>} : memref<36x64xi32, #tpu.memory_space<vmem>>, vector<16xi32>,
    %eq3A_1552 = arith.cmpi eq, %get3A_1551, %broadcast_in_dim3A_5 : vector<16xi32>
    %shift_right_logical3A_1553 = arith.shrui %get3A_1551, %broadcast_in_dim3A_3 : vector<16xi32>
    %select_n3A_1554 = arith.select %eq3A_1552, %broadcast_in_dim3A_1, %shift_right_logical3A_1553 : vector<16xi1>, vector<16xi32>
    %swap3A_1555 = arith.constant 1584 : index
    %swap3A_1556 = tpu.vector_load %arg10[%swap3A_1555] {strides = array<i32>} : memref<2304xi32, #tpu.memory_space<vmem>>, vector<16xi32>,
    tpu.vector_store %arg10[%swap3A_1555], %select_n3A_1554 {strides = array<i32>} : memref<2304xi32, #tpu.memory_space<vmem>>, vector<16xi32>,
    %get3A_1557 = arith.constant 25 : i32
    %get3A_1558 = arith.index_cast %get3A_1557 : i32 to index
    %get3A_1559 = arith.constant 0 : index
    %get3A_1560 = tpu.vector_load %arg9[%get3A_1558, %get3A_1559] {strides = array<i32>} : memref<36x64xi32, #tpu.memory_space<vmem>>, vector<16xi32>,
    %eq3A_1561 = arith.cmpi eq, %get3A_1560, %broadcast_in_dim3A_5 : vector<16xi32>
    %shift_right_logical3A_1562 = arith.shrui %get3A_1560, %broadcast_in_dim3A_3 : vector<16xi32>
    %select_n3A_1563 = arith.select %eq3A_1561, %broadcast_in_dim3A_1, %shift_right_logical3A_1562 : vector<16xi1>, vector<16xi32>
    %swap3A_1564 = arith.constant 1600 : index
    %swap3A_1565 = tpu.vector_load %arg10[%swap3A_1564] {strides = array<i32>} : memref<2304xi32, #tpu.memory_space<vmem>>, vector<16xi32>,
    tpu.vector_store %arg10[%swap3A_1564], %select_n3A_1563 {strides = array<i32>} : memref<2304xi32, #tpu.memory_space<vmem>>, vector<16xi32>,
    %get3A_1566 = arith.constant 25 : i32
    %get3A_1567 = arith.index_cast %get3A_1566 : i32 to index
    %get3A_1568 = arith.constant 16 : index
    %get3A_1569 = tpu.vector_load %arg9[%get3A_1567, %get3A_1568] {strides = array<i32>} : memref<36x64xi32, #tpu.memory_space<vmem>>, vector<16xi32>,
    %eq3A_1570 = arith.cmpi eq, %get3A_1569, %broadcast_in_dim3A_5 : vector<16xi32>
    %shift_right_logical3A_1571 = arith.shrui %get3A_1569, %broadcast_in_dim3A_3 : vector<16xi32>
    %select_n3A_1572 = arith.select %eq3A_1570, %broadcast_in_dim3A_1, %shift_right_logical3A_1571 : vector<16xi1>, vector<16xi32>
    %swap3A_1573 = arith.constant 1616 : index
    %swap3A_1574 = tpu.vector_load %arg10[%swap3A_1573] {strides = array<i32>} : memref<2304xi32, #tpu.memory_space<vmem>>, vector<16xi32>,
    tpu.vector_store %arg10[%swap3A_1573], %select_n3A_1572 {strides = array<i32>} : memref<2304xi32, #tpu.memory_space<vmem>>, vector<16xi32>,
    %get3A_1575 = arith.constant 25 : i32
    %get3A_1576 = arith.index_cast %get3A_1575 : i32 to index
    %get3A_1577 = arith.constant 32 : index
    %get3A_1578 = tpu.vector_load %arg9[%get3A_1576, %get3A_1577] {strides = array<i32>} : memref<36x64xi32, #tpu.memory_space<vmem>>, vector<16xi32>,
    %eq3A_1579 = arith.cmpi eq, %get3A_1578, %broadcast_in_dim3A_5 : vector<16xi32>
    %shift_right_logical3A_1580 = arith.shrui %get3A_1578, %broadcast_in_dim3A_3 : vector<16xi32>
    %select_n3A_1581 = arith.select %eq3A_1579, %broadcast_in_dim3A_1, %shift_right_logical3A_1580 : vector<16xi1>, vector<16xi32>
    %swap3A_1582 = arith.constant 1632 : index
    %swap3A_1583 = tpu.vector_load %arg10[%swap3A_1582] {strides = array<i32>} : memref<2304xi32, #tpu.memory_space<vmem>>, vector<16xi32>,
    tpu.vector_store %arg10[%swap3A_1582], %select_n3A_1581 {strides = array<i32>} : memref<2304xi32, #tpu.memory_space<vmem>>, vector<16xi32>,
    %get3A_1584 = arith.constant 25 : i32
    %get3A_1585 = arith.index_cast %get3A_1584 : i32 to index
    %get3A_1586 = arith.constant 48 : index
    %get3A_1587 = tpu.vector_load %arg9[%get3A_1585, %get3A_1586] {strides = array<i32>} : memref<36x64xi32, #tpu.memory_space<vmem>>, vector<16xi32>,
    %eq3A_1588 = arith.cmpi eq, %get3A_1587, %broadcast_in_dim3A_5 : vector<16xi32>
    %shift_right_logical3A_1589 = arith.shrui %get3A_1587, %broadcast_in_dim3A_3 : vector<16xi32>
    %select_n3A_1590 = arith.select %eq3A_1588, %broadcast_in_dim3A_1, %shift_right_logical3A_1589 : vector<16xi1>, vector<16xi32>
    %swap3A_1591 = arith.constant 1648 : index
    %swap3A_1592 = tpu.vector_load %arg10[%swap3A_1591] {strides = array<i32>} : memref<2304xi32, #tpu.memory_space<vmem>>, vector<16xi32>,
    tpu.vector_store %arg10[%swap3A_1591], %select_n3A_1590 {strides = array<i32>} : memref<2304xi32, #tpu.memory_space<vmem>>, vector<16xi32>,
    %get3A_1593 = arith.constant 26 : i32
    %get3A_1594 = arith.index_cast %get3A_1593 : i32 to index
    %get3A_1595 = arith.constant 0 : index
    %get3A_1596 = tpu.vector_load %arg9[%get3A_1594, %get3A_1595] {strides = array<i32>} : memref<36x64xi32, #tpu.memory_space<vmem>>, vector<16xi32>,
    %eq3A_1597 = arith.cmpi eq, %get3A_1596, %broadcast_in_dim3A_5 : vector<16xi32>
    %shift_right_logical3A_1598 = arith.shrui %get3A_1596, %broadcast_in_dim3A_3 : vector<16xi32>
    %select_n3A_1599 = arith.select %eq3A_1597, %broadcast_in_dim3A_1, %shift_right_logical3A_1598 : vector<16xi1>, vector<16xi32>
    %swap3A_1600 = arith.constant 1664 : index
    %swap3A_1601 = tpu.vector_load %arg10[%swap3A_1600] {strides = array<i32>} : memref<2304xi32, #tpu.memory_space<vmem>>, vector<16xi32>,
    tpu.vector_store %arg10[%swap3A_1600], %select_n3A_1599 {strides = array<i32>} : memref<2304xi32, #tpu.memory_space<vmem>>, vector<16xi32>,
    %get3A_1602 = arith.constant 26 : i32
    %get3A_1603 = arith.index_cast %get3A_1602 : i32 to index
    %get3A_1604 = arith.constant 16 : index
    %get3A_1605 = tpu.vector_load %arg9[%get3A_1603, %get3A_1604] {strides = array<i32>} : memref<36x64xi32, #tpu.memory_space<vmem>>, vector<16xi32>,
    %eq3A_1606 = arith.cmpi eq, %get3A_1605, %broadcast_in_dim3A_5 : vector<16xi32>
    %shift_right_logical3A_1607 = arith.shrui %get3A_1605, %broadcast_in_dim3A_3 : vector<16xi32>
    %select_n3A_1608 = arith.select %eq3A_1606, %broadcast_in_dim3A_1, %shift_right_logical3A_1607 : vector<16xi1>, vector<16xi32>
    %swap3A_1609 = arith.constant 1680 : index
    %swap3A_1610 = tpu.vector_load %arg10[%swap3A_1609] {strides = array<i32>} : memref<2304xi32, #tpu.memory_space<vmem>>, vector<16xi32>,
    tpu.vector_store %arg10[%swap3A_1609], %select_n3A_1608 {strides = array<i32>} : memref<2304xi32, #tpu.memory_space<vmem>>, vector<16xi32>,
    %get3A_1611 = arith.constant 26 : i32
    %get3A_1612 = arith.index_cast %get3A_1611 : i32 to index
    %get3A_1613 = arith.constant 32 : index
    %get3A_1614 = tpu.vector_load %arg9[%get3A_1612, %get3A_1613] {strides = array<i32>} : memref<36x64xi32, #tpu.memory_space<vmem>>, vector<16xi32>,
    %eq3A_1615 = arith.cmpi eq, %get3A_1614, %broadcast_in_dim3A_5 : vector<16xi32>
    %shift_right_logical3A_1616 = arith.shrui %get3A_1614, %broadcast_in_dim3A_3 : vector<16xi32>
    %select_n3A_1617 = arith.select %eq3A_1615, %broadcast_in_dim3A_1, %shift_right_logical3A_1616 : vector<16xi1>, vector<16xi32>
    %swap3A_1618 = arith.constant 1696 : index
    %swap3A_1619 = tpu.vector_load %arg10[%swap3A_1618] {strides = array<i32>} : memref<2304xi32, #tpu.memory_space<vmem>>, vector<16xi32>,
    tpu.vector_store %arg10[%swap3A_1618], %select_n3A_1617 {strides = array<i32>} : memref<2304xi32, #tpu.memory_space<vmem>>, vector<16xi32>,
    %get3A_1620 = arith.constant 26 : i32
    %get3A_1621 = arith.index_cast %get3A_1620 : i32 to index
    %get3A_1622 = arith.constant 48 : index
    %get3A_1623 = tpu.vector_load %arg9[%get3A_1621, %get3A_1622] {strides = array<i32>} : memref<36x64xi32, #tpu.memory_space<vmem>>, vector<16xi32>,
    %eq3A_1624 = arith.cmpi eq, %get3A_1623, %broadcast_in_dim3A_5 : vector<16xi32>
    %shift_right_logical3A_1625 = arith.shrui %get3A_1623, %broadcast_in_dim3A_3 : vector<16xi32>
    %select_n3A_1626 = arith.select %eq3A_1624, %broadcast_in_dim3A_1, %shift_right_logical3A_1625 : vector<16xi1>, vector<16xi32>
    %swap3A_1627 = arith.constant 1712 : index
    %swap3A_1628 = tpu.vector_load %arg10[%swap3A_1627] {strides = array<i32>} : memref<2304xi32, #tpu.memory_space<vmem>>, vector<16xi32>,
    tpu.vector_store %arg10[%swap3A_1627], %select_n3A_1626 {strides = array<i32>} : memref<2304xi32, #tpu.memory_space<vmem>>, vector<16xi32>,
    %get3A_1629 = arith.constant 27 : i32
    %get3A_1630 = arith.index_cast %get3A_1629 : i32 to index
    %get3A_1631 = arith.constant 0 : index
    %get3A_1632 = tpu.vector_load %arg9[%get3A_1630, %get3A_1631] {strides = array<i32>} : memref<36x64xi32, #tpu.memory_space<vmem>>, vector<16xi32>,
    %eq3A_1633 = arith.cmpi eq, %get3A_1632, %broadcast_in_dim3A_5 : vector<16xi32>
    %shift_right_logical3A_1634 = arith.shrui %get3A_1632, %broadcast_in_dim3A_3 : vector<16xi32>
    %select_n3A_1635 = arith.select %eq3A_1633, %broadcast_in_dim3A_1, %shift_right_logical3A_1634 : vector<16xi1>, vector<16xi32>
    %swap3A_1636 = arith.constant 1728 : index
    %swap3A_1637 = tpu.vector_load %arg10[%swap3A_1636] {strides = array<i32>} : memref<2304xi32, #tpu.memory_space<vmem>>, vector<16xi32>,
    tpu.vector_store %arg10[%swap3A_1636], %select_n3A_1635 {strides = array<i32>} : memref<2304xi32, #tpu.memory_space<vmem>>, vector<16xi32>,
    %get3A_1638 = arith.constant 27 : i32
    %get3A_1639 = arith.index_cast %get3A_1638 : i32 to index
    %get3A_1640 = arith.constant 16 : index
    %get3A_1641 = tpu.vector_load %arg9[%get3A_1639, %get3A_1640] {strides = array<i32>} : memref<36x64xi32, #tpu.memory_space<vmem>>, vector<16xi32>,
    %eq3A_1642 = arith.cmpi eq, %get3A_1641, %broadcast_in_dim3A_5 : vector<16xi32>
    %shift_right_logical3A_1643 = arith.shrui %get3A_1641, %broadcast_in_dim3A_3 : vector<16xi32>
    %select_n3A_1644 = arith.select %eq3A_1642, %broadcast_in_dim3A_1, %shift_right_logical3A_1643 : vector<16xi1>, vector<16xi32>
    %swap3A_1645 = arith.constant 1744 : index
    %swap3A_1646 = tpu.vector_load %arg10[%swap3A_1645] {strides = array<i32>} : memref<2304xi32, #tpu.memory_space<vmem>>, vector<16xi32>,
    tpu.vector_store %arg10[%swap3A_1645], %select_n3A_1644 {strides = array<i32>} : memref<2304xi32, #tpu.memory_space<vmem>>, vector<16xi32>,
    %get3A_1647 = arith.constant 27 : i32
    %get3A_1648 = arith.index_cast %get3A_1647 : i32 to index
    %get3A_1649 = arith.constant 32 : index
    %get3A_1650 = tpu.vector_load %arg9[%get3A_1648, %get3A_1649] {strides = array<i32>} : memref<36x64xi32, #tpu.memory_space<vmem>>, vector<16xi32>,
    %eq3A_1651 = arith.cmpi eq, %get3A_1650, %broadcast_in_dim3A_5 : vector<16xi32>
    %shift_right_logical3A_1652 = arith.shrui %get3A_1650, %broadcast_in_dim3A_3 : vector<16xi32>
    %select_n3A_1653 = arith.select %eq3A_1651, %broadcast_in_dim3A_1, %shift_right_logical3A_1652 : vector<16xi1>, vector<16xi32>
    %swap3A_1654 = arith.constant 1760 : index
    %swap3A_1655 = tpu.vector_load %arg10[%swap3A_1654] {strides = array<i32>} : memref<2304xi32, #tpu.memory_space<vmem>>, vector<16xi32>,
    tpu.vector_store %arg10[%swap3A_1654], %select_n3A_1653 {strides = array<i32>} : memref<2304xi32, #tpu.memory_space<vmem>>, vector<16xi32>,
    %get3A_1656 = arith.constant 27 : i32
    %get3A_1657 = arith.index_cast %get3A_1656 : i32 to index
    %get3A_1658 = arith.constant 48 : index
    %get3A_1659 = tpu.vector_load %arg9[%get3A_1657, %get3A_1658] {strides = array<i32>} : memref<36x64xi32, #tpu.memory_space<vmem>>, vector<16xi32>,
    %eq3A_1660 = arith.cmpi eq, %get3A_1659, %broadcast_in_dim3A_5 : vector<16xi32>
    %shift_right_logical3A_1661 = arith.shrui %get3A_1659, %broadcast_in_dim3A_3 : vector<16xi32>
    %select_n3A_1662 = arith.select %eq3A_1660, %broadcast_in_dim3A_1, %shift_right_logical3A_1661 : vector<16xi1>, vector<16xi32>
    %swap3A_1663 = arith.constant 1776 : index
    %swap3A_1664 = tpu.vector_load %arg10[%swap3A_1663] {strides = array<i32>} : memref<2304xi32, #tpu.memory_space<vmem>>, vector<16xi32>,
    tpu.vector_store %arg10[%swap3A_1663], %select_n3A_1662 {strides = array<i32>} : memref<2304xi32, #tpu.memory_space<vmem>>, vector<16xi32>,
    %get3A_1665 = arith.constant 28 : i32
    %get3A_1666 = arith.index_cast %get3A_1665 : i32 to index
    %get3A_1667 = arith.constant 0 : index
    %get3A_1668 = tpu.vector_load %arg9[%get3A_1666, %get3A_1667] {strides = array<i32>} : memref<36x64xi32, #tpu.memory_space<vmem>>, vector<16xi32>,
    %eq3A_1669 = arith.cmpi eq, %get3A_1668, %broadcast_in_dim3A_5 : vector<16xi32>
    %shift_right_logical3A_1670 = arith.shrui %get3A_1668, %broadcast_in_dim3A_3 : vector<16xi32>
    %select_n3A_1671 = arith.select %eq3A_1669, %broadcast_in_dim3A_1, %shift_right_logical3A_1670 : vector<16xi1>, vector<16xi32>
    %swap3A_1672 = arith.constant 1792 : index
    %swap3A_1673 = tpu.vector_load %arg10[%swap3A_1672] {strides = array<i32>} : memref<2304xi32, #tpu.memory_space<vmem>>, vector<16xi32>,
    tpu.vector_store %arg10[%swap3A_1672], %select_n3A_1671 {strides = array<i32>} : memref<2304xi32, #tpu.memory_space<vmem>>, vector<16xi32>,
    %get3A_1674 = arith.constant 28 : i32
    %get3A_1675 = arith.index_cast %get3A_1674 : i32 to index
    %get3A_1676 = arith.constant 16 : index
    %get3A_1677 = tpu.vector_load %arg9[%get3A_1675, %get3A_1676] {strides = array<i32>} : memref<36x64xi32, #tpu.memory_space<vmem>>, vector<16xi32>,
    %eq3A_1678 = arith.cmpi eq, %get3A_1677, %broadcast_in_dim3A_5 : vector<16xi32>
    %shift_right_logical3A_1679 = arith.shrui %get3A_1677, %broadcast_in_dim3A_3 : vector<16xi32>
    %select_n3A_1680 = arith.select %eq3A_1678, %broadcast_in_dim3A_1, %shift_right_logical3A_1679 : vector<16xi1>, vector<16xi32>
    %swap3A_1681 = arith.constant 1808 : index
    %swap3A_1682 = tpu.vector_load %arg10[%swap3A_1681] {strides = array<i32>} : memref<2304xi32, #tpu.memory_space<vmem>>, vector<16xi32>,
    tpu.vector_store %arg10[%swap3A_1681], %select_n3A_1680 {strides = array<i32>} : memref<2304xi32, #tpu.memory_space<vmem>>, vector<16xi32>,
    %get3A_1683 = arith.constant 28 : i32
    %get3A_1684 = arith.index_cast %get3A_1683 : i32 to index
    %get3A_1685 = arith.constant 32 : index
    %get3A_1686 = tpu.vector_load %arg9[%get3A_1684, %get3A_1685] {strides = array<i32>} : memref<36x64xi32, #tpu.memory_space<vmem>>, vector<16xi32>,
    %eq3A_1687 = arith.cmpi eq, %get3A_1686, %broadcast_in_dim3A_5 : vector<16xi32>
    %shift_right_logical3A_1688 = arith.shrui %get3A_1686, %broadcast_in_dim3A_3 : vector<16xi32>
    %select_n3A_1689 = arith.select %eq3A_1687, %broadcast_in_dim3A_1, %shift_right_logical3A_1688 : vector<16xi1>, vector<16xi32>
    %swap3A_1690 = arith.constant 1824 : index
    %swap3A_1691 = tpu.vector_load %arg10[%swap3A_1690] {strides = array<i32>} : memref<2304xi32, #tpu.memory_space<vmem>>, vector<16xi32>,
    tpu.vector_store %arg10[%swap3A_1690], %select_n3A_1689 {strides = array<i32>} : memref<2304xi32, #tpu.memory_space<vmem>>, vector<16xi32>,
    %get3A_1692 = arith.constant 28 : i32
    %get3A_1693 = arith.index_cast %get3A_1692 : i32 to index
    %get3A_1694 = arith.constant 48 : index
    %get3A_1695 = tpu.vector_load %arg9[%get3A_1693, %get3A_1694] {strides = array<i32>} : memref<36x64xi32, #tpu.memory_space<vmem>>, vector<16xi32>,
    %eq3A_1696 = arith.cmpi eq, %get3A_1695, %broadcast_in_dim3A_5 : vector<16xi32>
    %shift_right_logical3A_1697 = arith.shrui %get3A_1695, %broadcast_in_dim3A_3 : vector<16xi32>
    %select_n3A_1698 = arith.select %eq3A_1696, %broadcast_in_dim3A_1, %shift_right_logical3A_1697 : vector<16xi1>, vector<16xi32>
    %swap3A_1699 = arith.constant 1840 : index
    %swap3A_1700 = tpu.vector_load %arg10[%swap3A_1699] {strides = array<i32>} : memref<2304xi32, #tpu.memory_space<vmem>>, vector<16xi32>,
    tpu.vector_store %arg10[%swap3A_1699], %select_n3A_1698 {strides = array<i32>} : memref<2304xi32, #tpu.memory_space<vmem>>, vector<16xi32>,
    %get3A_1701 = arith.constant 29 : i32
    %get3A_1702 = arith.index_cast %get3A_1701 : i32 to index
    %get3A_1703 = arith.constant 0 : index
    %get3A_1704 = tpu.vector_load %arg9[%get3A_1702, %get3A_1703] {strides = array<i32>} : memref<36x64xi32, #tpu.memory_space<vmem>>, vector<16xi32>,
    %eq3A_1705 = arith.cmpi eq, %get3A_1704, %broadcast_in_dim3A_5 : vector<16xi32>
    %shift_right_logical3A_1706 = arith.shrui %get3A_1704, %broadcast_in_dim3A_3 : vector<16xi32>
    %select_n3A_1707 = arith.select %eq3A_1705, %broadcast_in_dim3A_1, %shift_right_logical3A_1706 : vector<16xi1>, vector<16xi32>
    %swap3A_1708 = arith.constant 1856 : index
    %swap3A_1709 = tpu.vector_load %arg10[%swap3A_1708] {strides = array<i32>} : memref<2304xi32, #tpu.memory_space<vmem>>, vector<16xi32>,
    tpu.vector_store %arg10[%swap3A_1708], %select_n3A_1707 {strides = array<i32>} : memref<2304xi32, #tpu.memory_space<vmem>>, vector<16xi32>,
    %get3A_1710 = arith.constant 29 : i32
    %get3A_1711 = arith.index_cast %get3A_1710 : i32 to index
    %get3A_1712 = arith.constant 16 : index
    %get3A_1713 = tpu.vector_load %arg9[%get3A_1711, %get3A_1712] {strides = array<i32>} : memref<36x64xi32, #tpu.memory_space<vmem>>, vector<16xi32>,
    %eq3A_1714 = arith.cmpi eq, %get3A_1713, %broadcast_in_dim3A_5 : vector<16xi32>
    %shift_right_logical3A_1715 = arith.shrui %get3A_1713, %broadcast_in_dim3A_3 : vector<16xi32>
    %select_n3A_1716 = arith.select %eq3A_1714, %broadcast_in_dim3A_1, %shift_right_logical3A_1715 : vector<16xi1>, vector<16xi32>
    %swap3A_1717 = arith.constant 1872 : index
    %swap3A_1718 = tpu.vector_load %arg10[%swap3A_1717] {strides = array<i32>} : memref<2304xi32, #tpu.memory_space<vmem>>, vector<16xi32>,
    tpu.vector_store %arg10[%swap3A_1717], %select_n3A_1716 {strides = array<i32>} : memref<2304xi32, #tpu.memory_space<vmem>>, vector<16xi32>,
    %get3A_1719 = arith.constant 29 : i32
    %get3A_1720 = arith.index_cast %get3A_1719 : i32 to index
    %get3A_1721 = arith.constant 32 : index
    %get3A_1722 = tpu.vector_load %arg9[%get3A_1720, %get3A_1721] {strides = array<i32>} : memref<36x64xi32, #tpu.memory_space<vmem>>, vector<16xi32>,
    %eq3A_1723 = arith.cmpi eq, %get3A_1722, %broadcast_in_dim3A_5 : vector<16xi32>
    %shift_right_logical3A_1724 = arith.shrui %get3A_1722, %broadcast_in_dim3A_3 : vector<16xi32>
    %select_n3A_1725 = arith.select %eq3A_1723, %broadcast_in_dim3A_1, %shift_right_logical3A_1724 : vector<16xi1>, vector<16xi32>
    %swap3A_1726 = arith.constant 1888 : index
    %swap3A_1727 = tpu.vector_load %arg10[%swap3A_1726] {strides = array<i32>} : memref<2304xi32, #tpu.memory_space<vmem>>, vector<16xi32>,
    tpu.vector_store %arg10[%swap3A_1726], %select_n3A_1725 {strides = array<i32>} : memref<2304xi32, #tpu.memory_space<vmem>>, vector<16xi32>,
    %get3A_1728 = arith.constant 29 : i32
    %get3A_1729 = arith.index_cast %get3A_1728 : i32 to index
    %get3A_1730 = arith.constant 48 : index
    %get3A_1731 = tpu.vector_load %arg9[%get3A_1729, %get3A_1730] {strides = array<i32>} : memref<36x64xi32, #tpu.memory_space<vmem>>, vector<16xi32>,
    %eq3A_1732 = arith.cmpi eq, %get3A_1731, %broadcast_in_dim3A_5 : vector<16xi32>
    %shift_right_logical3A_1733 = arith.shrui %get3A_1731, %broadcast_in_dim3A_3 : vector<16xi32>
    %select_n3A_1734 = arith.select %eq3A_1732, %broadcast_in_dim3A_1, %shift_right_logical3A_1733 : vector<16xi1>, vector<16xi32>
    %swap3A_1735 = arith.constant 1904 : index
    %swap3A_1736 = tpu.vector_load %arg10[%swap3A_1735] {strides = array<i32>} : memref<2304xi32, #tpu.memory_space<vmem>>, vector<16xi32>,
    tpu.vector_store %arg10[%swap3A_1735], %select_n3A_1734 {strides = array<i32>} : memref<2304xi32, #tpu.memory_space<vmem>>, vector<16xi32>,
    %get3A_1737 = arith.constant 30 : i32
    %get3A_1738 = arith.index_cast %get3A_1737 : i32 to index
    %get3A_1739 = arith.constant 0 : index
    %get3A_1740 = tpu.vector_load %arg9[%get3A_1738, %get3A_1739] {strides = array<i32>} : memref<36x64xi32, #tpu.memory_space<vmem>>, vector<16xi32>,
    %eq3A_1741 = arith.cmpi eq, %get3A_1740, %broadcast_in_dim3A_5 : vector<16xi32>
    %shift_right_logical3A_1742 = arith.shrui %get3A_1740, %broadcast_in_dim3A_3 : vector<16xi32>
    %select_n3A_1743 = arith.select %eq3A_1741, %broadcast_in_dim3A_1, %shift_right_logical3A_1742 : vector<16xi1>, vector<16xi32>
    %swap3A_1744 = arith.constant 1920 : index
    %swap3A_1745 = tpu.vector_load %arg10[%swap3A_1744] {strides = array<i32>} : memref<2304xi32, #tpu.memory_space<vmem>>, vector<16xi32>,
    tpu.vector_store %arg10[%swap3A_1744], %select_n3A_1743 {strides = array<i32>} : memref<2304xi32, #tpu.memory_space<vmem>>, vector<16xi32>,
    %get3A_1746 = arith.constant 30 : i32
    %get3A_1747 = arith.index_cast %get3A_1746 : i32 to index
    %get3A_1748 = arith.constant 16 : index
    %get3A_1749 = tpu.vector_load %arg9[%get3A_1747, %get3A_1748] {strides = array<i32>} : memref<36x64xi32, #tpu.memory_space<vmem>>, vector<16xi32>,
    %eq3A_1750 = arith.cmpi eq, %get3A_1749, %broadcast_in_dim3A_5 : vector<16xi32>
    %shift_right_logical3A_1751 = arith.shrui %get3A_1749, %broadcast_in_dim3A_3 : vector<16xi32>
    %select_n3A_1752 = arith.select %eq3A_1750, %broadcast_in_dim3A_1, %shift_right_logical3A_1751 : vector<16xi1>, vector<16xi32>
    %swap3A_1753 = arith.constant 1936 : index
    %swap3A_1754 = tpu.vector_load %arg10[%swap3A_1753] {strides = array<i32>} : memref<2304xi32, #tpu.memory_space<vmem>>, vector<16xi32>,
    tpu.vector_store %arg10[%swap3A_1753], %select_n3A_1752 {strides = array<i32>} : memref<2304xi32, #tpu.memory_space<vmem>>, vector<16xi32>,
    %get3A_1755 = arith.constant 30 : i32
    %get3A_1756 = arith.index_cast %get3A_1755 : i32 to index
    %get3A_1757 = arith.constant 32 : index
    %get3A_1758 = tpu.vector_load %arg9[%get3A_1756, %get3A_1757] {strides = array<i32>} : memref<36x64xi32, #tpu.memory_space<vmem>>, vector<16xi32>,
    %eq3A_1759 = arith.cmpi eq, %get3A_1758, %broadcast_in_dim3A_5 : vector<16xi32>
    %shift_right_logical3A_1760 = arith.shrui %get3A_1758, %broadcast_in_dim3A_3 : vector<16xi32>
    %select_n3A_1761 = arith.select %eq3A_1759, %broadcast_in_dim3A_1, %shift_right_logical3A_1760 : vector<16xi1>, vector<16xi32>
    %swap3A_1762 = arith.constant 1952 : index
    %swap3A_1763 = tpu.vector_load %arg10[%swap3A_1762] {strides = array<i32>} : memref<2304xi32, #tpu.memory_space<vmem>>, vector<16xi32>,
    tpu.vector_store %arg10[%swap3A_1762], %select_n3A_1761 {strides = array<i32>} : memref<2304xi32, #tpu.memory_space<vmem>>, vector<16xi32>,
    %get3A_1764 = arith.constant 30 : i32
    %get3A_1765 = arith.index_cast %get3A_1764 : i32 to index
    %get3A_1766 = arith.constant 48 : index
    %get3A_1767 = tpu.vector_load %arg9[%get3A_1765, %get3A_1766] {strides = array<i32>} : memref<36x64xi32, #tpu.memory_space<vmem>>, vector<16xi32>,
    %eq3A_1768 = arith.cmpi eq, %get3A_1767, %broadcast_in_dim3A_5 : vector<16xi32>
    %shift_right_logical3A_1769 = arith.shrui %get3A_1767, %broadcast_in_dim3A_3 : vector<16xi32>
    %select_n3A_1770 = arith.select %eq3A_1768, %broadcast_in_dim3A_1, %shift_right_logical3A_1769 : vector<16xi1>, vector<16xi32>
    %swap3A_1771 = arith.constant 1968 : index
    %swap3A_1772 = tpu.vector_load %arg10[%swap3A_1771] {strides = array<i32>} : memref<2304xi32, #tpu.memory_space<vmem>>, vector<16xi32>,
    tpu.vector_store %arg10[%swap3A_1771], %select_n3A_1770 {strides = array<i32>} : memref<2304xi32, #tpu.memory_space<vmem>>, vector<16xi32>,
    %get3A_1773 = arith.constant 31 : i32
    %get3A_1774 = arith.index_cast %get3A_1773 : i32 to index
    %get3A_1775 = arith.constant 0 : index
    %get3A_1776 = tpu.vector_load %arg9[%get3A_1774, %get3A_1775] {strides = array<i32>} : memref<36x64xi32, #tpu.memory_space<vmem>>, vector<16xi32>,
    %eq3A_1777 = arith.cmpi eq, %get3A_1776, %broadcast_in_dim3A_5 : vector<16xi32>
    %shift_right_logical3A_1778 = arith.shrui %get3A_1776, %broadcast_in_dim3A_3 : vector<16xi32>
    %select_n3A_1779 = arith.select %eq3A_1777, %broadcast_in_dim3A_1, %shift_right_logical3A_1778 : vector<16xi1>, vector<16xi32>
    %swap3A_1780 = arith.constant 1984 : index
    %swap3A_1781 = tpu.vector_load %arg10[%swap3A_1780] {strides = array<i32>} : memref<2304xi32, #tpu.memory_space<vmem>>, vector<16xi32>,
    tpu.vector_store %arg10[%swap3A_1780], %select_n3A_1779 {strides = array<i32>} : memref<2304xi32, #tpu.memory_space<vmem>>, vector<16xi32>,
    %get3A_1782 = arith.constant 31 : i32
    %get3A_1783 = arith.index_cast %get3A_1782 : i32 to index
    %get3A_1784 = arith.constant 16 : index
    %get3A_1785 = tpu.vector_load %arg9[%get3A_1783, %get3A_1784] {strides = array<i32>} : memref<36x64xi32, #tpu.memory_space<vmem>>, vector<16xi32>,
    %eq3A_1786 = arith.cmpi eq, %get3A_1785, %broadcast_in_dim3A_5 : vector<16xi32>
    %shift_right_logical3A_1787 = arith.shrui %get3A_1785, %broadcast_in_dim3A_3 : vector<16xi32>
    %select_n3A_1788 = arith.select %eq3A_1786, %broadcast_in_dim3A_1, %shift_right_logical3A_1787 : vector<16xi1>, vector<16xi32>
    %swap3A_1789 = arith.constant 2000 : index
    %swap3A_1790 = tpu.vector_load %arg10[%swap3A_1789] {strides = array<i32>} : memref<2304xi32, #tpu.memory_space<vmem>>, vector<16xi32>,
    tpu.vector_store %arg10[%swap3A_1789], %select_n3A_1788 {strides = array<i32>} : memref<2304xi32, #tpu.memory_space<vmem>>, vector<16xi32>,
    %get3A_1791 = arith.constant 31 : i32
    %get3A_1792 = arith.index_cast %get3A_1791 : i32 to index
    %get3A_1793 = arith.constant 32 : index
    %get3A_1794 = tpu.vector_load %arg9[%get3A_1792, %get3A_1793] {strides = array<i32>} : memref<36x64xi32, #tpu.memory_space<vmem>>, vector<16xi32>,
    %eq3A_1795 = arith.cmpi eq, %get3A_1794, %broadcast_in_dim3A_5 : vector<16xi32>
    %shift_right_logical3A_1796 = arith.shrui %get3A_1794, %broadcast_in_dim3A_3 : vector<16xi32>
    %select_n3A_1797 = arith.select %eq3A_1795, %broadcast_in_dim3A_1, %shift_right_logical3A_1796 : vector<16xi1>, vector<16xi32>
    %swap3A_1798 = arith.constant 2016 : index
    %swap3A_1799 = tpu.vector_load %arg10[%swap3A_1798] {strides = array<i32>} : memref<2304xi32, #tpu.memory_space<vmem>>, vector<16xi32>,
    tpu.vector_store %arg10[%swap3A_1798], %select_n3A_1797 {strides = array<i32>} : memref<2304xi32, #tpu.memory_space<vmem>>, vector<16xi32>,
    %get3A_1800 = arith.constant 31 : i32
    %get3A_1801 = arith.index_cast %get3A_1800 : i32 to index
    %get3A_1802 = arith.constant 48 : index
    %get3A_1803 = tpu.vector_load %arg9[%get3A_1801, %get3A_1802] {strides = array<i32>} : memref<36x64xi32, #tpu.memory_space<vmem>>, vector<16xi32>,
    %eq3A_1804 = arith.cmpi eq, %get3A_1803, %broadcast_in_dim3A_5 : vector<16xi32>
    %shift_right_logical3A_1805 = arith.shrui %get3A_1803, %broadcast_in_dim3A_3 : vector<16xi32>
    %select_n3A_1806 = arith.select %eq3A_1804, %broadcast_in_dim3A_1, %shift_right_logical3A_1805 : vector<16xi1>, vector<16xi32>
    %swap3A_1807 = arith.constant 2032 : index
    %swap3A_1808 = tpu.vector_load %arg10[%swap3A_1807] {strides = array<i32>} : memref<2304xi32, #tpu.memory_space<vmem>>, vector<16xi32>,
    tpu.vector_store %arg10[%swap3A_1807], %select_n3A_1806 {strides = array<i32>} : memref<2304xi32, #tpu.memory_space<vmem>>, vector<16xi32>,
    %get3A_1809 = arith.constant 32 : i32
    %get3A_1810 = arith.index_cast %get3A_1809 : i32 to index
    %get3A_1811 = arith.constant 0 : index
    %get3A_1812 = tpu.vector_load %arg9[%get3A_1810, %get3A_1811] {strides = array<i32>} : memref<36x64xi32, #tpu.memory_space<vmem>>, vector<16xi32>,
    %eq3A_1813 = arith.cmpi eq, %get3A_1812, %broadcast_in_dim3A_5 : vector<16xi32>
    %shift_right_logical3A_1814 = arith.shrui %get3A_1812, %broadcast_in_dim3A_3 : vector<16xi32>
    %select_n3A_1815 = arith.select %eq3A_1813, %broadcast_in_dim3A_1, %shift_right_logical3A_1814 : vector<16xi1>, vector<16xi32>
    %swap3A_1816 = arith.constant 2048 : index
    %swap3A_1817 = tpu.vector_load %arg10[%swap3A_1816] {strides = array<i32>} : memref<2304xi32, #tpu.memory_space<vmem>>, vector<16xi32>,
    tpu.vector_store %arg10[%swap3A_1816], %select_n3A_1815 {strides = array<i32>} : memref<2304xi32, #tpu.memory_space<vmem>>, vector<16xi32>,
    %get3A_1818 = arith.constant 32 : i32
    %get3A_1819 = arith.index_cast %get3A_1818 : i32 to index
    %get3A_1820 = arith.constant 16 : index
    %get3A_1821 = tpu.vector_load %arg9[%get3A_1819, %get3A_1820] {strides = array<i32>} : memref<36x64xi32, #tpu.memory_space<vmem>>, vector<16xi32>,
    %eq3A_1822 = arith.cmpi eq, %get3A_1821, %broadcast_in_dim3A_5 : vector<16xi32>
    %shift_right_logical3A_1823 = arith.shrui %get3A_1821, %broadcast_in_dim3A_3 : vector<16xi32>
    %select_n3A_1824 = arith.select %eq3A_1822, %broadcast_in_dim3A_1, %shift_right_logical3A_1823 : vector<16xi1>, vector<16xi32>
    %swap3A_1825 = arith.constant 2064 : index
    %swap3A_1826 = tpu.vector_load %arg10[%swap3A_1825] {strides = array<i32>} : memref<2304xi32, #tpu.memory_space<vmem>>, vector<16xi32>,
    tpu.vector_store %arg10[%swap3A_1825], %select_n3A_1824 {strides = array<i32>} : memref<2304xi32, #tpu.memory_space<vmem>>, vector<16xi32>,
    %get3A_1827 = arith.constant 32 : i32
    %get3A_1828 = arith.index_cast %get3A_1827 : i32 to index
    %get3A_1829 = arith.constant 32 : index
    %get3A_1830 = tpu.vector_load %arg9[%get3A_1828, %get3A_1829] {strides = array<i32>} : memref<36x64xi32, #tpu.memory_space<vmem>>, vector<16xi32>,
    %eq3A_1831 = arith.cmpi eq, %get3A_1830, %broadcast_in_dim3A_5 : vector<16xi32>
    %shift_right_logical3A_1832 = arith.shrui %get3A_1830, %broadcast_in_dim3A_3 : vector<16xi32>
    %select_n3A_1833 = arith.select %eq3A_1831, %broadcast_in_dim3A_1, %shift_right_logical3A_1832 : vector<16xi1>, vector<16xi32>
    %swap3A_1834 = arith.constant 2080 : index
    %swap3A_1835 = tpu.vector_load %arg10[%swap3A_1834] {strides = array<i32>} : memref<2304xi32, #tpu.memory_space<vmem>>, vector<16xi32>,
    tpu.vector_store %arg10[%swap3A_1834], %select_n3A_1833 {strides = array<i32>} : memref<2304xi32, #tpu.memory_space<vmem>>, vector<16xi32>,
    %get3A_1836 = arith.constant 32 : i32
    %get3A_1837 = arith.index_cast %get3A_1836 : i32 to index
    %get3A_1838 = arith.constant 48 : index
    %get3A_1839 = tpu.vector_load %arg9[%get3A_1837, %get3A_1838] {strides = array<i32>} : memref<36x64xi32, #tpu.memory_space<vmem>>, vector<16xi32>,
    %eq3A_1840 = arith.cmpi eq, %get3A_1839, %broadcast_in_dim3A_5 : vector<16xi32>
    %shift_right_logical3A_1841 = arith.shrui %get3A_1839, %broadcast_in_dim3A_3 : vector<16xi32>
    %select_n3A_1842 = arith.select %eq3A_1840, %broadcast_in_dim3A_1, %shift_right_logical3A_1841 : vector<16xi1>, vector<16xi32>
    %swap3A_1843 = arith.constant 2096 : index
    %swap3A_1844 = tpu.vector_load %arg10[%swap3A_1843] {strides = array<i32>} : memref<2304xi32, #tpu.memory_space<vmem>>, vector<16xi32>,
    tpu.vector_store %arg10[%swap3A_1843], %select_n3A_1842 {strides = array<i32>} : memref<2304xi32, #tpu.memory_space<vmem>>, vector<16xi32>,
    %get3A_1845 = arith.constant 33 : i32
    %get3A_1846 = arith.index_cast %get3A_1845 : i32 to index
    %get3A_1847 = arith.constant 0 : index
    %get3A_1848 = tpu.vector_load %arg9[%get3A_1846, %get3A_1847] {strides = array<i32>} : memref<36x64xi32, #tpu.memory_space<vmem>>, vector<16xi32>,
    %eq3A_1849 = arith.cmpi eq, %get3A_1848, %broadcast_in_dim3A_5 : vector<16xi32>
    %shift_right_logical3A_1850 = arith.shrui %get3A_1848, %broadcast_in_dim3A_3 : vector<16xi32>
    %select_n3A_1851 = arith.select %eq3A_1849, %broadcast_in_dim3A_1, %shift_right_logical3A_1850 : vector<16xi1>, vector<16xi32>
    %swap3A_1852 = arith.constant 2112 : index
    %swap3A_1853 = tpu.vector_load %arg10[%swap3A_1852] {strides = array<i32>} : memref<2304xi32, #tpu.memory_space<vmem>>, vector<16xi32>,
    tpu.vector_store %arg10[%swap3A_1852], %select_n3A_1851 {strides = array<i32>} : memref<2304xi32, #tpu.memory_space<vmem>>, vector<16xi32>,
    %get3A_1854 = arith.constant 33 : i32
    %get3A_1855 = arith.index_cast %get3A_1854 : i32 to index
    %get3A_1856 = arith.constant 16 : index
    %get3A_1857 = tpu.vector_load %arg9[%get3A_1855, %get3A_1856] {strides = array<i32>} : memref<36x64xi32, #tpu.memory_space<vmem>>, vector<16xi32>,
    %eq3A_1858 = arith.cmpi eq, %get3A_1857, %broadcast_in_dim3A_5 : vector<16xi32>
    %shift_right_logical3A_1859 = arith.shrui %get3A_1857, %broadcast_in_dim3A_3 : vector<16xi32>
    %select_n3A_1860 = arith.select %eq3A_1858, %broadcast_in_dim3A_1, %shift_right_logical3A_1859 : vector<16xi1>, vector<16xi32>
    %swap3A_1861 = arith.constant 2128 : index
    %swap3A_1862 = tpu.vector_load %arg10[%swap3A_1861] {strides = array<i32>} : memref<2304xi32, #tpu.memory_space<vmem>>, vector<16xi32>,
    tpu.vector_store %arg10[%swap3A_1861], %select_n3A_1860 {strides = array<i32>} : memref<2304xi32, #tpu.memory_space<vmem>>, vector<16xi32>,
    %get3A_1863 = arith.constant 33 : i32
    %get3A_1864 = arith.index_cast %get3A_1863 : i32 to index
    %get3A_1865 = arith.constant 32 : index
    %get3A_1866 = tpu.vector_load %arg9[%get3A_1864, %get3A_1865] {strides = array<i32>} : memref<36x64xi32, #tpu.memory_space<vmem>>, vector<16xi32>,
    %eq3A_1867 = arith.cmpi eq, %get3A_1866, %broadcast_in_dim3A_5 : vector<16xi32>
    %shift_right_logical3A_1868 = arith.shrui %get3A_1866, %broadcast_in_dim3A_3 : vector<16xi32>
    %select_n3A_1869 = arith.select %eq3A_1867, %broadcast_in_dim3A_1, %shift_right_logical3A_1868 : vector<16xi1>, vector<16xi32>
    %swap3A_1870 = arith.constant 2144 : index
    %swap3A_1871 = tpu.vector_load %arg10[%swap3A_1870] {strides = array<i32>} : memref<2304xi32, #tpu.memory_space<vmem>>, vector<16xi32>,
    tpu.vector_store %arg10[%swap3A_1870], %select_n3A_1869 {strides = array<i32>} : memref<2304xi32, #tpu.memory_space<vmem>>, vector<16xi32>,
    %get3A_1872 = arith.constant 33 : i32
    %get3A_1873 = arith.index_cast %get3A_1872 : i32 to index
    %get3A_1874 = arith.constant 48 : index
    %get3A_1875 = tpu.vector_load %arg9[%get3A_1873, %get3A_1874] {strides = array<i32>} : memref<36x64xi32, #tpu.memory_space<vmem>>, vector<16xi32>,
    %eq3A_1876 = arith.cmpi eq, %get3A_1875, %broadcast_in_dim3A_5 : vector<16xi32>
    %shift_right_logical3A_1877 = arith.shrui %get3A_1875, %broadcast_in_dim3A_3 : vector<16xi32>
    %select_n3A_1878 = arith.select %eq3A_1876, %broadcast_in_dim3A_1, %shift_right_logical3A_1877 : vector<16xi1>, vector<16xi32>
    %swap3A_1879 = arith.constant 2160 : index
    %swap3A_1880 = tpu.vector_load %arg10[%swap3A_1879] {strides = array<i32>} : memref<2304xi32, #tpu.memory_space<vmem>>, vector<16xi32>,
    tpu.vector_store %arg10[%swap3A_1879], %select_n3A_1878 {strides = array<i32>} : memref<2304xi32, #tpu.memory_space<vmem>>, vector<16xi32>,
    %get3A_1881 = arith.constant 34 : i32
    %get3A_1882 = arith.index_cast %get3A_1881 : i32 to index
    %get3A_1883 = arith.constant 0 : index
    %get3A_1884 = tpu.vector_load %arg9[%get3A_1882, %get3A_1883] {strides = array<i32>} : memref<36x64xi32, #tpu.memory_space<vmem>>, vector<16xi32>,
    %eq3A_1885 = arith.cmpi eq, %get3A_1884, %broadcast_in_dim3A_5 : vector<16xi32>
    %shift_right_logical3A_1886 = arith.shrui %get3A_1884, %broadcast_in_dim3A_3 : vector<16xi32>
    %select_n3A_1887 = arith.select %eq3A_1885, %broadcast_in_dim3A_1, %shift_right_logical3A_1886 : vector<16xi1>, vector<16xi32>
    %swap3A_1888 = arith.constant 2176 : index
    %swap3A_1889 = tpu.vector_load %arg10[%swap3A_1888] {strides = array<i32>} : memref<2304xi32, #tpu.memory_space<vmem>>, vector<16xi32>,
    tpu.vector_store %arg10[%swap3A_1888], %select_n3A_1887 {strides = array<i32>} : memref<2304xi32, #tpu.memory_space<vmem>>, vector<16xi32>,
    %get3A_1890 = arith.constant 34 : i32
    %get3A_1891 = arith.index_cast %get3A_1890 : i32 to index
    %get3A_1892 = arith.constant 16 : index
    %get3A_1893 = tpu.vector_load %arg9[%get3A_1891, %get3A_1892] {strides = array<i32>} : memref<36x64xi32, #tpu.memory_space<vmem>>, vector<16xi32>,
    %eq3A_1894 = arith.cmpi eq, %get3A_1893, %broadcast_in_dim3A_5 : vector<16xi32>
    %shift_right_logical3A_1895 = arith.shrui %get3A_1893, %broadcast_in_dim3A_3 : vector<16xi32>
    %select_n3A_1896 = arith.select %eq3A_1894, %broadcast_in_dim3A_1, %shift_right_logical3A_1895 : vector<16xi1>, vector<16xi32>
    %swap3A_1897 = arith.constant 2192 : index
    %swap3A_1898 = tpu.vector_load %arg10[%swap3A_1897] {strides = array<i32>} : memref<2304xi32, #tpu.memory_space<vmem>>, vector<16xi32>,
    tpu.vector_store %arg10[%swap3A_1897], %select_n3A_1896 {strides = array<i32>} : memref<2304xi32, #tpu.memory_space<vmem>>, vector<16xi32>,
    %get3A_1899 = arith.constant 34 : i32
    %get3A_1900 = arith.index_cast %get3A_1899 : i32 to index
    %get3A_1901 = arith.constant 32 : index
    %get3A_1902 = tpu.vector_load %arg9[%get3A_1900, %get3A_1901] {strides = array<i32>} : memref<36x64xi32, #tpu.memory_space<vmem>>, vector<16xi32>,
    %eq3A_1903 = arith.cmpi eq, %get3A_1902, %broadcast_in_dim3A_5 : vector<16xi32>
    %shift_right_logical3A_1904 = arith.shrui %get3A_1902, %broadcast_in_dim3A_3 : vector<16xi32>
    %select_n3A_1905 = arith.select %eq3A_1903, %broadcast_in_dim3A_1, %shift_right_logical3A_1904 : vector<16xi1>, vector<16xi32>
    %swap3A_1906 = arith.constant 2208 : index
    %swap3A_1907 = tpu.vector_load %arg10[%swap3A_1906] {strides = array<i32>} : memref<2304xi32, #tpu.memory_space<vmem>>, vector<16xi32>,
    tpu.vector_store %arg10[%swap3A_1906], %select_n3A_1905 {strides = array<i32>} : memref<2304xi32, #tpu.memory_space<vmem>>, vector<16xi32>,
    %get3A_1908 = arith.constant 34 : i32
    %get3A_1909 = arith.index_cast %get3A_1908 : i32 to index
    %get3A_1910 = arith.constant 48 : index
    %get3A_1911 = tpu.vector_load %arg9[%get3A_1909, %get3A_1910] {strides = array<i32>} : memref<36x64xi32, #tpu.memory_space<vmem>>, vector<16xi32>,
    %eq3A_1912 = arith.cmpi eq, %get3A_1911, %broadcast_in_dim3A_5 : vector<16xi32>
    %shift_right_logical3A_1913 = arith.shrui %get3A_1911, %broadcast_in_dim3A_3 : vector<16xi32>
    %select_n3A_1914 = arith.select %eq3A_1912, %broadcast_in_dim3A_1, %shift_right_logical3A_1913 : vector<16xi1>, vector<16xi32>
    %swap3A_1915 = arith.constant 2224 : index
    %swap3A_1916 = tpu.vector_load %arg10[%swap3A_1915] {strides = array<i32>} : memref<2304xi32, #tpu.memory_space<vmem>>, vector<16xi32>,
    tpu.vector_store %arg10[%swap3A_1915], %select_n3A_1914 {strides = array<i32>} : memref<2304xi32, #tpu.memory_space<vmem>>, vector<16xi32>,
    %get3A_1917 = arith.constant 35 : i32
    %get3A_1918 = arith.index_cast %get3A_1917 : i32 to index
    %get3A_1919 = arith.constant 0 : index
    %get3A_1920 = tpu.vector_load %arg9[%get3A_1918, %get3A_1919] {strides = array<i32>} : memref<36x64xi32, #tpu.memory_space<vmem>>, vector<16xi32>,
    %eq3A_1921 = arith.cmpi eq, %get3A_1920, %broadcast_in_dim3A_5 : vector<16xi32>
    %shift_right_logical3A_1922 = arith.shrui %get3A_1920, %broadcast_in_dim3A_3 : vector<16xi32>
    %select_n3A_1923 = arith.select %eq3A_1921, %broadcast_in_dim3A_1, %shift_right_logical3A_1922 : vector<16xi1>, vector<16xi32>
    %swap3A_1924 = arith.constant 2240 : index
    %swap3A_1925 = tpu.vector_load %arg10[%swap3A_1924] {strides = array<i32>} : memref<2304xi32, #tpu.memory_space<vmem>>, vector<16xi32>,
    tpu.vector_store %arg10[%swap3A_1924], %select_n3A_1923 {strides = array<i32>} : memref<2304xi32, #tpu.memory_space<vmem>>, vector<16xi32>,
    %get3A_1926 = arith.constant 35 : i32
    %get3A_1927 = arith.index_cast %get3A_1926 : i32 to index
    %get3A_1928 = arith.constant 16 : index
    %get3A_1929 = tpu.vector_load %arg9[%get3A_1927, %get3A_1928] {strides = array<i32>} : memref<36x64xi32, #tpu.memory_space<vmem>>, vector<16xi32>,
    %eq3A_1930 = arith.cmpi eq, %get3A_1929, %broadcast_in_dim3A_5 : vector<16xi32>
    %shift_right_logical3A_1931 = arith.shrui %get3A_1929, %broadcast_in_dim3A_3 : vector<16xi32>
    %select_n3A_1932 = arith.select %eq3A_1930, %broadcast_in_dim3A_1, %shift_right_logical3A_1931 : vector<16xi1>, vector<16xi32>
    %swap3A_1933 = arith.constant 2256 : index
    %swap3A_1934 = tpu.vector_load %arg10[%swap3A_1933] {strides = array<i32>} : memref<2304xi32, #tpu.memory_space<vmem>>, vector<16xi32>,
    tpu.vector_store %arg10[%swap3A_1933], %select_n3A_1932 {strides = array<i32>} : memref<2304xi32, #tpu.memory_space<vmem>>, vector<16xi32>,
    %get3A_1935 = arith.constant 35 : i32
    %get3A_1936 = arith.index_cast %get3A_1935 : i32 to index
    %get3A_1937 = arith.constant 32 : index
    %get3A_1938 = tpu.vector_load %arg9[%get3A_1936, %get3A_1937] {strides = array<i32>} : memref<36x64xi32, #tpu.memory_space<vmem>>, vector<16xi32>,
    %eq3A_1939 = arith.cmpi eq, %get3A_1938, %broadcast_in_dim3A_5 : vector<16xi32>
    %shift_right_logical3A_1940 = arith.shrui %get3A_1938, %broadcast_in_dim3A_3 : vector<16xi32>
    %select_n3A_1941 = arith.select %eq3A_1939, %broadcast_in_dim3A_1, %shift_right_logical3A_1940 : vector<16xi1>, vector<16xi32>
    %swap3A_1942 = arith.constant 2272 : index
    %swap3A_1943 = tpu.vector_load %arg10[%swap3A_1942] {strides = array<i32>} : memref<2304xi32, #tpu.memory_space<vmem>>, vector<16xi32>,
    tpu.vector_store %arg10[%swap3A_1942], %select_n3A_1941 {strides = array<i32>} : memref<2304xi32, #tpu.memory_space<vmem>>, vector<16xi32>,
    %get3A_1944 = arith.constant 35 : i32
    %get3A_1945 = arith.index_cast %get3A_1944 : i32 to index
    %get3A_1946 = arith.constant 48 : index
    %get3A_1947 = tpu.vector_load %arg9[%get3A_1945, %get3A_1946] {strides = array<i32>} : memref<36x64xi32, #tpu.memory_space<vmem>>, vector<16xi32>,
    %eq3A_1948 = arith.cmpi eq, %get3A_1947, %broadcast_in_dim3A_5 : vector<16xi32>
    %shift_right_logical3A_1949 = arith.shrui %get3A_1947, %broadcast_in_dim3A_3 : vector<16xi32>
    %select_n3A_1950 = arith.select %eq3A_1948, %broadcast_in_dim3A_1, %shift_right_logical3A_1949 : vector<16xi1>, vector<16xi32>
    %swap3A_1951 = arith.constant 2288 : index
    %swap3A_1952 = tpu.vector_load %arg10[%swap3A_1951] {strides = array<i32>} : memref<2304xi32, #tpu.memory_space<vmem>>, vector<16xi32>,
    tpu.vector_store %arg10[%swap3A_1951], %select_n3A_1950 {strides = array<i32>} : memref<2304xi32, #tpu.memory_space<vmem>>, vector<16xi32>,
    %eq3A_1953 = arith.constant 0 : i32
    %eq3A_1954 = arith.cmpi eq, %arg0, %eq3A_1953 : i32
    %convert_element_type3A = arith.extui %eq3A_1954 : i1 to i32
    %cond3A = arith.constant 0 : i32
    %cond3A_1955 = arith.cmpi ne, %convert_element_type3A, %cond3A : i32
    scf.if %cond3A_1955 {
      %while3A_1998 = arith.constant 0 : i32
      %while3A_1999 = arith.constant 0 : i32
      %while3A_2000 = arith.subi %reduce_sum3A_643, %while3A_1999 : i32
      %while3A_2001 = arith.addi %while3A_1999, %while3A_2000 : i32
      %while3A_2002 = arith.constant 1 : i32
      %while3A_2003 = arith.divsi %while3A_2000, %while3A_2002 : i32
      %while3A_2004 = arith.muli %while3A_2003, %while3A_2002 : i32
      %while3A_2005 = arith.addi %while3A_1999, %while3A_2004 : i32
      %while3A_2006 = arith.constant 1 : i32
      scf.for %while3A_2008 = %while3A_1999 to %while3A_2005 step %while3A_2006  : i32 {
        %mul3A_2009 = arith.constant 4 : i32
        %mul3A_2010 = arith.muli %while3A_2008, %mul3A_2009 : i32
        %multiple_of3A = tpu.assume_multiple %mul3A_2010, 4 : i32
        %shift_right_arithmetic3A_2011 = arith.constant 6 : i32
        %shift_right_arithmetic3A_2012 = arith.shrsi %reduce_sum3A_648, %shift_right_arithmetic3A_2011 : i32
        %add3A_2013 = arith.addi %shift_right_arithmetic3A_2012, %multiple_of3A : i32
        %multiple_of3A_2014 = tpu.assume_multiple %add3A_2013, 4 : i32
        "tpu.region"() ({
          %run_scoped3A = tpu.sem_alloc : memref<!tpu.dma_semaphore, #tpu.memory_space<semaphore_mem>>
          %dma_start3A = arith.constant 0 : i32
          %dma_start3A_2015 = tpu.memref_slice %arg9[%multiple_of3A, %dma_start3A] : memref<36x64xi32, #tpu.memory_space<vmem>> -> memref<4x64xi32, #tpu.memory_space<vmem>>
          %dma_start3A_2016 = arith.constant 0 : i32
          %dma_start3A_2017 = tpu.memref_slice %arg6[%multiple_of3A_2014, %dma_start3A_2016] : memref<128x64xi32, #tpu.memory_space<hbm>> -> memref<4x64xi32, #tpu.memory_space<hbm>>
          %dma_start3A_2018 = arith.constant 0 : i32
          %dma_start3A_2019 = tpu.memref_slice %arg6[%multiple_of3A_2014, %dma_start3A_2018] : memref<128x64xi32, #tpu.memory_space<hbm>> -> memref<4x64xi32, #tpu.memory_space<hbm>>
          %dma_start3A_2020 = arith.constant 0 : i32
          %dma_start3A_2021 = tpu.memref_slice %arg9[%multiple_of3A, %dma_start3A_2020] : memref<36x64xi32, #tpu.memory_space<vmem>> -> memref<4x64xi32, #tpu.memory_space<vmem>>
          tpu.enqueue_dma source(%dma_start3A_2021 : memref<4x64xi32, #tpu.memory_space<vmem>>) target(%dma_start3A_2019 : memref<4x64xi32, #tpu.memory_space<hbm>>) target_semaphore(%run_scoped3A : memref<!tpu.dma_semaphore, #tpu.memory_space<semaphore_mem>>)
          %dma_wait3A = arith.constant 0 : i32
          %dma_wait3A_2022 = tpu.memref_slice %arg9[%multiple_of3A, %dma_wait3A] : memref<36x64xi32, #tpu.memory_space<vmem>> -> memref<4x64xi32, #tpu.memory_space<vmem>>
          %dma_wait3A_2023 = arith.constant 0 : i32
          %dma_wait3A_2024 = tpu.memref_slice %arg6[%multiple_of3A_2014, %dma_wait3A_2023] : memref<128x64xi32, #tpu.memory_space<hbm>> -> memref<4x64xi32, #tpu.memory_space<hbm>>
          %dma_wait3A_2025 = arith.constant 0 : i32
          %dma_wait3A_2026 = tpu.memref_slice %arg6[%multiple_of3A_2014, %dma_wait3A_2025] : memref<128x64xi32, #tpu.memory_space<hbm>> -> memref<4x64xi32, #tpu.memory_space<hbm>>
          %dma_wait3A_2027 = arith.constant 0 : i32
          %dma_wait3A_2028 = tpu.memref_slice %arg9[%multiple_of3A, %dma_wait3A_2027] : memref<36x64xi32, #tpu.memory_space<vmem>> -> memref<4x64xi32, #tpu.memory_space<vmem>>
          tpu.wait_dma2 semaphore(%run_scoped3A : memref<!tpu.dma_semaphore, #tpu.memory_space<semaphore_mem>>) src(%dma_wait3A_2028 : memref<4x64xi32, #tpu.memory_space<vmem>>) dst(%dma_wait3A_2026 : memref<4x64xi32, #tpu.memory_space<hbm>>)
          tpu.yield
        }) : () -> ()
      }
      %while3A_2007 = arith.constant 1 : i32
      scf.for %while3A_2008 = %while3A_2005 to %while3A_2001 step %while3A_2007  : i32 {
        %mul3A_2009 = arith.constant 4 : i32
        %mul3A_2010 = arith.muli %while3A_2008, %mul3A_2009 : i32
        %multiple_of3A = tpu.assume_multiple %mul3A_2010, 4 : i32
        %shift_right_arithmetic3A_2011 = arith.constant 6 : i32
        %shift_right_arithmetic3A_2012 = arith.shrsi %reduce_sum3A_648, %shift_right_arithmetic3A_2011 : i32
        %add3A_2013 = arith.addi %shift_right_arithmetic3A_2012, %multiple_of3A : i32
        %multiple_of3A_2014 = tpu.assume_multiple %add3A_2013, 4 : i32
        "tpu.region"() ({
          %run_scoped3A = tpu.sem_alloc : memref<!tpu.dma_semaphore, #tpu.memory_space<semaphore_mem>>
          %dma_start3A = arith.constant 0 : i32
          %dma_start3A_2015 = tpu.memref_slice %arg9[%multiple_of3A, %dma_start3A] : memref<36x64xi32, #tpu.memory_space<vmem>> -> memref<4x64xi32, #tpu.memory_space<vmem>>
          %dma_start3A_2016 = arith.constant 0 : i32
          %dma_start3A_2017 = tpu.memref_slice %arg6[%multiple_of3A_2014, %dma_start3A_2016] : memref<128x64xi32, #tpu.memory_space<hbm>> -> memref<4x64xi32, #tpu.memory_space<hbm>>
          %dma_start3A_2018 = arith.constant 0 : i32
          %dma_start3A_2019 = tpu.memref_slice %arg6[%multiple_of3A_2014, %dma_start3A_2018] : memref<128x64xi32, #tpu.memory_space<hbm>> -> memref<4x64xi32, #tpu.memory_space<hbm>>
          %dma_start3A_2020 = arith.constant 0 : i32
          %dma_start3A_2021 = tpu.memref_slice %arg9[%multiple_of3A, %dma_start3A_2020] : memref<36x64xi32, #tpu.memory_space<vmem>> -> memref<4x64xi32, #tpu.memory_space<vmem>>
          tpu.enqueue_dma source(%dma_start3A_2021 : memref<4x64xi32, #tpu.memory_space<vmem>>) target(%dma_start3A_2019 : memref<4x64xi32, #tpu.memory_space<hbm>>) target_semaphore(%run_scoped3A : memref<!tpu.dma_semaphore, #tpu.memory_space<semaphore_mem>>)
          %dma_wait3A = arith.constant 0 : i32
          %dma_wait3A_2022 = tpu.memref_slice %arg9[%multiple_of3A, %dma_wait3A] : memref<36x64xi32, #tpu.memory_space<vmem>> -> memref<4x64xi32, #tpu.memory_space<vmem>>
          %dma_wait3A_2023 = arith.constant 0 : i32
          %dma_wait3A_2024 = tpu.memref_slice %arg6[%multiple_of3A_2014, %dma_wait3A_2023] : memref<128x64xi32, #tpu.memory_space<hbm>> -> memref<4x64xi32, #tpu.memory_space<hbm>>
          %dma_wait3A_2025 = arith.constant 0 : i32
          %dma_wait3A_2026 = tpu.memref_slice %arg6[%multiple_of3A_2014, %dma_wait3A_2025] : memref<128x64xi32, #tpu.memory_space<hbm>> -> memref<4x64xi32, #tpu.memory_space<hbm>>
          %dma_wait3A_2027 = arith.constant 0 : i32
          %dma_wait3A_2028 = tpu.memref_slice %arg9[%multiple_of3A, %dma_wait3A_2027] : memref<36x64xi32, #tpu.memory_space<vmem>> -> memref<4x64xi32, #tpu.memory_space<vmem>>
          tpu.wait_dma2 semaphore(%run_scoped3A : memref<!tpu.dma_semaphore, #tpu.memory_space<semaphore_mem>>) src(%dma_wait3A_2028 : memref<4x64xi32, #tpu.memory_space<vmem>>) dst(%dma_wait3A_2026 : memref<4x64xi32, #tpu.memory_space<hbm>>)
          tpu.yield
        }) : () -> ()
      }
    } else {
    }
    %eq3A_1956 = arith.constant 0 : i32
    %eq3A_1957 = arith.cmpi eq, %arg0, %eq3A_1956 : i32
    %eq3A_1958 = arith.constant 0 : i32
    %eq3A_1959 = arith.cmpi eq, %arg1, %eq3A_1958 : i32
    %and3A = arith.andi %eq3A_1957, %eq3A_1959 : i1
    %convert_element_type3A_1960 = arith.extui %and3A : i1 to i32
    %cond3A_1961 = arith.constant 0 : i32
    %cond3A_1962 = arith.cmpi ne, %convert_element_type3A_1960, %cond3A_1961 : i32
    scf.if %cond3A_1962 {
      %broadcast_in_dim3A_1998 = arith.constant 0 : i32
      %broadcast_in_dim3A_1999 = vector.broadcast %broadcast_in_dim3A_1998 : i32 to vector<16xi32>
      %add3A_2000 = arith.addi %iota3A, %broadcast_in_dim3A_1999 : vector<16xi32>
      %broadcast_in_dim3A_2001 = arith.constant 0 : i32
      %broadcast_in_dim3A_2002 = vector.broadcast %broadcast_in_dim3A_2001 : i32 to vector<16xi32>
      %broadcast_in_dim3A_2003 = arith.constant 0 : i32
      %broadcast_in_dim3A_2004 = vector.broadcast %broadcast_in_dim3A_2003 : i32 to vector<16xi32>
      %eq3A_2005 = arith.cmpi eq, %iota3A, %broadcast_in_dim3A_2004 : vector<16xi32>
      %select_n3A_2006 = arith.select %eq3A_2005, %cumsum3A_638, %broadcast_in_dim3A_1 : vector<16xi1>, vector<16xi32>
      %reduce_sum3A_2007 = arith.constant true
      %reduce_sum3A_2008 = vector.broadcast %reduce_sum3A_2007 : i1 to vector<16xi1>
      %reduce_sum3A_2009 = tpu.scan <sum>, %select_n3A_2006 masked %reduce_sum3A_2008 : vector<16xi32>, vector<16xi1> -> vector<16xi32>
      %reduce_sum3A_2010 = vector.extract %reduce_sum3A_2009[15] : i32 from vector<16xi32>
      %broadcast_in_dim3A_2011 = vector.broadcast %reduce_sum3A_2010 : i32 to vector<16xi32>
      %ge3A = arith.cmpi sge, %add3A_2000, %broadcast_in_dim3A_2011 : vector<16xi32>
      %select_n3A_2012 = arith.select %ge3A, %broadcast_in_dim3A_3, %broadcast_in_dim3A_1 : vector<16xi1>, vector<16xi32>
      %add3A_2013 = arith.addi %broadcast_in_dim3A_2002, %select_n3A_2012 : vector<16xi32>
      %broadcast_in_dim3A_2014 = arith.constant 1 : i32
      %broadcast_in_dim3A_2015 = vector.broadcast %broadcast_in_dim3A_2014 : i32 to vector<16xi32>
      %eq3A_2016 = arith.cmpi eq, %iota3A, %broadcast_in_dim3A_2015 : vector<16xi32>
      %select_n3A_2017 = arith.select %eq3A_2016, %cumsum3A_638, %broadcast_in_dim3A_1 : vector<16xi1>, vector<16xi32>
      %reduce_sum3A_2018 = arith.constant true
      %reduce_sum3A_2019 = vector.broadcast %reduce_sum3A_2018 : i1 to vector<16xi1>
      %reduce_sum3A_2020 = tpu.scan <sum>, %select_n3A_2017 masked %reduce_sum3A_2019 : vector<16xi32>, vector<16xi1> -> vector<16xi32>
      %reduce_sum3A_2021 = vector.extract %reduce_sum3A_2020[15] : i32 from vector<16xi32>
      %broadcast_in_dim3A_2022 = vector.broadcast %reduce_sum3A_2021 : i32 to vector<16xi32>
      %ge3A_2023 = arith.cmpi sge, %add3A_2000, %broadcast_in_dim3A_2022 : vector<16xi32>
      %select_n3A_2024 = arith.select %ge3A_2023, %broadcast_in_dim3A_3, %broadcast_in_dim3A_1 : vector<16xi1>, vector<16xi32>
      %add3A_2025 = arith.addi %add3A_2013, %select_n3A_2024 : vector<16xi32>
      %broadcast_in_dim3A_2026 = arith.constant 2 : i32
      %broadcast_in_dim3A_2027 = vector.broadcast %broadcast_in_dim3A_2026 : i32 to vector<16xi32>
      %eq3A_2028 = arith.cmpi eq, %iota3A, %broadcast_in_dim3A_2027 : vector<16xi32>
      %select_n3A_2029 = arith.select %eq3A_2028, %cumsum3A_638, %broadcast_in_dim3A_1 : vector<16xi1>, vector<16xi32>
      %reduce_sum3A_2030 = arith.constant true
      %reduce_sum3A_2031 = vector.broadcast %reduce_sum3A_2030 : i1 to vector<16xi1>
      %reduce_sum3A_2032 = tpu.scan <sum>, %select_n3A_2029 masked %reduce_sum3A_2031 : vector<16xi32>, vector<16xi1> -> vector<16xi32>
      %reduce_sum3A_2033 = vector.extract %reduce_sum3A_2032[15] : i32 from vector<16xi32>
      %broadcast_in_dim3A_2034 = vector.broadcast %reduce_sum3A_2033 : i32 to vector<16xi32>
      %ge3A_2035 = arith.cmpi sge, %add3A_2000, %broadcast_in_dim3A_2034 : vector<16xi32>
      %select_n3A_2036 = arith.select %ge3A_2035, %broadcast_in_dim3A_3, %broadcast_in_dim3A_1 : vector<16xi1>, vector<16xi32>
      %add3A_2037 = arith.addi %add3A_2025, %select_n3A_2036 : vector<16xi32>
      %broadcast_in_dim3A_2038 = arith.constant 3 : i32
      %broadcast_in_dim3A_2039 = vector.broadcast %broadcast_in_dim3A_2038 : i32 to vector<16xi32>
      %eq3A_2040 = arith.cmpi eq, %iota3A, %broadcast_in_dim3A_2039 : vector<16xi32>
      %select_n3A_2041 = arith.select %eq3A_2040, %cumsum3A_638, %broadcast_in_dim3A_1 : vector<16xi1>, vector<16xi32>
      %reduce_sum3A_2042 = arith.constant true
      %reduce_sum3A_2043 = vector.broadcast %reduce_sum3A_2042 : i1 to vector<16xi1>
      %reduce_sum3A_2044 = tpu.scan <sum>, %select_n3A_2041 masked %reduce_sum3A_2043 : vector<16xi32>, vector<16xi1> -> vector<16xi32>
      %reduce_sum3A_2045 = vector.extract %reduce_sum3A_2044[15] : i32 from vector<16xi32>
      %broadcast_in_dim3A_2046 = vector.broadcast %reduce_sum3A_2045 : i32 to vector<16xi32>
      %ge3A_2047 = arith.cmpi sge, %add3A_2000, %broadcast_in_dim3A_2046 : vector<16xi32>
      %select_n3A_2048 = arith.select %ge3A_2047, %broadcast_in_dim3A_3, %broadcast_in_dim3A_1 : vector<16xi1>, vector<16xi32>
      %add3A_2049 = arith.addi %add3A_2037, %select_n3A_2048 : vector<16xi32>
      %broadcast_in_dim3A_2050 = arith.constant 4 : i32
      %broadcast_in_dim3A_2051 = vector.broadcast %broadcast_in_dim3A_2050 : i32 to vector<16xi32>
      %eq3A_2052 = arith.cmpi eq, %iota3A, %broadcast_in_dim3A_2051 : vector<16xi32>
      %select_n3A_2053 = arith.select %eq3A_2052, %cumsum3A_638, %broadcast_in_dim3A_1 : vector<16xi1>, vector<16xi32>
      %reduce_sum3A_2054 = arith.constant true
      %reduce_sum3A_2055 = vector.broadcast %reduce_sum3A_2054 : i1 to vector<16xi1>
      %reduce_sum3A_2056 = tpu.scan <sum>, %select_n3A_2053 masked %reduce_sum3A_2055 : vector<16xi32>, vector<16xi1> -> vector<16xi32>
      %reduce_sum3A_2057 = vector.extract %reduce_sum3A_2056[15] : i32 from vector<16xi32>
      %broadcast_in_dim3A_2058 = vector.broadcast %reduce_sum3A_2057 : i32 to vector<16xi32>
      %ge3A_2059 = arith.cmpi sge, %add3A_2000, %broadcast_in_dim3A_2058 : vector<16xi32>
      %select_n3A_2060 = arith.select %ge3A_2059, %broadcast_in_dim3A_3, %broadcast_in_dim3A_1 : vector<16xi1>, vector<16xi32>
      %add3A_2061 = arith.addi %add3A_2049, %select_n3A_2060 : vector<16xi32>
      %broadcast_in_dim3A_2062 = arith.constant 5 : i32
      %broadcast_in_dim3A_2063 = vector.broadcast %broadcast_in_dim3A_2062 : i32 to vector<16xi32>
      %eq3A_2064 = arith.cmpi eq, %iota3A, %broadcast_in_dim3A_2063 : vector<16xi32>
      %select_n3A_2065 = arith.select %eq3A_2064, %cumsum3A_638, %broadcast_in_dim3A_1 : vector<16xi1>, vector<16xi32>
      %reduce_sum3A_2066 = arith.constant true
      %reduce_sum3A_2067 = vector.broadcast %reduce_sum3A_2066 : i1 to vector<16xi1>
      %reduce_sum3A_2068 = tpu.scan <sum>, %select_n3A_2065 masked %reduce_sum3A_2067 : vector<16xi32>, vector<16xi1> -> vector<16xi32>
      %reduce_sum3A_2069 = vector.extract %reduce_sum3A_2068[15] : i32 from vector<16xi32>
      %broadcast_in_dim3A_2070 = vector.broadcast %reduce_sum3A_2069 : i32 to vector<16xi32>
      %ge3A_2071 = arith.cmpi sge, %add3A_2000, %broadcast_in_dim3A_2070 : vector<16xi32>
      %select_n3A_2072 = arith.select %ge3A_2071, %broadcast_in_dim3A_3, %broadcast_in_dim3A_1 : vector<16xi1>, vector<16xi32>
      %add3A_2073 = arith.addi %add3A_2061, %select_n3A_2072 : vector<16xi32>
      %broadcast_in_dim3A_2074 = arith.constant 6 : i32
      %broadcast_in_dim3A_2075 = vector.broadcast %broadcast_in_dim3A_2074 : i32 to vector<16xi32>
      %eq3A_2076 = arith.cmpi eq, %iota3A, %broadcast_in_dim3A_2075 : vector<16xi32>
      %select_n3A_2077 = arith.select %eq3A_2076, %cumsum3A_638, %broadcast_in_dim3A_1 : vector<16xi1>, vector<16xi32>
      %reduce_sum3A_2078 = arith.constant true
      %reduce_sum3A_2079 = vector.broadcast %reduce_sum3A_2078 : i1 to vector<16xi1>
      %reduce_sum3A_2080 = tpu.scan <sum>, %select_n3A_2077 masked %reduce_sum3A_2079 : vector<16xi32>, vector<16xi1> -> vector<16xi32>
      %reduce_sum3A_2081 = vector.extract %reduce_sum3A_2080[15] : i32 from vector<16xi32>
      %broadcast_in_dim3A_2082 = vector.broadcast %reduce_sum3A_2081 : i32 to vector<16xi32>
      %ge3A_2083 = arith.cmpi sge, %add3A_2000, %broadcast_in_dim3A_2082 : vector<16xi32>
      %select_n3A_2084 = arith.select %ge3A_2083, %broadcast_in_dim3A_3, %broadcast_in_dim3A_1 : vector<16xi1>, vector<16xi32>
      %add3A_2085 = arith.addi %add3A_2073, %select_n3A_2084 : vector<16xi32>
      %broadcast_in_dim3A_2086 = arith.constant 7 : i32
      %broadcast_in_dim3A_2087 = vector.broadcast %broadcast_in_dim3A_2086 : i32 to vector<16xi32>
      %eq3A_2088 = arith.cmpi eq, %iota3A, %broadcast_in_dim3A_2087 : vector<16xi32>
      %select_n3A_2089 = arith.select %eq3A_2088, %cumsum3A_638, %broadcast_in_dim3A_1 : vector<16xi1>, vector<16xi32>
      %reduce_sum3A_2090 = arith.constant true
      %reduce_sum3A_2091 = vector.broadcast %reduce_sum3A_2090 : i1 to vector<16xi1>
      %reduce_sum3A_2092 = tpu.scan <sum>, %select_n3A_2089 masked %reduce_sum3A_2091 : vector<16xi32>, vector<16xi1> -> vector<16xi32>
      %reduce_sum3A_2093 = vector.extract %reduce_sum3A_2092[15] : i32 from vector<16xi32>
      %broadcast_in_dim3A_2094 = vector.broadcast %reduce_sum3A_2093 : i32 to vector<16xi32>
      %ge3A_2095 = arith.cmpi sge, %add3A_2000, %broadcast_in_dim3A_2094 : vector<16xi32>
      %select_n3A_2096 = arith.select %ge3A_2095, %broadcast_in_dim3A_3, %broadcast_in_dim3A_1 : vector<16xi1>, vector<16xi32>
      %add3A_2097 = arith.addi %add3A_2085, %select_n3A_2096 : vector<16xi32>
      %broadcast_in_dim3A_2098 = arith.constant 8 : i32
      %broadcast_in_dim3A_2099 = vector.broadcast %broadcast_in_dim3A_2098 : i32 to vector<16xi32>
      %eq3A_2100 = arith.cmpi eq, %iota3A, %broadcast_in_dim3A_2099 : vector<16xi32>
      %select_n3A_2101 = arith.select %eq3A_2100, %cumsum3A_638, %broadcast_in_dim3A_1 : vector<16xi1>, vector<16xi32>
      %reduce_sum3A_2102 = arith.constant true
      %reduce_sum3A_2103 = vector.broadcast %reduce_sum3A_2102 : i1 to vector<16xi1>
      %reduce_sum3A_2104 = tpu.scan <sum>, %select_n3A_2101 masked %reduce_sum3A_2103 : vector<16xi32>, vector<16xi1> -> vector<16xi32>
      %reduce_sum3A_2105 = vector.extract %reduce_sum3A_2104[15] : i32 from vector<16xi32>
      %broadcast_in_dim3A_2106 = vector.broadcast %reduce_sum3A_2105 : i32 to vector<16xi32>
      %ge3A_2107 = arith.cmpi sge, %add3A_2000, %broadcast_in_dim3A_2106 : vector<16xi32>
      %select_n3A_2108 = arith.select %ge3A_2107, %broadcast_in_dim3A_3, %broadcast_in_dim3A_1 : vector<16xi1>, vector<16xi32>
      %add3A_2109 = arith.addi %add3A_2097, %select_n3A_2108 : vector<16xi32>
      %broadcast_in_dim3A_2110 = arith.constant 9 : i32
      %broadcast_in_dim3A_2111 = vector.broadcast %broadcast_in_dim3A_2110 : i32 to vector<16xi32>
      %eq3A_2112 = arith.cmpi eq, %iota3A, %broadcast_in_dim3A_2111 : vector<16xi32>
      %select_n3A_2113 = arith.select %eq3A_2112, %cumsum3A_638, %broadcast_in_dim3A_1 : vector<16xi1>, vector<16xi32>
      %reduce_sum3A_2114 = arith.constant true
      %reduce_sum3A_2115 = vector.broadcast %reduce_sum3A_2114 : i1 to vector<16xi1>
      %reduce_sum3A_2116 = tpu.scan <sum>, %select_n3A_2113 masked %reduce_sum3A_2115 : vector<16xi32>, vector<16xi1> -> vector<16xi32>
      %reduce_sum3A_2117 = vector.extract %reduce_sum3A_2116[15] : i32 from vector<16xi32>
      %broadcast_in_dim3A_2118 = vector.broadcast %reduce_sum3A_2117 : i32 to vector<16xi32>
      %ge3A_2119 = arith.cmpi sge, %add3A_2000, %broadcast_in_dim3A_2118 : vector<16xi32>
      %select_n3A_2120 = arith.select %ge3A_2119, %broadcast_in_dim3A_3, %broadcast_in_dim3A_1 : vector<16xi1>, vector<16xi32>
      %add3A_2121 = arith.addi %add3A_2109, %select_n3A_2120 : vector<16xi32>
      %broadcast_in_dim3A_2122 = arith.constant 10 : i32
      %broadcast_in_dim3A_2123 = vector.broadcast %broadcast_in_dim3A_2122 : i32 to vector<16xi32>
      %eq3A_2124 = arith.cmpi eq, %iota3A, %broadcast_in_dim3A_2123 : vector<16xi32>
      %select_n3A_2125 = arith.select %eq3A_2124, %cumsum3A_638, %broadcast_in_dim3A_1 : vector<16xi1>, vector<16xi32>
      %reduce_sum3A_2126 = arith.constant true
      %reduce_sum3A_2127 = vector.broadcast %reduce_sum3A_2126 : i1 to vector<16xi1>
      %reduce_sum3A_2128 = tpu.scan <sum>, %select_n3A_2125 masked %reduce_sum3A_2127 : vector<16xi32>, vector<16xi1> -> vector<16xi32>
      %reduce_sum3A_2129 = vector.extract %reduce_sum3A_2128[15] : i32 from vector<16xi32>
      %broadcast_in_dim3A_2130 = vector.broadcast %reduce_sum3A_2129 : i32 to vector<16xi32>
      %ge3A_2131 = arith.cmpi sge, %add3A_2000, %broadcast_in_dim3A_2130 : vector<16xi32>
      %select_n3A_2132 = arith.select %ge3A_2131, %broadcast_in_dim3A_3, %broadcast_in_dim3A_1 : vector<16xi1>, vector<16xi32>
      %add3A_2133 = arith.addi %add3A_2121, %select_n3A_2132 : vector<16xi32>
      %broadcast_in_dim3A_2134 = arith.constant 11 : i32
      %broadcast_in_dim3A_2135 = vector.broadcast %broadcast_in_dim3A_2134 : i32 to vector<16xi32>
      %eq3A_2136 = arith.cmpi eq, %iota3A, %broadcast_in_dim3A_2135 : vector<16xi32>
      %select_n3A_2137 = arith.select %eq3A_2136, %cumsum3A_638, %broadcast_in_dim3A_1 : vector<16xi1>, vector<16xi32>
      %reduce_sum3A_2138 = arith.constant true
      %reduce_sum3A_2139 = vector.broadcast %reduce_sum3A_2138 : i1 to vector<16xi1>
      %reduce_sum3A_2140 = tpu.scan <sum>, %select_n3A_2137 masked %reduce_sum3A_2139 : vector<16xi32>, vector<16xi1> -> vector<16xi32>
      %reduce_sum3A_2141 = vector.extract %reduce_sum3A_2140[15] : i32 from vector<16xi32>
      %broadcast_in_dim3A_2142 = vector.broadcast %reduce_sum3A_2141 : i32 to vector<16xi32>
      %ge3A_2143 = arith.cmpi sge, %add3A_2000, %broadcast_in_dim3A_2142 : vector<16xi32>
      %select_n3A_2144 = arith.select %ge3A_2143, %broadcast_in_dim3A_3, %broadcast_in_dim3A_1 : vector<16xi1>, vector<16xi32>
      %add3A_2145 = arith.addi %add3A_2133, %select_n3A_2144 : vector<16xi32>
      %broadcast_in_dim3A_2146 = arith.constant 12 : i32
      %broadcast_in_dim3A_2147 = vector.broadcast %broadcast_in_dim3A_2146 : i32 to vector<16xi32>
      %eq3A_2148 = arith.cmpi eq, %iota3A, %broadcast_in_dim3A_2147 : vector<16xi32>
      %select_n3A_2149 = arith.select %eq3A_2148, %cumsum3A_638, %broadcast_in_dim3A_1 : vector<16xi1>, vector<16xi32>
      %reduce_sum3A_2150 = arith.constant true
      %reduce_sum3A_2151 = vector.broadcast %reduce_sum3A_2150 : i1 to vector<16xi1>
      %reduce_sum3A_2152 = tpu.scan <sum>, %select_n3A_2149 masked %reduce_sum3A_2151 : vector<16xi32>, vector<16xi1> -> vector<16xi32>
      %reduce_sum3A_2153 = vector.extract %reduce_sum3A_2152[15] : i32 from vector<16xi32>
      %broadcast_in_dim3A_2154 = vector.broadcast %reduce_sum3A_2153 : i32 to vector<16xi32>
      %ge3A_2155 = arith.cmpi sge, %add3A_2000, %broadcast_in_dim3A_2154 : vector<16xi32>
      %select_n3A_2156 = arith.select %ge3A_2155, %broadcast_in_dim3A_3, %broadcast_in_dim3A_1 : vector<16xi1>, vector<16xi32>
      %add3A_2157 = arith.addi %add3A_2145, %select_n3A_2156 : vector<16xi32>
      %broadcast_in_dim3A_2158 = arith.constant 13 : i32
      %broadcast_in_dim3A_2159 = vector.broadcast %broadcast_in_dim3A_2158 : i32 to vector<16xi32>
      %eq3A_2160 = arith.cmpi eq, %iota3A, %broadcast_in_dim3A_2159 : vector<16xi32>
      %select_n3A_2161 = arith.select %eq3A_2160, %cumsum3A_638, %broadcast_in_dim3A_1 : vector<16xi1>, vector<16xi32>
      %reduce_sum3A_2162 = arith.constant true
      %reduce_sum3A_2163 = vector.broadcast %reduce_sum3A_2162 : i1 to vector<16xi1>
      %reduce_sum3A_2164 = tpu.scan <sum>, %select_n3A_2161 masked %reduce_sum3A_2163 : vector<16xi32>, vector<16xi1> -> vector<16xi32>
      %reduce_sum3A_2165 = vector.extract %reduce_sum3A_2164[15] : i32 from vector<16xi32>
      %broadcast_in_dim3A_2166 = vector.broadcast %reduce_sum3A_2165 : i32 to vector<16xi32>
      %ge3A_2167 = arith.cmpi sge, %add3A_2000, %broadcast_in_dim3A_2166 : vector<16xi32>
      %select_n3A_2168 = arith.select %ge3A_2167, %broadcast_in_dim3A_3, %broadcast_in_dim3A_1 : vector<16xi1>, vector<16xi32>
      %add3A_2169 = arith.addi %add3A_2157, %select_n3A_2168 : vector<16xi32>
      %broadcast_in_dim3A_2170 = arith.constant 14 : i32
      %broadcast_in_dim3A_2171 = vector.broadcast %broadcast_in_dim3A_2170 : i32 to vector<16xi32>
      %eq3A_2172 = arith.cmpi eq, %iota3A, %broadcast_in_dim3A_2171 : vector<16xi32>
      %select_n3A_2173 = arith.select %eq3A_2172, %cumsum3A_638, %broadcast_in_dim3A_1 : vector<16xi1>, vector<16xi32>
      %reduce_sum3A_2174 = arith.constant true
      %reduce_sum3A_2175 = vector.broadcast %reduce_sum3A_2174 : i1 to vector<16xi1>
      %reduce_sum3A_2176 = tpu.scan <sum>, %select_n3A_2173 masked %reduce_sum3A_2175 : vector<16xi32>, vector<16xi1> -> vector<16xi32>
      %reduce_sum3A_2177 = vector.extract %reduce_sum3A_2176[15] : i32 from vector<16xi32>
      %broadcast_in_dim3A_2178 = vector.broadcast %reduce_sum3A_2177 : i32 to vector<16xi32>
      %ge3A_2179 = arith.cmpi sge, %add3A_2000, %broadcast_in_dim3A_2178 : vector<16xi32>
      %select_n3A_2180 = arith.select %ge3A_2179, %broadcast_in_dim3A_3, %broadcast_in_dim3A_1 : vector<16xi1>, vector<16xi32>
      %add3A_2181 = arith.addi %add3A_2169, %select_n3A_2180 : vector<16xi32>
      %broadcast_in_dim3A_2182 = arith.constant 15 : i32
      %broadcast_in_dim3A_2183 = vector.broadcast %broadcast_in_dim3A_2182 : i32 to vector<16xi32>
      %eq3A_2184 = arith.cmpi eq, %iota3A, %broadcast_in_dim3A_2183 : vector<16xi32>
      %select_n3A_2185 = arith.select %eq3A_2184, %cumsum3A_638, %broadcast_in_dim3A_1 : vector<16xi1>, vector<16xi32>
      %reduce_sum3A_2186 = arith.constant true
      %reduce_sum3A_2187 = vector.broadcast %reduce_sum3A_2186 : i1 to vector<16xi1>
      %reduce_sum3A_2188 = tpu.scan <sum>, %select_n3A_2185 masked %reduce_sum3A_2187 : vector<16xi32>, vector<16xi1> -> vector<16xi32>
      %reduce_sum3A_2189 = vector.extract %reduce_sum3A_2188[15] : i32 from vector<16xi32>
      %broadcast_in_dim3A_2190 = vector.broadcast %reduce_sum3A_2189 : i32 to vector<16xi32>
      %ge3A_2191 = arith.cmpi sge, %add3A_2000, %broadcast_in_dim3A_2190 : vector<16xi32>
      %select_n3A_2192 = arith.select %ge3A_2191, %broadcast_in_dim3A_3, %broadcast_in_dim3A_1 : vector<16xi1>, vector<16xi32>
      %add3A_2193 = arith.addi %add3A_2181, %select_n3A_2192 : vector<16xi32>
      %broadcast_in_dim3A_2194 = arith.constant 15 : i32
      %broadcast_in_dim3A_2195 = vector.broadcast %broadcast_in_dim3A_2194 : i32 to vector<16xi32>
      %min3A = arith.minsi %add3A_2193, %broadcast_in_dim3A_2195 : vector<16xi32>
      %swap3A_2196 = arith.constant 0 : index
      %swap3A_2197 = tpu.vector_load %arg13[%swap3A_2196] {strides = array<i32>} : memref<64xi32, #tpu.memory_space<vmem>>, vector<16xi32>,
      tpu.vector_store %arg13[%swap3A_2196], %min3A {strides = array<i32>} : memref<64xi32, #tpu.memory_space<vmem>>, vector<16xi32>,
      %broadcast_in_dim3A_2198 = arith.constant 16 : i32
      %broadcast_in_dim3A_2199 = vector.broadcast %broadcast_in_dim3A_2198 : i32 to vector<16xi32>
      %add3A_2200 = arith.addi %iota3A, %broadcast_in_dim3A_2199 : vector<16xi32>
      %broadcast_in_dim3A_2201 = arith.constant 0 : i32
      %broadcast_in_dim3A_2202 = vector.broadcast %broadcast_in_dim3A_2201 : i32 to vector<16xi32>
      %broadcast_in_dim3A_2203 = arith.constant 0 : i32
      %broadcast_in_dim3A_2204 = vector.broadcast %broadcast_in_dim3A_2203 : i32 to vector<16xi32>
      %eq3A_2205 = arith.cmpi eq, %iota3A, %broadcast_in_dim3A_2204 : vector<16xi32>
      %select_n3A_2206 = arith.select %eq3A_2205, %cumsum3A_638, %broadcast_in_dim3A_1 : vector<16xi1>, vector<16xi32>
      %reduce_sum3A_2207 = arith.constant true
      %reduce_sum3A_2208 = vector.broadcast %reduce_sum3A_2207 : i1 to vector<16xi1>
      %reduce_sum3A_2209 = tpu.scan <sum>, %select_n3A_2206 masked %reduce_sum3A_2208 : vector<16xi32>, vector<16xi1> -> vector<16xi32>
      %reduce_sum3A_2210 = vector.extract %reduce_sum3A_2209[15] : i32 from vector<16xi32>
      %broadcast_in_dim3A_2211 = vector.broadcast %reduce_sum3A_2210 : i32 to vector<16xi32>
      %ge3A_2212 = arith.cmpi sge, %add3A_2200, %broadcast_in_dim3A_2211 : vector<16xi32>
      %select_n3A_2213 = arith.select %ge3A_2212, %broadcast_in_dim3A_3, %broadcast_in_dim3A_1 : vector<16xi1>, vector<16xi32>
      %add3A_2214 = arith.addi %broadcast_in_dim3A_2202, %select_n3A_2213 : vector<16xi32>
      %broadcast_in_dim3A_2215 = arith.constant 1 : i32
      %broadcast_in_dim3A_2216 = vector.broadcast %broadcast_in_dim3A_2215 : i32 to vector<16xi32>
      %eq3A_2217 = arith.cmpi eq, %iota3A, %broadcast_in_dim3A_2216 : vector<16xi32>
      %select_n3A_2218 = arith.select %eq3A_2217, %cumsum3A_638, %broadcast_in_dim3A_1 : vector<16xi1>, vector<16xi32>
      %reduce_sum3A_2219 = arith.constant true
      %reduce_sum3A_2220 = vector.broadcast %reduce_sum3A_2219 : i1 to vector<16xi1>
      %reduce_sum3A_2221 = tpu.scan <sum>, %select_n3A_2218 masked %reduce_sum3A_2220 : vector<16xi32>, vector<16xi1> -> vector<16xi32>
      %reduce_sum3A_2222 = vector.extract %reduce_sum3A_2221[15] : i32 from vector<16xi32>
      %broadcast_in_dim3A_2223 = vector.broadcast %reduce_sum3A_2222 : i32 to vector<16xi32>
      %ge3A_2224 = arith.cmpi sge, %add3A_2200, %broadcast_in_dim3A_2223 : vector<16xi32>
      %select_n3A_2225 = arith.select %ge3A_2224, %broadcast_in_dim3A_3, %broadcast_in_dim3A_1 : vector<16xi1>, vector<16xi32>
      %add3A_2226 = arith.addi %add3A_2214, %select_n3A_2225 : vector<16xi32>
      %broadcast_in_dim3A_2227 = arith.constant 2 : i32
      %broadcast_in_dim3A_2228 = vector.broadcast %broadcast_in_dim3A_2227 : i32 to vector<16xi32>
      %eq3A_2229 = arith.cmpi eq, %iota3A, %broadcast_in_dim3A_2228 : vector<16xi32>
      %select_n3A_2230 = arith.select %eq3A_2229, %cumsum3A_638, %broadcast_in_dim3A_1 : vector<16xi1>, vector<16xi32>
      %reduce_sum3A_2231 = arith.constant true
      %reduce_sum3A_2232 = vector.broadcast %reduce_sum3A_2231 : i1 to vector<16xi1>
      %reduce_sum3A_2233 = tpu.scan <sum>, %select_n3A_2230 masked %reduce_sum3A_2232 : vector<16xi32>, vector<16xi1> -> vector<16xi32>
      %reduce_sum3A_2234 = vector.extract %reduce_sum3A_2233[15] : i32 from vector<16xi32>
      %broadcast_in_dim3A_2235 = vector.broadcast %reduce_sum3A_2234 : i32 to vector<16xi32>
      %ge3A_2236 = arith.cmpi sge, %add3A_2200, %broadcast_in_dim3A_2235 : vector<16xi32>
      %select_n3A_2237 = arith.select %ge3A_2236, %broadcast_in_dim3A_3, %broadcast_in_dim3A_1 : vector<16xi1>, vector<16xi32>
      %add3A_2238 = arith.addi %add3A_2226, %select_n3A_2237 : vector<16xi32>
      %broadcast_in_dim3A_2239 = arith.constant 3 : i32
      %broadcast_in_dim3A_2240 = vector.broadcast %broadcast_in_dim3A_2239 : i32 to vector<16xi32>
      %eq3A_2241 = arith.cmpi eq, %iota3A, %broadcast_in_dim3A_2240 : vector<16xi32>
      %select_n3A_2242 = arith.select %eq3A_2241, %cumsum3A_638, %broadcast_in_dim3A_1 : vector<16xi1>, vector<16xi32>
      %reduce_sum3A_2243 = arith.constant true
      %reduce_sum3A_2244 = vector.broadcast %reduce_sum3A_2243 : i1 to vector<16xi1>
      %reduce_sum3A_2245 = tpu.scan <sum>, %select_n3A_2242 masked %reduce_sum3A_2244 : vector<16xi32>, vector<16xi1> -> vector<16xi32>
      %reduce_sum3A_2246 = vector.extract %reduce_sum3A_2245[15] : i32 from vector<16xi32>
      %broadcast_in_dim3A_2247 = vector.broadcast %reduce_sum3A_2246 : i32 to vector<16xi32>
      %ge3A_2248 = arith.cmpi sge, %add3A_2200, %broadcast_in_dim3A_2247 : vector<16xi32>
      %select_n3A_2249 = arith.select %ge3A_2248, %broadcast_in_dim3A_3, %broadcast_in_dim3A_1 : vector<16xi1>, vector<16xi32>
      %add3A_2250 = arith.addi %add3A_2238, %select_n3A_2249 : vector<16xi32>
      %broadcast_in_dim3A_2251 = arith.constant 4 : i32
      %broadcast_in_dim3A_2252 = vector.broadcast %broadcast_in_dim3A_2251 : i32 to vector<16xi32>
      %eq3A_2253 = arith.cmpi eq, %iota3A, %broadcast_in_dim3A_2252 : vector<16xi32>
      %select_n3A_2254 = arith.select %eq3A_2253, %cumsum3A_638, %broadcast_in_dim3A_1 : vector<16xi1>, vector<16xi32>
      %reduce_sum3A_2255 = arith.constant true
      %reduce_sum3A_2256 = vector.broadcast %reduce_sum3A_2255 : i1 to vector<16xi1>
      %reduce_sum3A_2257 = tpu.scan <sum>, %select_n3A_2254 masked %reduce_sum3A_2256 : vector<16xi32>, vector<16xi1> -> vector<16xi32>
      %reduce_sum3A_2258 = vector.extract %reduce_sum3A_2257[15] : i32 from vector<16xi32>
      %broadcast_in_dim3A_2259 = vector.broadcast %reduce_sum3A_2258 : i32 to vector<16xi32>
      %ge3A_2260 = arith.cmpi sge, %add3A_2200, %broadcast_in_dim3A_2259 : vector<16xi32>
      %select_n3A_2261 = arith.select %ge3A_2260, %broadcast_in_dim3A_3, %broadcast_in_dim3A_1 : vector<16xi1>, vector<16xi32>
      %add3A_2262 = arith.addi %add3A_2250, %select_n3A_2261 : vector<16xi32>
      %broadcast_in_dim3A_2263 = arith.constant 5 : i32
      %broadcast_in_dim3A_2264 = vector.broadcast %broadcast_in_dim3A_2263 : i32 to vector<16xi32>
      %eq3A_2265 = arith.cmpi eq, %iota3A, %broadcast_in_dim3A_2264 : vector<16xi32>
      %select_n3A_2266 = arith.select %eq3A_2265, %cumsum3A_638, %broadcast_in_dim3A_1 : vector<16xi1>, vector<16xi32>
      %reduce_sum3A_2267 = arith.constant true
      %reduce_sum3A_2268 = vector.broadcast %reduce_sum3A_2267 : i1 to vector<16xi1>
      %reduce_sum3A_2269 = tpu.scan <sum>, %select_n3A_2266 masked %reduce_sum3A_2268 : vector<16xi32>, vector<16xi1> -> vector<16xi32>
      %reduce_sum3A_2270 = vector.extract %reduce_sum3A_2269[15] : i32 from vector<16xi32>
      %broadcast_in_dim3A_2271 = vector.broadcast %reduce_sum3A_2270 : i32 to vector<16xi32>
      %ge3A_2272 = arith.cmpi sge, %add3A_2200, %broadcast_in_dim3A_2271 : vector<16xi32>
      %select_n3A_2273 = arith.select %ge3A_2272, %broadcast_in_dim3A_3, %broadcast_in_dim3A_1 : vector<16xi1>, vector<16xi32>
      %add3A_2274 = arith.addi %add3A_2262, %select_n3A_2273 : vector<16xi32>
      %broadcast_in_dim3A_2275 = arith.constant 6 : i32
      %broadcast_in_dim3A_2276 = vector.broadcast %broadcast_in_dim3A_2275 : i32 to vector<16xi32>
      %eq3A_2277 = arith.cmpi eq, %iota3A, %broadcast_in_dim3A_2276 : vector<16xi32>
      %select_n3A_2278 = arith.select %eq3A_2277, %cumsum3A_638, %broadcast_in_dim3A_1 : vector<16xi1>, vector<16xi32>
      %reduce_sum3A_2279 = arith.constant true
      %reduce_sum3A_2280 = vector.broadcast %reduce_sum3A_2279 : i1 to vector<16xi1>
      %reduce_sum3A_2281 = tpu.scan <sum>, %select_n3A_2278 masked %reduce_sum3A_2280 : vector<16xi32>, vector<16xi1> -> vector<16xi32>
      %reduce_sum3A_2282 = vector.extract %reduce_sum3A_2281[15] : i32 from vector<16xi32>
      %broadcast_in_dim3A_2283 = vector.broadcast %reduce_sum3A_2282 : i32 to vector<16xi32>
      %ge3A_2284 = arith.cmpi sge, %add3A_2200, %broadcast_in_dim3A_2283 : vector<16xi32>
      %select_n3A_2285 = arith.select %ge3A_2284, %broadcast_in_dim3A_3, %broadcast_in_dim3A_1 : vector<16xi1>, vector<16xi32>
      %add3A_2286 = arith.addi %add3A_2274, %select_n3A_2285 : vector<16xi32>
      %broadcast_in_dim3A_2287 = arith.constant 7 : i32
      %broadcast_in_dim3A_2288 = vector.broadcast %broadcast_in_dim3A_2287 : i32 to vector<16xi32>
      %eq3A_2289 = arith.cmpi eq, %iota3A, %broadcast_in_dim3A_2288 : vector<16xi32>
      %select_n3A_2290 = arith.select %eq3A_2289, %cumsum3A_638, %broadcast_in_dim3A_1 : vector<16xi1>, vector<16xi32>
      %reduce_sum3A_2291 = arith.constant true
      %reduce_sum3A_2292 = vector.broadcast %reduce_sum3A_2291 : i1 to vector<16xi1>
      %reduce_sum3A_2293 = tpu.scan <sum>, %select_n3A_2290 masked %reduce_sum3A_2292 : vector<16xi32>, vector<16xi1> -> vector<16xi32>
      %reduce_sum3A_2294 = vector.extract %reduce_sum3A_2293[15] : i32 from vector<16xi32>
      %broadcast_in_dim3A_2295 = vector.broadcast %reduce_sum3A_2294 : i32 to vector<16xi32>
      %ge3A_2296 = arith.cmpi sge, %add3A_2200, %broadcast_in_dim3A_2295 : vector<16xi32>
      %select_n3A_2297 = arith.select %ge3A_2296, %broadcast_in_dim3A_3, %broadcast_in_dim3A_1 : vector<16xi1>, vector<16xi32>
      %add3A_2298 = arith.addi %add3A_2286, %select_n3A_2297 : vector<16xi32>
      %broadcast_in_dim3A_2299 = arith.constant 8 : i32
      %broadcast_in_dim3A_2300 = vector.broadcast %broadcast_in_dim3A_2299 : i32 to vector<16xi32>
      %eq3A_2301 = arith.cmpi eq, %iota3A, %broadcast_in_dim3A_2300 : vector<16xi32>
      %select_n3A_2302 = arith.select %eq3A_2301, %cumsum3A_638, %broadcast_in_dim3A_1 : vector<16xi1>, vector<16xi32>
      %reduce_sum3A_2303 = arith.constant true
      %reduce_sum3A_2304 = vector.broadcast %reduce_sum3A_2303 : i1 to vector<16xi1>
      %reduce_sum3A_2305 = tpu.scan <sum>, %select_n3A_2302 masked %reduce_sum3A_2304 : vector<16xi32>, vector<16xi1> -> vector<16xi32>
      %reduce_sum3A_2306 = vector.extract %reduce_sum3A_2305[15] : i32 from vector<16xi32>
      %broadcast_in_dim3A_2307 = vector.broadcast %reduce_sum3A_2306 : i32 to vector<16xi32>
      %ge3A_2308 = arith.cmpi sge, %add3A_2200, %broadcast_in_dim3A_2307 : vector<16xi32>
      %select_n3A_2309 = arith.select %ge3A_2308, %broadcast_in_dim3A_3, %broadcast_in_dim3A_1 : vector<16xi1>, vector<16xi32>
      %add3A_2310 = arith.addi %add3A_2298, %select_n3A_2309 : vector<16xi32>
      %broadcast_in_dim3A_2311 = arith.constant 9 : i32
      %broadcast_in_dim3A_2312 = vector.broadcast %broadcast_in_dim3A_2311 : i32 to vector<16xi32>
      %eq3A_2313 = arith.cmpi eq, %iota3A, %broadcast_in_dim3A_2312 : vector<16xi32>
      %select_n3A_2314 = arith.select %eq3A_2313, %cumsum3A_638, %broadcast_in_dim3A_1 : vector<16xi1>, vector<16xi32>
      %reduce_sum3A_2315 = arith.constant true
      %reduce_sum3A_2316 = vector.broadcast %reduce_sum3A_2315 : i1 to vector<16xi1>
      %reduce_sum3A_2317 = tpu.scan <sum>, %select_n3A_2314 masked %reduce_sum3A_2316 : vector<16xi32>, vector<16xi1> -> vector<16xi32>
      %reduce_sum3A_2318 = vector.extract %reduce_sum3A_2317[15] : i32 from vector<16xi32>
      %broadcast_in_dim3A_2319 = vector.broadcast %reduce_sum3A_2318 : i32 to vector<16xi32>
      %ge3A_2320 = arith.cmpi sge, %add3A_2200, %broadcast_in_dim3A_2319 : vector<16xi32>
      %select_n3A_2321 = arith.select %ge3A_2320, %broadcast_in_dim3A_3, %broadcast_in_dim3A_1 : vector<16xi1>, vector<16xi32>
      %add3A_2322 = arith.addi %add3A_2310, %select_n3A_2321 : vector<16xi32>
      %broadcast_in_dim3A_2323 = arith.constant 10 : i32
      %broadcast_in_dim3A_2324 = vector.broadcast %broadcast_in_dim3A_2323 : i32 to vector<16xi32>
      %eq3A_2325 = arith.cmpi eq, %iota3A, %broadcast_in_dim3A_2324 : vector<16xi32>
      %select_n3A_2326 = arith.select %eq3A_2325, %cumsum3A_638, %broadcast_in_dim3A_1 : vector<16xi1>, vector<16xi32>
      %reduce_sum3A_2327 = arith.constant true
      %reduce_sum3A_2328 = vector.broadcast %reduce_sum3A_2327 : i1 to vector<16xi1>
      %reduce_sum3A_2329 = tpu.scan <sum>, %select_n3A_2326 masked %reduce_sum3A_2328 : vector<16xi32>, vector<16xi1> -> vector<16xi32>
      %reduce_sum3A_2330 = vector.extract %reduce_sum3A_2329[15] : i32 from vector<16xi32>
      %broadcast_in_dim3A_2331 = vector.broadcast %reduce_sum3A_2330 : i32 to vector<16xi32>
      %ge3A_2332 = arith.cmpi sge, %add3A_2200, %broadcast_in_dim3A_2331 : vector<16xi32>
      %select_n3A_2333 = arith.select %ge3A_2332, %broadcast_in_dim3A_3, %broadcast_in_dim3A_1 : vector<16xi1>, vector<16xi32>
      %add3A_2334 = arith.addi %add3A_2322, %select_n3A_2333 : vector<16xi32>
      %broadcast_in_dim3A_2335 = arith.constant 11 : i32
      %broadcast_in_dim3A_2336 = vector.broadcast %broadcast_in_dim3A_2335 : i32 to vector<16xi32>
      %eq3A_2337 = arith.cmpi eq, %iota3A, %broadcast_in_dim3A_2336 : vector<16xi32>
      %select_n3A_2338 = arith.select %eq3A_2337, %cumsum3A_638, %broadcast_in_dim3A_1 : vector<16xi1>, vector<16xi32>
      %reduce_sum3A_2339 = arith.constant true
      %reduce_sum3A_2340 = vector.broadcast %reduce_sum3A_2339 : i1 to vector<16xi1>
      %reduce_sum3A_2341 = tpu.scan <sum>, %select_n3A_2338 masked %reduce_sum3A_2340 : vector<16xi32>, vector<16xi1> -> vector<16xi32>
      %reduce_sum3A_2342 = vector.extract %reduce_sum3A_2341[15] : i32 from vector<16xi32>
      %broadcast_in_dim3A_2343 = vector.broadcast %reduce_sum3A_2342 : i32 to vector<16xi32>
      %ge3A_2344 = arith.cmpi sge, %add3A_2200, %broadcast_in_dim3A_2343 : vector<16xi32>
      %select_n3A_2345 = arith.select %ge3A_2344, %broadcast_in_dim3A_3, %broadcast_in_dim3A_1 : vector<16xi1>, vector<16xi32>
      %add3A_2346 = arith.addi %add3A_2334, %select_n3A_2345 : vector<16xi32>
      %broadcast_in_dim3A_2347 = arith.constant 12 : i32
      %broadcast_in_dim3A_2348 = vector.broadcast %broadcast_in_dim3A_2347 : i32 to vector<16xi32>
      %eq3A_2349 = arith.cmpi eq, %iota3A, %broadcast_in_dim3A_2348 : vector<16xi32>
      %select_n3A_2350 = arith.select %eq3A_2349, %cumsum3A_638, %broadcast_in_dim3A_1 : vector<16xi1>, vector<16xi32>
      %reduce_sum3A_2351 = arith.constant true
      %reduce_sum3A_2352 = vector.broadcast %reduce_sum3A_2351 : i1 to vector<16xi1>
      %reduce_sum3A_2353 = tpu.scan <sum>, %select_n3A_2350 masked %reduce_sum3A_2352 : vector<16xi32>, vector<16xi1> -> vector<16xi32>
      %reduce_sum3A_2354 = vector.extract %reduce_sum3A_2353[15] : i32 from vector<16xi32>
      %broadcast_in_dim3A_2355 = vector.broadcast %reduce_sum3A_2354 : i32 to vector<16xi32>
      %ge3A_2356 = arith.cmpi sge, %add3A_2200, %broadcast_in_dim3A_2355 : vector<16xi32>
      %select_n3A_2357 = arith.select %ge3A_2356, %broadcast_in_dim3A_3, %broadcast_in_dim3A_1 : vector<16xi1>, vector<16xi32>
      %add3A_2358 = arith.addi %add3A_2346, %select_n3A_2357 : vector<16xi32>
      %broadcast_in_dim3A_2359 = arith.constant 13 : i32
      %broadcast_in_dim3A_2360 = vector.broadcast %broadcast_in_dim3A_2359 : i32 to vector<16xi32>
      %eq3A_2361 = arith.cmpi eq, %iota3A, %broadcast_in_dim3A_2360 : vector<16xi32>
      %select_n3A_2362 = arith.select %eq3A_2361, %cumsum3A_638, %broadcast_in_dim3A_1 : vector<16xi1>, vector<16xi32>
      %reduce_sum3A_2363 = arith.constant true
      %reduce_sum3A_2364 = vector.broadcast %reduce_sum3A_2363 : i1 to vector<16xi1>
      %reduce_sum3A_2365 = tpu.scan <sum>, %select_n3A_2362 masked %reduce_sum3A_2364 : vector<16xi32>, vector<16xi1> -> vector<16xi32>
      %reduce_sum3A_2366 = vector.extract %reduce_sum3A_2365[15] : i32 from vector<16xi32>
      %broadcast_in_dim3A_2367 = vector.broadcast %reduce_sum3A_2366 : i32 to vector<16xi32>
      %ge3A_2368 = arith.cmpi sge, %add3A_2200, %broadcast_in_dim3A_2367 : vector<16xi32>
      %select_n3A_2369 = arith.select %ge3A_2368, %broadcast_in_dim3A_3, %broadcast_in_dim3A_1 : vector<16xi1>, vector<16xi32>
      %add3A_2370 = arith.addi %add3A_2358, %select_n3A_2369 : vector<16xi32>
      %broadcast_in_dim3A_2371 = arith.constant 14 : i32
      %broadcast_in_dim3A_2372 = vector.broadcast %broadcast_in_dim3A_2371 : i32 to vector<16xi32>
      %eq3A_2373 = arith.cmpi eq, %iota3A, %broadcast_in_dim3A_2372 : vector<16xi32>
      %select_n3A_2374 = arith.select %eq3A_2373, %cumsum3A_638, %broadcast_in_dim3A_1 : vector<16xi1>, vector<16xi32>
      %reduce_sum3A_2375 = arith.constant true
      %reduce_sum3A_2376 = vector.broadcast %reduce_sum3A_2375 : i1 to vector<16xi1>
      %reduce_sum3A_2377 = tpu.scan <sum>, %select_n3A_2374 masked %reduce_sum3A_2376 : vector<16xi32>, vector<16xi1> -> vector<16xi32>
      %reduce_sum3A_2378 = vector.extract %reduce_sum3A_2377[15] : i32 from vector<16xi32>
      %broadcast_in_dim3A_2379 = vector.broadcast %reduce_sum3A_2378 : i32 to vector<16xi32>
      %ge3A_2380 = arith.cmpi sge, %add3A_2200, %broadcast_in_dim3A_2379 : vector<16xi32>
      %select_n3A_2381 = arith.select %ge3A_2380, %broadcast_in_dim3A_3, %broadcast_in_dim3A_1 : vector<16xi1>, vector<16xi32>
      %add3A_2382 = arith.addi %add3A_2370, %select_n3A_2381 : vector<16xi32>
      %broadcast_in_dim3A_2383 = arith.constant 15 : i32
      %broadcast_in_dim3A_2384 = vector.broadcast %broadcast_in_dim3A_2383 : i32 to vector<16xi32>
      %eq3A_2385 = arith.cmpi eq, %iota3A, %broadcast_in_dim3A_2384 : vector<16xi32>
      %select_n3A_2386 = arith.select %eq3A_2385, %cumsum3A_638, %broadcast_in_dim3A_1 : vector<16xi1>, vector<16xi32>
      %reduce_sum3A_2387 = arith.constant true
      %reduce_sum3A_2388 = vector.broadcast %reduce_sum3A_2387 : i1 to vector<16xi1>
      %reduce_sum3A_2389 = tpu.scan <sum>, %select_n3A_2386 masked %reduce_sum3A_2388 : vector<16xi32>, vector<16xi1> -> vector<16xi32>
      %reduce_sum3A_2390 = vector.extract %reduce_sum3A_2389[15] : i32 from vector<16xi32>
      %broadcast_in_dim3A_2391 = vector.broadcast %reduce_sum3A_2390 : i32 to vector<16xi32>
      %ge3A_2392 = arith.cmpi sge, %add3A_2200, %broadcast_in_dim3A_2391 : vector<16xi32>
      %select_n3A_2393 = arith.select %ge3A_2392, %broadcast_in_dim3A_3, %broadcast_in_dim3A_1 : vector<16xi1>, vector<16xi32>
      %add3A_2394 = arith.addi %add3A_2382, %select_n3A_2393 : vector<16xi32>
      %broadcast_in_dim3A_2395 = arith.constant 15 : i32
      %broadcast_in_dim3A_2396 = vector.broadcast %broadcast_in_dim3A_2395 : i32 to vector<16xi32>
      %min3A_2397 = arith.minsi %add3A_2394, %broadcast_in_dim3A_2396 : vector<16xi32>
      %swap3A_2398 = arith.constant 16 : index
      %swap3A_2399 = tpu.vector_load %arg13[%swap3A_2398] {strides = array<i32>} : memref<64xi32, #tpu.memory_space<vmem>>, vector<16xi32>,
      tpu.vector_store %arg13[%swap3A_2398], %min3A_2397 {strides = array<i32>} : memref<64xi32, #tpu.memory_space<vmem>>, vector<16xi32>,
      %broadcast_in_dim3A_2400 = vector.broadcast %reduce_sum3A_656 : i32 to vector<16xi32>
      %swap3A_2401 = arith.constant 32 : index
      %swap3A_2402 = tpu.vector_load %arg13[%swap3A_2401] {strides = array<i32>} : memref<64xi32, #tpu.memory_space<vmem>>, vector<16xi32>,
      tpu.vector_store %arg13[%swap3A_2401], %broadcast_in_dim3A_2400 {strides = array<i32>} : memref<64xi32, #tpu.memory_space<vmem>>, vector<16xi32>,
      "tpu.region"() ({
        %run_scoped3A = tpu.sem_alloc : memref<!tpu.dma_semaphore, #tpu.memory_space<semaphore_mem>>
        tpu.enqueue_dma source(%arg13 : memref<64xi32, #tpu.memory_space<vmem>>) target(%arg7 : memref<64xi32, #tpu.memory_space<hbm>>) target_semaphore(%run_scoped3A : memref<!tpu.dma_semaphore, #tpu.memory_space<semaphore_mem>>)
        tpu.wait_dma2 semaphore(%run_scoped3A : memref<!tpu.dma_semaphore, #tpu.memory_space<semaphore_mem>>) src(%arg13 : memref<64xi32, #tpu.memory_space<vmem>>) dst(%arg7 : memref<64xi32, #tpu.memory_space<hbm>>)
        tpu.yield
      }) : () -> ()
    } else {
    }
    %jit3A = arith.constant 0 : i32
    %broadcast_in_dim3A_1963 = vector.broadcast %jit3A : i32 to vector<16xi32>
    %select_n3A_1964 = arith.select %eq3A, %add3A_631, %broadcast_in_dim3A_1963 : vector<16xi1>, vector<16xi32>
    %reduce_sum3A_1965 = arith.constant true
    %reduce_sum3A_1966 = vector.broadcast %reduce_sum3A_1965 : i1 to vector<16xi1>
    %reduce_sum3A_1967 = tpu.scan <sum>, %select_n3A_1964 masked %reduce_sum3A_1966 : vector<16xi32>, vector<16xi1> -> vector<16xi32>
    %reduce_sum3A_1968 = vector.extract %reduce_sum3A_1967[15] : i32 from vector<16xi32>
    %add3A_1969 = arith.constant 31 : i32
    %add3A_1970 = arith.addi %reduce_sum3A_1968, %add3A_1969 : i32
    %shift_right_arithmetic3A = arith.constant 5 : i32
    %shift_right_arithmetic3A_1971 = arith.shrsi %add3A_1970, %shift_right_arithmetic3A : i32
    %sub3A_1972 = arith.subi %shift_right_arithmetic3A_1971, %arg0 : i32
    %add3A_1973 = arith.constant 1 : i32
    %add3A_1974 = arith.addi %sub3A_1972, %add3A_1973 : i32
    %shift_right_arithmetic3A_1975 = arith.constant 1 : i32
    %shift_right_arithmetic3A_1976 = arith.shrsi %add3A_1974, %shift_right_arithmetic3A_1975 : i32
    %sub3A_1977 = arith.constant 1 : i32
    %sub3A_1978 = arith.subi %shift_right_arithmetic3A_1976, %sub3A_1977 : i32
    %mul3A_1979 = arith.constant 2 : i32
    %mul3A_1980 = arith.muli %mul3A_1979, %sub3A_1978 : i32
    %add3A_1981 = arith.addi %arg0, %mul3A_1980 : i32
    %max3A = arith.constant 0 : i32
    %max3A_1982 = arith.maxsi %add3A_1981, %max3A : i32
    %mul3A_1983 = arith.constant 32 : i32
    %mul3A_1984 = arith.muli %max3A_1982, %mul3A_1983 : i32
    %add3A_1985 = arith.constant 1 : i32
    %add3A_1986 = arith.addi %shift_right_arithmetic3A_1976, %add3A_1985 : i32
    %shift_right_arithmetic3A_1987 = arith.constant 1 : i32
    %shift_right_arithmetic3A_1988 = arith.shrsi %add3A_1986, %shift_right_arithmetic3A_1987 : i32
    %while3A = arith.constant 0 : i32
    %while3A_1989 = arith.constant 0 : i32
    %while3A_1990 = arith.subi %shift_right_arithmetic3A_1988, %while3A_1989 : i32
    %while3A_1991 = arith.addi %while3A_1989, %while3A_1990 : i32
    %while3A_1992 = arith.constant 1 : i32
    %while3A_1993 = arith.divsi %while3A_1990, %while3A_1992 : i32
    %while3A_1994 = arith.muli %while3A_1993, %while3A_1992 : i32
    %while3A_1995 = arith.addi %while3A_1989, %while3A_1994 : i32
    %while3A_1996 = arith.constant 1 : i32
    scf.for %while3A_1998 = %while3A_1989 to %while3A_1995 step %while3A_1996  : i32 {
      %mul3A_1999 = arith.constant 4 : i32
      %mul3A_2000 = arith.muli %mul3A_1999, %while3A_1998 : i32
      %add3A_2001 = arith.addi %arg0, %mul3A_2000 : i32
      %mul3A_2002 = arith.constant 32 : i32
      %mul3A_2003 = arith.muli %add3A_2001, %mul3A_2002 : i32
      %min3A = arith.minsi %mul3A_2003, %mul3A_1984 : i32
      %multiple_of3A = tpu.assume_multiple %min3A, 32 : i32
      %mul3A_2004 = arith.constant 4 : i32
      %mul3A_2005 = arith.muli %mul3A_2004, %while3A_1998 : i32
      %add3A_2006 = arith.addi %arg0, %mul3A_2005 : i32
      %add3A_2007 = arith.constant 2 : i32
      %add3A_2008 = arith.addi %add3A_2006, %add3A_2007 : i32
      %mul3A_2009 = arith.constant 32 : i32
      %mul3A_2010 = arith.muli %add3A_2008, %mul3A_2009 : i32
      %min3A_2011 = arith.minsi %mul3A_2010, %mul3A_1984 : i32
      %multiple_of3A_2012 = tpu.assume_multiple %min3A_2011, 32 : i32
      %dma_start3A = tpu.memref_slice %arg10[%multiple_of3A] : memref<2304xi32, #tpu.memory_space<vmem>> -> memref<32xi32, #tpu.memory_space<vmem>>
      %dma_start3A_2013 = arith.constant 0 : i32
      %dma_start3A_2014 = arith.constant 0 : i32
      %dma_start3A_2015 = tpu.memref_slice %arg3[%dma_start3A_2013, %dma_start3A_2014] : memref<2048x1024xf32, #tpu.memory_space<hbm>> -> memref<2048x1024xf32, #tpu.memory_space<hbm>>
      tpu.enqueue_indirect_dma source(%dma_start3A_2015 : memref<2048x1024xf32, #tpu.memory_space<hbm>>) target(%arg11 : memref<32x1024xf32, #tpu.memory_space<vmem>>) offsets(%dma_start3A : memref<32xi32, #tpu.memory_space<vmem>>) semaphore(%arg15 : memref<!tpu.dma_semaphore, #tpu.memory_space<semaphore_mem>>)
      %dma_start3A_2016 = tpu.memref_slice %arg10[%multiple_of3A_2012] : memref<2304xi32, #tpu.memory_space<vmem>> -> memref<32xi32, #tpu.memory_space<vmem>>
      %dma_start3A_2017 = arith.constant 0 : i32
      %dma_start3A_2018 = arith.constant 0 : i32
      %dma_start3A_2019 = tpu.memref_slice %arg3[%dma_start3A_2017, %dma_start3A_2018] : memref<2048x1024xf32, #tpu.memory_space<hbm>> -> memref<2048x1024xf32, #tpu.memory_space<hbm>>
      tpu.enqueue_indirect_dma source(%dma_start3A_2019 : memref<2048x1024xf32, #tpu.memory_space<hbm>>) target(%arg12 : memref<32x1024xf32, #tpu.memory_space<vmem>>) offsets(%dma_start3A_2016 : memref<32xi32, #tpu.memory_space<vmem>>) semaphore(%arg16 : memref<!tpu.dma_semaphore, #tpu.memory_space<semaphore_mem>>)
      %dma_wait3A = tpu.memref_slice %arg10[%multiple_of3A] : memref<2304xi32, #tpu.memory_space<vmem>> -> memref<32xi32, #tpu.memory_space<vmem>>
      %dma_wait3A_2020 = arith.constant 0 : i32
      %dma_wait3A_2021 = arith.constant 0 : i32
      %dma_wait3A_2022 = tpu.memref_slice %arg3[%dma_wait3A_2020, %dma_wait3A_2021] : memref<2048x1024xf32, #tpu.memory_space<hbm>> -> memref<2048x1024xf32, #tpu.memory_space<hbm>>
      tpu.wait_indirect_dma semaphore(%arg15 : memref<!tpu.dma_semaphore, #tpu.memory_space<semaphore_mem>>) src(%dma_wait3A_2022 : memref<2048x1024xf32, #tpu.memory_space<hbm>>) dst(%arg11 : memref<32x1024xf32, #tpu.memory_space<vmem>>)
      %add3A_2023 = arith.addi %reduce_sum3A_648, %multiple_of3A : i32
      %multiple_of3A_2024 = tpu.assume_multiple %add3A_2023, 32 : i32
      "tpu.region"() ({
        %run_scoped3A = tpu.sem_alloc : memref<!tpu.dma_semaphore, #tpu.memory_space<semaphore_mem>>
        %dma_start3A_2031 = arith.constant 0 : i32
        %dma_start3A_2032 = tpu.memref_slice %arg5[%multiple_of3A_2024, %dma_start3A_2031] : memref<8192x1024xf32, #tpu.memory_space<hbm>> -> memref<32x1024xf32, #tpu.memory_space<hbm>>
        %dma_start3A_2033 = arith.constant 0 : i32
        %dma_start3A_2034 = tpu.memref_slice %arg5[%multiple_of3A_2024, %dma_start3A_2033] : memref<8192x1024xf32, #tpu.memory_space<hbm>> -> memref<32x1024xf32, #tpu.memory_space<hbm>>
        tpu.enqueue_dma source(%arg11 : memref<32x1024xf32, #tpu.memory_space<vmem>>) target(%dma_start3A_2034 : memref<32x1024xf32, #tpu.memory_space<hbm>>) target_semaphore(%run_scoped3A : memref<!tpu.dma_semaphore, #tpu.memory_space<semaphore_mem>>)
        %dma_wait3A_2035 = arith.constant 0 : i32
        %dma_wait3A_2036 = tpu.memref_slice %arg5[%multiple_of3A_2024, %dma_wait3A_2035] : memref<8192x1024xf32, #tpu.memory_space<hbm>> -> memref<32x1024xf32, #tpu.memory_space<hbm>>
        %dma_wait3A_2037 = arith.constant 0 : i32
        %dma_wait3A_2038 = tpu.memref_slice %arg5[%multiple_of3A_2024, %dma_wait3A_2037] : memref<8192x1024xf32, #tpu.memory_space<hbm>> -> memref<32x1024xf32, #tpu.memory_space<hbm>>
        tpu.wait_dma2 semaphore(%run_scoped3A : memref<!tpu.dma_semaphore, #tpu.memory_space<semaphore_mem>>) src(%arg11 : memref<32x1024xf32, #tpu.memory_space<vmem>>) dst(%dma_wait3A_2038 : memref<32x1024xf32, #tpu.memory_space<hbm>>)
        tpu.yield
      }) : () -> ()
      %dma_wait3A_2025 = tpu.memref_slice %arg10[%multiple_of3A_2012] : memref<2304xi32, #tpu.memory_space<vmem>> -> memref<32xi32, #tpu.memory_space<vmem>>
      %dma_wait3A_2026 = arith.constant 0 : i32
      %dma_wait3A_2027 = arith.constant 0 : i32
      %dma_wait3A_2028 = tpu.memref_slice %arg3[%dma_wait3A_2026, %dma_wait3A_2027] : memref<2048x1024xf32, #tpu.memory_space<hbm>> -> memref<2048x1024xf32, #tpu.memory_space<hbm>>
      tpu.wait_indirect_dma semaphore(%arg16 : memref<!tpu.dma_semaphore, #tpu.memory_space<semaphore_mem>>) src(%dma_wait3A_2028 : memref<2048x1024xf32, #tpu.memory_space<hbm>>) dst(%arg12 : memref<32x1024xf32, #tpu.memory_space<vmem>>)
      %add3A_2029 = arith.addi %reduce_sum3A_648, %multiple_of3A_2012 : i32
      %multiple_of3A_2030 = tpu.assume_multiple %add3A_2029, 32 : i32
      "tpu.region"() ({
        %run_scoped3A = tpu.sem_alloc : memref<!tpu.dma_semaphore, #tpu.memory_space<semaphore_mem>>
        %dma_start3A_2031 = arith.constant 0 : i32
        %dma_start3A_2032 = tpu.memref_slice %arg5[%multiple_of3A_2030, %dma_start3A_2031] : memref<8192x1024xf32, #tpu.memory_space<hbm>> -> memref<32x1024xf32, #tpu.memory_space<hbm>>
        %dma_start3A_2033 = arith.constant 0 : i32
        %dma_start3A_2034 = tpu.memref_slice %arg5[%multiple_of3A_2030, %dma_start3A_2033] : memref<8192x1024xf32, #tpu.memory_space<hbm>> -> memref<32x1024xf32, #tpu.memory_space<hbm>>
        tpu.enqueue_dma source(%arg12 : memref<32x1024xf32, #tpu.memory_space<vmem>>) target(%dma_start3A_2034 : memref<32x1024xf32, #tpu.memory_space<hbm>>) target_semaphore(%run_scoped3A : memref<!tpu.dma_semaphore, #tpu.memory_space<semaphore_mem>>)
        %dma_wait3A_2035 = arith.constant 0 : i32
        %dma_wait3A_2036 = tpu.memref_slice %arg5[%multiple_of3A_2030, %dma_wait3A_2035] : memref<8192x1024xf32, #tpu.memory_space<hbm>> -> memref<32x1024xf32, #tpu.memory_space<hbm>>
        %dma_wait3A_2037 = arith.constant 0 : i32
        %dma_wait3A_2038 = tpu.memref_slice %arg5[%multiple_of3A_2030, %dma_wait3A_2037] : memref<8192x1024xf32, #tpu.memory_space<hbm>> -> memref<32x1024xf32, #tpu.memory_space<hbm>>
        tpu.wait_dma2 semaphore(%run_scoped3A : memref<!tpu.dma_semaphore, #tpu.memory_space<semaphore_mem>>) src(%arg12 : memref<32x1024xf32, #tpu.memory_space<vmem>>) dst(%dma_wait3A_2038 : memref<32x1024xf32, #tpu.memory_space<hbm>>)
        tpu.yield
      }) : () -> ()
    }
    %while3A_1997 = arith.constant 1 : i32
    scf.for %while3A_1998 = %while3A_1995 to %while3A_1991 step %while3A_1997  : i32 {
      %mul3A_1999 = arith.constant 4 : i32
      %mul3A_2000 = arith.muli %mul3A_1999, %while3A_1998 : i32
      %add3A_2001 = arith.addi %arg0, %mul3A_2000 : i32
      %mul3A_2002 = arith.constant 32 : i32
      %mul3A_2003 = arith.muli %add3A_2001, %mul3A_2002 : i32
      %min3A = arith.minsi %mul3A_2003, %mul3A_1984 : i32
      %multiple_of3A = tpu.assume_multiple %min3A, 32 : i32
      %mul3A_2004 = arith.constant 4 : i32
      %mul3A_2005 = arith.muli %mul3A_2004, %while3A_1998 : i32
      %add3A_2006 = arith.addi %arg0, %mul3A_2005 : i32
      %add3A_2007 = arith.constant 2 : i32
      %add3A_2008 = arith.addi %add3A_2006, %add3A_2007 : i32
      %mul3A_2009 = arith.constant 32 : i32
      %mul3A_2010 = arith.muli %add3A_2008, %mul3A_2009 : i32
      %min3A_2011 = arith.minsi %mul3A_2010, %mul3A_1984 : i32
      %multiple_of3A_2012 = tpu.assume_multiple %min3A_2011, 32 : i32
      %dma_start3A = tpu.memref_slice %arg10[%multiple_of3A] : memref<2304xi32, #tpu.memory_space<vmem>> -> memref<32xi32, #tpu.memory_space<vmem>>
      %dma_start3A_2013 = arith.constant 0 : i32
      %dma_start3A_2014 = arith.constant 0 : i32
      %dma_start3A_2015 = tpu.memref_slice %arg3[%dma_start3A_2013, %dma_start3A_2014] : memref<2048x1024xf32, #tpu.memory_space<hbm>> -> memref<2048x1024xf32, #tpu.memory_space<hbm>>
      tpu.enqueue_indirect_dma source(%dma_start3A_2015 : memref<2048x1024xf32, #tpu.memory_space<hbm>>) target(%arg11 : memref<32x1024xf32, #tpu.memory_space<vmem>>) offsets(%dma_start3A : memref<32xi32, #tpu.memory_space<vmem>>) semaphore(%arg15 : memref<!tpu.dma_semaphore, #tpu.memory_space<semaphore_mem>>)
      %dma_start3A_2016 = tpu.memref_slice %arg10[%multiple_of3A_2012] : memref<2304xi32, #tpu.memory_space<vmem>> -> memref<32xi32, #tpu.memory_space<vmem>>
      %dma_start3A_2017 = arith.constant 0 : i32
      %dma_start3A_2018 = arith.constant 0 : i32
      %dma_start3A_2019 = tpu.memref_slice %arg3[%dma_start3A_2017, %dma_start3A_2018] : memref<2048x1024xf32, #tpu.memory_space<hbm>> -> memref<2048x1024xf32, #tpu.memory_space<hbm>>
      tpu.enqueue_indirect_dma source(%dma_start3A_2019 : memref<2048x1024xf32, #tpu.memory_space<hbm>>) target(%arg12 : memref<32x1024xf32, #tpu.memory_space<vmem>>) offsets(%dma_start3A_2016 : memref<32xi32, #tpu.memory_space<vmem>>) semaphore(%arg16 : memref<!tpu.dma_semaphore, #tpu.memory_space<semaphore_mem>>)
      %dma_wait3A = tpu.memref_slice %arg10[%multiple_of3A] : memref<2304xi32, #tpu.memory_space<vmem>> -> memref<32xi32, #tpu.memory_space<vmem>>
      %dma_wait3A_2020 = arith.constant 0 : i32
      %dma_wait3A_2021 = arith.constant 0 : i32
      %dma_wait3A_2022 = tpu.memref_slice %arg3[%dma_wait3A_2020, %dma_wait3A_2021] : memref<2048x1024xf32, #tpu.memory_space<hbm>> -> memref<2048x1024xf32, #tpu.memory_space<hbm>>
      tpu.wait_indirect_dma semaphore(%arg15 : memref<!tpu.dma_semaphore, #tpu.memory_space<semaphore_mem>>) src(%dma_wait3A_2022 : memref<2048x1024xf32, #tpu.memory_space<hbm>>) dst(%arg11 : memref<32x1024xf32, #tpu.memory_space<vmem>>)
      %add3A_2023 = arith.addi %reduce_sum3A_648, %multiple_of3A : i32
      %multiple_of3A_2024 = tpu.assume_multiple %add3A_2023, 32 : i32
      "tpu.region"() ({
        %run_scoped3A = tpu.sem_alloc : memref<!tpu.dma_semaphore, #tpu.memory_space<semaphore_mem>>
        %dma_start3A_2031 = arith.constant 0 : i32
        %dma_start3A_2032 = tpu.memref_slice %arg5[%multiple_of3A_2024, %dma_start3A_2031] : memref<8192x1024xf32, #tpu.memory_space<hbm>> -> memref<32x1024xf32, #tpu.memory_space<hbm>>
        %dma_start3A_2033 = arith.constant 0 : i32
        %dma_start3A_2034 = tpu.memref_slice %arg5[%multiple_of3A_2024, %dma_start3A_2033] : memref<8192x1024xf32, #tpu.memory_space<hbm>> -> memref<32x1024xf32, #tpu.memory_space<hbm>>
        tpu.enqueue_dma source(%arg11 : memref<32x1024xf32, #tpu.memory_space<vmem>>) target(%dma_start3A_2034 : memref<32x1024xf32, #tpu.memory_space<hbm>>) target_semaphore(%run_scoped3A : memref<!tpu.dma_semaphore, #tpu.memory_space<semaphore_mem>>)
        %dma_wait3A_2035 = arith.constant 0 : i32
        %dma_wait3A_2036 = tpu.memref_slice %arg5[%multiple_of3A_2024, %dma_wait3A_2035] : memref<8192x1024xf32, #tpu.memory_space<hbm>> -> memref<32x1024xf32, #tpu.memory_space<hbm>>
        %dma_wait3A_2037 = arith.constant 0 : i32
        %dma_wait3A_2038 = tpu.memref_slice %arg5[%multiple_of3A_2024, %dma_wait3A_2037] : memref<8192x1024xf32, #tpu.memory_space<hbm>> -> memref<32x1024xf32, #tpu.memory_space<hbm>>
        tpu.wait_dma2 semaphore(%run_scoped3A : memref<!tpu.dma_semaphore, #tpu.memory_space<semaphore_mem>>) src(%arg11 : memref<32x1024xf32, #tpu.memory_space<vmem>>) dst(%dma_wait3A_2038 : memref<32x1024xf32, #tpu.memory_space<hbm>>)
        tpu.yield
      }) : () -> ()
      %dma_wait3A_2025 = tpu.memref_slice %arg10[%multiple_of3A_2012] : memref<2304xi32, #tpu.memory_space<vmem>> -> memref<32xi32, #tpu.memory_space<vmem>>
      %dma_wait3A_2026 = arith.constant 0 : i32
      %dma_wait3A_2027 = arith.constant 0 : i32
      %dma_wait3A_2028 = tpu.memref_slice %arg3[%dma_wait3A_2026, %dma_wait3A_2027] : memref<2048x1024xf32, #tpu.memory_space<hbm>> -> memref<2048x1024xf32, #tpu.memory_space<hbm>>
      tpu.wait_indirect_dma semaphore(%arg16 : memref<!tpu.dma_semaphore, #tpu.memory_space<semaphore_mem>>) src(%dma_wait3A_2028 : memref<2048x1024xf32, #tpu.memory_space<hbm>>) dst(%arg12 : memref<32x1024xf32, #tpu.memory_space<vmem>>)
      %add3A_2029 = arith.addi %reduce_sum3A_648, %multiple_of3A_2012 : i32
      %multiple_of3A_2030 = tpu.assume_multiple %add3A_2029, 32 : i32
      "tpu.region"() ({
        %run_scoped3A = tpu.sem_alloc : memref<!tpu.dma_semaphore, #tpu.memory_space<semaphore_mem>>
        %dma_start3A_2031 = arith.constant 0 : i32
        %dma_start3A_2032 = tpu.memref_slice %arg5[%multiple_of3A_2030, %dma_start3A_2031] : memref<8192x1024xf32, #tpu.memory_space<hbm>> -> memref<32x1024xf32, #tpu.memory_space<hbm>>
        %dma_start3A_2033 = arith.constant 0 : i32
        %dma_start3A_2034 = tpu.memref_slice %arg5[%multiple_of3A_2030, %dma_start3A_2033] : memref<8192x1024xf32, #tpu.memory_space<hbm>> -> memref<32x1024xf32, #tpu.memory_space<hbm>>
        tpu.enqueue_dma source(%arg12 : memref<32x1024xf32, #tpu.memory_space<vmem>>) target(%dma_start3A_2034 : memref<32x1024xf32, #tpu.memory_space<hbm>>) target_semaphore(%run_scoped3A : memref<!tpu.dma_semaphore, #tpu.memory_space<semaphore_mem>>)
        %dma_wait3A_2035 = arith.constant 0 : i32
        %dma_wait3A_2036 = tpu.memref_slice %arg5[%multiple_of3A_2030, %dma_wait3A_2035] : memref<8192x1024xf32, #tpu.memory_space<hbm>> -> memref<32x1024xf32, #tpu.memory_space<hbm>>
        %dma_wait3A_2037 = arith.constant 0 : i32
        %dma_wait3A_2038 = tpu.memref_slice %arg5[%multiple_of3A_2030, %dma_wait3A_2037] : memref<8192x1024xf32, #tpu.memory_space<hbm>> -> memref<32x1024xf32, #tpu.memory_space<hbm>>
        tpu.wait_dma2 semaphore(%run_scoped3A : memref<!tpu.dma_semaphore, #tpu.memory_space<semaphore_mem>>) src(%arg12 : memref<32x1024xf32, #tpu.memory_space<vmem>>) dst(%dma_wait3A_2038 : memref<32x1024xf32, #tpu.memory_space<hbm>>)
        tpu.yield
      }) : () -> ()
    }
    return
  }
}

module attributes {stable_mosaic.version = 14 : i64} {
  func.func @_gmm_kernel(%arg0: i32, %arg1: memref<64xi32, #tpu.memory_space<smem>>, %arg2: memref<256x1024xf32, #tpu.memory_space<vmem>>, %arg3: memref<1x1024x512xf32, #tpu.memory_space<vmem>>, %arg4: memref<1x1024x512xf32, #tpu.memory_space<vmem>>, %arg5: memref<1x512x1024xf32, #tpu.memory_space<vmem>>, %arg6: memref<256x1024xf32, #tpu.memory_space<vmem>>) attributes {dimension_semantics = [#tpu.dimension_semantics<arbitrary>], iteration_bounds = array<i64: 32>, scalar_prefetch = 1 : i64, scratch_operands = 0 : i64, tpu.core_type = #tpu.core_type<tc>, window_params = [{transform_indices = @transform_0, window_bounds = array<i64: 256, 1024>}, {transform_indices = @transform_1, window_bounds = array<i64: 1, 1024, 512>}, {transform_indices = @transform_2, window_bounds = array<i64: 1, 1024, 512>}, {transform_indices = @transform_3, window_bounds = array<i64: 1, 512, 1024>}, {transform_indices = @transform_4, window_bounds = array<i64: 256, 1024>}]} {
    %get3A = arith.constant 32 : index
    %get3A_0 = memref.load %arg1[%get3A] : memref<64xi32, #tpu.memory_space<smem>>
    %lt3A = arith.cmpi slt, %arg0, %get3A_0 : i32
    %convert_element_type3A = arith.extui %lt3A : i1 to i32
    %cond3A = arith.constant 0 : i32
    %cond3A_1 = arith.cmpi ne, %convert_element_type3A, %cond3A : i32
    scf.if %cond3A_1 {
      %get3A_2 = arith.constant 0 : index
      %get3A_3 = arith.constant 0 : index
      %get3A_4 = vector.load %arg2[%get3A_2, %get3A_3] : memref<256x1024xf32, #tpu.memory_space<vmem>>, vector<256x1024xf32>
      %get3A_5 = arith.constant 0 : index
      %get3A_6 = arith.constant 0 : index
      %get3A_7 = arith.constant 0 : index
      %get3A_8 = vector.load %arg3[%get3A_5, %get3A_6, %get3A_7] : memref<1x1024x512xf32, #tpu.memory_space<vmem>>, vector<1x1024x512xf32>
      %get3A_9 = vector.shape_cast %get3A_8 : vector<1x1024x512xf32> to vector<1024x512xf32>
      %dot_general3A = arith.constant dense<0.000000e+00> : vector<256x512xf32>
      %dot_general3A_10 = tpu.matmul %get3A_4, %get3A_9, %dot_general3A {dimension_numbers = #tpu.dot_dimension_numbers<[1], [0], [0], [1], [0, 0, 1, 1], [], []>, transpose_lhs_hint = false} : vector<256x1024xf32>, vector<1024x512xf32>, vector<256x512xf32> -> vector<256x512xf32>
      %get3A_11 = arith.constant 0 : index
      %get3A_12 = arith.constant 0 : index
      %get3A_13 = arith.constant 0 : index
      %get3A_14 = vector.load %arg4[%get3A_11, %get3A_12, %get3A_13] : memref<1x1024x512xf32, #tpu.memory_space<vmem>>, vector<1x1024x512xf32>
      %get3A_15 = vector.shape_cast %get3A_14 : vector<1x1024x512xf32> to vector<1024x512xf32>
      %dot_general3A_16 = arith.constant dense<0.000000e+00> : vector<256x512xf32>
      %dot_general3A_17 = tpu.matmul %get3A_4, %get3A_15, %dot_general3A_16 {dimension_numbers = #tpu.dot_dimension_numbers<[1], [0], [0], [1], [0, 0, 1, 1], [], []>, transpose_lhs_hint = false} : vector<256x1024xf32>, vector<1024x512xf32>, vector<256x512xf32> -> vector<256x512xf32>
      %logistic3A = arith.negf %dot_general3A_10 : vector<256x512xf32>
      %logistic3A_18 = math.exp %logistic3A : vector<256x512xf32>
      %logistic3A_19 = arith.constant 1.000000e+00 : f32
      %logistic3A_20 = vector.broadcast %logistic3A_19 : f32 to vector<256x512xf32>
      %logistic3A_21 = arith.addf %logistic3A_20, %logistic3A_18 : vector<256x512xf32>
      %logistic3A_22 = arith.divf %logistic3A_20, %logistic3A_21 : vector<256x512xf32>
      %mul3A = arith.mulf %dot_general3A_10, %logistic3A_22 : vector<256x512xf32>
      %mul3A_23 = arith.mulf %mul3A, %dot_general3A_17 : vector<256x512xf32>
      %get3A_24 = arith.constant 0 : index
      %get3A_25 = arith.constant 0 : index
      %get3A_26 = arith.constant 0 : index
      %get3A_27 = vector.load %arg5[%get3A_24, %get3A_25, %get3A_26] : memref<1x512x1024xf32, #tpu.memory_space<vmem>>, vector<1x512x1024xf32>
      %get3A_28 = vector.shape_cast %get3A_27 : vector<1x512x1024xf32> to vector<512x1024xf32>
      %dot_general3A_29 = arith.constant dense<0.000000e+00> : vector<256x1024xf32>
      %dot_general3A_30 = tpu.matmul %mul3A_23, %get3A_28, %dot_general3A_29 {dimension_numbers = #tpu.dot_dimension_numbers<[1], [0], [0], [1], [0, 0, 1, 1], [], []>, transpose_lhs_hint = false} : vector<256x512xf32>, vector<512x1024xf32>, vector<256x1024xf32> -> vector<256x1024xf32>
      %swap3A = arith.constant 0 : index
      %swap3A_31 = arith.constant 0 : index
      %swap3A_32 = vector.load %arg6[%swap3A, %swap3A_31] : memref<256x1024xf32, #tpu.memory_space<vmem>>, vector<256x1024xf32>
      tpu.vector_store %arg6[%swap3A, %swap3A_31], %dot_general3A_30 {strides = array<i32>} : memref<256x1024xf32, #tpu.memory_space<vmem>>, vector<256x1024xf32>,
    } else {
    }
    return
  }
  func.func @transform_0(%arg0: i32, %arg1: memref<64xi32, #tpu.memory_space<smem>>) -> (i32, i32) {
    %c0_i32 = arith.constant 0 : i32
    %c0_i32_0 = arith.constant 0 : i32
    return %arg0, %c0_i32 : i32, i32
  }
  func.func @transform_1(%arg0: i32, %arg1: memref<64xi32, #tpu.memory_space<smem>>) -> (i32, i32, i32) {
    %get3A = arith.index_cast %arg0 : i32 to index
    %get3A_0 = memref.load %arg1[%get3A] : memref<64xi32, #tpu.memory_space<smem>>
    %c0_i32 = arith.constant 0 : i32
    %c0_i32_1 = arith.constant 0 : i32
    %c0_i32_2 = arith.constant 0 : i32
    return %get3A_0, %c0_i32, %c0_i32_1 : i32, i32, i32
  }
  func.func @transform_2(%arg0: i32, %arg1: memref<64xi32, #tpu.memory_space<smem>>) -> (i32, i32, i32) {
    %get3A = arith.index_cast %arg0 : i32 to index
    %get3A_0 = memref.load %arg1[%get3A] : memref<64xi32, #tpu.memory_space<smem>>
    %c0_i32 = arith.constant 0 : i32
    %c0_i32_1 = arith.constant 0 : i32
    %c0_i32_2 = arith.constant 0 : i32
    return %get3A_0, %c0_i32, %c0_i32_1 : i32, i32, i32
  }
  func.func @transform_3(%arg0: i32, %arg1: memref<64xi32, #tpu.memory_space<smem>>) -> (i32, i32, i32) {
    %get3A = arith.index_cast %arg0 : i32 to index
    %get3A_0 = memref.load %arg1[%get3A] : memref<64xi32, #tpu.memory_space<smem>>
    %c0_i32 = arith.constant 0 : i32
    %c0_i32_1 = arith.constant 0 : i32
    %c0_i32_2 = arith.constant 0 : i32
    return %get3A_0, %c0_i32, %c0_i32_1 : i32, i32, i32
  }
  func.func @transform_4(%arg0: i32, %arg1: memref<64xi32, #tpu.memory_space<smem>>) -> (i32, i32) {
    %c0_i32 = arith.constant 0 : i32
    %c0_i32_0 = arith.constant 0 : i32
    return %arg0, %c0_i32 : i32, i32
  }
}

module attributes {stable_mosaic.version = 14 : i64} {
  func.func @_router_kernel(%arg0: i32, %arg1: memref<256x1024xf32, #tpu.memory_space<vmem>>, %arg2: memref<1024x16xf32, #tpu.memory_space<vmem>>, %arg3: memref<256x16xf32, #tpu.memory_space<vmem>>, %arg4: memref<256x2xf32, #tpu.memory_space<vmem>>, %arg5: memref<256x2xi32, #tpu.memory_space<vmem>>, %arg6: memref<1x1x16xi32, #tpu.memory_space<vmem>>) attributes {dimension_semantics = [#tpu.dimension_semantics<arbitrary>], iteration_bounds = array<i64: 8>, scalar_prefetch = 0 : i64, scratch_operands = 0 : i64, tpu.core_type = #tpu.core_type<tc>, window_params = [{transform_indices = @transform_0, window_bounds = array<i64: 256, 1024>}, {pipeline_mode = #tpu.pipeline_mode<synchronous>, transform_indices = @transform_1, window_bounds = array<i64: 1024, 16>}, {transform_indices = @transform_2, window_bounds = array<i64: 256, 16>}, {transform_indices = @transform_3, window_bounds = array<i64: 256, 2>}, {transform_indices = @transform_4, window_bounds = array<i64: 256, 2>}, {transform_indices = @transform_5, window_bounds = array<i64: 1, 1, 16>}]} {
    %get3A = arith.constant 0 : index
    %get3A_0 = arith.constant 0 : index
    %get3A_1 = vector.load %arg1[%get3A, %get3A_0] : memref<256x1024xf32, #tpu.memory_space<vmem>>, vector<256x1024xf32>
    %get3A_2 = arith.constant 0 : index
    %get3A_3 = arith.constant 0 : index
    %get3A_4 = vector.load %arg2[%get3A_2, %get3A_3] : memref<1024x16xf32, #tpu.memory_space<vmem>>, vector<1024x16xf32>
    %dot_general3A = arith.constant dense<0.000000e+00> : vector<256x16xf32>
    %dot_general3A_5 = tpu.matmul %get3A_1, %get3A_4, %dot_general3A {dimension_numbers = #tpu.dot_dimension_numbers<[1], [0], [0], [1], [0, 0, 1, 1], [], []>, transpose_lhs_hint = false} : vector<256x1024xf32>, vector<1024x16xf32>, vector<256x16xf32> -> vector<256x16xf32>
    %swap3A = arith.constant 0 : index
    %swap3A_6 = arith.constant 0 : index
    %swap3A_7 = vector.load %arg3[%swap3A, %swap3A_6] : memref<256x16xf32, #tpu.memory_space<vmem>>, vector<256x16xf32>
    tpu.vector_store %arg3[%swap3A, %swap3A_6], %dot_general3A_5 {strides = array<i32>} : memref<256x16xf32, #tpu.memory_space<vmem>>, vector<256x16xf32>,
    %reduce_max3A = arith.constant dense<0xFF800000> : vector<256xf32>
    %reduce_max3A_8 = vector.multi_reduction <maximumf>, %dot_general3A_5, %reduce_max3A [1] : vector<256x16xf32> to vector<256xf32>
    %broadcast_in_dim3A = vector.shape_cast %reduce_max3A_8 : vector<256xf32> to vector<256x1xf32>
    %sub3A = vector.broadcast %broadcast_in_dim3A : vector<256x1xf32> to vector<256x16xf32>
    %sub3A_9 = arith.subf %dot_general3A_5, %sub3A : vector<256x16xf32>
    %exp3A = math.exp %sub3A_9 : vector<256x16xf32>
    %reduce_sum3A = arith.constant dense<0.000000e+00> : vector<256xf32>
    %reduce_sum3A_10 = vector.multi_reduction <add>, %exp3A, %reduce_sum3A [1] : vector<256x16xf32> to vector<256xf32>
    %broadcast_in_dim3A_11 = vector.shape_cast %reduce_sum3A_10 : vector<256xf32> to vector<256x1xf32>
    %div3A = vector.broadcast %broadcast_in_dim3A_11 : vector<256x1xf32> to vector<256x16xf32>
    %div3A_12 = arith.divf %exp3A, %div3A : vector<256x16xf32>
    %iota3A = tpu.iota {dimensions = array<i32: 1>} : vector<256x16xi32>
    %reduce_max3A_13 = arith.constant dense<0xFF800000> : vector<256xf32>
    %reduce_max3A_14 = vector.multi_reduction <maximumf>, %div3A_12, %reduce_max3A_13 [1] : vector<256x16xf32> to vector<256xf32>
    %broadcast_in_dim3A_15 = vector.shape_cast %reduce_max3A_14 : vector<256xf32> to vector<256x1xf32>
    %eq3A = vector.broadcast %broadcast_in_dim3A_15 : vector<256x1xf32> to vector<256x16xf32>
    %eq3A_16 = arith.cmpf oeq, %div3A_12, %eq3A : vector<256x16xf32>
    %jit3A = arith.constant 16 : i32
    %broadcast_in_dim3A_17 = vector.broadcast %jit3A : i32 to vector<256x16xi32>
    %select_n3A = arith.select %eq3A_16, %iota3A, %broadcast_in_dim3A_17 : vector<256x16xi1>, vector<256x16xi32>
    %reduce_min3A = arith.constant dense<2147483647> : vector<256xi32>
    %reduce_min3A_18 = vector.multi_reduction <minsi>, %select_n3A, %reduce_min3A [1] : vector<256x16xi32> to vector<256xi32>
    %broadcast_in_dim3A_19 = vector.shape_cast %reduce_min3A_18 : vector<256xi32> to vector<256x1xi32>
    %eq3A_20 = vector.broadcast %broadcast_in_dim3A_19 : vector<256x1xi32> to vector<256x16xi32>
    %eq3A_21 = arith.cmpi eq, %iota3A, %eq3A_20 : vector<256x16xi32>
    %jit3A_22 = arith.constant -1.000000e+00 : f32
    %broadcast_in_dim3A_23 = vector.broadcast %jit3A_22 : f32 to vector<256x16xf32>
    %select_n3A_24 = arith.select %eq3A_21, %broadcast_in_dim3A_23, %div3A_12 : vector<256x16xi1>, vector<256x16xf32>
    %reduce_max3A_25 = arith.constant dense<0xFF800000> : vector<256xf32>
    %reduce_max3A_26 = vector.multi_reduction <maximumf>, %select_n3A_24, %reduce_max3A_25 [1] : vector<256x16xf32> to vector<256xf32>
    %broadcast_in_dim3A_27 = vector.shape_cast %reduce_max3A_26 : vector<256xf32> to vector<256x1xf32>
    %eq3A_28 = vector.broadcast %broadcast_in_dim3A_27 : vector<256x1xf32> to vector<256x16xf32>
    %eq3A_29 = arith.cmpf oeq, %select_n3A_24, %eq3A_28 : vector<256x16xf32>
    %jit3A_30 = arith.constant 16 : i32
    %broadcast_in_dim3A_31 = vector.broadcast %jit3A_30 : i32 to vector<256x16xi32>
    %select_n3A_32 = arith.select %eq3A_29, %iota3A, %broadcast_in_dim3A_31 : vector<256x16xi1>, vector<256x16xi32>
    %reduce_min3A_33 = arith.constant dense<2147483647> : vector<256xi32>
    %reduce_min3A_34 = vector.multi_reduction <minsi>, %select_n3A_32, %reduce_min3A_33 [1] : vector<256x16xi32> to vector<256xi32>
    %broadcast_in_dim3A_35 = vector.shape_cast %reduce_min3A_34 : vector<256xi32> to vector<256x1xi32>
    %add3A = arith.addf %broadcast_in_dim3A_15, %broadcast_in_dim3A_27 : vector<256x1xf32>
    %max3A = arith.constant 9.99999996E-13 : f32
    %max3A_36 = vector.broadcast %max3A : f32 to vector<256x1xf32>
    %max3A_37 = arith.maximumf %add3A, %max3A_36 : vector<256x1xf32>
    %div3A_38 = arith.divf %broadcast_in_dim3A_15, %max3A_37 : vector<256x1xf32>
    %div3A_39 = arith.divf %broadcast_in_dim3A_27, %max3A_37 : vector<256x1xf32>
    %concatenate3A = tpu.concatenate %div3A_38, %div3A_39 in 1 : vector<256x1xf32>, vector<256x1xf32> -> vector<256x2xf32>
    %swap3A_40 = arith.constant 0 : index
    %swap3A_41 = arith.constant 0 : index
    %swap3A_42 = vector.load %arg4[%swap3A_40, %swap3A_41] : memref<256x2xf32, #tpu.memory_space<vmem>>, vector<256x2xf32>
    tpu.vector_store %arg4[%swap3A_40, %swap3A_41], %concatenate3A {strides = array<i32>} : memref<256x2xf32, #tpu.memory_space<vmem>>, vector<256x2xf32>,
    %concatenate3A_43 = tpu.concatenate %broadcast_in_dim3A_19, %broadcast_in_dim3A_35 in 1 : vector<256x1xi32>, vector<256x1xi32> -> vector<256x2xi32>
    %swap3A_44 = arith.constant 0 : index
    %swap3A_45 = arith.constant 0 : index
    %swap3A_46 = vector.load %arg5[%swap3A_44, %swap3A_45] : memref<256x2xi32, #tpu.memory_space<vmem>>, vector<256x2xi32>
    tpu.vector_store %arg5[%swap3A_44, %swap3A_45], %concatenate3A_43 {strides = array<i32>} : memref<256x2xi32, #tpu.memory_space<vmem>>, vector<256x2xi32>,
    %eq3A_47 = vector.broadcast %broadcast_in_dim3A_19 : vector<256x1xi32> to vector<256x16xi32>
    %eq3A_48 = arith.cmpi eq, %iota3A, %eq3A_47 : vector<256x16xi32>
    %convert_element_type3A = arith.extui %eq3A_48 : vector<256x16xi1> to vector<256x16xi32>
    %eq3A_49 = vector.broadcast %broadcast_in_dim3A_35 : vector<256x1xi32> to vector<256x16xi32>
    %eq3A_50 = arith.cmpi eq, %iota3A, %eq3A_49 : vector<256x16xi32>
    %convert_element_type3A_51 = arith.extui %eq3A_50 : vector<256x16xi1> to vector<256x16xi32>
    %add3A_52 = arith.addi %convert_element_type3A, %convert_element_type3A_51 : vector<256x16xi32>
    %reduce_sum3A_53 = arith.constant dense<0> : vector<16xi32>
    %reduce_sum3A_54 = vector.multi_reduction <add>, %add3A_52, %reduce_sum3A_53 [0] : vector<256x16xi32> to vector<16xi32>
    %broadcast_in_dim3A_55 = vector.shape_cast %reduce_sum3A_54 : vector<16xi32> to vector<1x16xi32>
    %broadcast_in_dim3A_56 = vector.shape_cast %broadcast_in_dim3A_55 : vector<1x16xi32> to vector<1x1x16xi32>
    %swap3A_57 = arith.constant 0 : index
    %swap3A_58 = arith.constant 0 : index
    %swap3A_59 = arith.constant 0 : index
    %swap3A_60 = vector.load %arg6[%swap3A_57, %swap3A_58, %swap3A_59] : memref<1x1x16xi32, #tpu.memory_space<vmem>>, vector<1x1x16xi32>
    tpu.vector_store %arg6[%swap3A_57, %swap3A_58, %swap3A_59], %broadcast_in_dim3A_56 {strides = array<i32>} : memref<1x1x16xi32, #tpu.memory_space<vmem>>, vector<1x1x16xi32>,
    return
  }
  func.func @transform_0(%arg0: i32) -> (i32, i32) {
    %c0_i32 = arith.constant 0 : i32
    %c0_i32_0 = arith.constant 0 : i32
    return %arg0, %c0_i32 : i32, i32
  }
  func.func @transform_1(%arg0: i32) -> (i32, i32) {
    %c0_i32 = arith.constant 0 : i32
    %c0_i32_0 = arith.constant 0 : i32
    %c0_i32_1 = arith.constant 0 : i32
    return %c0_i32, %c0_i32_0 : i32, i32
  }
  func.func @transform_2(%arg0: i32) -> (i32, i32) {
    %c0_i32 = arith.constant 0 : i32
    %c0_i32_0 = arith.constant 0 : i32
    return %arg0, %c0_i32 : i32, i32
  }
  func.func @transform_3(%arg0: i32) -> (i32, i32) {
    %c0_i32 = arith.constant 0 : i32
    %c0_i32_0 = arith.constant 0 : i32
    return %arg0, %c0_i32 : i32, i32
  }
  func.func @transform_4(%arg0: i32) -> (i32, i32) {
    %c0_i32 = arith.constant 0 : i32
    %c0_i32_0 = arith.constant 0 : i32
    return %arg0, %c0_i32 : i32, i32
  }
  func.func @transform_5(%arg0: i32) -> (i32, i32, i32) {
    %c0_i32 = arith.constant 0 : i32
    %c0_i32_0 = arith.constant 0 : i32
    %c0_i32_1 = arith.constant 0 : i32
    return %arg0, %c0_i32, %c0_i32_0 : i32, i32, i32
  }
}

module attributes {stable_mosaic.version = 14 : i64} {
  func.func @_shared_kernel(%arg0: i32, %arg1: memref<256x1024xf32, #tpu.memory_space<vmem>>, %arg2: memref<1024x512xf32, #tpu.memory_space<vmem>>, %arg3: memref<1024x512xf32, #tpu.memory_space<vmem>>, %arg4: memref<512x1024xf32, #tpu.memory_space<vmem>>, %arg5: memref<256x1024xf32, #tpu.memory_space<vmem>>) attributes {dimension_semantics = [#tpu.dimension_semantics<arbitrary>], iteration_bounds = array<i64: 8>, scalar_prefetch = 0 : i64, scratch_operands = 0 : i64, tpu.core_type = #tpu.core_type<tc>, window_params = [{transform_indices = @transform_0, window_bounds = array<i64: 256, 1024>}, {pipeline_mode = #tpu.pipeline_mode<synchronous>, transform_indices = @transform_1, window_bounds = array<i64: 1024, 512>}, {pipeline_mode = #tpu.pipeline_mode<synchronous>, transform_indices = @transform_2, window_bounds = array<i64: 1024, 512>}, {pipeline_mode = #tpu.pipeline_mode<synchronous>, transform_indices = @transform_3, window_bounds = array<i64: 512, 1024>}, {transform_indices = @transform_4, window_bounds = array<i64: 256, 1024>}]} {
    %get3A = arith.constant 0 : index
    %get3A_0 = arith.constant 0 : index
    %get3A_1 = vector.load %arg1[%get3A, %get3A_0] : memref<256x1024xf32, #tpu.memory_space<vmem>>, vector<256x1024xf32>
    %get3A_2 = arith.constant 0 : index
    %get3A_3 = arith.constant 0 : index
    %get3A_4 = vector.load %arg2[%get3A_2, %get3A_3] : memref<1024x512xf32, #tpu.memory_space<vmem>>, vector<1024x512xf32>
    %dot_general3A = arith.constant dense<0.000000e+00> : vector<256x512xf32>
    %dot_general3A_5 = tpu.matmul %get3A_1, %get3A_4, %dot_general3A {dimension_numbers = #tpu.dot_dimension_numbers<[1], [0], [0], [1], [0, 0, 1, 1], [], []>, transpose_lhs_hint = false} : vector<256x1024xf32>, vector<1024x512xf32>, vector<256x512xf32> -> vector<256x512xf32>
    %get3A_6 = arith.constant 0 : index
    %get3A_7 = arith.constant 0 : index
    %get3A_8 = vector.load %arg3[%get3A_6, %get3A_7] : memref<1024x512xf32, #tpu.memory_space<vmem>>, vector<1024x512xf32>
    %dot_general3A_9 = arith.constant dense<0.000000e+00> : vector<256x512xf32>
    %dot_general3A_10 = tpu.matmul %get3A_1, %get3A_8, %dot_general3A_9 {dimension_numbers = #tpu.dot_dimension_numbers<[1], [0], [0], [1], [0, 0, 1, 1], [], []>, transpose_lhs_hint = false} : vector<256x1024xf32>, vector<1024x512xf32>, vector<256x512xf32> -> vector<256x512xf32>
    %logistic3A = arith.negf %dot_general3A_5 : vector<256x512xf32>
    %logistic3A_11 = math.exp %logistic3A : vector<256x512xf32>
    %logistic3A_12 = arith.constant 1.000000e+00 : f32
    %logistic3A_13 = vector.broadcast %logistic3A_12 : f32 to vector<256x512xf32>
    %logistic3A_14 = arith.addf %logistic3A_13, %logistic3A_11 : vector<256x512xf32>
    %logistic3A_15 = arith.divf %logistic3A_13, %logistic3A_14 : vector<256x512xf32>
    %mul3A = arith.mulf %dot_general3A_5, %logistic3A_15 : vector<256x512xf32>
    %mul3A_16 = arith.mulf %mul3A, %dot_general3A_10 : vector<256x512xf32>
    %get3A_17 = arith.constant 0 : index
    %get3A_18 = arith.constant 0 : index
    %get3A_19 = vector.load %arg4[%get3A_17, %get3A_18] : memref<512x1024xf32, #tpu.memory_space<vmem>>, vector<512x1024xf32>
    %dot_general3A_20 = arith.constant dense<0.000000e+00> : vector<256x1024xf32>
    %dot_general3A_21 = tpu.matmul %mul3A_16, %get3A_19, %dot_general3A_20 {dimension_numbers = #tpu.dot_dimension_numbers<[1], [0], [0], [1], [0, 0, 1, 1], [], []>, transpose_lhs_hint = false} : vector<256x512xf32>, vector<512x1024xf32>, vector<256x1024xf32> -> vector<256x1024xf32>
    %swap3A = arith.constant 0 : index
    %swap3A_22 = arith.constant 0 : index
    %swap3A_23 = vector.load %arg5[%swap3A, %swap3A_22] : memref<256x1024xf32, #tpu.memory_space<vmem>>, vector<256x1024xf32>
    tpu.vector_store %arg5[%swap3A, %swap3A_22], %dot_general3A_21 {strides = array<i32>} : memref<256x1024xf32, #tpu.memory_space<vmem>>, vector<256x1024xf32>,
    return
  }
  func.func @transform_0(%arg0: i32) -> (i32, i32) {
    %c0_i32 = arith.constant 0 : i32
    %c0_i32_0 = arith.constant 0 : i32
    return %arg0, %c0_i32 : i32, i32
  }
  func.func @transform_1(%arg0: i32) -> (i32, i32) {
    %c0_i32 = arith.constant 0 : i32
    %c0_i32_0 = arith.constant 0 : i32
    %c0_i32_1 = arith.constant 0 : i32
    return %c0_i32, %c0_i32_0 : i32, i32
  }
  func.func @transform_2(%arg0: i32) -> (i32, i32) {
    %c0_i32 = arith.constant 0 : i32
    %c0_i32_0 = arith.constant 0 : i32
    %c0_i32_1 = arith.constant 0 : i32
    return %c0_i32, %c0_i32_0 : i32, i32
  }
  func.func @transform_3(%arg0: i32) -> (i32, i32) {
    %c0_i32 = arith.constant 0 : i32
    %c0_i32_0 = arith.constant 0 : i32
    %c0_i32_1 = arith.constant 0 : i32
    return %c0_i32, %c0_i32_0 : i32, i32
  }
  func.func @transform_4(%arg0: i32) -> (i32, i32) {
    %c0_i32 = arith.constant 0 : i32
    %c0_i32_0 = arith.constant 0 : i32
    return %arg0, %c0_i32 : i32, i32
  }
}

module attributes {stable_mosaic.version = 14 : i64} {
  func.func @_combine_kernel(%arg0: i32, %arg1: memref<256x1024xf32, #tpu.memory_space<vmem>>, %arg2: memref<256x2xf32, #tpu.memory_space<vmem>>, %arg3: memref<256x1024xf32, #tpu.memory_space<vmem>>, %arg4: memref<256x1024xf32, #tpu.memory_space<vmem>>, %arg5: memref<256x1024xf32, #tpu.memory_space<vmem>>) attributes {dimension_semantics = [#tpu.dimension_semantics<arbitrary>], iteration_bounds = array<i64: 8>, scalar_prefetch = 0 : i64, scratch_operands = 0 : i64, tpu.core_type = #tpu.core_type<tc>, window_params = [{transform_indices = @transform_0, window_bounds = array<i64: 256, 1024>}, {transform_indices = @transform_1, window_bounds = array<i64: 256, 2>}, {transform_indices = @transform_2, window_bounds = array<i64: 256, 1024>}, {transform_indices = @transform_3, window_bounds = array<i64: 256, 1024>}, {transform_indices = @transform_4, window_bounds = array<i64: 256, 1024>}]} {
    %get3A = arith.constant 0 : index
    %get3A_0 = arith.constant 0 : index
    %get3A_1 = vector.load %arg2[%get3A, %get3A_0] : memref<256x2xf32, #tpu.memory_space<vmem>>, vector<256x2xf32>
    %get3A_2 = arith.constant 0 : index
    %get3A_3 = arith.constant 0 : index
    %get3A_4 = vector.load %arg1[%get3A_2, %get3A_3] : memref<256x1024xf32, #tpu.memory_space<vmem>>, vector<256x1024xf32>
    %get3A_5 = arith.constant 0 : index
    %get3A_6 = arith.constant 0 : index
    %get3A_7 = vector.load %arg3[%get3A_5, %get3A_6] : memref<256x1024xf32, #tpu.memory_space<vmem>>, vector<256x1024xf32>
    %slice3A = vector.extract_strided_slice %get3A_1 {offsets = [0, 0], sizes = [256, 1], strides = [1, 1]} : vector<256x2xf32> to vector<256x1xf32>
    %mul3A = vector.broadcast %slice3A : vector<256x1xf32> to vector<256x1024xf32>
    %mul3A_8 = arith.mulf %get3A_7, %mul3A : vector<256x1024xf32>
    %add3A = arith.addf %get3A_4, %mul3A_8 : vector<256x1024xf32>
    %get3A_9 = arith.constant 0 : index
    %get3A_10 = arith.constant 0 : index
    %get3A_11 = vector.load %arg4[%get3A_9, %get3A_10] : memref<256x1024xf32, #tpu.memory_space<vmem>>, vector<256x1024xf32>
    %slice3A_12 = vector.extract_strided_slice %get3A_1 {offsets = [0, 1], sizes = [256, 1], strides = [1, 1]} : vector<256x2xf32> to vector<256x1xf32>
    %mul3A_13 = vector.broadcast %slice3A_12 : vector<256x1xf32> to vector<256x1024xf32>
    %mul3A_14 = arith.mulf %get3A_11, %mul3A_13 : vector<256x1024xf32>
    %add3A_15 = arith.addf %add3A, %mul3A_14 : vector<256x1024xf32>
    %swap3A = arith.constant 0 : index
    %swap3A_16 = arith.constant 0 : index
    %swap3A_17 = vector.load %arg5[%swap3A, %swap3A_16] : memref<256x1024xf32, #tpu.memory_space<vmem>>, vector<256x1024xf32>
    tpu.vector_store %arg5[%swap3A, %swap3A_16], %add3A_15 {strides = array<i32>} : memref<256x1024xf32, #tpu.memory_space<vmem>>, vector<256x1024xf32>,
    return
  }
  func.func @transform_0(%arg0: i32) -> (i32, i32) {
    %c0_i32 = arith.constant 0 : i32
    %c0_i32_0 = arith.constant 0 : i32
    return %arg0, %c0_i32 : i32, i32
  }
  func.func @transform_1(%arg0: i32) -> (i32, i32) {
    %c0_i32 = arith.constant 0 : i32
    %c0_i32_0 = arith.constant 0 : i32
    return %arg0, %c0_i32 : i32, i32
  }
  func.func @transform_2(%arg0: i32) -> (i32, i32) {
    %c0_i32 = arith.constant 0 : i32
    %c0_i32_0 = arith.constant 0 : i32
    return %arg0, %c0_i32 : i32, i32
  }
  func.func @transform_3(%arg0: i32) -> (i32, i32) {
    %add3A = arith.constant 8 : i32
    %add3A_0 = arith.addi %arg0, %add3A : i32
    %c0_i32 = arith.constant 0 : i32
    %c0_i32_1 = arith.constant 0 : i32
    return %add3A_0, %c0_i32 : i32, i32
  }
  func.func @transform_4(%arg0: i32) -> (i32, i32) {
    %c0_i32 = arith.constant 0 : i32
    %c0_i32_0 = arith.constant 0 : i32
    return %arg0, %c0_i32 : i32, i32
  }
}

</mosaic_0001>

<sc_bundles>
// kernel: kernel.11.cloned.1.call-start
scs
__scs_entry_jumppad:
0x0: {  	(pc) =	sbr.rel $0x88, $3  }
0x1: {  	(tag) =	ssettag $0x0;
	lr =	simm.s32 $0x1  }
0x2: {  	[smem:$0x3F99] =	sst lr;
	_ =	strace $0xD0000000  }
0x3: {  	_ = 	snop  }
0x4: {  	_ = 	snop  }
0x5: {  	_ = 	snop  }
0x6: {  	_ = 	snop  }
0x7: {  	_ = 	snop  }
__scs_overlays_trampoline_lowered:
0x8: {  	[smem:$0x3FA8] =	sst s0  }
0x9: {  	[smem:$0x3FA9] =	sst s1  }
0xa: {  	[smem:$0x3FAA] =	sst s2  }
0xb: {  	[smem:$0x3FAB] =	sst s3  }
0xc: {  	[smem:$0x3FAC] =	sst s4  }
0xd: {  	[smem:$0x3FAD] =	sst s5  }
0xe: {  	[smem:$0x3FAE] =	sst s6  }
0xf: {  	[smem:$0x3FAF] =	sst s7  }
0x10: {  	[smem:$0x3FB0] =	sst s8  }
0x11: {  	[smem:$0x3FB1] =	sst s9;
	s0 =	simm.s32 @!p0 $0x0  }
0x12: {  	s1 =	sld [smem:$0x3F97];
	s0 =	simm.s32 @p0 $0x1  }
0x13: {  	[smem:$0x3FB2] =	sst s0;
	s0 =	simm.s32 @!p1 $0x0  }
0x14: {  	s2 =	sld [smem:$0x3F96];
	s0 =	simm.s32 @p1 $0x1  }
0x15: {  	[smem:$0x3FB3] =	sst s0;
	s0 =	simm.s32 @!p2 $0x0  }
0x16: {  	s3 =	sld [smem:$0x3FDB];
	s0 =	simm.s32 @p2 $0x1  }
0x17: {  	s4 =	simm.s32 $0x1BF5;
	[smem:$0x3FB5] =	sst s0  }
0x18: {  	s0 =	sld [smem:$0x3F98];
	_ =	swait.ge [sflag:s4], $0x0  }
0x19: {  	s7 =	sld [smem:$0x3F99]  }
0x1a: {  	s8 =	sadd.s32 $0xFFFFE003, lr  }
0x1b: {  	s9 =	sadd.s32 $0xFFFFFEF7, lr;
	s5 =	simm.s32 $0xFFFFFFFF;
	p2 =	slt.u32 s8, $0xFFFFF086  }
0x1c: {  	p1 =	slt.u32 s9, $0xF7A;
	s5 =	simm.s32 @!p2 $0x0  }
0x1d: {  	s5 =	simm.s32 @p1 $0x1;
	p0 =	seq.s32 s7, s2  }
0x1e: {  	s7 =	smul.u32 @!p0 $0xF7A, s2;
	p2 =	seq.s32 @!p0 s5, $0x0  }
0x1f: {  	s9 =	smul.u32 $0xF7A, s1;
	s8 =	simm.s32 @!p0 $0x1BF5;
	p2 =	por !p2, p0  }
0x20: {  	[sflag:s8] =	ssyncset.s32 @!p0 $0xFFFFF086;
	s6 =	sadd.s32 @!p0 s3, s7;
	s7 =	simm.s32 @!p0 $0x108  }
0x21: {  	s3 =	sadd.s32 s3, s9;
	s6 =	sadd.s32 @!p0 $0x88, s6;
	s7 =	simm.s32 @p2 $0x1082  }
0x22: {  	[simem:s7], [sflag:s8] =	dma.local @!p0 [hbm:s6], $0xF7A  }
0x23: {  	s9 =	sor.u32 $0xD0000000, s2;
	s6 =	simm.s32 $0x108;
	_ =	swait.ge @!p0 [sflag:s8], $0x0  }
0x24: {  	s3 =	sadd.s32 $0x88, s3;
	s6 =	simm.s32 @!p1 $0x1082;
	[sflag:s4] =	ssyncset.s32 $0xFFFFF086  }
0x25: {  	[simem:s6], [sflag:s4] =	dma.local [hbm:s3], $0xF7A  }
0x26: {  	[smem:$0x3F99] =	sst s1;
	(tag) =	ssettag s2;
	_ =	strace s9  }
0x27: {  	s1 =	sld [smem:$0x3FA9]  }
0x28: {  	s2 =	sld [smem:$0x3FAA]  }
0x29: {  	s4 =	sld [smem:$0x3FAC]  }
0x2a: {  	p0 =	seq.s32 s5, $0x0;
	s5 =	sld [smem:$0x3FAD]  }
0x2b: {  	s6 =	sld [smem:$0x3FAE]  }
0x2c: {  	s7 =	sld [smem:$0x3FAF]  }
0x2d: {  	s3 =	simm.s32 $0x108;
	s8 =	sld [smem:$0x3FB0]  }
0x2e: {  	s3 =	simm.s32 @!p0 $0x1082;
	s9 =	sld [smem:$0x3FB1]  }
0x2f: {  	lr =	sadd.s32 s0, s3;
	s0 =	sld [smem:$0x3FA8]  }
0x30: {  	s3 =	sld [smem:$0x3FAB]  }
0x31: {  	[smem:$0x3FB4] =	sst s10  }
0x32: {  	s10 =	sld [smem:$0x3FB2];
	_ =	sdelay $0x3  }
0x33: {  	p0 =	seq.s32 s10, $0x1;
	s10 =	sld [smem:$0x3FB4];
	_ =	sdelay $0x3  }
0x34: {  	[smem:$0x3FB4] =	sst s10  }
0x35: {  	s10 =	sld [smem:$0x3FB3];
	_ =	sdelay $0x3  }
0x36: {  	p1 =	seq.s32 s10, $0x1;
	s10 =	sld [smem:$0x3FB4];
	_ =	sdelay $0x3  }
0x37: {  	[smem:$0x3FB4] =	sst s10  }
0x38: {  	s10 =	sld [smem:$0x3FB5]  }
0x39: {  	_ = 	snop;
	(pc) =	sbr.ind lr, $3  }
0x3a: {  	_ = 	snop  }
0x3b: {  	_ = 	snop  }
0x3c: {  	p2 =	seq.s32 s10, $0x1;
	s10 =	sld [smem:$0x3FB4]  }
0x3d: {  	_ =	shalt  }
0x3e: {  	_ =	shalt  }
0x3f: {  	_ =	shalt  }
0x40: {  	_ =	shalt  }
0x41: {  	_ =	shalt  }
0x42: {  	_ =	shalt  }
0x43: {  	_ =	shalt  }
0x44: {  	_ =	shalt  }
0x45: {  	_ =	shalt  }
0x46: {  	_ =	shalt  }
0x47: {  	_ =	shalt  }
0x48: {  	_ =	shalt  }
0x49: {  	_ =	shalt  }
0x4a: {  	_ =	shalt  }
0x4b: {  	_ =	shalt  }
0x4c: {  	_ =	shalt  }
0x4d: {  	_ =	shalt  }
0x4e: {  	_ =	shalt  }
0x4f: {  	_ =	shalt  }
0x50: {  	_ =	shalt  }
0x51: {  	_ =	shalt  }
0x52: {  	_ =	shalt  }
0x53: {  	_ =	shalt  }
0x54: {  	_ =	shalt  }
0x55: {  	_ =	shalt  }
0x56: {  	_ =	shalt  }
0x57: {  	_ =	shalt  }
0x58: {  	_ =	shalt  }
0x59: {  	_ =	shalt  }
0x5a: {  	_ =	shalt  }
0x5b: {  	_ =	shalt  }
0x5c: {  	_ =	shalt  }
0x5d: {  	_ =	shalt  }
0x5e: {  	_ =	shalt  }
0x5f: {  	_ =	shalt  }
0x60: {  	_ =	shalt  }
0x61: {  	_ =	shalt  }
0x62: {  	_ =	shalt  }
0x63: {  	_ =	shalt  }
0x64: {  	_ =	shalt  }
0x65: {  	_ =	shalt  }
0x66: {  	_ =	shalt  }
0x67: {  	_ =	shalt  }
0x68: {  	_ =	shalt  }
0x69: {  	_ =	shalt  }
0x6a: {  	_ =	shalt  }
0x6b: {  	_ =	shalt  }
0x6c: {  	_ =	shalt  }
0x6d: {  	_ =	shalt  }
0x6e: {  	_ =	shalt  }
0x6f: {  	_ =	shalt  }
0x70: {  	_ =	shalt  }
0x71: {  	_ =	shalt  }
0x72: {  	_ =	shalt  }
0x73: {  	_ =	shalt  }
0x74: {  	_ =	shalt  }
0x75: {  	_ =	shalt  }
0x76: {  	_ =	shalt  }
0x77: {  	_ =	shalt  }
0x78: {  	_ =	shalt  }
0x79: {  	_ =	shalt  }
0x7a: {  	_ =	shalt  }
0x7b: {  	_ =	shalt  }
0x7c: {  	_ =	shalt  }
0x7d: {  	_ =	shalt  }
0x7e: {  	_ =	shalt  }
0x7f: {  	_ =	shalt  }
0x80: {  	_ =	shalt  }
0x81: {  	_ =	shalt  }
0x82: {  	_ =	shalt  }
0x83: {  	_ =	shalt  }
0x84: {  	_ =	shalt  }
0x85: {  	_ =	shalt  }
0x86: {  	_ =	shalt  }
0x87: {  	_ =	shalt  }
.Lfunc_end0:
.L_simem_size_0:
called_computation.1_lowered:
.L_overlay_start_0:
0x88: {  	s2 =	sld [smem:$0x3FD9]  }
0x89: {  	s3 =	sld [smem:$0x3FFE];
	_ =	sdelay $0x1  }
0x8a: {  	s1 =	srdreg.scid  }
0x8b: {  	s0 =	sand.u32 $0x1, s1  }
0x8c: {  	s14 =	sshll.u32 s0, $0xA;
	s2 =	sadd.s32 s3, s2  }
0x8d: {  	s2 =	sadd.s32 s2, s14  }
0x8e: {  	[smem:$0x3FC0] =	sst s2  }
0x8f: {  	_ = 	snop  }
0x90: {  	s2 =	sld [smem:$0x3FD0];
	_ =	sdelay $0x2  }
0x91: {  	s15 =	simm.s32 $0xA;
	s4 =	simm.s32 $0x10  }
0x92: {  	[smem:s4], [sflag:s15] =	dma.local [hbm:s2], $0x1  }
0x93: {  	_ =	swait.eq [sflag:s15], $0x1  }
0x94: {  	[sflag:s15] =	ssyncset.done $0x0  }
0x95: {  	[sflag:s15] =	ssyncadd.s32 $0xFFFFFFFF  }
0x96: {  	s16 =	sld [smem:$0x10];
	(tm) =	ssettm $0x1  }
0x97: {  	s17 =	sld [smem:$0x3FFB];
	_ =	sdelay $0x3  }
0x98: {  	_ =	strace s17  }
0x99: {  	s3 =	sld [smem:$0x3FFC];
	_ =	sdelay $0x3  }
0x9a: {  	_ =	strace s3  }
0x9b: {  	s3 =	sld [smem:$0x3FFD];
	_ =	sdelay $0x3  }
0x9c: {  	_ =	strace s3  }
0x9d: {  	_ =	strace $0x8FFFFFFF  }
0x9e: {  	s18 =	sld [smem:$0x3FDB];
	_ =	sdelay $0x1  }
0x9f: {  	s19 =	simm.s32 $_scs_section_size  }
0xa0: {  	s5 =	simm.s32 $_size__tile_overlayer_lowered;
	s6 =	simm.s32 $_tile_overlayer_lowered  }
0xa1: {  	s22 =	simm.s32 $0x1BFF;
	s21 =	sshll.u32 s6, $0x1;
	s3 =	sadd.s32 s19, s18  }
0xa2: {  	s7 =	simm.s32 $0x0;
	s20 =	sshll.u32 s5, $0x1;
	s5 =	sadd.s32 s21, s3  }
0xa3: {  	[timem:s7], [sflag:s22] =	dma.local [hbm:s5], s20  }
0xa4: {  	_ =	swait.ge [sflag:s22], s20  }
0xa5: {  	s4 =	ssub.s32 $0x0, s20;
	[sflag:s22] =	ssyncset.done $0x0  }
0xa6: {  	[sflag:s22] =	ssyncadd.s32 s4;
	_ =	sdelay $0x1  }
0xa7: {  	s23 =	simm.s32 $0x1B8B  }
0xa8: {  	_ =	swait.ge [sflag:s23], $0x1  }
0xa9: {  	[sflag:s23] =	ssyncset.done $0x0  }
0xaa: {  	s25 =	simm.s32 $0x1B8E;
	s24 =	sld [smem:$0x3FFE];
	[sflag:s23] =	ssyncadd.s32 $0xFFFFFFFF  }
0xab: {  	s26 =	simm.s32 $execute0_lowered;
	[smem:$0x3FD2] =	sst s25  }
0xac: {  	s5 =	sshll.u32 s26, $0x1;
	_ =	strace $0x80000049;
	[dreg:$0x1] =	wrdreg $0xFFFFFFFF  }
0xad: {  	s28 =	simm.s32 $_size_execute0_lowered;
	s3 =	sadd.s32 s3, s5;
	[dreg:$0x0] =	wrdreg $0x0  }
0xae: {  	s5 =	sshll.u32 s28, $0x1;
	[dreg:$0x2] =	wrdreg s3  }
0xaf: {  	[dreg:$0x3] =	wrdreg s5  }
0xb0: {  	[dreg:$0x4] =	wrdreg $0xC0  }
0xb1: {  	_ =	task [dreg:s7], $0x5FFFF  }
0xb2: {  	[dreg:$0x1] =	wrdreg $0xFFFFFFFF  }
0xb3: {  	[dreg:$0x0] =	wrdreg $0x60  }
0xb4: {  	[dreg:$0x2] =	wrdreg s16  }
0xb5: {  	[dreg:$0x3] =	wrdreg s24  }
0xb6: {  	[dreg:$0x4] =	wrdreg $0x9  }
0xb7: {  	_ =	task.clear_ibuf [dreg:s7], $0x5FFFF;
	_ =	strace $0x90000049  }
0xb8: {  	s29 =	simm.s32 $0x9;
	_ =	strace $0x8000004B  }
0xb9: {  	_ =	swait.ge [sflag:s29], $0x1  }
0xba: {  	[sflag:s29] =	ssyncadd.s32 $0xFFFFFFFF  }
0xbb: {  	_ =	strace $0x9000004B  }
0xbc: {  	_ =	sfence  }
0xbd: {  	s30 =	sld [smem:$0x0];
	_ =	sdelay $0x2  }
0xbe: {  	s31 =	sshll.u32 s1, $0xD;
	s1 =	sshrl.u32 s1, $0x2  }
0xbf: {  	s3 =	sand.u32 $0x4000, s31;
	s1 =	sadd.s32 s1, s30  }
0xc0: {  	s0 =	sor.u32 s3, s0;
	s1 =	sshll.u32 s1, $0x11  }
0xc1: {  	s0 =	sor.u32 s1, s0  }
0xc2: {  	s0 =	sadd.s32 $0x8F2B, s0  }
0xc3: {  	[sflag:s0] =	ssyncadd.remote.s32 $0x1  }
0xc4: {  	_ =	sfence.sel $0xFFFF  }
0xc5: {  	[dreg:$0x0] =	wrdreg $0xFFFFFFFF;
	(pc) =	sbr.abs _section_cstart, $3  }
0xc6: {  	[dreg:$0x1] =	wrdreg $0xFFFFFFFF  }
0xc7: {  	_ =	task.clear_ibuf [dreg:s7], $0x2FFFF;
	_ =	strace $0x9FFFFFFF  }
0xc8: {  	(tm) =	ssettm $0x7FFFFFFF  }
0xc9: {  	_ =	shalt  }
tec
execute0_lowered:
.L_overlay_start_1:
0x0: {  	(tag) =	ssettag $0x1  }
0x1: {  	s0 =	rddreg [dreg:$0x0]  }
0x2: {  	s1 =	rddreg [dreg:$0x1]  }
0x3: {  	s2 =	simm.s32 $0x0;
	s3 =	srdreg.scid;
	s4 =	stileid.u32  }
0x4: {  	s28 =	simm.s32 $0x2;
	s30 =	simm.s32 $0x880;
	s31 =	simm.s32 $0x1  }
0x5: {  	s29 =	simm.s32 $0x3880;
	[smem:$0x7FF] =	sst s2;
	s3 =	sand.u32 $0x1, s3  }
0x6: {  	s4 =	sshll.u32 s4, $0x1;
	s5 =	sadd.s32 $0x101C00, s1;
	s6 =	sadd.s32 $0x101E00, s1  }
0x7: {  	_ =	strace $0x8000004A;
	s11 =	sor.u32 s3, s4;
	s3 =	ssub.s32 $0x2, s3  }
0x8: {  	[dreg:$0x3] =	wrdreg s5;
	s7 =	sshll.u32 s11, $0x3;
	s8 =	sshrl.u32 s3, $0x1  }
0x9: {  	s4 =	sshll.u32 s11, $0x8;
	s13 =	sshll.u32 s11, $0xF;
	s5 =	sor.u32 $0x1000, s11  }
0xa: {  	s9 =	smin.u32 s7, $0xF0;
	s3 =	ssub.s32 s3, s8;
	s10 =	sor.u32 $0x20, s4  }
0xb: {  	s14 =	sadd.s32 s6, s13;
	s16 =	sor.u32 $0x40, s4;
	s17 =	sor.u32 $0x60, s4  }
0xc: {  	s18 =	sor.u32 $0x80, s4;
	s21 =	sor.u32 $0xA0, s4;
	[dreg:$0x4] =	wrdreg s10  }
0xd: {  	v0 =	vmov s5;
	s13 =	simm.s32 $0x4080;
	s5 =	simm.s32 $0x7880;
	[dreg:$0x6] =	wrdreg s14  }
0xe: {  	s7 =	ssub.s32 s7, s9;
	s12 =	sshll.u32 s9, $0x4;
	[dreg:$0x8] =	wrdreg s16  }
0xf: {  	s10 =	sshll.u32 s10, $0x7;
	[dreg:$0x9] =	wrdreg s17;
	s8 =	sshll.u32 s17, $0x7  }
0x10: {  	[dreg:$0xa] =	wrdreg s18;
	s9 =	sshll.u32 s18, $0x7;
	s17 =	sor.u32 $0xE0, s4  }
0x11: {  	[dreg:$0xe] =	wrdreg s21;
	s14 =	simm.s32 $0x4880;
	s18 =	simm.s32 $0x5080  }
0x12: {  	s0 =	sadd.s32 s0, s12;
	s15 =	sadd.s32 s6, s10;
	s19 =	sadd.s32 s6, s8  }
0x13: {  	s20 =	sadd.s32 s6, s9;
	s23 =	sshll.u32 s17, $0x7;
	[dreg:$0x5] =	wrdreg s0  }
0x14: {  	s26 =	sshll.u32 s7, $0x9;
	s7 =	simm.s32 $0x2080;
	[dreg:$0x7] =	wrdreg s15  }
0x15: {  	s8 =	simm.s32 $0x2880;
	s12 =	simm.s32 $0x3080;
	[dreg:$0xc] =	wrdreg s19  }
0x16: {  	s9 =	simm.s32 $0x8080;
	s0 =	sshll.u32 s16, $0x7;
	[dreg:$0xd] =	wrdreg s20  }
0x17: {  	s16 =	sor.u32 $0xC0, s4;
	s25 =	sadd.s32 s6, s23;
	s23 =	sadd.s32 $0x1B00, s1  }
0x18: {  	s19 =	simm.s32 $0x5880;
	s20 =	simm.s32 $0x6080;
	s0 =	sadd.s32 s6, s0  }
0x19: {  	s22 =	sshll.u32 s16, $0x7;
	[dreg:$0x11] =	wrdreg s25;
	s25 =	sadd.s32 $0x1D00, s1  }
.Ltmp0:
0x1a: {  	[dreg:$0xb] =	wrdreg s0;
	s0 =	sshll.u32 s21, $0x7;
	(pc) =	sbr.rel .LBB2_1-.Ltmp0, $4  }
0x1b: {  	s24 =	sadd.s32 s6, s22;
	s21 =	sadd.s32 $0x1A00, s1;
	s22 =	sshra.s32 s26, $0x2  }
0x1c: {  	v3 =	vlaneseq.u32;
	s26 =	smax.u32 s3, $0x1;
	s3 =	simm.s32 $0x6880;
	s0 =	sadd.s32 s6, s0  }
0x1d: {  	vm0 =	vmmov $0x1;
	vm1 =	vmmov $0xffff;
	v2 =	vshrl.u32 v3, $0x3;
	[dreg:$0x10] =	wrdreg s24;
	s24 =	sadd.s32 $0x1C00, s1;
	s1 =	simm.s32 $0x1880  }
0x1e: {  	v1 =	vand.u32 $0x7, v3;
	v3 =	vor.u32 $0x8, v3;
	v2 =	vmul.u32 $0x8, v2;
	s6 =	simm.s32 $0x7080;
	[dreg:$0xf] =	wrdreg s0;
	s0 =	simm.s32 $0x1080  }
.LBB2_17:
0x1f: {  	s26 =	sadd.s32 $0xFFFFFFFF, s26  }
0x20: {  	p0 =	sne.s32 s26, $0x0  }
.Ltmp1:
0x21: {  	_ = 	snop;
	(pc) =	sbr.rel @!p0 .LBB2_18-.Ltmp1, $1  }
0x22: {  	_ =	sdelay $0x3  }
.LBB2_1:
0x23: {  	s10 =	rddreg [dreg:$0x5]  }
0x24: {  	[tilespmem:s2], [sflag:$0x2] =	stream.linear.gather [hbm4b:s10+s2], $0x800, $0x38;
	[tilespmem:$0x8880] =	vst v63  }
0x25: {  	_ =	swait.ge [sflag:s28], $0x800  }
0x26: {  	[sflag:s28] =	ssyncset.done $0x0  }
0x27: {  	s11 =	simm.s32 $0x800;
	s15 =	rddreg [dreg:$0x3];
	[sflag:s28] =	ssyncadd.s32 $0xFFFFF800  }
0x28: {  	[tilespmem:s11], [sflag:$0x2] =	stream.linear.gather [hbm4b:s15+s2], $0x80, $0x38;
	[tilespmem:$0x8880] =	vst v63  }
0x29: {  	_ =	swait.ge [sflag:s28], $0x80  }
0x2a: {  	[sflag:s28] =	ssyncset.done $0x0  }
0x2b: {  	[sflag:s28] =	ssyncadd.s32 $0xFFFFFF80  }
0x2c: {  	v4 =	vld [tilespmem:$0x820];
	_ =	sdelay $0x4  }
0x2d: {  	v4 =	vnsel vm0, $0x0, v4  }
0x2e: {  	(xrf0) =	vadd.scan.msk.s32 $0xffff, v4;
	_ =	sdelay $0x5  }
0x2f: {  	v4, _, _ =	vpop (xrf0)  }
0x30: {  	(v2sf) =	vpush v4, $0xF;
	_ =	sdelay $0xe  }
0x31: {  	s15 =	spop (v2sf)  }
0x32: {  	s10 =	sshll.u32 s15, $0x8  }
0x33: {  	p0 =	sge.s32 s4, s10  }
0x34: {  	v4 =	vld @!p0 [tilespmem:s22+$0x0]  }
0x35: {  	v5 =	vld @!p0 [tilespmem:s22+$0x10];
	_ =	sdelay $0x3  }
0x36: {  	v6 =	vimm.s32 @!p0 $0x0;
	vm2 =	veq.s32 @!p0 v4, $0x1000  }
0x37: {  	vm3 =	veq.s32 @!p0 v5, $0x1000;
	v7 =	vsel @!p0 vm2, $0x1, v6  }
0x38: {  	v6 =	vsel @!p0 vm3, $0x1, v6;
	(xrf0) =	vadd.scan.msk.s32 @!p0 $0xffff, v7  }
0x39: {  	(xrf0) =	vadd.scan.msk.s32 @!p0 $0xffff, v6;
	_ =	sdelay $0x4  }
0x3a: {  	v6, _, _ =	vpop @!p0 (xrf0)  }
0x3b: {  	(v2sf) =	vpush @!p0 v6, $0xF;
	v6, _, _ =	vpop @!p0 (xrf0)  }
0x3c: {  	(v2sf) =	vpush @!p0 v6, $0xF;
	_ =	sdelay $0xd  }
0x3d: {  	s11 =	spop @!p0 (v2sf)  }
0x3e: {  	s15 =	spop @!p0 (v2sf)  }
0x3f: {  	s11 =	sadd.s32 @!p0 s11, s15  }
0x40: {  	p1 =	sgt.s32 @!p0 s11, $0x1F  }
0x41: {  	v6 =	vshll.u32 @!p0 v4, $0xB;
	p1 =	por p0, p1  }
.Ltmp2:
0x42: {  	v7 =	vshll.u32 @!p0 v5, $0xB;
	v4 =	vshrl.u32 @!p0 v4, $0x1;
	v6 =	vand.u32 @!p0 $0x800, v6;
	(pc) =	sbr.rel @p1 .LBB2_3-.Ltmp2, $4  }
0x43: {  	v5 =	vshrl.u32 @!p0 v5, $0x1;
	v4 =	vadd.s32 @!p0 v4, v6;
	v6 =	vand.u32 @!p0 $0x800, v7  }
0x44: {  	v5 =	vadd.s32 @!p0 v5, v6;
	v4 =	vsel @!p0 vm2, v0, v4  }
0x45: {  	[tilespmem:s22+$0x0] =	vst @!p0 v4;
	v4 =	vsel @!p0 vm3, v0, v5  }
0x46: {  	[tilespmem:s22+$0x10] =	vst @!p0 v4  }
0x47: {  	s11 =	rddreg [dreg:$0x6]  }
0x48: {  	[tilespmem:s30], [sflag:$0x1] =	stream.linear.gather [hbm4b:s11+s2], $0x8000, $0x38;
	[tilespmem:$0x8880] =	vst v63  }
0x49: {  	_ =	swait.ge [sflag:s31], $0x8000  }
0x4a: {  	[sflag:s31] =	ssyncset.done $0x0  }
0x4b: {  	[sflag:s31] =	ssyncadd.s32 $0xFFFF8000  }
0x4c: {  	v4 =	vld [tilespmem:s22+$0x0];
	_ =	sdelay $0x4  }
0x4d: {  	v5 =	vshll.u32 v4, $0x3  }
0x4e: {  	v4 =	vand.u32 $0x7, v4;
	v5 =	vand.u32 $0xFFFFFFC0, v5  }
0x4f: {  	v4 =	vor.u32 v4, v5  }
0x50: {  	v5 =	vperm.xlane v4, v1;
	_ =	sdelay $0x1  }
0x51: {  	v5 =	vadd.s32 v2, v5;
	_ =	sdelay $0x4  }
0x52: {  	[hbm4b:s21+s2] =	stream.indirect_vreg.scatter [tilespmem:s30], [sflag:$0x2], $0x80, v5, vm1, $0xb8;
	[tilespmem:$0x8880] =	vst v63  }
0x53: {  	v4 =	vperm.xlane v4, v3  }
0x54: {  	[hbm4b:s23+s2] =	stream.indirect_vreg.scatter [tilespmem:s0], [sflag:$0x2], $0x80, v5, vm1, $0xb8;
	[tilespmem:$0x8880] =	vst v63  }
0x55: {  	v4 =	vadd.s32 v2, v4  }
0x56: {  	[hbm4b:s24+s2] =	stream.indirect_vreg.scatter [tilespmem:s1], [sflag:$0x2], $0x80, v5, vm1, $0xb8;
	[tilespmem:$0x8880] =	vst v63  }
0x57: {  	_ = 	snop  }
0x58: {  	[hbm4b:s25+s2] =	stream.indirect_vreg.scatter [tilespmem:s7], [sflag:$0x2], $0x80, v5, vm1, $0xb8;
	[tilespmem:$0x8880] =	vst v63  }
0x59: {  	_ = 	snop  }
0x5a: {  	[hbm4b:s21+s2] =	stream.indirect_vreg.scatter [tilespmem:s8], [sflag:$0x2], $0x80, v4, vm1, $0xb8;
	[tilespmem:$0x8880] =	vst v63  }
0x5b: {  	_ = 	snop  }
0x5c: {  	[hbm4b:s23+s2] =	stream.indirect_vreg.scatter [tilespmem:s12], [sflag:$0x2], $0x80, v4, vm1, $0xb8;
	[tilespmem:$0x8880] =	vst v63  }
0x5d: {  	_ = 	snop  }
0x5e: {  	[hbm4b:s24+s2] =	stream.indirect_vreg.scatter [tilespmem:s29], [sflag:$0x2], $0x80, v4, vm1, $0xb8;
	[tilespmem:$0x8880] =	vst v63  }
0x5f: {  	_ = 	snop  }
0x60: {  	[hbm4b:s25+s2] =	stream.indirect_vreg.scatter [tilespmem:s13], [sflag:$0x2], $0x80, v4, vm1, $0xb8;
	[tilespmem:$0x8880] =	vst v63  }
0x61: {  	v4 =	vld [tilespmem:s22+$0x10];
	_ =	sdelay $0x4  }
0x62: {  	v5 =	vshll.u32 v4, $0x3  }
0x63: {  	v4 =	vand.u32 $0x7, v4;
	v5 =	vand.u32 $0xFFFFFFC0, v5  }
0x64: {  	v4 =	vor.u32 v4, v5  }
0x65: {  	v5 =	vperm.xlane v4, v1;
	_ =	sdelay $0x1  }
0x66: {  	v5 =	vadd.s32 v2, v5;
	_ =	sdelay $0x4  }
0x67: {  	[hbm4b:s21+s2] =	stream.indirect_vreg.scatter [tilespmem:s14], [sflag:$0x2], $0x80, v5, vm1, $0xb8;
	[tilespmem:$0x8880] =	vst v63  }
0x68: {  	v4 =	vperm.xlane v4, v3  }
0x69: {  	[hbm4b:s23+s2] =	stream.indirect_vreg.scatter [tilespmem:s18], [sflag:$0x2], $0x80, v5, vm1, $0xb8;
	[tilespmem:$0x8880] =	vst v63  }
0x6a: {  	v4 =	vadd.s32 v2, v4  }
0x6b: {  	[hbm4b:s24+s2] =	stream.indirect_vreg.scatter [tilespmem:s19], [sflag:$0x2], $0x80, v5, vm1, $0xb8;
	[tilespmem:$0x8880] =	vst v63  }
0x6c: {  	_ = 	snop  }
0x6d: {  	[hbm4b:s25+s2] =	stream.indirect_vreg.scatter [tilespmem:s20], [sflag:$0x2], $0x80, v5, vm1, $0xb8;
	[tilespmem:$0x8880] =	vst v63  }
0x6e: {  	_ = 	snop  }
0x6f: {  	[hbm4b:s21+s2] =	stream.indirect_vreg.scatter [tilespmem:s3], [sflag:$0x2], $0x80, v4, vm1, $0xb8;
	[tilespmem:$0x8880] =	vst v63  }
0x70: {  	_ = 	snop  }
0x71: {  	[hbm4b:s23+s2] =	stream.indirect_vreg.scatter [tilespmem:s6], [sflag:$0x2], $0x80, v4, vm1, $0xb8;
	[tilespmem:$0x8880] =	vst v63  }
0x72: {  	_ = 	snop  }
0x73: {  	[hbm4b:s24+s2] =	stream.indirect_vreg.scatter [tilespmem:s5], [sflag:$0x2], $0x80, v4, vm1, $0xb8;
	[tilespmem:$0x8880] =	vst v63  }
0x74: {  	_ = 	snop  }
0x75: {  	[hbm4b:s25+s2] =	stream.indirect_vreg.scatter [tilespmem:s9], [sflag:$0x2], $0x80, v4, vm1, $0xb8;
	[tilespmem:$0x8880] =	vst v63  }
0x76: {  	_ =	swait.ge [sflag:s28], $0x8000  }
0x77: {  	[sflag:s28] =	ssyncset.done $0x0  }
0x78: {  	[sflag:s28] =	ssyncadd.s32 $0xFFFF8000  }
.LBB2_3:
0x79: {  	s11 =	rddreg [dreg:$0x4]  }
0x7a: {  	p0 =	sge.s32 s11, s10  }
0x7b: {  	v4 =	vld @!p0 [tilespmem:s22+$0x80]  }
0x7c: {  	v5 =	vld @!p0 [tilespmem:s22+$0x90];
	_ =	sdelay $0x3  }
0x7d: {  	v6 =	vimm.s32 @!p0 $0x0;
	vm2 =	veq.s32 @!p0 v4, $0x1000  }
0x7e: {  	vm3 =	veq.s32 @!p0 v5, $0x1000;
	v7 =	vsel @!p0 vm2, $0x1, v6  }
0x7f: {  	v6 =	vsel @!p0 vm3, $0x1, v6;
	(xrf0) =	vadd.scan.msk.s32 @!p0 $0xffff, v7  }
0x80: {  	(xrf0) =	vadd.scan.msk.s32 @!p0 $0xffff, v6;
	_ =	sdelay $0x4  }
0x81: {  	v6, _, _ =	vpop @!p0 (xrf0)  }
0x82: {  	(v2sf) =	vpush @!p0 v6, $0xF;
	v6, _, _ =	vpop @!p0 (xrf0)  }
0x83: {  	(v2sf) =	vpush @!p0 v6, $0xF;
	_ =	sdelay $0xd  }
0x84: {  	s11 =	spop @!p0 (v2sf)  }
0x85: {  	s15 =	spop @!p0 (v2sf)  }
0x86: {  	s11 =	sadd.s32 @!p0 s11, s15  }
0x87: {  	p1 =	sgt.s32 @!p0 s11, $0x1F  }
0x88: {  	v6 =	vshll.u32 @!p0 v4, $0xB;
	p1 =	por p0, p1  }
.Ltmp3:
0x89: {  	v7 =	vshll.u32 @!p0 v5, $0xB;
	v4 =	vshrl.u32 @!p0 v4, $0x1;
	v6 =	vand.u32 @!p0 $0x800, v6;
	(pc) =	sbr.rel @p1 .LBB2_5-.Ltmp3, $4  }
0x8a: {  	v5 =	vshrl.u32 @!p0 v5, $0x1;
	v4 =	vadd.s32 @!p0 v4, v6;
	v6 =	vand.u32 @!p0 $0x800, v7  }
0x8b: {  	v5 =	vadd.s32 @!p0 v5, v6;
	v4 =	vsel @!p0 vm2, v0, v4  }
0x8c: {  	[tilespmem:s22+$0x80] =	vst @!p0 v4;
	v4 =	vsel @!p0 vm3, v0, v5  }
0x8d: {  	[tilespmem:s22+$0x90] =	vst @!p0 v4  }
0x8e: {  	s11 =	rddreg [dreg:$0x7]  }
0x8f: {  	[tilespmem:s30], [sflag:$0x1] =	stream.linear.gather [hbm4b:s11+s2], $0x8000, $0x38;
	[tilespmem:$0x8880] =	vst v63  }
0x90: {  	_ =	swait.ge [sflag:s31], $0x8000  }
0x91: {  	[sflag:s31] =	ssyncset.done $0x0  }
0x92: {  	[sflag:s31] =	ssyncadd.s32 $0xFFFF8000  }
0x93: {  	v4 =	vld [tilespmem:s22+$0x80];
	_ =	sdelay $0x4  }
0x94: {  	v5 =	vshll.u32 v4, $0x3  }
0x95: {  	v4 =	vand.u32 $0x7, v4;
	v5 =	vand.u32 $0xFFFFFFC0, v5  }
0x96: {  	v4 =	vor.u32 v4, v5  }
0x97: {  	v5 =	vperm.xlane v4, v1;
	_ =	sdelay $0x1  }
0x98: {  	v5 =	vadd.s32 v2, v5;
	_ =	sdelay $0x4  }
0x99: {  	[hbm4b:s21+s2] =	stream.indirect_vreg.scatter [tilespmem:s30], [sflag:$0x2], $0x80, v5, vm1, $0xb8;
	[tilespmem:$0x8880] =	vst v63  }
0x9a: {  	v4 =	vperm.xlane v4, v3  }
0x9b: {  	[hbm4b:s23+s2] =	stream.indirect_vreg.scatter [tilespmem:s0], [sflag:$0x2], $0x80, v5, vm1, $0xb8;
	[tilespmem:$0x8880] =	vst v63  }
0x9c: {  	v4 =	vadd.s32 v2, v4  }
0x9d: {  	[hbm4b:s24+s2] =	stream.indirect_vreg.scatter [tilespmem:s1], [sflag:$0x2], $0x80, v5, vm1, $0xb8;
	[tilespmem:$0x8880] =	vst v63  }
0x9e: {  	_ = 	snop  }
0x9f: {  	[hbm4b:s25+s2] =	stream.indirect_vreg.scatter [tilespmem:s7], [sflag:$0x2], $0x80, v5, vm1, $0xb8;
	[tilespmem:$0x8880] =	vst v63  }
0xa0: {  	_ = 	snop  }
0xa1: {  	[hbm4b:s21+s2] =	stream.indirect_vreg.scatter [tilespmem:s8], [sflag:$0x2], $0x80, v4, vm1, $0xb8;
	[tilespmem:$0x8880] =	vst v63  }
0xa2: {  	_ = 	snop  }
0xa3: {  	[hbm4b:s23+s2] =	stream.indirect_vreg.scatter [tilespmem:s12], [sflag:$0x2], $0x80, v4, vm1, $0xb8;
	[tilespmem:$0x8880] =	vst v63  }
0xa4: {  	_ = 	snop  }
0xa5: {  	[hbm4b:s24+s2] =	stream.indirect_vreg.scatter [tilespmem:s29], [sflag:$0x2], $0x80, v4, vm1, $0xb8;
	[tilespmem:$0x8880] =	vst v63  }
0xa6: {  	_ = 	snop  }
0xa7: {  	[hbm4b:s25+s2] =	stream.indirect_vreg.scatter [tilespmem:s13], [sflag:$0x2], $0x80, v4, vm1, $0xb8;
	[tilespmem:$0x8880] =	vst v63  }
0xa8: {  	v4 =	vld [tilespmem:s22+$0x90];
	_ =	sdelay $0x4  }
0xa9: {  	v5 =	vshll.u32 v4, $0x3  }
0xaa: {  	v4 =	vand.u32 $0x7, v4;
	v5 =	vand.u32 $0xFFFFFFC0, v5  }
0xab: {  	v4 =	vor.u32 v4, v5  }
0xac: {  	v5 =	vperm.xlane v4, v1;
	_ =	sdelay $0x1  }
0xad: {  	v5 =	vadd.s32 v2, v5;
	_ =	sdelay $0x4  }
0xae: {  	[hbm4b:s21+s2] =	stream.indirect_vreg.scatter [tilespmem:s14], [sflag:$0x2], $0x80, v5, vm1, $0xb8;
	[tilespmem:$0x8880] =	vst v63  }
0xaf: {  	v4 =	vperm.xlane v4, v3  }
0xb0: {  	[hbm4b:s23+s2] =	stream.indirect_vreg.scatter [tilespmem:s18], [sflag:$0x2], $0x80, v5, vm1, $0xb8;
	[tilespmem:$0x8880] =	vst v63  }
0xb1: {  	v4 =	vadd.s32 v2, v4  }
0xb2: {  	[hbm4b:s24+s2] =	stream.indirect_vreg.scatter [tilespmem:s19], [sflag:$0x2], $0x80, v5, vm1, $0xb8;
	[tilespmem:$0x8880] =	vst v63  }
0xb3: {  	_ = 	snop  }
0xb4: {  	[hbm4b:s25+s2] =	stream.indirect_vreg.scatter [tilespmem:s20], [sflag:$0x2], $0x80, v5, vm1, $0xb8;
	[tilespmem:$0x8880] =	vst v63  }
0xb5: {  	_ = 	snop  }
0xb6: {  	[hbm4b:s21+s2] =	stream.indirect_vreg.scatter [tilespmem:s3], [sflag:$0x2], $0x80, v4, vm1, $0xb8;
	[tilespmem:$0x8880] =	vst v63  }
0xb7: {  	_ = 	snop  }
0xb8: {  	[hbm4b:s23+s2] =	stream.indirect_vreg.scatter [tilespmem:s6], [sflag:$0x2], $0x80, v4, vm1, $0xb8;
	[tilespmem:$0x8880] =	vst v63  }
0xb9: {  	_ = 	snop  }
0xba: {  	[hbm4b:s24+s2] =	stream.indirect_vreg.scatter [tilespmem:s5], [sflag:$0x2], $0x80, v4, vm1, $0xb8;
	[tilespmem:$0x8880] =	vst v63  }
0xbb: {  	_ = 	snop  }
0xbc: {  	[hbm4b:s25+s2] =	stream.indirect_vreg.scatter [tilespmem:s9], [sflag:$0x2], $0x80, v4, vm1, $0xb8;
	[tilespmem:$0x8880] =	vst v63  }
0xbd: {  	_ =	swait.ge [sflag:s28], $0x8000  }
0xbe: {  	[sflag:s28] =	ssyncset.done $0x0  }
0xbf: {  	[sflag:s28] =	ssyncadd.s32 $0xFFFF8000  }
.LBB2_5:
0xc0: {  	s11 =	rddreg [dreg:$0x8]  }
0xc1: {  	p0 =	sge.s32 s11, s10  }
0xc2: {  	v4 =	vld @!p0 [tilespmem:s22+$0x100]  }
0xc3: {  	v5 =	vld @!p0 [tilespmem:s22+$0x110];
	_ =	sdelay $0x3  }
0xc4: {  	v6 =	vimm.s32 @!p0 $0x0;
	vm2 =	veq.s32 @!p0 v4, $0x1000  }
0xc5: {  	vm3 =	veq.s32 @!p0 v5, $0x1000;
	v7 =	vsel @!p0 vm2, $0x1, v6  }
0xc6: {  	v6 =	vsel @!p0 vm3, $0x1, v6;
	(xrf0) =	vadd.scan.msk.s32 @!p0 $0xffff, v7  }
0xc7: {  	(xrf0) =	vadd.scan.msk.s32 @!p0 $0xffff, v6;
	_ =	sdelay $0x4  }
0xc8: {  	v6, _, _ =	vpop @!p0 (xrf0)  }
0xc9: {  	(v2sf) =	vpush @!p0 v6, $0xF;
	v6, _, _ =	vpop @!p0 (xrf0)  }
0xca: {  	(v2sf) =	vpush @!p0 v6, $0xF;
	_ =	sdelay $0xd  }
0xcb: {  	s11 =	spop @!p0 (v2sf)  }
0xcc: {  	s15 =	spop @!p0 (v2sf)  }
0xcd: {  	s11 =	sadd.s32 @!p0 s11, s15  }
0xce: {  	p1 =	sgt.s32 @!p0 s11, $0x1F  }
0xcf: {  	v6 =	vshll.u32 @!p0 v4, $0xB;
	p1 =	por p0, p1  }
.Ltmp4:
0xd0: {  	v7 =	vshll.u32 @!p0 v5, $0xB;
	v4 =	vshrl.u32 @!p0 v4, $0x1;
	v6 =	vand.u32 @!p0 $0x800, v6;
	(pc) =	sbr.rel @p1 .LBB2_7-.Ltmp4, $4  }
0xd1: {  	v5 =	vshrl.u32 @!p0 v5, $0x1;
	v4 =	vadd.s32 @!p0 v4, v6;
	v6 =	vand.u32 @!p0 $0x800, v7  }
0xd2: {  	v5 =	vadd.s32 @!p0 v5, v6;
	v4 =	vsel @!p0 vm2, v0, v4  }
0xd3: {  	[tilespmem:s22+$0x100] =	vst @!p0 v4;
	v4 =	vsel @!p0 vm3, v0, v5  }
0xd4: {  	[tilespmem:s22+$0x110] =	vst @!p0 v4  }
0xd5: {  	s11 =	rddreg [dreg:$0xb]  }
0xd6: {  	[tilespmem:s30], [sflag:$0x1] =	stream.linear.gather [hbm4b:s11+s2], $0x8000, $0x38;
	[tilespmem:$0x8880] =	vst v63  }
0xd7: {  	_ =	swait.ge [sflag:s31], $0x8000  }
0xd8: {  	[sflag:s31] =	ssyncset.done $0x0  }
0xd9: {  	[sflag:s31] =	ssyncadd.s32 $0xFFFF8000  }
0xda: {  	v4 =	vld [tilespmem:s22+$0x100];
	_ =	sdelay $0x4  }
0xdb: {  	v5 =	vshll.u32 v4, $0x3  }
0xdc: {  	v4 =	vand.u32 $0x7, v4;
	v5 =	vand.u32 $0xFFFFFFC0, v5  }
0xdd: {  	v4 =	vor.u32 v4, v5  }
0xde: {  	v5 =	vperm.xlane v4, v1;
	_ =	sdelay $0x1  }
0xdf: {  	v5 =	vadd.s32 v2, v5;
	_ =	sdelay $0x4  }
0xe0: {  	[hbm4b:s21+s2] =	stream.indirect_vreg.scatter [tilespmem:s30], [sflag:$0x2], $0x80, v5, vm1, $0xb8;
	[tilespmem:$0x8880] =	vst v63  }
0xe1: {  	v4 =	vperm.xlane v4, v3  }
0xe2: {  	[hbm4b:s23+s2] =	stream.indirect_vreg.scatter [tilespmem:s0], [sflag:$0x2], $0x80, v5, vm1, $0xb8;
	[tilespmem:$0x8880] =	vst v63  }
0xe3: {  	v4 =	vadd.s32 v2, v4  }
0xe4: {  	[hbm4b:s24+s2] =	stream.indirect_vreg.scatter [tilespmem:s1], [sflag:$0x2], $0x80, v5, vm1, $0xb8;
	[tilespmem:$0x8880] =	vst v63  }
0xe5: {  	_ = 	snop  }
0xe6: {  	[hbm4b:s25+s2] =	stream.indirect_vreg.scatter [tilespmem:s7], [sflag:$0x2], $0x80, v5, vm1, $0xb8;
	[tilespmem:$0x8880] =	vst v63  }
0xe7: {  	_ = 	snop  }
0xe8: {  	[hbm4b:s21+s2] =	stream.indirect_vreg.scatter [tilespmem:s8], [sflag:$0x2], $0x80, v4, vm1, $0xb8;
	[tilespmem:$0x8880] =	vst v63  }
0xe9: {  	_ = 	snop  }
0xea: {  	[hbm4b:s23+s2] =	stream.indirect_vreg.scatter [tilespmem:s12], [sflag:$0x2], $0x80, v4, vm1, $0xb8;
	[tilespmem:$0x8880] =	vst v63  }
0xeb: {  	_ = 	snop  }
0xec: {  	[hbm4b:s24+s2] =	stream.indirect_vreg.scatter [tilespmem:s29], [sflag:$0x2], $0x80, v4, vm1, $0xb8;
	[tilespmem:$0x8880] =	vst v63  }
0xed: {  	_ = 	snop  }
0xee: {  	[hbm4b:s25+s2] =	stream.indirect_vreg.scatter [tilespmem:s13], [sflag:$0x2], $0x80, v4, vm1, $0xb8;
	[tilespmem:$0x8880] =	vst v63  }
0xef: {  	v4 =	vld [tilespmem:s22+$0x110];
	_ =	sdelay $0x4  }
0xf0: {  	v5 =	vshll.u32 v4, $0x3  }
0xf1: {  	v4 =	vand.u32 $0x7, v4;
	v5 =	vand.u32 $0xFFFFFFC0, v5  }
0xf2: {  	v4 =	vor.u32 v4, v5  }
0xf3: {  	v5 =	vperm.xlane v4, v1;
	_ =	sdelay $0x1  }
0xf4: {  	v5 =	vadd.s32 v2, v5;
	_ =	sdelay $0x4  }
0xf5: {  	[hbm4b:s21+s2] =	stream.indirect_vreg.scatter [tilespmem:s14], [sflag:$0x2], $0x80, v5, vm1, $0xb8;
	[tilespmem:$0x8880] =	vst v63  }
0xf6: {  	v4 =	vperm.xlane v4, v3  }
0xf7: {  	[hbm4b:s23+s2] =	stream.indirect_vreg.scatter [tilespmem:s18], [sflag:$0x2], $0x80, v5, vm1, $0xb8;
	[tilespmem:$0x8880] =	vst v63  }
0xf8: {  	v4 =	vadd.s32 v2, v4  }
0xf9: {  	[hbm4b:s24+s2] =	stream.indirect_vreg.scatter [tilespmem:s19], [sflag:$0x2], $0x80, v5, vm1, $0xb8;
	[tilespmem:$0x8880] =	vst v63  }
0xfa: {  	_ = 	snop  }
0xfb: {  	[hbm4b:s25+s2] =	stream.indirect_vreg.scatter [tilespmem:s20], [sflag:$0x2], $0x80, v5, vm1, $0xb8;
	[tilespmem:$0x8880] =	vst v63  }
0xfc: {  	_ = 	snop  }
0xfd: {  	[hbm4b:s21+s2] =	stream.indirect_vreg.scatter [tilespmem:s3], [sflag:$0x2], $0x80, v4, vm1, $0xb8;
	[tilespmem:$0x8880] =	vst v63  }
0xfe: {  	_ = 	snop  }
0xff: {  	[hbm4b:s23+s2] =	stream.indirect_vreg.scatter [tilespmem:s6], [sflag:$0x2], $0x80, v4, vm1, $0xb8;
	[tilespmem:$0x8880] =	vst v63  }
0x100: {  	_ = 	snop  }
0x101: {  	[hbm4b:s24+s2] =	stream.indirect_vreg.scatter [tilespmem:s5], [sflag:$0x2], $0x80, v4, vm1, $0xb8;
	[tilespmem:$0x8880] =	vst v63  }
0x102: {  	_ = 	snop  }
0x103: {  	[hbm4b:s25+s2] =	stream.indirect_vreg.scatter [tilespmem:s9], [sflag:$0x2], $0x80, v4, vm1, $0xb8;
	[tilespmem:$0x8880] =	vst v63  }
0x104: {  	_ =	swait.ge [sflag:s28], $0x8000  }
0x105: {  	[sflag:s28] =	ssyncset.done $0x0  }
0x106: {  	[sflag:s28] =	ssyncadd.s32 $0xFFFF8000  }
.LBB2_7:
0x107: {  	s11 =	rddreg [dreg:$0x9]  }
0x108: {  	p0 =	sge.s32 s11, s10  }
0x109: {  	v4 =	vld @!p0 [tilespmem:s22+$0x180]  }
0x10a: {  	v5 =	vld @!p0 [tilespmem:s22+$0x190];
	_ =	sdelay $0x3  }
0x10b: {  	v6 =	vimm.s32 @!p0 $0x0;
	vm2 =	veq.s32 @!p0 v4, $0x1000  }
0x10c: {  	vm3 =	veq.s32 @!p0 v5, $0x1000;
	v7 =	vsel @!p0 vm2, $0x1, v6  }
0x10d: {  	v6 =	vsel @!p0 vm3, $0x1, v6;
	(xrf0) =	vadd.scan.msk.s32 @!p0 $0xffff, v7  }
0x10e: {  	(xrf0) =	vadd.scan.msk.s32 @!p0 $0xffff, v6;
	_ =	sdelay $0x4  }
0x10f: {  	v6, _, _ =	vpop @!p0 (xrf0)  }
0x110: {  	(v2sf) =	vpush @!p0 v6, $0xF;
	v6, _, _ =	vpop @!p0 (xrf0)  }
0x111: {  	(v2sf) =	vpush @!p0 v6, $0xF;
	_ =	sdelay $0xd  }
0x112: {  	s11 =	spop @!p0 (v2sf)  }
0x113: {  	s15 =	spop @!p0 (v2sf)  }
0x114: {  	s11 =	sadd.s32 @!p0 s11, s15  }
0x115: {  	p1 =	sgt.s32 @!p0 s11, $0x1F  }
0x116: {  	v6 =	vshll.u32 @!p0 v4, $0xB;
	p1 =	por p0, p1  }
.Ltmp5:
0x117: {  	v7 =	vshll.u32 @!p0 v5, $0xB;
	v4 =	vshrl.u32 @!p0 v4, $0x1;
	v6 =	vand.u32 @!p0 $0x800, v6;
	(pc) =	sbr.rel @p1 .LBB2_9-.Ltmp5, $4  }
0x118: {  	v5 =	vshrl.u32 @!p0 v5, $0x1;
	v4 =	vadd.s32 @!p0 v4, v6;
	v6 =	vand.u32 @!p0 $0x800, v7  }
0x119: {  	v5 =	vadd.s32 @!p0 v5, v6;
	v4 =	vsel @!p0 vm2, v0, v4  }
0x11a: {  	[tilespmem:s22+$0x180] =	vst @!p0 v4;
	v4 =	vsel @!p0 vm3, v0, v5  }
0x11b: {  	[tilespmem:s22+$0x190] =	vst @!p0 v4  }
0x11c: {  	s11 =	rddreg [dreg:$0xc]  }
0x11d: {  	[tilespmem:s30], [sflag:$0x1] =	stream.linear.gather [hbm4b:s11+s2], $0x8000, $0x38;
	[tilespmem:$0x8880] =	vst v63  }
0x11e: {  	_ =	swait.ge [sflag:s31], $0x8000  }
0x11f: {  	[sflag:s31] =	ssyncset.done $0x0  }
0x120: {  	[sflag:s31] =	ssyncadd.s32 $0xFFFF8000  }
0x121: {  	v4 =	vld [tilespmem:s22+$0x180];
	_ =	sdelay $0x4  }
0x122: {  	v5 =	vshll.u32 v4, $0x3  }
0x123: {  	v4 =	vand.u32 $0x7, v4;
	v5 =	vand.u32 $0xFFFFFFC0, v5  }
0x124: {  	v4 =	vor.u32 v4, v5  }
0x125: {  	v5 =	vperm.xlane v4, v1;
	_ =	sdelay $0x1  }
0x126: {  	v5 =	vadd.s32 v2, v5;
	_ =	sdelay $0x4  }
0x127: {  	[hbm4b:s21+s2] =	stream.indirect_vreg.scatter [tilespmem:s30], [sflag:$0x2], $0x80, v5, vm1, $0xb8;
	[tilespmem:$0x8880] =	vst v63  }
0x128: {  	v4 =	vperm.xlane v4, v3  }
0x129: {  	[hbm4b:s23+s2] =	stream.indirect_vreg.scatter [tilespmem:s0], [sflag:$0x2], $0x80, v5, vm1, $0xb8;
	[tilespmem:$0x8880] =	vst v63  }
0x12a: {  	v4 =	vadd.s32 v2, v4  }
0x12b: {  	[hbm4b:s24+s2] =	stream.indirect_vreg.scatter [tilespmem:s1], [sflag:$0x2], $0x80, v5, vm1, $0xb8;
	[tilespmem:$0x8880] =	vst v63  }
0x12c: {  	_ = 	snop  }
0x12d: {  	[hbm4b:s25+s2] =	stream.indirect_vreg.scatter [tilespmem:s7], [sflag:$0x2], $0x80, v5, vm1, $0xb8;
	[tilespmem:$0x8880] =	vst v63  }
0x12e: {  	_ = 	snop  }
0x12f: {  	[hbm4b:s21+s2] =	stream.indirect_vreg.scatter [tilespmem:s8], [sflag:$0x2], $0x80, v4, vm1, $0xb8;
	[tilespmem:$0x8880] =	vst v63  }
0x130: {  	_ = 	snop  }
0x131: {  	[hbm4b:s23+s2] =	stream.indirect_vreg.scatter [tilespmem:s12], [sflag:$0x2], $0x80, v4, vm1, $0xb8;
	[tilespmem:$0x8880] =	vst v63  }
0x132: {  	_ = 	snop  }
0x133: {  	[hbm4b:s24+s2] =	stream.indirect_vreg.scatter [tilespmem:s29], [sflag:$0x2], $0x80, v4, vm1, $0xb8;
	[tilespmem:$0x8880] =	vst v63  }
0x134: {  	_ = 	snop  }
0x135: {  	[hbm4b:s25+s2] =	stream.indirect_vreg.scatter [tilespmem:s13], [sflag:$0x2], $0x80, v4, vm1, $0xb8;
	[tilespmem:$0x8880] =	vst v63  }
0x136: {  	v4 =	vld [tilespmem:s22+$0x190];
	_ =	sdelay $0x4  }
0x137: {  	v5 =	vshll.u32 v4, $0x3  }
0x138: {  	v4 =	vand.u32 $0x7, v4;
	v5 =	vand.u32 $0xFFFFFFC0, v5  }
0x139: {  	v4 =	vor.u32 v4, v5  }
0x13a: {  	v5 =	vperm.xlane v4, v1;
	_ =	sdelay $0x1  }
0x13b: {  	v5 =	vadd.s32 v2, v5;
	_ =	sdelay $0x4  }
0x13c: {  	[hbm4b:s21+s2] =	stream.indirect_vreg.scatter [tilespmem:s14], [sflag:$0x2], $0x80, v5, vm1, $0xb8;
	[tilespmem:$0x8880] =	vst v63  }
0x13d: {  	v4 =	vperm.xlane v4, v3  }
0x13e: {  	[hbm4b:s23+s2] =	stream.indirect_vreg.scatter [tilespmem:s18], [sflag:$0x2], $0x80, v5, vm1, $0xb8;
	[tilespmem:$0x8880] =	vst v63  }
0x13f: {  	v4 =	vadd.s32 v2, v4  }
0x140: {  	[hbm4b:s24+s2] =	stream.indirect_vreg.scatter [tilespmem:s19], [sflag:$0x2], $0x80, v5, vm1, $0xb8;
	[tilespmem:$0x8880] =	vst v63  }
0x141: {  	_ = 	snop  }
0x142: {  	[hbm4b:s25+s2] =	stream.indirect_vreg.scatter [tilespmem:s20], [sflag:$0x2], $0x80, v5, vm1, $0xb8;
	[tilespmem:$0x8880] =	vst v63  }
0x143: {  	_ = 	snop  }
0x144: {  	[hbm4b:s21+s2] =	stream.indirect_vreg.scatter [tilespmem:s3], [sflag:$0x2], $0x80, v4, vm1, $0xb8;
	[tilespmem:$0x8880] =	vst v63  }
0x145: {  	_ = 	snop  }
0x146: {  	[hbm4b:s23+s2] =	stream.indirect_vreg.scatter [tilespmem:s6], [sflag:$0x2], $0x80, v4, vm1, $0xb8;
	[tilespmem:$0x8880] =	vst v63  }
0x147: {  	_ = 	snop  }
0x148: {  	[hbm4b:s24+s2] =	stream.indirect_vreg.scatter [tilespmem:s5], [sflag:$0x2], $0x80, v4, vm1, $0xb8;
	[tilespmem:$0x8880] =	vst v63  }
0x149: {  	_ = 	snop  }
0x14a: {  	[hbm4b:s25+s2] =	stream.indirect_vreg.scatter [tilespmem:s9], [sflag:$0x2], $0x80, v4, vm1, $0xb8;
	[tilespmem:$0x8880] =	vst v63  }
0x14b: {  	_ =	swait.ge [sflag:s28], $0x8000  }
0x14c: {  	[sflag:s28] =	ssyncset.done $0x0  }
0x14d: {  	[sflag:s28] =	ssyncadd.s32 $0xFFFF8000  }
.LBB2_9:
0x14e: {  	s11 =	rddreg [dreg:$0xa]  }
0x14f: {  	p0 =	sge.s32 s11, s10  }
0x150: {  	v4 =	vld @!p0 [tilespmem:s22+$0x200]  }
0x151: {  	v5 =	vld @!p0 [tilespmem:s22+$0x210];
	_ =	sdelay $0x3  }
0x152: {  	v6 =	vimm.s32 @!p0 $0x0;
	vm2 =	veq.s32 @!p0 v4, $0x1000  }
0x153: {  	vm3 =	veq.s32 @!p0 v5, $0x1000;
	v7 =	vsel @!p0 vm2, $0x1, v6  }
0x154: {  	v6 =	vsel @!p0 vm3, $0x1, v6;
	(xrf0) =	vadd.scan.msk.s32 @!p0 $0xffff, v7  }
0x155: {  	(xrf0) =	vadd.scan.msk.s32 @!p0 $0xffff, v6;
	_ =	sdelay $0x4  }
0x156: {  	v6, _, _ =	vpop @!p0 (xrf0)  }
0x157: {  	(v2sf) =	vpush @!p0 v6, $0xF;
	v6, _, _ =	vpop @!p0 (xrf0)  }
0x158: {  	(v2sf) =	vpush @!p0 v6, $0xF;
	_ =	sdelay $0xd  }
0x159: {  	s11 =	spop @!p0 (v2sf)  }
0x15a: {  	s15 =	spop @!p0 (v2sf)  }
0x15b: {  	s11 =	sadd.s32 @!p0 s11, s15  }
0x15c: {  	p1 =	sgt.s32 @!p0 s11, $0x1F  }
0x15d: {  	v6 =	vshll.u32 @!p0 v4, $0xB;
	p1 =	por p0, p1  }
.Ltmp6:
0x15e: {  	v7 =	vshll.u32 @!p0 v5, $0xB;
	v4 =	vshrl.u32 @!p0 v4, $0x1;
	v6 =	vand.u32 @!p0 $0x800, v6;
	(pc) =	sbr.rel @p1 .LBB2_11-.Ltmp6, $4  }
0x15f: {  	v5 =	vshrl.u32 @!p0 v5, $0x1;
	v4 =	vadd.s32 @!p0 v4, v6;
	v6 =	vand.u32 @!p0 $0x800, v7  }
0x160: {  	v5 =	vadd.s32 @!p0 v5, v6;
	v4 =	vsel @!p0 vm2, v0, v4  }
0x161: {  	[tilespmem:s22+$0x200] =	vst @!p0 v4;
	v4 =	vsel @!p0 vm3, v0, v5  }
0x162: {  	[tilespmem:s22+$0x210] =	vst @!p0 v4  }
0x163: {  	s11 =	rddreg [dreg:$0xd]  }
0x164: {  	[tilespmem:s30], [sflag:$0x1] =	stream.linear.gather [hbm4b:s11+s2], $0x8000, $0x38;
	[tilespmem:$0x8880] =	vst v63  }
0x165: {  	_ =	swait.ge [sflag:s31], $0x8000  }
0x166: {  	[sflag:s31] =	ssyncset.done $0x0  }
0x167: {  	[sflag:s31] =	ssyncadd.s32 $0xFFFF8000  }
0x168: {  	v4 =	vld [tilespmem:s22+$0x200];
	_ =	sdelay $0x4  }
0x169: {  	v5 =	vshll.u32 v4, $0x3  }
0x16a: {  	v4 =	vand.u32 $0x7, v4;
	v5 =	vand.u32 $0xFFFFFFC0, v5  }
0x16b: {  	v4 =	vor.u32 v4, v5  }
0x16c: {  	v5 =	vperm.xlane v4, v1;
	_ =	sdelay $0x1  }
0x16d: {  	v5 =	vadd.s32 v2, v5;
	_ =	sdelay $0x4  }
0x16e: {  	[hbm4b:s21+s2] =	stream.indirect_vreg.scatter [tilespmem:s30], [sflag:$0x2], $0x80, v5, vm1, $0xb8;
	[tilespmem:$0x8880] =	vst v63  }
0x16f: {  	v4 =	vperm.xlane v4, v3  }
0x170: {  	[hbm4b:s23+s2] =	stream.indirect_vreg.scatter [tilespmem:s0], [sflag:$0x2], $0x80, v5, vm1, $0xb8;
	[tilespmem:$0x8880] =	vst v63  }
0x171: {  	v4 =	vadd.s32 v2, v4  }
0x172: {  	[hbm4b:s24+s2] =	stream.indirect_vreg.scatter [tilespmem:s1], [sflag:$0x2], $0x80, v5, vm1, $0xb8;
	[tilespmem:$0x8880] =	vst v63  }
0x173: {  	_ = 	snop  }
0x174: {  	[hbm4b:s25+s2] =	stream.indirect_vreg.scatter [tilespmem:s7], [sflag:$0x2], $0x80, v5, vm1, $0xb8;
	[tilespmem:$0x8880] =	vst v63  }
0x175: {  	_ = 	snop  }
0x176: {  	[hbm4b:s21+s2] =	stream.indirect_vreg.scatter [tilespmem:s8], [sflag:$0x2], $0x80, v4, vm1, $0xb8;
	[tilespmem:$0x8880] =	vst v63  }
0x177: {  	_ = 	snop  }
0x178: {  	[hbm4b:s23+s2] =	stream.indirect_vreg.scatter [tilespmem:s12], [sflag:$0x2], $0x80, v4, vm1, $0xb8;
	[tilespmem:$0x8880] =	vst v63  }
0x179: {  	_ = 	snop  }
0x17a: {  	[hbm4b:s24+s2] =	stream.indirect_vreg.scatter [tilespmem:s29], [sflag:$0x2], $0x80, v4, vm1, $0xb8;
	[tilespmem:$0x8880] =	vst v63  }
0x17b: {  	_ = 	snop  }
0x17c: {  	[hbm4b:s25+s2] =	stream.indirect_vreg.scatter [tilespmem:s13], [sflag:$0x2], $0x80, v4, vm1, $0xb8;
	[tilespmem:$0x8880] =	vst v63  }
0x17d: {  	v4 =	vld [tilespmem:s22+$0x210];
	_ =	sdelay $0x4  }
0x17e: {  	v5 =	vshll.u32 v4, $0x3  }
0x17f: {  	v4 =	vand.u32 $0x7, v4;
	v5 =	vand.u32 $0xFFFFFFC0, v5  }
0x180: {  	v4 =	vor.u32 v4, v5  }
0x181: {  	v5 =	vperm.xlane v4, v1;
	_ =	sdelay $0x1  }
0x182: {  	v5 =	vadd.s32 v2, v5;
	_ =	sdelay $0x4  }
0x183: {  	[hbm4b:s21+s2] =	stream.indirect_vreg.scatter [tilespmem:s14], [sflag:$0x2], $0x80, v5, vm1, $0xb8;
	[tilespmem:$0x8880] =	vst v63  }
0x184: {  	v4 =	vperm.xlane v4, v3  }
0x185: {  	[hbm4b:s23+s2] =	stream.indirect_vreg.scatter [tilespmem:s18], [sflag:$0x2], $0x80, v5, vm1, $0xb8;
	[tilespmem:$0x8880] =	vst v63  }
0x186: {  	v4 =	vadd.s32 v2, v4  }
0x187: {  	[hbm4b:s24+s2] =	stream.indirect_vreg.scatter [tilespmem:s19], [sflag:$0x2], $0x80, v5, vm1, $0xb8;
	[tilespmem:$0x8880] =	vst v63  }
0x188: {  	_ = 	snop  }
0x189: {  	[hbm4b:s25+s2] =	stream.indirect_vreg.scatter [tilespmem:s20], [sflag:$0x2], $0x80, v5, vm1, $0xb8;
	[tilespmem:$0x8880] =	vst v63  }
0x18a: {  	_ = 	snop  }
0x18b: {  	[hbm4b:s21+s2] =	stream.indirect_vreg.scatter [tilespmem:s3], [sflag:$0x2], $0x80, v4, vm1, $0xb8;
	[tilespmem:$0x8880] =	vst v63  }
0x18c: {  	_ = 	snop  }
0x18d: {  	[hbm4b:s23+s2] =	stream.indirect_vreg.scatter [tilespmem:s6], [sflag:$0x2], $0x80, v4, vm1, $0xb8;
	[tilespmem:$0x8880] =	vst v63  }
0x18e: {  	_ = 	snop  }
0x18f: {  	[hbm4b:s24+s2] =	stream.indirect_vreg.scatter [tilespmem:s5], [sflag:$0x2], $0x80, v4, vm1, $0xb8;
	[tilespmem:$0x8880] =	vst v63  }
0x190: {  	_ = 	snop  }
0x191: {  	[hbm4b:s25+s2] =	stream.indirect_vreg.scatter [tilespmem:s9], [sflag:$0x2], $0x80, v4, vm1, $0xb8;
	[tilespmem:$0x8880] =	vst v63  }
0x192: {  	_ =	swait.ge [sflag:s28], $0x8000  }
0x193: {  	[sflag:s28] =	ssyncset.done $0x0  }
0x194: {  	[sflag:s28] =	ssyncadd.s32 $0xFFFF8000  }
.LBB2_11:
0x195: {  	s11 =	rddreg [dreg:$0xe]  }
0x196: {  	p0 =	sge.s32 s11, s10  }
0x197: {  	v4 =	vld @!p0 [tilespmem:s22+$0x280]  }
0x198: {  	v5 =	vld @!p0 [tilespmem:s22+$0x290];
	_ =	sdelay $0x3  }
0x199: {  	v6 =	vimm.s32 @!p0 $0x0;
	vm2 =	veq.s32 @!p0 v4, $0x1000  }
0x19a: {  	vm3 =	veq.s32 @!p0 v5, $0x1000;
	v7 =	vsel @!p0 vm2, $0x1, v6  }
0x19b: {  	v6 =	vsel @!p0 vm3, $0x1, v6;
	(xrf0) =	vadd.scan.msk.s32 @!p0 $0xffff, v7  }
0x19c: {  	(xrf0) =	vadd.scan.msk.s32 @!p0 $0xffff, v6;
	_ =	sdelay $0x4  }
0x19d: {  	v6, _, _ =	vpop @!p0 (xrf0)  }
0x19e: {  	(v2sf) =	vpush @!p0 v6, $0xF;
	v6, _, _ =	vpop @!p0 (xrf0)  }
0x19f: {  	(v2sf) =	vpush @!p0 v6, $0xF;
	_ =	sdelay $0xd  }
0x1a0: {  	s11 =	spop @!p0 (v2sf)  }
0x1a1: {  	s15 =	spop @!p0 (v2sf)  }
0x1a2: {  	s11 =	sadd.s32 @!p0 s11, s15  }
0x1a3: {  	p1 =	sgt.s32 @!p0 s11, $0x1F  }
0x1a4: {  	v6 =	vshll.u32 @!p0 v4, $0xB;
	p1 =	por p0, p1  }
.Ltmp7:
0x1a5: {  	v7 =	vshll.u32 @!p0 v5, $0xB;
	v4 =	vshrl.u32 @!p0 v4, $0x1;
	v6 =	vand.u32 @!p0 $0x800, v6;
	(pc) =	sbr.rel @p1 .LBB2_13-.Ltmp7, $4  }
0x1a6: {  	v5 =	vshrl.u32 @!p0 v5, $0x1;
	v4 =	vadd.s32 @!p0 v4, v6;
	v6 =	vand.u32 @!p0 $0x800, v7  }
0x1a7: {  	v5 =	vadd.s32 @!p0 v5, v6;
	v4 =	vsel @!p0 vm2, v0, v4  }
0x1a8: {  	[tilespmem:s22+$0x280] =	vst @!p0 v4;
	v4 =	vsel @!p0 vm3, v0, v5  }
0x1a9: {  	[tilespmem:s22+$0x290] =	vst @!p0 v4  }
0x1aa: {  	s11 =	rddreg [dreg:$0xf]  }
0x1ab: {  	[tilespmem:s30], [sflag:$0x1] =	stream.linear.gather [hbm4b:s11+s2], $0x8000, $0x38;
	[tilespmem:$0x8880] =	vst v63  }
0x1ac: {  	_ =	swait.ge [sflag:s31], $0x8000  }
0x1ad: {  	[sflag:s31] =	ssyncset.done $0x0  }
0x1ae: {  	[sflag:s31] =	ssyncadd.s32 $0xFFFF8000  }
0x1af: {  	v4 =	vld [tilespmem:s22+$0x280];
	_ =	sdelay $0x4  }
0x1b0: {  	v5 =	vshll.u32 v4, $0x3  }
0x1b1: {  	v4 =	vand.u32 $0x7, v4;
	v5 =	vand.u32 $0xFFFFFFC0, v5  }
0x1b2: {  	v4 =	vor.u32 v4, v5  }
0x1b3: {  	v5 =	vperm.xlane v4, v1;
	_ =	sdelay $0x1  }
0x1b4: {  	v5 =	vadd.s32 v2, v5;
	_ =	sdelay $0x4  }
0x1b5: {  	[hbm4b:s21+s2] =	stream.indirect_vreg.scatter [tilespmem:s30], [sflag:$0x2], $0x80, v5, vm1, $0xb8;
	[tilespmem:$0x8880] =	vst v63  }
0x1b6: {  	v4 =	vperm.xlane v4, v3  }
0x1b7: {  	[hbm4b:s23+s2] =	stream.indirect_vreg.scatter [tilespmem:s0], [sflag:$0x2], $0x80, v5, vm1, $0xb8;
	[tilespmem:$0x8880] =	vst v63  }
0x1b8: {  	v4 =	vadd.s32 v2, v4  }
0x1b9: {  	[hbm4b:s24+s2] =	stream.indirect_vreg.scatter [tilespmem:s1], [sflag:$0x2], $0x80, v5, vm1, $0xb8;
	[tilespmem:$0x8880] =	vst v63  }
0x1ba: {  	_ = 	snop  }
0x1bb: {  	[hbm4b:s25+s2] =	stream.indirect_vreg.scatter [tilespmem:s7], [sflag:$0x2], $0x80, v5, vm1, $0xb8;
	[tilespmem:$0x8880] =	vst v63  }
0x1bc: {  	_ = 	snop  }
0x1bd: {  	[hbm4b:s21+s2] =	stream.indirect_vreg.scatter [tilespmem:s8], [sflag:$0x2], $0x80, v4, vm1, $0xb8;
	[tilespmem:$0x8880] =	vst v63  }
0x1be: {  	_ = 	snop  }
0x1bf: {  	[hbm4b:s23+s2] =	stream.indirect_vreg.scatter [tilespmem:s12], [sflag:$0x2], $0x80, v4, vm1, $0xb8;
	[tilespmem:$0x8880] =	vst v63  }
0x1c0: {  	_ = 	snop  }
0x1c1: {  	[hbm4b:s24+s2] =	stream.indirect_vreg.scatter [tilespmem:s29], [sflag:$0x2], $0x80, v4, vm1, $0xb8;
	[tilespmem:$0x8880] =	vst v63  }
0x1c2: {  	_ = 	snop  }
0x1c3: {  	[hbm4b:s25+s2] =	stream.indirect_vreg.scatter [tilespmem:s13], [sflag:$0x2], $0x80, v4, vm1, $0xb8;
	[tilespmem:$0x8880] =	vst v63  }
0x1c4: {  	v4 =	vld [tilespmem:s22+$0x290];
	_ =	sdelay $0x4  }
0x1c5: {  	v5 =	vshll.u32 v4, $0x3  }
0x1c6: {  	v4 =	vand.u32 $0x7, v4;
	v5 =	vand.u32 $0xFFFFFFC0, v5  }
0x1c7: {  	v4 =	vor.u32 v4, v5  }
0x1c8: {  	v5 =	vperm.xlane v4, v1;
	_ =	sdelay $0x1  }
0x1c9: {  	v5 =	vadd.s32 v2, v5;
	_ =	sdelay $0x4  }
0x1ca: {  	[hbm4b:s21+s2] =	stream.indirect_vreg.scatter [tilespmem:s14], [sflag:$0x2], $0x80, v5, vm1, $0xb8;
	[tilespmem:$0x8880] =	vst v63  }
0x1cb: {  	v4 =	vperm.xlane v4, v3  }
0x1cc: {  	[hbm4b:s23+s2] =	stream.indirect_vreg.scatter [tilespmem:s18], [sflag:$0x2], $0x80, v5, vm1, $0xb8;
	[tilespmem:$0x8880] =	vst v63  }
0x1cd: {  	v4 =	vadd.s32 v2, v4  }
0x1ce: {  	[hbm4b:s24+s2] =	stream.indirect_vreg.scatter [tilespmem:s19], [sflag:$0x2], $0x80, v5, vm1, $0xb8;
	[tilespmem:$0x8880] =	vst v63  }
0x1cf: {  	_ = 	snop  }
0x1d0: {  	[hbm4b:s25+s2] =	stream.indirect_vreg.scatter [tilespmem:s20], [sflag:$0x2], $0x80, v5, vm1, $0xb8;
	[tilespmem:$0x8880] =	vst v63  }
0x1d1: {  	_ = 	snop  }
0x1d2: {  	[hbm4b:s21+s2] =	stream.indirect_vreg.scatter [tilespmem:s3], [sflag:$0x2], $0x80, v4, vm1, $0xb8;
	[tilespmem:$0x8880] =	vst v63  }
0x1d3: {  	_ = 	snop  }
0x1d4: {  	[hbm4b:s23+s2] =	stream.indirect_vreg.scatter [tilespmem:s6], [sflag:$0x2], $0x80, v4, vm1, $0xb8;
	[tilespmem:$0x8880] =	vst v63  }
0x1d5: {  	_ = 	snop  }
0x1d6: {  	[hbm4b:s24+s2] =	stream.indirect_vreg.scatter [tilespmem:s5], [sflag:$0x2], $0x80, v4, vm1, $0xb8;
	[tilespmem:$0x8880] =	vst v63  }
0x1d7: {  	_ = 	snop  }
0x1d8: {  	[hbm4b:s25+s2] =	stream.indirect_vreg.scatter [tilespmem:s9], [sflag:$0x2], $0x80, v4, vm1, $0xb8;
	[tilespmem:$0x8880] =	vst v63  }
0x1d9: {  	_ =	swait.ge [sflag:s28], $0x8000  }
0x1da: {  	[sflag:s28] =	ssyncset.done $0x0  }
0x1db: {  	[sflag:s28] =	ssyncadd.s32 $0xFFFF8000  }
.LBB2_13:
0x1dc: {  	p0 =	sge.s32 s16, s10  }
0x1dd: {  	v4 =	vld @!p0 [tilespmem:s22+$0x300]  }
0x1de: {  	v5 =	vld @!p0 [tilespmem:s22+$0x310];
	_ =	sdelay $0x3  }
0x1df: {  	v6 =	vimm.s32 @!p0 $0x0;
	vm2 =	veq.s32 @!p0 v4, $0x1000  }
0x1e0: {  	vm3 =	veq.s32 @!p0 v5, $0x1000;
	v7 =	vsel @!p0 vm2, $0x1, v6  }
0x1e1: {  	v6 =	vsel @!p0 vm3, $0x1, v6;
	(xrf0) =	vadd.scan.msk.s32 @!p0 $0xffff, v7  }
0x1e2: {  	(xrf0) =	vadd.scan.msk.s32 @!p0 $0xffff, v6;
	_ =	sdelay $0x4  }
0x1e3: {  	v6, _, _ =	vpop @!p0 (xrf0)  }
0x1e4: {  	(v2sf) =	vpush @!p0 v6, $0xF;
	v6, _, _ =	vpop @!p0 (xrf0)  }
0x1e5: {  	(v2sf) =	vpush @!p0 v6, $0xF;
	_ =	sdelay $0xd  }
0x1e6: {  	s11 =	spop @!p0 (v2sf)  }
0x1e7: {  	s15 =	spop @!p0 (v2sf)  }
0x1e8: {  	s11 =	sadd.s32 @!p0 s11, s15  }
0x1e9: {  	p1 =	sgt.s32 @!p0 s11, $0x1F  }
0x1ea: {  	v6 =	vshll.u32 @!p0 v4, $0xB;
	p1 =	por p0, p1  }
.Ltmp8:
0x1eb: {  	v7 =	vshll.u32 @!p0 v5, $0xB;
	v4 =	vshrl.u32 @!p0 v4, $0x1;
	v6 =	vand.u32 @!p0 $0x800, v6;
	(pc) =	sbr.rel @p1 .LBB2_15-.Ltmp8, $4  }
0x1ec: {  	v5 =	vshrl.u32 @!p0 v5, $0x1;
	v4 =	vadd.s32 @!p0 v4, v6;
	v6 =	vand.u32 @!p0 $0x800, v7  }
0x1ed: {  	v5 =	vadd.s32 @!p0 v5, v6;
	v4 =	vsel @!p0 vm2, v0, v4  }
0x1ee: {  	[tilespmem:s22+$0x300] =	vst @!p0 v4;
	v4 =	vsel @!p0 vm3, v0, v5  }
0x1ef: {  	[tilespmem:s22+$0x310] =	vst @!p0 v4  }
0x1f0: {  	s11 =	rddreg [dreg:$0x10]  }
0x1f1: {  	[tilespmem:s30], [sflag:$0x1] =	stream.linear.gather [hbm4b:s11+s2], $0x8000, $0x38;
	[tilespmem:$0x8880] =	vst v63  }
0x1f2: {  	_ =	swait.ge [sflag:s31], $0x8000  }
0x1f3: {  	[sflag:s31] =	ssyncset.done $0x0  }
0x1f4: {  	[sflag:s31] =	ssyncadd.s32 $0xFFFF8000  }
0x1f5: {  	v4 =	vld [tilespmem:s22+$0x300];
	_ =	sdelay $0x4  }
0x1f6: {  	v5 =	vshll.u32 v4, $0x3  }
0x1f7: {  	v4 =	vand.u32 $0x7, v4;
	v5 =	vand.u32 $0xFFFFFFC0, v5  }
0x1f8: {  	v4 =	vor.u32 v4, v5  }
0x1f9: {  	v5 =	vperm.xlane v4, v1;
	_ =	sdelay $0x1  }
0x1fa: {  	v5 =	vadd.s32 v2, v5;
	_ =	sdelay $0x4  }
0x1fb: {  	[hbm4b:s21+s2] =	stream.indirect_vreg.scatter [tilespmem:s30], [sflag:$0x2], $0x80, v5, vm1, $0xb8;
	[tilespmem:$0x8880] =	vst v63  }
0x1fc: {  	v4 =	vperm.xlane v4, v3  }
0x1fd: {  	[hbm4b:s23+s2] =	stream.indirect_vreg.scatter [tilespmem:s0], [sflag:$0x2], $0x80, v5, vm1, $0xb8;
	[tilespmem:$0x8880] =	vst v63  }
0x1fe: {  	v4 =	vadd.s32 v2, v4  }
0x1ff: {  	[hbm4b:s24+s2] =	stream.indirect_vreg.scatter [tilespmem:s1], [sflag:$0x2], $0x80, v5, vm1, $0xb8;
	[tilespmem:$0x8880] =	vst v63  }
0x200: {  	_ = 	snop  }
0x201: {  	[hbm4b:s25+s2] =	stream.indirect_vreg.scatter [tilespmem:s7], [sflag:$0x2], $0x80, v5, vm1, $0xb8;
	[tilespmem:$0x8880] =	vst v63  }
0x202: {  	_ = 	snop  }
0x203: {  	[hbm4b:s21+s2] =	stream.indirect_vreg.scatter [tilespmem:s8], [sflag:$0x2], $0x80, v4, vm1, $0xb8;
	[tilespmem:$0x8880] =	vst v63  }
0x204: {  	_ = 	snop  }
0x205: {  	[hbm4b:s23+s2] =	stream.indirect_vreg.scatter [tilespmem:s12], [sflag:$0x2], $0x80, v4, vm1, $0xb8;
	[tilespmem:$0x8880] =	vst v63  }
0x206: {  	_ = 	snop  }
0x207: {  	[hbm4b:s24+s2] =	stream.indirect_vreg.scatter [tilespmem:s29], [sflag:$0x2], $0x80, v4, vm1, $0xb8;
	[tilespmem:$0x8880] =	vst v63  }
0x208: {  	_ = 	snop  }
0x209: {  	[hbm4b:s25+s2] =	stream.indirect_vreg.scatter [tilespmem:s13], [sflag:$0x2], $0x80, v4, vm1, $0xb8;
	[tilespmem:$0x8880] =	vst v63  }
0x20a: {  	v4 =	vld [tilespmem:s22+$0x310];
	_ =	sdelay $0x4  }
0x20b: {  	v5 =	vshll.u32 v4, $0x3  }
0x20c: {  	v4 =	vand.u32 $0x7, v4;
	v5 =	vand.u32 $0xFFFFFFC0, v5  }
0x20d: {  	v4 =	vor.u32 v4, v5  }
0x20e: {  	v5 =	vperm.xlane v4, v1;
	_ =	sdelay $0x1  }
0x20f: {  	v5 =	vadd.s32 v2, v5;
	_ =	sdelay $0x4  }
0x210: {  	[hbm4b:s21+s2] =	stream.indirect_vreg.scatter [tilespmem:s14], [sflag:$0x2], $0x80, v5, vm1, $0xb8;
	[tilespmem:$0x8880] =	vst v63  }
0x211: {  	v4 =	vperm.xlane v4, v3  }
0x212: {  	[hbm4b:s23+s2] =	stream.indirect_vreg.scatter [tilespmem:s18], [sflag:$0x2], $0x80, v5, vm1, $0xb8;
	[tilespmem:$0x8880] =	vst v63  }
0x213: {  	v4 =	vadd.s32 v2, v4  }
0x214: {  	[hbm4b:s24+s2] =	stream.indirect_vreg.scatter [tilespmem:s19], [sflag:$0x2], $0x80, v5, vm1, $0xb8;
	[tilespmem:$0x8880] =	vst v63  }
0x215: {  	_ = 	snop  }
0x216: {  	[hbm4b:s25+s2] =	stream.indirect_vreg.scatter [tilespmem:s20], [sflag:$0x2], $0x80, v5, vm1, $0xb8;
	[tilespmem:$0x8880] =	vst v63  }
0x217: {  	_ = 	snop  }
0x218: {  	[hbm4b:s21+s2] =	stream.indirect_vreg.scatter [tilespmem:s3], [sflag:$0x2], $0x80, v4, vm1, $0xb8;
	[tilespmem:$0x8880] =	vst v63  }
0x219: {  	_ = 	snop  }
0x21a: {  	[hbm4b:s23+s2] =	stream.indirect_vreg.scatter [tilespmem:s6], [sflag:$0x2], $0x80, v4, vm1, $0xb8;
	[tilespmem:$0x8880] =	vst v63  }
0x21b: {  	_ = 	snop  }
0x21c: {  	[hbm4b:s24+s2] =	stream.indirect_vreg.scatter [tilespmem:s5], [sflag:$0x2], $0x80, v4, vm1, $0xb8;
	[tilespmem:$0x8880] =	vst v63  }
0x21d: {  	_ = 	snop  }
0x21e: {  	[hbm4b:s25+s2] =	stream.indirect_vreg.scatter [tilespmem:s9], [sflag:$0x2], $0x80, v4, vm1, $0xb8;
	[tilespmem:$0x8880] =	vst v63  }
0x21f: {  	_ =	swait.ge [sflag:s28], $0x8000  }
0x220: {  	[sflag:s28] =	ssyncset.done $0x0  }
0x221: {  	[sflag:s28] =	ssyncadd.s32 $0xFFFF8000  }
.LBB2_15:
0x222: {  	p0 =	sge.s32 s17, s10  }
0x223: {  	v4 =	vld @!p0 [tilespmem:s22+$0x380]  }
0x224: {  	v5 =	vld @!p0 [tilespmem:s22+$0x390];
	_ =	sdelay $0x3  }
0x225: {  	v6 =	vimm.s32 @!p0 $0x0;
	vm2 =	veq.s32 @!p0 v4, $0x1000  }
0x226: {  	vm3 =	veq.s32 @!p0 v5, $0x1000;
	v7 =	vsel @!p0 vm2, $0x1, v6  }
0x227: {  	v6 =	vsel @!p0 vm3, $0x1, v6;
	(xrf0) =	vadd.scan.msk.s32 @!p0 $0xffff, v7  }
0x228: {  	(xrf0) =	vadd.scan.msk.s32 @!p0 $0xffff, v6;
	_ =	sdelay $0x4  }
0x229: {  	v6, _, _ =	vpop @!p0 (xrf0)  }
0x22a: {  	(v2sf) =	vpush @!p0 v6, $0xF;
	v6, _, _ =	vpop @!p0 (xrf0)  }
0x22b: {  	(v2sf) =	vpush @!p0 v6, $0xF;
	_ =	sdelay $0xd  }
0x22c: {  	s10 =	spop @!p0 (v2sf)  }
0x22d: {  	s11 =	spop @!p0 (v2sf)  }
0x22e: {  	s10 =	sadd.s32 @!p0 s10, s11  }
0x22f: {  	p1 =	sgt.s32 @!p0 s10, $0x1F  }
0x230: {  	v6 =	vshll.u32 @!p0 v4, $0xB;
	p1 =	por p0, p1  }
.Ltmp9:
0x231: {  	v7 =	vshll.u32 @!p0 v5, $0xB;
	v4 =	vshrl.u32 @!p0 v4, $0x1;
	v6 =	vand.u32 @!p0 $0x800, v6;
	(pc) =	sbr.rel @p1 .LBB2_17-.Ltmp9, $4  }
0x232: {  	v5 =	vshrl.u32 @!p0 v5, $0x1;
	v4 =	vadd.s32 @!p0 v4, v6;
	v6 =	vand.u32 @!p0 $0x800, v7  }
0x233: {  	v5 =	vadd.s32 @!p0 v5, v6;
	v4 =	vsel @!p0 vm2, v0, v4  }
0x234: {  	[tilespmem:s22+$0x380] =	vst @!p0 v4;
	v4 =	vsel @!p0 vm3, v0, v5  }
0x235: {  	[tilespmem:s22+$0x390] =	vst @!p0 v4  }
0x236: {  	s10 =	rddreg [dreg:$0x11]  }
0x237: {  	[tilespmem:s30], [sflag:$0x1] =	stream.linear.gather [hbm4b:s10+s2], $0x8000, $0x38;
	[tilespmem:$0x8880] =	vst v63  }
0x238: {  	_ =	swait.ge [sflag:s31], $0x8000  }
0x239: {  	[sflag:s31] =	ssyncset.done $0x0  }
0x23a: {  	[sflag:s31] =	ssyncadd.s32 $0xFFFF8000  }
0x23b: {  	v4 =	vld [tilespmem:s22+$0x380];
	_ =	sdelay $0x4  }
0x23c: {  	v5 =	vshll.u32 v4, $0x3  }
0x23d: {  	v4 =	vand.u32 $0x7, v4;
	v5 =	vand.u32 $0xFFFFFFC0, v5  }
0x23e: {  	v4 =	vor.u32 v4, v5  }
0x23f: {  	v5 =	vperm.xlane v4, v1;
	_ =	sdelay $0x1  }
0x240: {  	v5 =	vadd.s32 v2, v5;
	_ =	sdelay $0x4  }
0x241: {  	[hbm4b:s21+s2] =	stream.indirect_vreg.scatter [tilespmem:s30], [sflag:$0x2], $0x80, v5, vm1, $0xb8;
	[tilespmem:$0x8880] =	vst v63  }
0x242: {  	v4 =	vperm.xlane v4, v3  }
0x243: {  	[hbm4b:s23+s2] =	stream.indirect_vreg.scatter [tilespmem:s0], [sflag:$0x2], $0x80, v5, vm1, $0xb8;
	[tilespmem:$0x8880] =	vst v63  }
0x244: {  	v4 =	vadd.s32 v2, v4  }
0x245: {  	[hbm4b:s24+s2] =	stream.indirect_vreg.scatter [tilespmem:s1], [sflag:$0x2], $0x80, v5, vm1, $0xb8;
	[tilespmem:$0x8880] =	vst v63  }
0x246: {  	_ = 	snop  }
0x247: {  	[hbm4b:s25+s2] =	stream.indirect_vreg.scatter [tilespmem:s7], [sflag:$0x2], $0x80, v5, vm1, $0xb8;
	[tilespmem:$0x8880] =	vst v63  }
0x248: {  	_ = 	snop  }
0x249: {  	[hbm4b:s21+s2] =	stream.indirect_vreg.scatter [tilespmem:s8], [sflag:$0x2], $0x80, v4, vm1, $0xb8;
	[tilespmem:$0x8880] =	vst v63  }
0x24a: {  	_ = 	snop  }
0x24b: {  	[hbm4b:s23+s2] =	stream.indirect_vreg.scatter [tilespmem:s12], [sflag:$0x2], $0x80, v4, vm1, $0xb8;
	[tilespmem:$0x8880] =	vst v63  }
0x24c: {  	_ = 	snop  }
0x24d: {  	[hbm4b:s24+s2] =	stream.indirect_vreg.scatter [tilespmem:s29], [sflag:$0x2], $0x80, v4, vm1, $0xb8;
	[tilespmem:$0x8880] =	vst v63  }
0x24e: {  	_ = 	snop  }
0x24f: {  	[hbm4b:s25+s2] =	stream.indirect_vreg.scatter [tilespmem:s13], [sflag:$0x2], $0x80, v4, vm1, $0xb8;
	[tilespmem:$0x8880] =	vst v63  }
0x250: {  	v4 =	vld [tilespmem:s22+$0x390];
	_ =	sdelay $0x4  }
0x251: {  	v5 =	vshll.u32 v4, $0x3  }
0x252: {  	v4 =	vand.u32 $0x7, v4;
	v5 =	vand.u32 $0xFFFFFFC0, v5  }
0x253: {  	v4 =	vor.u32 v4, v5  }
0x254: {  	v5 =	vperm.xlane v4, v1;
	_ =	sdelay $0x1  }
0x255: {  	v5 =	vadd.s32 v2, v5;
	_ =	sdelay $0x4  }
0x256: {  	[hbm4b:s21+s2] =	stream.indirect_vreg.scatter [tilespmem:s14], [sflag:$0x2], $0x80, v5, vm1, $0xb8;
	[tilespmem:$0x8880] =	vst v63  }
0x257: {  	v4 =	vperm.xlane v4, v3  }
0x258: {  	[hbm4b:s23+s2] =	stream.indirect_vreg.scatter [tilespmem:s18], [sflag:$0x2], $0x80, v5, vm1, $0xb8;
	[tilespmem:$0x8880] =	vst v63  }
0x259: {  	v4 =	vadd.s32 v2, v4  }
0x25a: {  	[hbm4b:s24+s2] =	stream.indirect_vreg.scatter [tilespmem:s19], [sflag:$0x2], $0x80, v5, vm1, $0xb8;
	[tilespmem:$0x8880] =	vst v63  }
0x25b: {  	_ = 	snop  }
0x25c: {  	[hbm4b:s25+s2] =	stream.indirect_vreg.scatter [tilespmem:s20], [sflag:$0x2], $0x80, v5, vm1, $0xb8;
	[tilespmem:$0x8880] =	vst v63  }
0x25d: {  	_ = 	snop  }
0x25e: {  	[hbm4b:s21+s2] =	stream.indirect_vreg.scatter [tilespmem:s3], [sflag:$0x2], $0x80, v4, vm1, $0xb8;
	[tilespmem:$0x8880] =	vst v63  }
0x25f: {  	_ = 	snop  }
0x260: {  	[hbm4b:s23+s2] =	stream.indirect_vreg.scatter [tilespmem:s6], [sflag:$0x2], $0x80, v4, vm1, $0xb8;
	[tilespmem:$0x8880] =	vst v63  }
0x261: {  	_ = 	snop  }
0x262: {  	[hbm4b:s24+s2] =	stream.indirect_vreg.scatter [tilespmem:s5], [sflag:$0x2], $0x80, v4, vm1, $0xb8;
	[tilespmem:$0x8880] =	vst v63  }
.Ltmp10:
0x263: {  	_ = 	snop;
	(pc) =	sbr.rel .LBB2_17-.Ltmp10, $4  }
0x264: {  	[hbm4b:s25+s2] =	stream.indirect_vreg.scatter [tilespmem:s9], [sflag:$0x2], $0x80, v4, vm1, $0xb8;
	[tilespmem:$0x8880] =	vst v63  }
0x265: {  	_ =	swait.ge [sflag:s28], $0x8000  }
0x266: {  	[sflag:s28] =	ssyncset.done $0x0  }
0x267: {  	[sflag:s28] =	ssyncadd.s32 $0xFFFF8000  }
.LBB2_18:
0x268: {  	_ =	sfence.sel $0x180000  }
0x269: {  	[bflag:$0x0] =	sbarrier.arrive $0xFFFF  }
0x26a: {  	_ =	strace $0x9000004A  }
0x26b: {  	s0 =	stileid.u32;
	[bflag:$0x2] =	sbarrier.arrive $0xFFFF  }
0x26c: {  	p0 =	sne.s32 s0, $0x0;
	s0 =	rddreg [dreg:$0x2]  }
0x26d: {  	s0 =	sadd.s32 @!p0 $0x100000, s0  }
0x26e: {  	[sflag:s0] =	ssyncadd.tile.s32 @!p0 $0x1;
	_ =	shalt  }
.Lfunc_end2:
_tile_overlayer_lowered:
.L_overlay_start_2:
0x26f: {  	(tag) =	ssettag $0x2  }
0x270: {  	s0 =	rddreg [dreg:$0x0];
	s2 =	stileid.u32  }
0x271: {  	s1 =	rddreg [dreg:$0x1];
	p0 =	sne.s32 s2, $0x0  }
0x272: {  	s3 =	rddreg [dreg:$0x2];
	[bflag:$0x3] =	sbarrier.arrive $0xFFFF;
	s2 =	simm.s32 @!p0 $0x1C02  }
0x273: {  	[timem:s3], [sflag:s2] =	dma.local @!p0 [hbm:s0], s1  }
0x274: {  	s0 =	simm.s32 @!p0 $0x2  }
0x275: {  	_ =	swait.ge @!p0 [sflag:s0], s1  }
0x276: {  	s1 =	ssub.s32 @!p0 $0x0, s1;
	[sflag:s0] =	ssyncset.done @!p0 $0x0  }
0x277: {  	[sflag:s0] =	ssyncadd.s32 @!p0 s1  }
0x278: {  	[bflag:$0x3] =	sbarrier.arrive $0xFFFF  }
0x279: {  	_ =	shalt  }

// kernel: kernel.8.cloned.1.call-start
scs
__scs_entry_jumppad:
0x0: {  	(pc) =	sbr.rel $0x88, $3  }
0x1: {  	(tag) =	ssettag $0x0;
	lr =	simm.s32 $0x1  }
0x2: {  	[smem:$0x3F99] =	sst lr;
	_ =	strace $0xD0000000  }
0x3: {  	_ = 	snop  }
0x4: {  	_ = 	snop  }
0x5: {  	_ = 	snop  }
0x6: {  	_ = 	snop  }
0x7: {  	_ = 	snop  }
__scs_overlays_trampoline_lowered:
0x8: {  	[smem:$0x3FA8] =	sst s0  }
0x9: {  	[smem:$0x3FA9] =	sst s1  }
0xa: {  	[smem:$0x3FAA] =	sst s2  }
0xb: {  	[smem:$0x3FAB] =	sst s3  }
0xc: {  	[smem:$0x3FAC] =	sst s4  }
0xd: {  	[smem:$0x3FAD] =	sst s5  }
0xe: {  	[smem:$0x3FAE] =	sst s6  }
0xf: {  	[smem:$0x3FAF] =	sst s7  }
0x10: {  	[smem:$0x3FB0] =	sst s8  }
0x11: {  	[smem:$0x3FB1] =	sst s9;
	s0 =	simm.s32 @!p0 $0x0  }
0x12: {  	s1 =	sld [smem:$0x3F97];
	s0 =	simm.s32 @p0 $0x1  }
0x13: {  	[smem:$0x3FB2] =	sst s0;
	s0 =	simm.s32 @!p1 $0x0  }
0x14: {  	s2 =	sld [smem:$0x3F96];
	s0 =	simm.s32 @p1 $0x1  }
0x15: {  	[smem:$0x3FB3] =	sst s0;
	s0 =	simm.s32 @!p2 $0x0  }
0x16: {  	s3 =	sld [smem:$0x3FDB];
	s0 =	simm.s32 @p2 $0x1  }
0x17: {  	s4 =	simm.s32 $0x1BF5;
	[smem:$0x3FB5] =	sst s0  }
0x18: {  	s0 =	sld [smem:$0x3F98];
	_ =	swait.ge [sflag:s4], $0x0  }
0x19: {  	s7 =	sld [smem:$0x3F99]  }
0x1a: {  	s8 =	sadd.s32 $0xFFFFE003, lr  }
0x1b: {  	s9 =	sadd.s32 $0xFFFFFEF7, lr;
	s5 =	simm.s32 $0xFFFFFFFF;
	p2 =	slt.u32 s8, $0xFFFFF086  }
0x1c: {  	p1 =	slt.u32 s9, $0xF7A;
	s5 =	simm.s32 @!p2 $0x0  }
0x1d: {  	s5 =	simm.s32 @p1 $0x1;
	p0 =	seq.s32 s7, s2  }
0x1e: {  	s7 =	smul.u32 @!p0 $0xF7A, s2;
	p2 =	seq.s32 @!p0 s5, $0x0  }
0x1f: {  	s9 =	smul.u32 $0xF7A, s1;
	s8 =	simm.s32 @!p0 $0x1BF5;
	p2 =	por !p2, p0  }
0x20: {  	[sflag:s8] =	ssyncset.s32 @!p0 $0xFFFFF086;
	s6 =	sadd.s32 @!p0 s3, s7;
	s7 =	simm.s32 @!p0 $0x108  }
0x21: {  	s3 =	sadd.s32 s3, s9;
	s6 =	sadd.s32 @!p0 $0x88, s6;
	s7 =	simm.s32 @p2 $0x1082  }
0x22: {  	[simem:s7], [sflag:s8] =	dma.local @!p0 [hbm:s6], $0xF7A  }
0x23: {  	s9 =	sor.u32 $0xD0000000, s2;
	s6 =	simm.s32 $0x108;
	_ =	swait.ge @!p0 [sflag:s8], $0x0  }
0x24: {  	s3 =	sadd.s32 $0x88, s3;
	s6 =	simm.s32 @!p1 $0x1082;
	[sflag:s4] =	ssyncset.s32 $0xFFFFF086  }
0x25: {  	[simem:s6], [sflag:s4] =	dma.local [hbm:s3], $0xF7A  }
0x26: {  	[smem:$0x3F99] =	sst s1;
	(tag) =	ssettag s2;
	_ =	strace s9  }
0x27: {  	s1 =	sld [smem:$0x3FA9]  }
0x28: {  	s2 =	sld [smem:$0x3FAA]  }
0x29: {  	s4 =	sld [smem:$0x3FAC]  }
0x2a: {  	p0 =	seq.s32 s5, $0x0;
	s5 =	sld [smem:$0x3FAD]  }
0x2b: {  	s6 =	sld [smem:$0x3FAE]  }
0x2c: {  	s7 =	sld [smem:$0x3FAF]  }
0x2d: {  	s3 =	simm.s32 $0x108;
	s8 =	sld [smem:$0x3FB0]  }
0x2e: {  	s3 =	simm.s32 @!p0 $0x1082;
	s9 =	sld [smem:$0x3FB1]  }
0x2f: {  	lr =	sadd.s32 s0, s3;
	s0 =	sld [smem:$0x3FA8]  }
0x30: {  	s3 =	sld [smem:$0x3FAB]  }
0x31: {  	[smem:$0x3FB4] =	sst s10  }
0x32: {  	s10 =	sld [smem:$0x3FB2];
	_ =	sdelay $0x3  }
0x33: {  	p0 =	seq.s32 s10, $0x1;
	s10 =	sld [smem:$0x3FB4];
	_ =	sdelay $0x3  }
0x34: {  	[smem:$0x3FB4] =	sst s10  }
0x35: {  	s10 =	sld [smem:$0x3FB3];
	_ =	sdelay $0x3  }
0x36: {  	p1 =	seq.s32 s10, $0x1;
	s10 =	sld [smem:$0x3FB4];
	_ =	sdelay $0x3  }
0x37: {  	[smem:$0x3FB4] =	sst s10  }
0x38: {  	s10 =	sld [smem:$0x3FB5]  }
0x39: {  	_ = 	snop;
	(pc) =	sbr.ind lr, $3  }
0x3a: {  	_ = 	snop  }
0x3b: {  	_ = 	snop  }
0x3c: {  	p2 =	seq.s32 s10, $0x1;
	s10 =	sld [smem:$0x3FB4]  }
0x3d: {  	_ =	shalt  }
0x3e: {  	_ =	shalt  }
0x3f: {  	_ =	shalt  }
0x40: {  	_ =	shalt  }
0x41: {  	_ =	shalt  }
0x42: {  	_ =	shalt  }
0x43: {  	_ =	shalt  }
0x44: {  	_ =	shalt  }
0x45: {  	_ =	shalt  }
0x46: {  	_ =	shalt  }
0x47: {  	_ =	shalt  }
0x48: {  	_ =	shalt  }
0x49: {  	_ =	shalt  }
0x4a: {  	_ =	shalt  }
0x4b: {  	_ =	shalt  }
0x4c: {  	_ =	shalt  }
0x4d: {  	_ =	shalt  }
0x4e: {  	_ =	shalt  }
0x4f: {  	_ =	shalt  }
0x50: {  	_ =	shalt  }
0x51: {  	_ =	shalt  }
0x52: {  	_ =	shalt  }
0x53: {  	_ =	shalt  }
0x54: {  	_ =	shalt  }
0x55: {  	_ =	shalt  }
0x56: {  	_ =	shalt  }
0x57: {  	_ =	shalt  }
0x58: {  	_ =	shalt  }
0x59: {  	_ =	shalt  }
0x5a: {  	_ =	shalt  }
0x5b: {  	_ =	shalt  }
0x5c: {  	_ =	shalt  }
0x5d: {  	_ =	shalt  }
0x5e: {  	_ =	shalt  }
0x5f: {  	_ =	shalt  }
0x60: {  	_ =	shalt  }
0x61: {  	_ =	shalt  }
0x62: {  	_ =	shalt  }
0x63: {  	_ =	shalt  }
0x64: {  	_ =	shalt  }
0x65: {  	_ =	shalt  }
0x66: {  	_ =	shalt  }
0x67: {  	_ =	shalt  }
0x68: {  	_ =	shalt  }
0x69: {  	_ =	shalt  }
0x6a: {  	_ =	shalt  }
0x6b: {  	_ =	shalt  }
0x6c: {  	_ =	shalt  }
0x6d: {  	_ =	shalt  }
0x6e: {  	_ =	shalt  }
0x6f: {  	_ =	shalt  }
0x70: {  	_ =	shalt  }
0x71: {  	_ =	shalt  }
0x72: {  	_ =	shalt  }
0x73: {  	_ =	shalt  }
0x74: {  	_ =	shalt  }
0x75: {  	_ =	shalt  }
0x76: {  	_ =	shalt  }
0x77: {  	_ =	shalt  }
0x78: {  	_ =	shalt  }
0x79: {  	_ =	shalt  }
0x7a: {  	_ =	shalt  }
0x7b: {  	_ =	shalt  }
0x7c: {  	_ =	shalt  }
0x7d: {  	_ =	shalt  }
0x7e: {  	_ =	shalt  }
0x7f: {  	_ =	shalt  }
0x80: {  	_ =	shalt  }
0x81: {  	_ =	shalt  }
0x82: {  	_ =	shalt  }
0x83: {  	_ =	shalt  }
0x84: {  	_ =	shalt  }
0x85: {  	_ =	shalt  }
0x86: {  	_ =	shalt  }
0x87: {  	_ =	shalt  }
.Lfunc_end0:
.L_simem_size_0:
called_computation_lowered:
.L_overlay_start_0:
0x88: {  	s2 =	sld [smem:$0x3FD9]  }
0x89: {  	s3 =	sld [smem:$0x3FFE];
	_ =	sdelay $0x1  }
0x8a: {  	s1 =	srdreg.scid  }
0x8b: {  	s0 =	sand.u32 $0x1, s1  }
0x8c: {  	s14 =	sshll.u32 s0, $0xA;
	s2 =	sadd.s32 s3, s2  }
0x8d: {  	s2 =	sadd.s32 s2, s14  }
0x8e: {  	[smem:$0x3FC0] =	sst s2  }
0x8f: {  	_ = 	snop  }
0x90: {  	s2 =	sld [smem:$0x3FD0];
	_ =	sdelay $0x2  }
0x91: {  	s4 =	simm.s32 $0xA;
	s5 =	simm.s32 $0x10;
	s15 =	sld [smem:$0x3FC9]  }
0x92: {  	[smem:s5], [sflag:s4] =	dma.local [hbm:s2], $0x1  }
0x93: {  	_ =	swait.eq [sflag:s4], $0x1  }
0x94: {  	[sflag:s4] =	ssyncset.done $0x0  }
0x95: {  	s16 =	sld [smem:$0x10];
	[sflag:s4] =	ssyncadd.s32 $0xFFFFFFFF  }
0x96: {  	s17 =	sld [smem:$0x11];
	(tm) =	ssettm $0x1  }
0x97: {  	s18 =	sld [smem:$0x3FFB];
	_ =	sdelay $0x3  }
0x98: {  	_ =	strace s18  }
0x99: {  	s5 =	sld [smem:$0x3FFC];
	_ =	sdelay $0x3  }
0x9a: {  	_ =	strace s5  }
0x9b: {  	s5 =	sld [smem:$0x3FFD];
	_ =	sdelay $0x3  }
0x9c: {  	_ =	strace s5  }
0x9d: {  	_ =	strace $0x8FFFFFFF  }
0x9e: {  	s19 =	sld [smem:$0x3FDB];
	_ =	sdelay $0x1  }
0x9f: {  	s6 =	simm.s32 $_scs_section_size  }
0xa0: {  	s7 =	simm.s32 $_size__tile_overlayer_lowered;
	s8 =	simm.s32 $_tile_overlayer_lowered  }
0xa1: {  	s22 =	simm.s32 $0x1BFF;
	s21 =	sshll.u32 s8, $0x1;
	s5 =	sadd.s32 s6, s19  }
0xa2: {  	s9 =	simm.s32 $0x0;
	s20 =	sshll.u32 s7, $0x1;
	s7 =	sadd.s32 s21, s5  }
0xa3: {  	[timem:s9], [sflag:s22] =	dma.local [hbm:s7], s20  }
0xa4: {  	_ =	swait.ge [sflag:s22], s20  }
0xa5: {  	s6 =	ssub.s32 $0x0, s20;
	[sflag:s22] =	ssyncset.done $0x0  }
0xa6: {  	[sflag:s22] =	ssyncadd.s32 s6;
	_ =	sdelay $0x1  }
0xa7: {  	s23 =	simm.s32 $0x1B8B  }
0xa8: {  	_ =	swait.ge [sflag:s23], $0x1  }
0xa9: {  	[sflag:s23] =	ssyncset.done $0x0  }
0xaa: {  	s25 =	simm.s32 $0x1B8E;
	s24 =	sld [smem:$0x3FFE];
	[sflag:s23] =	ssyncadd.s32 $0xFFFFFFFF  }
0xab: {  	s26 =	simm.s32 $execute0_lowered;
	[smem:$0x3FD2] =	sst s25  }
0xac: {  	s7 =	sshll.u32 s26, $0x1;
	_ =	strace $0x80000046;
	[dreg:$0x1] =	wrdreg $0xFFFFFFFF  }
0xad: {  	s28 =	simm.s32 $_size_execute0_lowered;
	s5 =	sadd.s32 s5, s7;
	[dreg:$0x0] =	wrdreg $0x0  }
0xae: {  	s7 =	sshll.u32 s28, $0x1;
	[dreg:$0x2] =	wrdreg s5  }
0xaf: {  	[dreg:$0x3] =	wrdreg s7  }
0xb0: {  	[dreg:$0x4] =	wrdreg $0xC0  }
0xb1: {  	_ =	task [dreg:s9], $0x5FFFF  }
0xb2: {  	[dreg:$0x1] =	wrdreg $0xFFFFFFFF  }
0xb3: {  	[dreg:$0x0] =	wrdreg $0x60  }
0xb4: {  	[dreg:$0x2] =	wrdreg s16  }
0xb5: {  	[dreg:$0x3] =	wrdreg s15  }
0xb6: {  	[dreg:$0x4] =	wrdreg s24  }
0xb7: {  	[dreg:$0x5] =	wrdreg s17  }
0xb8: {  	[dreg:$0x6] =	wrdreg $0x9  }
0xb9: {  	_ =	task.clear_ibuf [dreg:s9], $0x7FFFF;
	_ =	strace $0x90000046  }
0xba: {  	s29 =	simm.s32 $0x9;
	_ =	strace $0x80000048  }
0xbb: {  	_ =	swait.ge [sflag:s29], $0x1  }
0xbc: {  	[sflag:s29] =	ssyncadd.s32 $0xFFFFFFFF  }
0xbd: {  	_ =	strace $0x90000048  }
0xbe: {  	_ =	sfence  }
0xbf: {  	s30 =	sld [smem:$0x0];
	_ =	sdelay $0x2  }
0xc0: {  	s31 =	sshll.u32 s1, $0xD;
	s1 =	sshrl.u32 s1, $0x2  }
0xc1: {  	s3 =	sand.u32 $0x4000, s31;
	s1 =	sadd.s32 s1, s30  }
0xc2: {  	s0 =	sor.u32 s3, s0;
	s1 =	sshll.u32 s1, $0x11  }
0xc3: {  	s0 =	sor.u32 s1, s0  }
0xc4: {  	s0 =	sadd.s32 $0x8F2B, s0  }
0xc5: {  	[sflag:s0] =	ssyncadd.remote.s32 $0x1  }
0xc6: {  	_ =	sfence.sel $0xFFFF  }
0xc7: {  	[dreg:$0x0] =	wrdreg $0xFFFFFFFF;
	(pc) =	sbr.abs _section_cstart, $3  }
0xc8: {  	[dreg:$0x1] =	wrdreg $0xFFFFFFFF  }
0xc9: {  	_ =	task.clear_ibuf [dreg:s9], $0x2FFFF;
	_ =	strace $0x9FFFFFFF  }
0xca: {  	(tm) =	ssettm $0x7FFFFFFF  }
0xcb: {  	_ =	shalt  }
tec
execute0_lowered:
.L_overlay_start_1:
0x0: {  	(tag) =	ssettag $0x1  }
0x1: {  	s2 =	rddreg [dreg:$0x1]  }
0x2: {  	s0 =	rddreg [dreg:$0x2]  }
0x3: {  	s3 =	rddreg [dreg:$0x3];
	s4 =	simm.s32 $0x0  }
0x4: {  	[smem:$0x7FF] =	sst s4;
	s1 =	sadd.s32 $0x1A00, s0;
	s6 =	sadd.s32 $0x1C00, s0  }
0x5: {  	s0 =	sadd.s32 $0x101C00, s0;
	_ =	strace $0x80000047;
	[dreg:$0x1c] =	wrdreg s1  }
0x6: {  	s18 =	simm.s32 $0x3500;
	[dreg:$0x1d] =	wrdreg s0  }
0x7: {  	s19 =	simm.s32 $0x3D00;
	[dreg:$0x5] =	wrdreg s18  }
0x8: {  	s21 =	simm.s32 $0x4500;
	[dreg:$0x6] =	wrdreg s19  }
0x9: {  	s22 =	simm.s32 $0x4D00;
	[dreg:$0x7] =	wrdreg s21  }
0xa: {  	s20 =	srdreg.scid;
	s23 =	simm.s32 $0x5500;
	[dreg:$0x8] =	wrdreg s22  }
0xb: {  	s5 =	stileid.u32;
	s24 =	simm.s32 $0x5D00;
	[dreg:$0x9] =	wrdreg s23  }
0xc: {  	s25 =	simm.s32 $0x6500;
	s26 =	simm.s32 $0x6D00;
	[dreg:$0xa] =	wrdreg s24  }
0xd: {  	s12 =	simm.s32 $0x7D00;
	s13 =	simm.s32 $0x8500;
	[dreg:$0xb] =	wrdreg s25  }
0xe: {  	s15 =	simm.s32 $0x8D00;
	s16 =	simm.s32 $0x9500;
	[dreg:$0xc] =	wrdreg s26  }
0xf: {  	s17 =	simm.s32 $0x9D00;
	s28 =	simm.s32 $0x11D00;
	[dreg:$0xe] =	wrdreg s12  }
0x10: {  	s29 =	simm.s32 $0x12500;
	s30 =	simm.s32 $0x1;
	[dreg:$0xf] =	wrdreg s13  }
0x11: {  	s31 =	simm.s32 $0x2;
	s7 =	sand.u32 $0x1, s20;
	[dreg:$0x10] =	wrdreg s15  }
0x12: {  	s9 =	sxor.u32 $0x1, s7;
	s8 =	ssub.s32 $0x2, s7;
	[dreg:$0x11] =	wrdreg s16  }
0x13: {  	s11 =	sor.u32 s5, s7;
	s1 =	sor.u32 $0xFFFFFFFE, s20;
	[dreg:$0x12] =	wrdreg s17  }
0x14: {  	s14 =	sshll.u32 s7, $0x5;
	s12 =	sadd.s32 $0x100, s2;
	[dreg:$0x1e] =	wrdreg s1  }
0x15: {  	s13 =	sadd.s32 $0x200, s2;
	s18 =	simm.s32 $0xA500;
	[dreg:$0x1f] =	wrdreg s14  }
0x16: {  	s19 =	simm.s32 $0xB500;
	s16 =	simm.s32 $0x3;
	[dreg:$0x13] =	wrdreg s18  }
0x17: {  	s20 =	simm.s32 $0xBD00;
	s17 =	simm.s32 $0x1000;
	[dreg:$0x14] =	wrdreg s19  }
0x18: {  	s21 =	simm.s32 $0xC500;
	p0 =	sne.s32 s7, $0x0;
	[dreg:$0x15] =	wrdreg s20  }
0x19: {  	s22 =	simm.s32 $0xCD00;
	s23 =	simm.s32 $0xD500;
	[dreg:$0x16] =	wrdreg s21  }
0x1a: {  	s24 =	simm.s32 $0xDD00;
	s25 =	simm.s32 $0xE500;
	[dreg:$0x17] =	wrdreg s22  }
0x1b: {  	v1 =	vlaneseq.u32;
	s26 =	simm.s32 $0xED00;
	s0 =	simm.s32 $0x0;
	[dreg:$0x18] =	wrdreg s23  }
0x1c: {  	v2 =	vimm.s32 $0x1000;
	v3 =	vimm.s32 $0x0;
	vm1 =	vmmov $0x7fff;
	s10 =	sshrl.u32 s8, $0x1;
	s14 =	sadd.s32 $0x300, s2;
	[dreg:$0x19] =	wrdreg s24  }
.Ltmp0:
0x1d: {  	vm3 =	vcmask $0x70C;
	vm4 =	vcmask $0xB10;
	vm5 =	vcmask $0xF14;
	p1 =	sne.s32 s11, $0x0;
	[dreg:$0x1a] =	wrdreg s25;
	(pc) =	sbr.rel .LBB2_1-.Ltmp0, $4  }
0x1e: {  	vm6 =	vcmask $0x1318;
	vm7 =	vcmask $0x171C;
	vm8 =	vcmask $0x1B20;
	s20 =	simm.s32 $0x2D00;
	s21 =	simm.s32 $0xAD00;
	[dreg:$0x1b] =	wrdreg s26  }
0x1f: {  	vm9 =	vcmask $0x1F24;
	vm10 =	vcmask $0x2328;
	vm11 =	vcmask $0x272C;
	s22 =	simm.s32 $0xF500;
	s23 =	simm.s32 $0xFD00;
	s24 =	simm.s32 $0x10500  }
0x20: {  	vm12 =	vcmask $0x2B30;
	vm13 =	vcmask $0x2F34;
	v0 =	vmov s5;
	s25 =	simm.s32 $0x10D00;
	s8 =	ssub.s32 s8, s10;
	s10 =	simm.s32 $0x7500  }
0x21: {  	vm14 =	vcmask $0x3338;
	vm15 =	vcmask $0x373C;
	vm0 =	veq.s32 v0, v1;
	s26 =	simm.s32 $0x11500;
	[dreg:$0xd] =	wrdreg s10;
	s15 =	smax.u32 s8, $0x1  }
.LBB2_12:
0x22: {  	s0 =	sadd.s32 $0x1, s0  }
0x23: {  	p2 =	sne.s32 s0, s15  }
.Ltmp1:
0x24: {  	_ = 	snop;
	(pc) =	sbr.rel @!p2 .LBB2_13-.Ltmp1, $1  }
0x25: {  	_ =	sdelay $0x3  }
.LBB2_1:
0x26: {  	s1 =	rddreg [dreg:$0x0]  }
0x27: {  	[tilespmem:s4], [sflag:$0x3] =	stream.linear.gather [hbm4b:s1+s4], $0x1000, $0x38;
	[tilespmem:$0x13180] =	vst v63  }
0x28: {  	_ =	swait.ge [sflag:s16], $0x1000  }
0x29: {  	[sflag:s16] =	ssyncset.done $0x0  }
0x2a: {  	[sflag:s16] =	ssyncadd.s32 $0xFFFFF000  }
0x2b: {  	[tilespmem:$0x1000] =	vst v2  }
0x2c: {  	[tilespmem:$0x1010] =	vst v2  }
0x2d: {  	[tilespmem:$0x1020] =	vst v2  }
0x2e: {  	[tilespmem:$0x1030] =	vst v2  }
0x2f: {  	[tilespmem:$0x1080] =	vst v2  }
0x30: {  	[tilespmem:$0x1090] =	vst v2  }
0x31: {  	[tilespmem:$0x10A0] =	vst v2  }
0x32: {  	[tilespmem:$0x10B0] =	vst v2  }
0x33: {  	[tilespmem:$0x1100] =	vst v2  }
0x34: {  	[tilespmem:$0x1110] =	vst v2  }
0x35: {  	[tilespmem:$0x1120] =	vst v2  }
0x36: {  	[tilespmem:$0x1130] =	vst v2  }
0x37: {  	[tilespmem:$0x1180] =	vst v2  }
0x38: {  	[tilespmem:$0x1190] =	vst v2  }
0x39: {  	[tilespmem:$0x11A0] =	vst v2  }
0x3a: {  	[tilespmem:$0x11B0] =	vst v2  }
0x3b: {  	[tilespmem:$0x1200] =	vst v2  }
0x3c: {  	[tilespmem:$0x1210] =	vst v2  }
0x3d: {  	[tilespmem:$0x1220] =	vst v2  }
0x3e: {  	[tilespmem:$0x1230] =	vst v2  }
0x3f: {  	[tilespmem:$0x1280] =	vst v2  }
0x40: {  	[tilespmem:$0x1290] =	vst v2  }
0x41: {  	[tilespmem:$0x12A0] =	vst v2  }
0x42: {  	[tilespmem:$0x12B0] =	vst v2  }
0x43: {  	[tilespmem:$0x1300] =	vst v2  }
0x44: {  	[tilespmem:$0x1310] =	vst v2  }
0x45: {  	[tilespmem:$0x1320] =	vst v2  }
0x46: {  	[tilespmem:$0x1330] =	vst v2  }
0x47: {  	[tilespmem:$0x1380] =	vst v2  }
0x48: {  	[tilespmem:$0x1390] =	vst v2  }
0x49: {  	[tilespmem:$0x13A0] =	vst v2  }
0x4a: {  	[tilespmem:$0x13B0] =	vst v2  }
0x4b: {  	[tilespmem:$0x1400] =	vst v2  }
0x4c: {  	[tilespmem:$0x1410] =	vst v2  }
0x4d: {  	[tilespmem:$0x1420] =	vst v2  }
0x4e: {  	[tilespmem:$0x1430] =	vst v2  }
0x4f: {  	[tilespmem:$0x1480] =	vst v2  }
0x50: {  	[tilespmem:$0x1490] =	vst v2  }
0x51: {  	[tilespmem:$0x14A0] =	vst v2  }
0x52: {  	[tilespmem:$0x14B0] =	vst v2  }
0x53: {  	[tilespmem:$0x1500] =	vst v2  }
0x54: {  	[tilespmem:$0x1510] =	vst v2  }
0x55: {  	[tilespmem:$0x1520] =	vst v2  }
0x56: {  	[tilespmem:$0x1530] =	vst v2  }
0x57: {  	[tilespmem:$0x1580] =	vst v2  }
0x58: {  	[tilespmem:$0x1590] =	vst v2  }
0x59: {  	[tilespmem:$0x15A0] =	vst v2  }
0x5a: {  	[tilespmem:$0x15B0] =	vst v2  }
0x5b: {  	[tilespmem:$0x1600] =	vst v2  }
0x5c: {  	[tilespmem:$0x1610] =	vst v2  }
0x5d: {  	[tilespmem:$0x1620] =	vst v2  }
0x5e: {  	[tilespmem:$0x1630] =	vst v2  }
0x5f: {  	[tilespmem:$0x1680] =	vst v2  }
0x60: {  	[tilespmem:$0x1690] =	vst v2  }
0x61: {  	[tilespmem:$0x16A0] =	vst v2  }
0x62: {  	[tilespmem:$0x16B0] =	vst v2  }
0x63: {  	[tilespmem:$0x1700] =	vst v2  }
0x64: {  	[tilespmem:$0x1710] =	vst v2  }
0x65: {  	[tilespmem:$0x1720] =	vst v2  }
0x66: {  	[tilespmem:$0x1730] =	vst v2  }
0x67: {  	[tilespmem:$0x1780] =	vst v2  }
0x68: {  	[tilespmem:$0x1790] =	vst v2  }
0x69: {  	[tilespmem:$0x17A0] =	vst v2  }
0x6a: {  	[tilespmem:$0x17B0] =	vst v2  }
0x6b: {  	[tilespmem:$0x1800] =	vst v2  }
0x6c: {  	[tilespmem:$0x1810] =	vst v2  }
0x6d: {  	[tilespmem:$0x1820] =	vst v2  }
0x6e: {  	[tilespmem:$0x1830] =	vst v2  }
0x6f: {  	[tilespmem:$0x1880] =	vst v2  }
0x70: {  	[tilespmem:$0x1890] =	vst v2  }
0x71: {  	[tilespmem:$0x18A0] =	vst v2  }
0x72: {  	[tilespmem:$0x18B0] =	vst v2  }
0x73: {  	[tilespmem:$0x1900] =	vst v2  }
0x74: {  	[tilespmem:$0x1910] =	vst v2  }
0x75: {  	[tilespmem:$0x1920] =	vst v2  }
0x76: {  	[tilespmem:$0x1930] =	vst v2  }
0x77: {  	[tilespmem:$0x1980] =	vst v2  }
0x78: {  	[tilespmem:$0x1990] =	vst v2  }
0x79: {  	[tilespmem:$0x19A0] =	vst v2  }
0x7a: {  	[tilespmem:$0x19B0] =	vst v2  }
0x7b: {  	[tilespmem:$0x1A00] =	vst v2  }
0x7c: {  	[tilespmem:$0x1A10] =	vst v2  }
0x7d: {  	[tilespmem:$0x1A20] =	vst v2  }
0x7e: {  	[tilespmem:$0x1A30] =	vst v2  }
0x7f: {  	[tilespmem:$0x1A80] =	vst v2  }
0x80: {  	[tilespmem:$0x1A90] =	vst v2  }
0x81: {  	[tilespmem:$0x1AA0] =	vst v2  }
0x82: {  	[tilespmem:$0x1AB0] =	vst v2  }
0x83: {  	[tilespmem:$0x1B00] =	vst v2  }
0x84: {  	[tilespmem:$0x1B10] =	vst v2  }
0x85: {  	[tilespmem:$0x1B20] =	vst v2  }
0x86: {  	[tilespmem:$0x1B30] =	vst v2  }
0x87: {  	[tilespmem:$0x1B80] =	vst v2  }
0x88: {  	[tilespmem:$0x1B90] =	vst v2  }
0x89: {  	[tilespmem:$0x1BA0] =	vst v2  }
0x8a: {  	[tilespmem:$0x1BB0] =	vst v2  }
0x8b: {  	[tilespmem:$0x1C00] =	vst v2  }
0x8c: {  	[tilespmem:$0x1C10] =	vst v2  }
0x8d: {  	[tilespmem:$0x1C20] =	vst v2  }
0x8e: {  	[tilespmem:$0x1C30] =	vst v2  }
0x8f: {  	[tilespmem:$0x1C80] =	vst v2  }
0x90: {  	[tilespmem:$0x1C90] =	vst v2  }
0x91: {  	[tilespmem:$0x1CA0] =	vst v2  }
0x92: {  	[tilespmem:$0x1CB0] =	vst v2  }
0x93: {  	[tilespmem:$0x1D00] =	vst v2  }
0x94: {  	[tilespmem:$0x1D10] =	vst v2  }
0x95: {  	[tilespmem:$0x1D20] =	vst v2  }
0x96: {  	[tilespmem:$0x1D30] =	vst v2  }
0x97: {  	[tilespmem:$0x1D80] =	vst v2  }
0x98: {  	[tilespmem:$0x1D90] =	vst v2  }
0x99: {  	[tilespmem:$0x1DA0] =	vst v2  }
0x9a: {  	[tilespmem:$0x1DB0] =	vst v2  }
0x9b: {  	[tilespmem:$0x1E00] =	vst v2  }
0x9c: {  	[tilespmem:$0x1E10] =	vst v2  }
0x9d: {  	[tilespmem:$0x1E20] =	vst v2  }
0x9e: {  	[tilespmem:$0x1E30] =	vst v2  }
0x9f: {  	[tilespmem:$0x1E80] =	vst v2  }
0xa0: {  	[tilespmem:$0x1E90] =	vst v2  }
0xa1: {  	[tilespmem:$0x1EA0] =	vst v2  }
0xa2: {  	[tilespmem:$0x1EB0] =	vst v2  }
0xa3: {  	[tilespmem:$0x1F00] =	vst v2  }
0xa4: {  	[tilespmem:$0x1F10] =	vst v2  }
0xa5: {  	[tilespmem:$0x1F20] =	vst v2  }
0xa6: {  	[tilespmem:$0x1F30] =	vst v2  }
0xa7: {  	[tilespmem:$0x1F80] =	vst v2  }
0xa8: {  	[tilespmem:$0x1F90] =	vst v2  }
0xa9: {  	[tilespmem:$0x1FA0] =	vst v2  }
0xaa: {  	[tilespmem:$0x1FB0] =	vst v2  }
0xab: {  	[tilespmem:$0x2000] =	vst v2  }
0xac: {  	[tilespmem:$0x2010] =	vst v2  }
0xad: {  	[tilespmem:$0x2020] =	vst v2  }
0xae: {  	[tilespmem:$0x2030] =	vst v2  }
0xaf: {  	[tilespmem:$0x2080] =	vst v2  }
0xb0: {  	[tilespmem:$0x2090] =	vst v2  }
0xb1: {  	[tilespmem:$0x20A0] =	vst v2  }
0xb2: {  	[tilespmem:$0x20B0] =	vst v2  }
0xb3: {  	[tilespmem:$0x2100] =	vst v2  }
0xb4: {  	[tilespmem:$0x2110] =	vst v2  }
0xb5: {  	[tilespmem:$0x2120] =	vst v2  }
0xb6: {  	[tilespmem:$0x2130] =	vst v2  }
0xb7: {  	[tilespmem:$0x2180] =	vst v2  }
0xb8: {  	[tilespmem:$0x2190] =	vst v2  }
0xb9: {  	[tilespmem:$0x21A0] =	vst v2  }
0xba: {  	[tilespmem:$0x21B0] =	vst v2  }
0xbb: {  	v4 =	vld [tilespmem:s4+$0x0];
	_ =	sdelay $0x4  }
0xbc: {  	vm2 =	veq.s32 v4, v0  }
0xbd: {  	v4 =	vsel vm2, $0x1, v3  }
0xbe: {  	(xrf0) =	vadd.scan.msk.s32 $0xffff, v4;
	_ =	sdelay $0x5  }
0xbf: {  	v4, _, _ =	vpop (xrf0)  }
0xc0: {  	v4 =	vadd.s32 v4, v3  }
0xc1: {  	v4 =	vadd.s32 $0xFFFFFFFF, v4  }
0xc2: {  	v4 =	vnsel vm2, $0x0, v4  }
0xc3: {  	v5 =	vmpcnt.ones.xlane vm2;
	v6 =	vshll.u32 v4, $0x1  }
0xc4: {  	v7 =	vand.u32 $0x3F, v4;
	v6 =	vand.u32 $0xFFFFFF80, v6  }
0xc5: {  	v4 =	vadd.s32 v3, v5;
	v5 =	vor.u32 v7, v6;
	_ =	sdelay $0x2  }
0xc6: {  	s7 =	simm.s32 $0x10;
	s8 =	simm.s32 $0x0;
	v6 =	vor.u32 s4, v1  }
.LBB2_2:
0xc7: {  	p2 =	sne.s32 s7, $0xFF0  }
0xc8: {  	[tilespmem:v5+s17+$0x0] =	vst.idx.msk vm2, v6;
	s8 =	sadd.s32 $0x10, s8;
	v5 =	vmov v4;
	s11 =	smov.u32 s7;
	s7 =	sadd.s32 $0x10, s7  }
0xc9: {  	v6 =	vld [tilespmem:s8+$0x0];
	_ =	sdelay $0x4  }
0xca: {  	vm2 =	veq.s32 v6, v0  }
0xcb: {  	v6 =	vsel vm2, $0x1, v3;
	v7 =	vmpcnt.ones.xlane vm2  }
0xcc: {  	(xrf0) =	vadd.scan.msk.s32 $0xffff, v6  }
0xcd: {  	v4 =	vadd.s32 v4, v7;
	_ =	sdelay $0x4  }
0xce: {  	v6, _, _ =	vpop (xrf0)  }
0xcf: {  	v5 =	vadd.s32 v6, v5  }
0xd0: {  	v5 =	vadd.s32 $0xFFFFFFFF, v5  }
0xd1: {  	v5 =	vnsel vm2, $0x0, v5  }
0xd2: {  	v6 =	vshll.u32 v5, $0x1  }
0xd3: {  	v5 =	vand.u32 $0x3F, v5;
	v6 =	vand.u32 $0xFFFFFF80, v6  }
.Ltmp2:
0xd4: {  	v5 =	vor.u32 v5, v6;
	(pc) =	sbr.rel @p2 .LBB2_2-.Ltmp2, $2  }
0xd5: {  	_ =	sdelay $0x2  }
0xd6: {  	v6 =	vor.u32 s11, v1  }
0xd7: {  	_ =	sdelay $0x4  }
0xd8: {  	[tilespmem:v5+s17+$0x0] =	vst.idx.msk vm2, v6;
	s1 =	rddreg [dreg:$0x1c];
	s5 =	simm.s32 $0x12D80  }
0xd9: {  	[tilespmem:s5], [sflag:$0x3] =	stream.linear.gather [hbm4b:s1+s4], $0x400, $0x38;
	[tilespmem:$0x13180] =	vst v63  }
0xda: {  	_ =	swait.ge [sflag:s16], $0x400  }
0xdb: {  	[sflag:s16] =	ssyncset.done $0x0  }
0xdc: {  	[sflag:s16] =	ssyncadd.s32 $0xFFFFFC00  }
0xdd: {  	v4 =	vld [tilespmem:$0x12D80]  }
0xde: {  	v5 =	vld [tilespmem:$0x12E00]  }
0xdf: {  	v6 =	vld [tilespmem:$0x12E80]  }
0xe0: {  	v7 =	vld [tilespmem:$0x12F00]  }
0xe1: {  	v8 =	vld [tilespmem:$0x12F80]  }
0xe2: {  	v9 =	vld [tilespmem:$0x13000]  }
0xe3: {  	v4 =	vadd.s32 v4, v5;
	v5 =	vld [tilespmem:$0x13080]  }
0xe4: {  	v4 =	vadd.s32 v6, v4;
	v6 =	vld [tilespmem:$0x13100]  }
0xe5: {  	v4 =	vadd.s32 v7, v4  }
0xe6: {  	v4 =	vadd.s32 v8, v4  }
0xe7: {  	v4 =	vadd.s32 v9, v4  }
0xe8: {  	v4 =	vadd.s32 v5, v4  }
0xe9: {  	v4 =	vadd.s32 v6, v4  }
0xea: {  	v5 =	vadd.s32 $0xFF, v4  }
0xeb: {  	v6 =	vshrl.u32 v5, $0x8  }
0xec: {  	(xrf0) =	vadd.scan.msk.s32 $0xffff, v6;
	_ =	sdelay $0x5  }
0xed: {  	v5, _, _ =	vpop (xrf0)  }
0xee: {  	v7 =	vsub.s32 v5, v6  }
0xef: {  	v6 =	vnsel vm0, $0x0, v6;
	v7 =	vshll.u32 v7, $0x8  }
0xf0: {  	(xrf0) =	vadd.scan.msk.s32 $0xffff, v6;
	v6 =	vnsel vm0, $0x0, v7  }
0xf1: {  	(xrf0) =	vadd.scan.msk.s32 $0xffff, v6;
	_ =	sdelay $0x2  }
0xf2: {  	v6 =	vld [tilespmem:$0x1000]  }
0xf3: {  	v7 =	vld [tilespmem:$0x1010]  }
0xf4: {  	v48 =	vld [tilespmem:$0x1020];
	v8, _, _ =	vpop (xrf0)  }
0xf5: {  	v10 =	vld [tilespmem:$0x1030];
	(v2sf) =	vpush v8, $0xF;
	v8, _, _ =	vpop (xrf0)  }
0xf6: {  	(v2sf) =	vpush v8, $0xF;
	v8 =	vld [tilespmem:$0x1080]  }
0xf7: {  	v12 =	vld [tilespmem:$0x1090];
	v11 =	vsel vm1, $0x0, v5;
	vm2 =	veq.s32 v6, $0x1000;
	v6 =	vshrl.u32 v6, $0x1  }
0xf8: {  	v49 =	vld [tilespmem:$0x10A0];
	(xrf0) =	vadd.scan.msk.s32 $0xffff, v11;
	v6 =	vsel vm2, $0x0, v6;
	vm2 =	veq.s32 v7, $0x1000;
	v7 =	vshrl.u32 v7, $0x1  }
0xf9: {  	v50 =	vld [tilespmem:$0x10B0];
	[tilespmem:$0x2400] =	vst v6;
	v6 =	vsel vm2, $0x0, v7;
	vm2 =	veq.s32 v48, $0x1000;
	v7 =	vshrl.u32 v48, $0x1  }
0xfa: {  	v51 =	vld [tilespmem:$0x1100];
	[tilespmem:$0x2410] =	vst v6;
	v6 =	vsel vm2, $0x0, v7;
	vm2 =	veq.s32 v10, $0x1000;
	v7 =	vshrl.u32 v10, $0x1  }
0xfb: {  	[tilespmem:$0x2420] =	vst v6;
	v6 =	vsel vm2, $0x0, v7;
	vm2 =	veq.s32 v8, $0x1000;
	v7 =	vshrl.u32 v8, $0x1;
	v8 =	vld [tilespmem:$0x1110]  }
0xfc: {  	v52 =	vld [tilespmem:$0x1120];
	[tilespmem:$0x2430] =	vst v6;
	v6 =	vsel vm2, $0x0, v7;
	vm2 =	veq.s32 v12, $0x1000;
	v7 =	vshrl.u32 v12, $0x1  }
0xfd: {  	v53 =	vld [tilespmem:$0x1130];
	[tilespmem:$0x2440] =	vst v6;
	v6 =	vsel vm2, $0x0, v7;
	vm2 =	veq.s32 v49, $0x1000;
	v7 =	vshrl.u32 v49, $0x1  }
0xfe: {  	v54 =	vld [tilespmem:$0x1180];
	[tilespmem:$0x2450] =	vst v6;
	v6 =	vsel vm2, $0x0, v7;
	vm2 =	veq.s32 v50, $0x1000;
	v7 =	vshrl.u32 v50, $0x1  }
0xff: {  	v55 =	vld [tilespmem:$0x1190];
	[tilespmem:$0x2460] =	vst v6;
	v6 =	vsel vm2, $0x0, v7;
	vm2 =	veq.s32 v51, $0x1000;
	v7 =	vshrl.u32 v51, $0x1  }
0x100: {  	[tilespmem:$0x2470] =	vst v6;
	v6 =	vsel vm2, $0x0, v7;
	vm2 =	veq.s32 v8, $0x1000;
	v7 =	vshrl.u32 v8, $0x1;
	v8 =	vld [tilespmem:$0x11A0]  }
0x101: {  	v56 =	vld [tilespmem:$0x11B0];
	[tilespmem:$0x2480] =	vst v6;
	v6 =	vsel vm2, $0x0, v7;
	vm2 =	veq.s32 v52, $0x1000;
	v7 =	vshrl.u32 v52, $0x1  }
0x102: {  	v57 =	vld [tilespmem:$0x1200];
	[tilespmem:$0x2490] =	vst v6;
	v6 =	vsel vm2, $0x0, v7;
	vm2 =	veq.s32 v53, $0x1000;
	v7 =	vshrl.u32 v53, $0x1  }
0x103: {  	v58 =	vld [tilespmem:$0x1210];
	[tilespmem:$0x24A0] =	vst v6;
	v6 =	vsel vm2, $0x0, v7;
	vm2 =	veq.s32 v54, $0x1000;
	v7 =	vshrl.u32 v54, $0x1  }
0x104: {  	v59 =	vld [tilespmem:$0x1220];
	[tilespmem:$0x24B0] =	vst v6;
	v6 =	vsel vm2, $0x0, v7;
	vm2 =	veq.s32 v55, $0x1000;
	v7 =	vshrl.u32 v55, $0x1  }
0x105: {  	[tilespmem:$0x24C0] =	vst v6;
	v6 =	vsel vm2, $0x0, v7;
	vm2 =	veq.s32 v8, $0x1000;
	v7 =	vshrl.u32 v8, $0x1;
	v8 =	vld [tilespmem:$0x1230]  }
0x106: {  	v60 =	vld [tilespmem:$0x1280];
	[tilespmem:$0x24D0] =	vst v6;
	v6 =	vsel vm2, $0x0, v7;
	vm2 =	veq.s32 v56, $0x1000;
	v7 =	vshrl.u32 v56, $0x1  }
0x107: {  	v61 =	vld [tilespmem:$0x1290];
	[tilespmem:$0x24E0] =	vst v6;
	v6 =	vsel vm2, $0x0, v7;
	vm2 =	veq.s32 v57, $0x1000;
	v7 =	vshrl.u32 v57, $0x1  }
0x108: {  	v62 =	vld [tilespmem:$0x12A0];
	[tilespmem:$0x24F0] =	vst v6;
	v6 =	vsel vm2, $0x0, v7;
	vm2 =	veq.s32 v58, $0x1000;
	v7 =	vshrl.u32 v58, $0x1  }
0x109: {  	v63 =	vld [tilespmem:$0x12B0];
	[tilespmem:$0x2500] =	vst v6;
	v6 =	vsel vm2, $0x0, v7;
	vm2 =	veq.s32 v59, $0x1000;
	v7 =	vshrl.u32 v59, $0x1  }
0x10a: {  	[tilespmem:$0x2510] =	vst v6;
	v6 =	vsel vm2, $0x0, v7;
	vm2 =	veq.s32 v8, $0x1000;
	v7 =	vshrl.u32 v8, $0x1;
	v8 =	vld [tilespmem:$0x1300]  }
0x10b: {  	v16 =	vld [tilespmem:$0x1310];
	[tilespmem:$0x2520] =	vst v6;
	v6 =	vsel vm2, $0x0, v7;
	vm2 =	veq.s32 v60, $0x1000;
	v7 =	vshrl.u32 v60, $0x1  }
0x10c: {  	v17 =	vld [tilespmem:$0x1320];
	[tilespmem:$0x2530] =	vst v6;
	v6 =	vsel vm2, $0x0, v7;
	vm2 =	veq.s32 v61, $0x1000;
	v7 =	vshrl.u32 v61, $0x1  }
0x10d: {  	v18 =	vld [tilespmem:$0x1330];
	[tilespmem:$0x2540] =	vst v6;
	v6 =	vsel vm2, $0x0, v7;
	vm2 =	veq.s32 v62, $0x1000;
	v7 =	vshrl.u32 v62, $0x1  }
0x10e: {  	v19 =	vld [tilespmem:$0x1380];
	[tilespmem:$0x2550] =	vst v6;
	v6 =	vsel vm2, $0x0, v7;
	vm2 =	veq.s32 v63, $0x1000;
	v7 =	vshrl.u32 v63, $0x1  }
0x10f: {  	[tilespmem:$0x2560] =	vst v6;
	v6 =	vsel vm2, $0x0, v7;
	vm2 =	veq.s32 v8, $0x1000;
	v7 =	vshrl.u32 v8, $0x1;
	v8 =	vld [tilespmem:$0x1390]  }
0x110: {  	v20 =	vld [tilespmem:$0x13A0];
	[tilespmem:$0x2570] =	vst v6;
	v6 =	vsel vm2, $0x0, v7;
	vm2 =	veq.s32 v16, $0x1000;
	v7 =	vshrl.u32 v16, $0x1  }
0x111: {  	v21 =	vld [tilespmem:$0x13B0];
	[tilespmem:$0x2580] =	vst v6;
	v6 =	vsel vm2, $0x0, v7;
	vm2 =	veq.s32 v17, $0x1000;
	v7 =	vshrl.u32 v17, $0x1  }
0x112: {  	v22 =	vld [tilespmem:$0x1400];
	[tilespmem:$0x2590] =	vst v6;
	v6 =	vsel vm2, $0x0, v7;
	vm2 =	veq.s32 v18, $0x1000;
	v7 =	vshrl.u32 v18, $0x1  }
0x113: {  	v23 =	vld [tilespmem:$0x1410];
	[tilespmem:$0x25A0] =	vst v6;
	v6 =	vsel vm2, $0x0, v7;
	vm2 =	veq.s32 v19, $0x1000;
	v7 =	vshrl.u32 v19, $0x1  }
0x114: {  	[tilespmem:$0x25B0] =	vst v6;
	v6 =	vsel vm2, $0x0, v7;
	vm2 =	veq.s32 v8, $0x1000;
	v7 =	vshrl.u32 v8, $0x1;
	v8 =	vld [tilespmem:$0x1420]  }
0x115: {  	v24 =	vld [tilespmem:$0x1430];
	[tilespmem:$0x25C0] =	vst v6;
	v6 =	vsel vm2, $0x0, v7;
	vm2 =	veq.s32 v20, $0x1000;
	v7 =	vshrl.u32 v20, $0x1  }
0x116: {  	v25 =	vld [tilespmem:$0x1480];
	[tilespmem:$0x25D0] =	vst v6;
	v6 =	vsel vm2, $0x0, v7;
	vm2 =	veq.s32 v21, $0x1000;
	v7 =	vshrl.u32 v21, $0x1  }
0x117: {  	v26 =	vld [tilespmem:$0x1490];
	[tilespmem:$0x25E0] =	vst v6;
	v6 =	vsel vm2, $0x0, v7;
	vm2 =	veq.s32 v22, $0x1000;
	v7 =	vshrl.u32 v22, $0x1  }
0x118: {  	v27 =	vld [tilespmem:$0x14A0];
	[tilespmem:$0x25F0] =	vst v6;
	v6 =	vsel vm2, $0x0, v7;
	vm2 =	veq.s32 v23, $0x1000;
	v7 =	vshrl.u32 v23, $0x1  }
0x119: {  	[tilespmem:$0x2600] =	vst v6;
	v6 =	vsel vm2, $0x0, v7;
	vm2 =	veq.s32 v8, $0x1000;
	v7 =	vshrl.u32 v8, $0x1;
	v8 =	vld [tilespmem:$0x14B0]  }
0x11a: {  	v28 =	vld [tilespmem:$0x1500];
	[tilespmem:$0x2610] =	vst v6;
	v6 =	vsel vm2, $0x0, v7;
	vm2 =	veq.s32 v24, $0x1000;
	v7 =	vshrl.u32 v24, $0x1  }
0x11b: {  	v29 =	vld [tilespmem:$0x1510];
	[tilespmem:$0x2620] =	vst v6;
	v6 =	vsel vm2, $0x0, v7;
	vm2 =	veq.s32 v25, $0x1000;
	v7 =	vshrl.u32 v25, $0x1  }
0x11c: {  	v30 =	vld [tilespmem:$0x1520];
	[tilespmem:$0x2630] =	vst v6;
	v6 =	vsel vm2, $0x0, v7;
	vm2 =	veq.s32 v26, $0x1000;
	v7 =	vshrl.u32 v26, $0x1  }
0x11d: {  	v31 =	vld [tilespmem:$0x1530];
	[tilespmem:$0x2640] =	vst v6;
	v6 =	vsel vm2, $0x0, v7;
	vm2 =	veq.s32 v27, $0x1000;
	v7 =	vshrl.u32 v27, $0x1  }
0x11e: {  	[tilespmem:$0x2650] =	vst v6;
	v6 =	vsel vm2, $0x0, v7;
	vm2 =	veq.s32 v8, $0x1000;
	v7 =	vshrl.u32 v8, $0x1;
	v8 =	vld [tilespmem:$0x1580]  }
0x11f: {  	v32 =	vld [tilespmem:$0x1590];
	[tilespmem:$0x2660] =	vst v6;
	v6 =	vsel vm2, $0x0, v7;
	vm2 =	veq.s32 v28, $0x1000;
	v7 =	vshrl.u32 v28, $0x1  }
0x120: {  	v33 =	vld [tilespmem:$0x15A0];
	[tilespmem:$0x2670] =	vst v6;
	v6 =	vsel vm2, $0x0, v7;
	vm2 =	veq.s32 v29, $0x1000;
	v7 =	vshrl.u32 v29, $0x1  }
0x121: {  	v34 =	vld [tilespmem:$0x15B0];
	[tilespmem:$0x2680] =	vst v6;
	v6 =	vsel vm2, $0x0, v7;
	vm2 =	veq.s32 v30, $0x1000;
	v7 =	vshrl.u32 v30, $0x1  }
0x122: {  	v35 =	vld [tilespmem:$0x1600];
	[tilespmem:$0x2690] =	vst v6;
	v6 =	vsel vm2, $0x0, v7;
	vm2 =	veq.s32 v31, $0x1000;
	v7 =	vshrl.u32 v31, $0x1  }
0x123: {  	[tilespmem:$0x26A0] =	vst v6;
	v6 =	vsel vm2, $0x0, v7;
	vm2 =	veq.s32 v8, $0x1000;
	v7 =	vshrl.u32 v8, $0x1;
	v8 =	vld [tilespmem:$0x1610]  }
0x124: {  	v36 =	vld [tilespmem:$0x1620];
	[tilespmem:$0x26B0] =	vst v6;
	v6 =	vsel vm2, $0x0, v7;
	vm2 =	veq.s32 v32, $0x1000;
	v7 =	vshrl.u32 v32, $0x1  }
0x125: {  	v37 =	vld [tilespmem:$0x1630];
	[tilespmem:$0x26C0] =	vst v6;
	v6 =	vsel vm2, $0x0, v7;
	vm2 =	veq.s32 v33, $0x1000;
	v7 =	vshrl.u32 v33, $0x1  }
0x126: {  	v38 =	vld [tilespmem:$0x1680];
	[tilespmem:$0x26D0] =	vst v6;
	v6 =	vsel vm2, $0x0, v7;
	vm2 =	veq.s32 v34, $0x1000;
	v7 =	vshrl.u32 v34, $0x1  }
0x127: {  	v39 =	vld [tilespmem:$0x1690];
	[tilespmem:$0x26E0] =	vst v6;
	v6 =	vsel vm2, $0x0, v7;
	vm2 =	veq.s32 v35, $0x1000;
	v7 =	vshrl.u32 v35, $0x1  }
0x128: {  	[tilespmem:$0x26F0] =	vst v6;
	v6 =	vsel vm2, $0x0, v7;
	vm2 =	veq.s32 v8, $0x1000;
	v7 =	vshrl.u32 v8, $0x1;
	v8 =	vld [tilespmem:$0x16A0]  }
0x129: {  	v40 =	vld [tilespmem:$0x16B0];
	[tilespmem:$0x2700] =	vst v6;
	v6 =	vsel vm2, $0x0, v7;
	vm2 =	veq.s32 v36, $0x1000;
	v7 =	vshrl.u32 v36, $0x1  }
0x12a: {  	v41 =	vld [tilespmem:$0x1700];
	[tilespmem:$0x2710] =	vst v6;
	v6 =	vsel vm2, $0x0, v7;
	vm2 =	veq.s32 v37, $0x1000;
	v7 =	vshrl.u32 v37, $0x1  }
0x12b: {  	v42 =	vld [tilespmem:$0x1710];
	[tilespmem:$0x2720] =	vst v6;
	v6 =	vsel vm2, $0x0, v7;
	vm2 =	veq.s32 v38, $0x1000;
	v7 =	vshrl.u32 v38, $0x1  }
0x12c: {  	v43 =	vld [tilespmem:$0x1720];
	[tilespmem:$0x2730] =	vst v6;
	v6 =	vsel vm2, $0x0, v7;
	vm2 =	veq.s32 v39, $0x1000;
	v7 =	vshrl.u32 v39, $0x1  }
0x12d: {  	[tilespmem:$0x2740] =	vst v6;
	v6 =	vsel vm2, $0x0, v7;
	vm2 =	veq.s32 v8, $0x1000;
	v7 =	vshrl.u32 v8, $0x1;
	v8 =	vld [tilespmem:$0x1730]  }
0x12e: {  	v44 =	vld [tilespmem:$0x1780];
	[tilespmem:$0x2750] =	vst v6;
	v6 =	vsel vm2, $0x0, v7;
	vm2 =	veq.s32 v40, $0x1000;
	v7 =	vshrl.u32 v40, $0x1  }
0x12f: {  	v45 =	vld [tilespmem:$0x1790];
	[tilespmem:$0x2760] =	vst v6;
	v6 =	vsel vm2, $0x0, v7;
	vm2 =	veq.s32 v41, $0x1000;
	v7 =	vshrl.u32 v41, $0x1  }
0x130: {  	v46 =	vld [tilespmem:$0x17A0];
	[tilespmem:$0x2770] =	vst v6;
	v6 =	vsel vm2, $0x0, v7;
	vm2 =	veq.s32 v42, $0x1000;
	v7 =	vshrl.u32 v42, $0x1  }
0x131: {  	v47 =	vld [tilespmem:$0x17B0];
	[tilespmem:$0x2780] =	vst v6;
	v6 =	vsel vm2, $0x0, v7;
	vm2 =	veq.s32 v43, $0x1000;
	v7 =	vshrl.u32 v43, $0x1  }
0x132: {  	[tilespmem:$0x2790] =	vst v6;
	v6 =	vsel vm2, $0x0, v7;
	vm2 =	veq.s32 v8, $0x1000;
	v7 =	vshrl.u32 v8, $0x1;
	v8 =	vld [tilespmem:$0x1800]  }
0x133: {  	v48 =	vld [tilespmem:$0x1810];
	[tilespmem:$0x27A0] =	vst v6;
	v6 =	vsel vm2, $0x0, v7;
	vm2 =	veq.s32 v44, $0x1000;
	v7 =	vshrl.u32 v44, $0x1  }
0x134: {  	v49 =	vld [tilespmem:$0x1820];
	[tilespmem:$0x27B0] =	vst v6;
	v6 =	vsel vm2, $0x0, v7;
	vm2 =	veq.s32 v45, $0x1000;
	v7 =	vshrl.u32 v45, $0x1  }
0x135: {  	v50 =	vld [tilespmem:$0x1830];
	[tilespmem:$0x27C0] =	vst v6;
	v6 =	vsel vm2, $0x0, v7;
	vm2 =	veq.s32 v46, $0x1000;
	v7 =	vshrl.u32 v46, $0x1  }
0x136: {  	v51 =	vld [tilespmem:$0x1880];
	[tilespmem:$0x27D0] =	vst v6;
	v6 =	vsel vm2, $0x0, v7;
	vm2 =	veq.s32 v47, $0x1000;
	v7 =	vshrl.u32 v47, $0x1  }
0x137: {  	[tilespmem:$0x27E0] =	vst v6;
	v6 =	vsel vm2, $0x0, v7;
	vm2 =	veq.s32 v8, $0x1000;
	v7 =	vshrl.u32 v8, $0x1;
	v8 =	vld [tilespmem:$0x1890]  }
0x138: {  	v52 =	vld [tilespmem:$0x18A0];
	[tilespmem:$0x27F0] =	vst v6;
	v6 =	vsel vm2, $0x0, v7;
	vm2 =	veq.s32 v48, $0x1000;
	v7 =	vshrl.u32 v48, $0x1  }
0x139: {  	v53 =	vld [tilespmem:$0x18B0];
	[tilespmem:$0x2800] =	vst v6;
	v6 =	vsel vm2, $0x0, v7;
	vm2 =	veq.s32 v49, $0x1000;
	v7 =	vshrl.u32 v49, $0x1  }
0x13a: {  	v54 =	vld [tilespmem:$0x1900];
	[tilespmem:$0x2810] =	vst v6;
	v6 =	vsel vm2, $0x0, v7;
	vm2 =	veq.s32 v50, $0x1000;
	v7 =	vshrl.u32 v50, $0x1  }
0x13b: {  	v55 =	vld [tilespmem:$0x1910];
	[tilespmem:$0x2820] =	vst v6;
	v6 =	vsel vm2, $0x0, v7;
	vm2 =	veq.s32 v51, $0x1000;
	v7 =	vshrl.u32 v51, $0x1  }
0x13c: {  	[tilespmem:$0x2830] =	vst v6;
	v6 =	vsel vm2, $0x0, v7;
	vm2 =	veq.s32 v8, $0x1000;
	v7 =	vshrl.u32 v8, $0x1;
	v8 =	vld [tilespmem:$0x1920]  }
0x13d: {  	v56 =	vld [tilespmem:$0x1930];
	[tilespmem:$0x2840] =	vst v6;
	v6 =	vsel vm2, $0x0, v7;
	vm2 =	veq.s32 v52, $0x1000;
	v7 =	vshrl.u32 v52, $0x1  }
0x13e: {  	v57 =	vld [tilespmem:$0x1980];
	[tilespmem:$0x2850] =	vst v6;
	v6 =	vsel vm2, $0x0, v7;
	vm2 =	veq.s32 v53, $0x1000;
	v7 =	vshrl.u32 v53, $0x1  }
0x13f: {  	v58 =	vld [tilespmem:$0x1990];
	[tilespmem:$0x2860] =	vst v6;
	v6 =	vsel vm2, $0x0, v7;
	vm2 =	veq.s32 v54, $0x1000;
	v7 =	vshrl.u32 v54, $0x1  }
0x140: {  	v59 =	vld [tilespmem:$0x19A0];
	[tilespmem:$0x2870] =	vst v6;
	v6 =	vsel vm2, $0x0, v7;
	vm2 =	veq.s32 v55, $0x1000;
	v7 =	vshrl.u32 v55, $0x1  }
0x141: {  	[tilespmem:$0x2880] =	vst v6;
	v6 =	vsel vm2, $0x0, v7;
	vm2 =	veq.s32 v8, $0x1000;
	v7 =	vshrl.u32 v8, $0x1;
	v8 =	vld [tilespmem:$0x19B0]  }
0x142: {  	v60 =	vld [tilespmem:$0x1A00];
	[tilespmem:$0x2890] =	vst v6;
	v6 =	vsel vm2, $0x0, v7;
	vm2 =	veq.s32 v56, $0x1000;
	v7 =	vshrl.u32 v56, $0x1  }
0x143: {  	v61 =	vld [tilespmem:$0x1A10];
	[tilespmem:$0x28A0] =	vst v6;
	v6 =	vsel vm2, $0x0, v7;
	vm2 =	veq.s32 v57, $0x1000;
	v7 =	vshrl.u32 v57, $0x1  }
0x144: {  	v62 =	vld [tilespmem:$0x1A20];
	[tilespmem:$0x28B0] =	vst v6;
	v6 =	vsel vm2, $0x0, v7;
	vm2 =	veq.s32 v58, $0x1000;
	v7 =	vshrl.u32 v58, $0x1  }
0x145: {  	v63 =	vld [tilespmem:$0x1A30];
	[tilespmem:$0x28C0] =	vst v6;
	v6 =	vsel vm2, $0x0, v7;
	vm2 =	veq.s32 v59, $0x1000;
	v7 =	vshrl.u32 v59, $0x1  }
0x146: {  	[tilespmem:$0x28D0] =	vst v6;
	v6 =	vsel vm2, $0x0, v7;
	vm2 =	veq.s32 v8, $0x1000;
	v7 =	vshrl.u32 v8, $0x1;
	v8 =	vld [tilespmem:$0x1A80]  }
0x147: {  	v16 =	vld [tilespmem:$0x1A90];
	[tilespmem:$0x28E0] =	vst v6;
	v6 =	vsel vm2, $0x0, v7;
	vm2 =	veq.s32 v60, $0x1000;
	v7 =	vshrl.u32 v60, $0x1  }
0x148: {  	v17 =	vld [tilespmem:$0x1AA0];
	[tilespmem:$0x28F0] =	vst v6;
	v6 =	vsel vm2, $0x0, v7;
	vm2 =	veq.s32 v61, $0x1000;
	v7 =	vshrl.u32 v61, $0x1  }
0x149: {  	v18 =	vld [tilespmem:$0x1AB0];
	[tilespmem:$0x2900] =	vst v6;
	v6 =	vsel vm2, $0x0, v7;
	vm2 =	veq.s32 v62, $0x1000;
	v7 =	vshrl.u32 v62, $0x1  }
0x14a: {  	v19 =	vld [tilespmem:$0x1B00];
	[tilespmem:$0x2910] =	vst v6;
	v6 =	vsel vm2, $0x0, v7;
	vm2 =	veq.s32 v63, $0x1000;
	v7 =	vshrl.u32 v63, $0x1  }
0x14b: {  	[tilespmem:$0x2920] =	vst v6;
	v6 =	vsel vm2, $0x0, v7;
	vm2 =	veq.s32 v8, $0x1000;
	v7 =	vshrl.u32 v8, $0x1;
	v8 =	vld [tilespmem:$0x1B10]  }
0x14c: {  	v20 =	vld [tilespmem:$0x1B20];
	[tilespmem:$0x2930] =	vst v6;
	v6 =	vsel vm2, $0x0, v7;
	vm2 =	veq.s32 v16, $0x1000;
	v7 =	vshrl.u32 v16, $0x1  }
0x14d: {  	v21 =	vld [tilespmem:$0x1B30];
	[tilespmem:$0x2940] =	vst v6;
	v6 =	vsel vm2, $0x0, v7;
	vm2 =	veq.s32 v17, $0x1000;
	v7 =	vshrl.u32 v17, $0x1  }
0x14e: {  	v22 =	vld [tilespmem:$0x1B80];
	[tilespmem:$0x2950] =	vst v6;
	v6 =	vsel vm2, $0x0, v7;
	vm2 =	veq.s32 v18, $0x1000;
	v7 =	vshrl.u32 v18, $0x1  }
0x14f: {  	v23 =	vld [tilespmem:$0x1B90];
	[tilespmem:$0x2960] =	vst v6;
	v6 =	vsel vm2, $0x0, v7;
	vm2 =	veq.s32 v19, $0x1000;
	v7 =	vshrl.u32 v19, $0x1  }
0x150: {  	[tilespmem:$0x2970] =	vst v6;
	v6 =	vsel vm2, $0x0, v7;
	vm2 =	veq.s32 v8, $0x1000;
	v7 =	vshrl.u32 v8, $0x1;
	v8 =	vld [tilespmem:$0x1BA0]  }
0x151: {  	v24 =	vld [tilespmem:$0x1BB0];
	[tilespmem:$0x2980] =	vst v6;
	v6 =	vsel vm2, $0x0, v7;
	vm2 =	veq.s32 v20, $0x1000;
	v7 =	vshrl.u32 v20, $0x1  }
0x152: {  	v25 =	vld [tilespmem:$0x1C00];
	[tilespmem:$0x2990] =	vst v6;
	v6 =	vsel vm2, $0x0, v7;
	vm2 =	veq.s32 v21, $0x1000;
	v7 =	vshrl.u32 v21, $0x1  }
0x153: {  	v26 =	vld [tilespmem:$0x1C10];
	[tilespmem:$0x29A0] =	vst v6;
	v6 =	vsel vm2, $0x0, v7;
	vm2 =	veq.s32 v22, $0x1000;
	v7 =	vshrl.u32 v22, $0x1  }
0x154: {  	v27 =	vld [tilespmem:$0x1C20];
	[tilespmem:$0x29B0] =	vst v6;
	v6 =	vsel vm2, $0x0, v7;
	vm2 =	veq.s32 v23, $0x1000;
	v7 =	vshrl.u32 v23, $0x1  }
0x155: {  	[tilespmem:$0x29C0] =	vst v6;
	v6 =	vsel vm2, $0x0, v7;
	vm2 =	veq.s32 v8, $0x1000;
	v7 =	vshrl.u32 v8, $0x1;
	v8 =	vld [tilespmem:$0x1C30]  }
0x156: {  	v28 =	vld [tilespmem:$0x1C80];
	[tilespmem:$0x29D0] =	vst v6;
	v6 =	vsel vm2, $0x0, v7;
	vm2 =	veq.s32 v24, $0x1000;
	v7 =	vshrl.u32 v24, $0x1  }
0x157: {  	v29 =	vld [tilespmem:$0x1C90];
	[tilespmem:$0x29E0] =	vst v6;
	v6 =	vsel vm2, $0x0, v7;
	vm2 =	veq.s32 v25, $0x1000;
	v7 =	vshrl.u32 v25, $0x1  }
0x158: {  	v30 =	vld [tilespmem:$0x1CA0];
	[tilespmem:$0x29F0] =	vst v6;
	v6 =	vsel vm2, $0x0, v7;
	vm2 =	veq.s32 v26, $0x1000;
	v7 =	vshrl.u32 v26, $0x1  }
0x159: {  	v31 =	vld [tilespmem:$0x1CB0];
	[tilespmem:$0x2A00] =	vst v6;
	v6 =	vsel vm2, $0x0, v7;
	vm2 =	veq.s32 v27, $0x1000;
	v7 =	vshrl.u32 v27, $0x1  }
0x15a: {  	[tilespmem:$0x2A10] =	vst v6;
	v6 =	vsel vm2, $0x0, v7;
	vm2 =	veq.s32 v8, $0x1000;
	v7 =	vshrl.u32 v8, $0x1;
	v8 =	vld [tilespmem:$0x1D00]  }
0x15b: {  	v32 =	vld [tilespmem:$0x1D10];
	[tilespmem:$0x2A20] =	vst v6;
	v6 =	vsel vm2, $0x0, v7;
	vm2 =	veq.s32 v28, $0x1000;
	v7 =	vshrl.u32 v28, $0x1  }
0x15c: {  	v33 =	vld [tilespmem:$0x1D20];
	[tilespmem:$0x2A30] =	vst v6;
	v6 =	vsel vm2, $0x0, v7;
	vm2 =	veq.s32 v29, $0x1000;
	v7 =	vshrl.u32 v29, $0x1  }
0x15d: {  	v34 =	vld [tilespmem:$0x1D30];
	[tilespmem:$0x2A40] =	vst v6;
	v6 =	vsel vm2, $0x0, v7;
	vm2 =	veq.s32 v30, $0x1000;
	v7 =	vshrl.u32 v30, $0x1  }
0x15e: {  	v35 =	vld [tilespmem:$0x1D80];
	[tilespmem:$0x2A50] =	vst v6;
	v6 =	vsel vm2, $0x0, v7;
	vm2 =	veq.s32 v31, $0x1000;
	v7 =	vshrl.u32 v31, $0x1  }
0x15f: {  	[tilespmem:$0x2A60] =	vst v6;
	v6 =	vsel vm2, $0x0, v7;
	vm2 =	veq.s32 v8, $0x1000;
	v7 =	vshrl.u32 v8, $0x1;
	v8 =	vld [tilespmem:$0x1D90]  }
0x160: {  	v36 =	vld [tilespmem:$0x1DA0];
	[tilespmem:$0x2A70] =	vst v6;
	v6 =	vsel vm2, $0x0, v7;
	vm2 =	veq.s32 v32, $0x1000;
	v7 =	vshrl.u32 v32, $0x1  }
0x161: {  	v37 =	vld [tilespmem:$0x1DB0];
	[tilespmem:$0x2A80] =	vst v6;
	v6 =	vsel vm2, $0x0, v7;
	vm2 =	veq.s32 v33, $0x1000;
	v7 =	vshrl.u32 v33, $0x1  }
0x162: {  	v38 =	vld [tilespmem:$0x1E00];
	[tilespmem:$0x2A90] =	vst v6;
	v6 =	vsel vm2, $0x0, v7;
	vm2 =	veq.s32 v34, $0x1000;
	v7 =	vshrl.u32 v34, $0x1  }
0x163: {  	v39 =	vld [tilespmem:$0x1E10];
	[tilespmem:$0x2AA0] =	vst v6;
	v6 =	vsel vm2, $0x0, v7;
	vm2 =	veq.s32 v35, $0x1000;
	v7 =	vshrl.u32 v35, $0x1  }
0x164: {  	[tilespmem:$0x2AB0] =	vst v6;
	v6 =	vsel vm2, $0x0, v7;
	vm2 =	veq.s32 v8, $0x1000;
	v7 =	vshrl.u32 v8, $0x1;
	v8 =	vld [tilespmem:$0x1E20]  }
0x165: {  	v40 =	vld [tilespmem:$0x1E30];
	[tilespmem:$0x2AC0] =	vst v6;
	v6 =	vsel vm2, $0x0, v7;
	vm2 =	veq.s32 v36, $0x1000;
	v7 =	vshrl.u32 v36, $0x1  }
0x166: {  	v41 =	vld [tilespmem:$0x1E80];
	[tilespmem:$0x2AD0] =	vst v6;
	v6 =	vsel vm2, $0x0, v7;
	vm2 =	veq.s32 v37, $0x1000;
	v7 =	vshrl.u32 v37, $0x1  }
0x167: {  	v42 =	vld [tilespmem:$0x1E90];
	[tilespmem:$0x2AE0] =	vst v6;
	v6 =	vsel vm2, $0x0, v7;
	vm2 =	veq.s32 v38, $0x1000;
	v7 =	vshrl.u32 v38, $0x1  }
0x168: {  	v43 =	vld [tilespmem:$0x1EA0];
	[tilespmem:$0x2AF0] =	vst v6;
	v6 =	vsel vm2, $0x0, v7;
	vm2 =	veq.s32 v39, $0x1000;
	v7 =	vshrl.u32 v39, $0x1  }
0x169: {  	[tilespmem:$0x2B00] =	vst v6;
	v6 =	vsel vm2, $0x0, v7;
	vm2 =	veq.s32 v8, $0x1000;
	v7 =	vshrl.u32 v8, $0x1;
	v8 =	vld [tilespmem:$0x1EB0]  }
0x16a: {  	v44 =	vld [tilespmem:$0x1F00];
	[tilespmem:$0x2B10] =	vst v6;
	v6 =	vsel vm2, $0x0, v7;
	vm2 =	veq.s32 v40, $0x1000;
	v7 =	vshrl.u32 v40, $0x1  }
0x16b: {  	v45 =	vld [tilespmem:$0x1F10];
	[tilespmem:$0x2B20] =	vst v6;
	v6 =	vsel vm2, $0x0, v7;
	vm2 =	veq.s32 v41, $0x1000;
	v7 =	vshrl.u32 v41, $0x1  }
0x16c: {  	v46 =	vld [tilespmem:$0x1F20];
	[tilespmem:$0x2B30] =	vst v6;
	v6 =	vsel vm2, $0x0, v7;
	vm2 =	veq.s32 v42, $0x1000;
	v7 =	vshrl.u32 v42, $0x1  }
0x16d: {  	v47 =	vld [tilespmem:$0x1F30];
	[tilespmem:$0x2B40] =	vst v6;
	v6 =	vsel vm2, $0x0, v7;
	vm2 =	veq.s32 v43, $0x1000;
	v7 =	vshrl.u32 v43, $0x1  }
0x16e: {  	[tilespmem:$0x2B50] =	vst v6;
	v6 =	vsel vm2, $0x0, v7;
	vm2 =	veq.s32 v8, $0x1000;
	v7 =	vshrl.u32 v8, $0x1;
	v8 =	vld [tilespmem:$0x1F80]  }
0x16f: {  	v48 =	vld [tilespmem:$0x1F90];
	[tilespmem:$0x2B60] =	vst v6;
	v6 =	vsel vm2, $0x0, v7;
	vm2 =	veq.s32 v44, $0x1000;
	v7 =	vshrl.u32 v44, $0x1  }
0x170: {  	v49 =	vld [tilespmem:$0x1FA0];
	[tilespmem:$0x2B70] =	vst v6;
	v6 =	vsel vm2, $0x0, v7;
	vm2 =	veq.s32 v45, $0x1000;
	v7 =	vshrl.u32 v45, $0x1  }
0x171: {  	v50 =	vld [tilespmem:$0x1FB0];
	[tilespmem:$0x2B80] =	vst v6;
	v6 =	vsel vm2, $0x0, v7;
	vm2 =	veq.s32 v46, $0x1000;
	v7 =	vshrl.u32 v46, $0x1  }
0x172: {  	v51 =	vld [tilespmem:$0x2000];
	[tilespmem:$0x2B90] =	vst v6;
	v6 =	vsel vm2, $0x0, v7;
	vm2 =	veq.s32 v47, $0x1000;
	v7 =	vshrl.u32 v47, $0x1  }
0x173: {  	[tilespmem:$0x2BA0] =	vst v6;
	v6 =	vsel vm2, $0x0, v7;
	vm2 =	veq.s32 v8, $0x1000;
	v7 =	vshrl.u32 v8, $0x1;
	v8 =	vld [tilespmem:$0x2010]  }
0x174: {  	v52 =	vld [tilespmem:$0x2020];
	[tilespmem:$0x2BB0] =	vst v6;
	v6 =	vsel vm2, $0x0, v7;
	vm2 =	veq.s32 v48, $0x1000;
	v7 =	vshrl.u32 v48, $0x1  }
0x175: {  	v53 =	vld [tilespmem:$0x2030];
	[tilespmem:$0x2BC0] =	vst v6;
	v6 =	vsel vm2, $0x0, v7;
	vm2 =	veq.s32 v49, $0x1000;
	v7 =	vshrl.u32 v49, $0x1  }
0x176: {  	v54 =	vld [tilespmem:$0x2080];
	[tilespmem:$0x2BD0] =	vst v6;
	v6 =	vsel vm2, $0x0, v7;
	vm2 =	veq.s32 v50, $0x1000;
	v7 =	vshrl.u32 v50, $0x1  }
0x177: {  	v55 =	vld [tilespmem:$0x2090];
	[tilespmem:$0x2BE0] =	vst v6;
	v6 =	vsel vm2, $0x0, v7;
	vm2 =	veq.s32 v51, $0x1000;
	v7 =	vshrl.u32 v51, $0x1  }
0x178: {  	[tilespmem:$0x2BF0] =	vst v6;
	v6 =	vsel vm2, $0x0, v7;
	vm2 =	veq.s32 v8, $0x1000;
	v7 =	vshrl.u32 v8, $0x1;
	v8 =	vld [tilespmem:$0x20A0]  }
0x179: {  	v56 =	vld [tilespmem:$0x20B0];
	[tilespmem:$0x2C00] =	vst v6;
	v6 =	vsel vm2, $0x0, v7;
	vm2 =	veq.s32 v52, $0x1000;
	v7 =	vshrl.u32 v52, $0x1  }
0x17a: {  	v57 =	vld [tilespmem:$0x2100];
	[tilespmem:$0x2C10] =	vst v6;
	v6 =	vsel vm2, $0x0, v7;
	vm2 =	veq.s32 v53, $0x1000;
	v7 =	vshrl.u32 v53, $0x1  }
0x17b: {  	v58 =	vld [tilespmem:$0x2110];
	[tilespmem:$0x2C20] =	vst v6;
	v6 =	vsel vm2, $0x0, v7;
	vm2 =	veq.s32 v54, $0x1000;
	v7 =	vshrl.u32 v54, $0x1  }
0x17c: {  	v59 =	vld [tilespmem:$0x2120];
	[tilespmem:$0x2C30] =	vst v6;
	v6 =	vsel vm2, $0x0, v7;
	vm2 =	veq.s32 v55, $0x1000;
	v7 =	vshrl.u32 v55, $0x1  }
0x17d: {  	[tilespmem:$0x2C40] =	vst v6;
	v6 =	vsel vm2, $0x0, v7;
	vm2 =	veq.s32 v8, $0x1000;
	v7 =	vshrl.u32 v8, $0x1;
	v8 =	vld [tilespmem:$0x2130]  }
0x17e: {  	v60 =	vld [tilespmem:$0x2180];
	[tilespmem:$0x2C50] =	vst v6;
	v6 =	vsel vm2, $0x0, v7;
	vm2 =	veq.s32 v56, $0x1000;
	v7 =	vshrl.u32 v56, $0x1  }
0x17f: {  	v61 =	vld [tilespmem:$0x2190];
	[tilespmem:$0x2C60] =	vst v6;
	v6 =	vsel vm2, $0x0, v7;
	vm2 =	veq.s32 v57, $0x1000;
	v7 =	vshrl.u32 v57, $0x1  }
0x180: {  	v62 =	vld [tilespmem:$0x21A0];
	[tilespmem:$0x2C70] =	vst v6;
	v6 =	vsel vm2, $0x0, v7;
	vm2 =	veq.s32 v58, $0x1000;
	v7 =	vshrl.u32 v58, $0x1  }
0x181: {  	[tilespmem:$0x2C80] =	vst v6;
	v6 =	vsel vm2, $0x0, v7;
	vm2 =	veq.s32 v59, $0x1000;
	v7 =	vshrl.u32 v59, $0x1  }
0x182: {  	s11 =	spop (v2sf);
	v63 =	vld [tilespmem:$0x21B0];
	[tilespmem:$0x2C90] =	vst v6;
	v6 =	vsel vm2, $0x0, v7;
	vm2 =	veq.s32 v8, $0x1000;
	v7 =	vshrl.u32 v8, $0x1  }
0x183: {  	p2 =	slt.s32 @!p0 s11, $0x1;
	[tilespmem:$0x2CA0] =	vst v6;
	v6 =	vsel vm2, $0x0, v7;
	vm2 =	veq.s32 v60, $0x1000;
	v7 =	vshrl.u32 v60, $0x1  }
0x184: {  	p2 =	por p0, p2;
	[tilespmem:$0x2CB0] =	vst v6;
	v6 =	vsel vm2, $0x0, v7;
	vm2 =	veq.s32 v61, $0x1000;
	v7 =	vshrl.u32 v61, $0x1  }
.Ltmp3:
0x185: {  	[tilespmem:$0x2CC0] =	vst v6;
	v6 =	vsel vm2, $0x0, v7;
	vm2 =	veq.s32 v62, $0x1000;
	v7 =	vshrl.u32 v62, $0x1;
	(pc) =	sbr.rel @p2 .LBB2_7-.Ltmp3, $4  }
0x186: {  	[tilespmem:$0x2CD0] =	vst v6;
	v6 =	vsel vm2, $0x0, v7  }
0x187: {  	vm2 =	veq.s32 v63, $0x1000;
	v7 =	vshrl.u32 v63, $0x1  }
0x188: {  	[tilespmem:$0x2CE0] =	vst v6;
	v7 =	vsel vm2, $0x0, v7  }
0x189: {  	s8 =	spop (v2sf);
	[tilespmem:$0x2CF0] =	vst v7;
	v6, _, _ =	vpop (xrf0)  }
0x18a: {  	s7 =	sshll.u32 s8, $0x1;
	p2 =	sne.s32 s11, $0x1  }
.Ltmp4:
0x18b: {  	s18 =	sand.u32 $0xFFFFFE00, s7;
	(pc) =	sbr.rel @!p2 .LBB2_6-.Ltmp4, $4  }
0x18c: {  	s19 =	sshrl.u32 s18, $0x3  }
0x18d: {  	s7 =	simm.s32 $0x1000;
	s19 =	sadd.s32 s3, s19  }
0x18e: {  	[hbm4b:s19+s4] =	stream.linear.scatter [tilespmem:s7], [sflag:$0x3], $0x200, $0x38;
	[tilespmem:$0x13180] =	vst v63  }
0x18f: {  	s11 =	sadd.s32 $0xFFFFFFFF, s11;
	s18 =	sadd.s32 $0x200, s18;
	_ =	swait.ge [sflag:s16], $0x200  }
.LBB2_5:
0x190: {  	s19 =	sshrl.u32 s18, $0x3  }
0x191: {  	[sflag:s16] =	ssyncset.done $0x0;
	s7 =	sadd.s32 $0x200, s7;
	p2 =	sne.s32 s11, $0x1  }
.Ltmp5:
0x192: {  	s19 =	sadd.s32 s3, s19;
	[sflag:s16] =	ssyncadd.s32 $0xFFFFFE00;
	(pc) =	sbr.rel @p2 .LBB2_5-.Ltmp5, $3  }
0x193: {  	[hbm4b:s19+s4] =	stream.linear.scatter [tilespmem:s7], [sflag:$0x3], $0x200, $0x38;
	[tilespmem:$0x13180] =	vst v63  }
0x194: {  	s11 =	sadd.s32 $0xFFFFFFFF, s11;
	_ =	sdelay $0x1  }
0x195: {  	s18 =	sadd.s32 $0x200, s18;
	_ =	swait.ge [sflag:s16], $0x200  }
.LBB2_6:
0x196: {  	[sflag:s16] =	ssyncset.done $0x0  }
0x197: {  	[sflag:s16] =	ssyncadd.s32 $0xFFFFFE00  }
.LBB2_7:
.Ltmp6:
0x198: {  	(pc) =	sbr.rel @p1 .LBB2_9-.Ltmp6, $1  }
0x199: {  	_ =	sdelay $0x3  }
0x19a: {  	vm2 =	vmmov $0x1  }
0x19b: {  	v7 =	vnsel vm2, $0x0, v5  }
0x19c: {  	(xrf0) =	vadd.scan.msk.s32 $0xffff, v7  }
0x19d: {  	vm2 =	vcmask $0x308  }
0x19e: {  	v7 =	vsel vm2, $0x0, v5  }
0x19f: {  	(xrf0) =	vadd.scan.msk.s32 $0xffff, v7;
	v7 =	vsel vm3, $0x0, v5  }
0x1a0: {  	(xrf0) =	vadd.scan.msk.s32 $0xffff, v7;
	v7 =	vsel vm4, $0x0, v5  }
0x1a1: {  	(xrf0) =	vadd.scan.msk.s32 $0xffff, v7;
	v7 =	vsel vm5, $0x0, v5  }
0x1a2: {  	v8, _, _ =	vpop (xrf0);
	(xrf0) =	vadd.scan.msk.s32 $0xffff, v7  }
0x1a3: {  	v9 =	vsel vm6, $0x0, v5  }
0x1a4: {  	(xrf0) =	vadd.scan.msk.s32 $0xffff, v9  }
0x1a5: {  	v10 =	vadd.s32 $0x1, v1;
	v13 =	vsel vm7, $0x0, v5;
	v15 =	vsel vm8, $0x0, v5;
	v62, _, _ =	vpop (xrf0)  }
0x1a6: {  	v29 =	vsel vm9, $0x0, v5;
	v32 =	vsel vm10, $0x0, v5;
	v7 =	vbroadcast v8, $0xF;
	v11, _, _ =	vpop (xrf0)  }
0x1a7: {  	v34 =	vsel vm11, $0x0, v5;
	v17 =	vsel vm12, $0x0, v5;
	v8 =	vbroadcast v62, $0xF;
	(xrf0) =	vadd.scan.msk.s32 $0xffff, v13;
	v12, _, _ =	vpop (xrf0)  }
0x1a8: {  	v38 =	vsel vm13, $0x0, v5;
	vm2 =	vlt.s32 v7, v10;
	v63 =	vbroadcast v11, $0xF;
	v28, _, _ =	vpop (xrf0);
	(xrf0) =	vadd.scan.msk.s32 $0xffff, v15  }
0x1a9: {  	v39 =	vsel vm14, $0x0, v5;
	v26 =	vsel vm2, $0x1, v3;
	vm2 =	vlt.s32 v8, v10  }
0x1aa: {  	v12 =	vbroadcast v12, $0xF;
	v14 =	vsel vm2, $0x1, v3;
	vm2 =	vlt.s32 v63, v10;
	v16, _, _ =	vpop (xrf0);
	(xrf0) =	vadd.scan.msk.s32 $0xffff, v29  }
0x1ab: {  	v11 =	vadd.s32 v14, v26;
	v27 =	vsel vm2, $0x1, v3;
	v14 =	vbroadcast v28, $0xF;
	(xrf0) =	vadd.scan.msk.s32 $0xffff, v32  }
0x1ac: {  	v6 =	vbroadcast v6, $0xF;
	vm2 =	vlt.s32 v12, v10;
	v11 =	vadd.s32 v27, v11  }
0x1ad: {  	v30 =	vsel vm2, $0x1, v3;
	v31 =	vbroadcast v16, $0xF;
	v35, _, _ =	vpop (xrf0);
	vm2 =	vlt.s32 v14, v10;
	(xrf0) =	vadd.scan.msk.s32 $0xffff, v34  }
0x1ae: {  	v11 =	vadd.s32 v30, v11;
	v13 =	vbroadcast v35, $0xF;
	v33 =	vsel vm2, $0x1, v3;
	v37, _, _ =	vpop (xrf0);
	(xrf0) =	vadd.scan.msk.s32 $0xffff, v17  }
0x1af: {  	v5 =	vsel vm15, $0x0, v5;
	vm2 =	vlt.s32 v31, v10;
	v11 =	vadd.s32 v33, v11;
	(xrf0) =	vadd.scan.msk.s32 $0xffff, v38  }
0x1b0: {  	v36 =	vsel vm2, $0x1, v3;
	vm2 =	vlt.s32 v13, v10;
	v16 =	vbroadcast v37, $0xF;
	v18, _, _ =	vpop (xrf0);
	(xrf0) =	vadd.scan.msk.s32 $0xffff, v39  }
0x1b1: {  	v11 =	vadd.s32 v36, v11;
	v19 =	vsel vm2, $0x1, v3;
	v18 =	vbroadcast v18, $0xF;
	v40, _, _ =	vpop (xrf0);
	(xrf0) =	vadd.scan.msk.s32 $0xffff, v5  }
0x1b2: {  	v48 =	vadd.s32 $0x11, v1;
	v11 =	vadd.s32 v19, v11;
	vm2 =	vlt.s32 v16, v10  }
0x1b3: {  	v5, _, _ =	vpop (xrf0);
	v17 =	vbroadcast v40, $0xF;
	v41 =	vsel vm2, $0x1, v3;
	vm2 =	vlt.s32 v18, v10  }
0x1b4: {  	v5 =	vbroadcast v5, $0xF;
	v11 =	vadd.s32 v41, v11;
	v42 =	vsel vm2, $0x1, v3;
	v20, _, _ =	vpop (xrf0)  }
0x1b5: {  	vm2 =	vlt.s32 v17, v10;
	v11 =	vadd.s32 v42, v11;
	v43, _, _ =	vpop (xrf0);
	v20 =	vbroadcast v20, $0xF  }
0x1b6: {  	v21 =	vsel vm2, $0x1, v3;
	vm2 =	vlt.s32 v5, v10;
	v22, _, _ =	vpop (xrf0);
	v19 =	vbroadcast v43, $0xF  }
0x1b7: {  	v44 =	vsel vm2, $0x1, v3;
	vm2 =	vlt.s32 v20, v10;
	v45 =	vbroadcast v22, $0xF;
	v46, _, _ =	vpop (xrf0)  }
0x1b8: {  	v23 =	vsel vm2, $0x1, v3;
	vm2 =	vlt.s32 v19, v10;
	v22 =	vbroadcast v46, $0xF  }
0x1b9: {  	v11 =	vadd.s32 v21, v11;
	v24 =	vsel vm2, $0x1, v3;
	vm2 =	vlt.s32 v45, v10  }
0x1ba: {  	v11 =	vadd.s32 v44, v11;
	v47 =	vsel vm2, $0x1, v3;
	vm2 =	vlt.s32 v22, v10  }
0x1bb: {  	v11 =	vadd.s32 v23, v11;
	v25 =	vsel vm2, $0x1, v3;
	vm2 =	vlt.s32 v6, v10  }
0x1bc: {  	v11 =	vadd.s32 v24, v11;
	v49 =	vsel vm2, $0x1, v3;
	vm2 =	vlt.s32 v7, v48  }
0x1bd: {  	v7 =	vadd.s32 v47, v11;
	v50 =	vsel vm2, $0x1, v3;
	vm2 =	vlt.s32 v8, v48  }
0x1be: {  	v7 =	vadd.s32 v25, v7;
	v8 =	vsel vm2, $0x1, v3;
	vm2 =	vlt.s32 v63, v48  }
0x1bf: {  	v8 =	vadd.s32 v8, v50;
	v9 =	vsel vm2, $0x1, v3;
	vm2 =	vlt.s32 v12, v48  }
0x1c0: {  	v8 =	vadd.s32 v9, v8;
	v51 =	vsel vm2, $0x1, v3;
	vm2 =	vlt.s32 v14, v48  }
0x1c1: {  	v8 =	vadd.s32 v51, v8;
	v52 =	vsel vm2, $0x1, v3;
	vm2 =	vlt.s32 v31, v48  }
0x1c2: {  	v8 =	vadd.s32 v52, v8;
	v53 =	vsel vm2, $0x1, v3;
	vm2 =	vlt.s32 v13, v48  }
0x1c3: {  	v8 =	vadd.s32 v53, v8;
	v54 =	vsel vm2, $0x1, v3;
	vm2 =	vlt.s32 v16, v48  }
0x1c4: {  	v8 =	vadd.s32 v54, v8;
	v55 =	vsel vm2, $0x1, v3;
	vm2 =	vlt.s32 v18, v48  }
0x1c5: {  	v8 =	vadd.s32 v55, v8;
	v56 =	vsel vm2, $0x1, v3;
	vm2 =	vlt.s32 v17, v48  }
0x1c6: {  	v8 =	vadd.s32 v56, v8;
	v57 =	vsel vm2, $0x1, v3;
	vm2 =	vlt.s32 v5, v48  }
0x1c7: {  	v5 =	vadd.s32 v57, v8;
	v58 =	vsel vm2, $0x1, v3;
	vm2 =	vlt.s32 v20, v48  }
0x1c8: {  	v5 =	vadd.s32 v58, v5;
	v59 =	vsel vm2, $0x1, v3;
	vm2 =	vlt.s32 v19, v48  }
0x1c9: {  	v5 =	vadd.s32 v59, v5;
	v60 =	vsel vm2, $0x1, v3;
	vm2 =	vlt.s32 v45, v48  }
0x1ca: {  	v5 =	vadd.s32 v60, v5;
	v61 =	vsel vm2, $0x1, v3;
	vm2 =	vlt.s32 v22, v48  }
0x1cb: {  	v5 =	vadd.s32 v61, v5;
	v62 =	vsel vm2, $0x1, v3;
	vm2 =	vlt.s32 v6, v48  }
0x1cc: {  	v7 =	vadd.s32 v49, v7;
	v5 =	vadd.s32 v62, v5;
	v63 =	vsel vm2, $0x1, v3  }
0x1cd: {  	[tilespmem:$0x12D20] =	vst v6;
	v7 =	vmin.u32 v7, $0xF;
	v5 =	vadd.s32 v63, v5  }
0x1ce: {  	[tilespmem:$0x12D00] =	vst v7;
	v5 =	vmin.u32 v5, $0xF  }
0x1cf: {  	s1 =	rddreg [dreg:$0x1d];
	s5 =	simm.s32 $0x12D00;
	[tilespmem:$0x12D10] =	vst v5  }
0x1d0: {  	[hbm4b:s1+s4] =	stream.linear.scatter [tilespmem:s5], [sflag:$0x3], $0x80, $0x38;
	[tilespmem:$0x13180] =	vst v63  }
0x1d1: {  	_ =	swait.ge [sflag:s16], $0x80  }
0x1d2: {  	[sflag:s16] =	ssyncset.done $0x0  }
0x1d3: {  	[sflag:s16] =	ssyncadd.s32 $0xFFFFFF80  }
.LBB2_9:
0x1d4: {  	v4 =	vnsel vm0, $0x0, v4  }
0x1d5: {  	(xrf0) =	vadd.scan.msk.s32 $0xffff, v4;
	_ =	sdelay $0x5  }
0x1d6: {  	v4, _, _ =	vpop (xrf0)  }
0x1d7: {  	(v2sf) =	vpush v4, $0xF;
	_ =	sdelay $0xe  }
0x1d8: {  	s7 =	spop (v2sf)  }
0x1d9: {  	s7 =	sadd.s32 $0x1F, s7  }
0x1da: {  	s7 =	sshra.s32 s7, $0x5  }
0x1db: {  	s7 =	sadd.s32 s9, s7  }
0x1dc: {  	s11 =	sshra.s32 s7, $0x1  }
0x1dd: {  	s11 =	sadd.s32 $0x1, s11  }
0x1de: {  	s19 =	sshra.s32 s11, $0x1  }
0x1df: {  	p2 =	slt.s32 s19, $0x1  }
.Ltmp7:
0x1e0: {  	_ = 	snop;
	(pc) =	sbr.rel @p2 .LBB2_12-.Ltmp7, $1  }
0x1e1: {  	_ =	sdelay $0x3  }
0x1e2: {  	s7 =	sand.u32 $0xFFFFFFFE, s7;
	s1 =	rddreg [dreg:$0x1e]  }
0x1e3: {  	s7 =	sadd.s32 s1, s7  }
0x1e4: {  	p2 =	sgt.s32 s7, $0x0  }
0x1e5: {  	s7 =	simm.s32 @!p2 $0x0  }
0x1e6: {  	s11 =	rddreg [dreg:$0x1f];
	s18 =	sshll.u32 s7, $0x5  }
.LBB2_11:
0x1e7: {  	p2 =	slt.s32 s11, s18;
	s7 =	smov.u32 s18  }
0x1e8: {  	s7 =	smov.u32 @p2 s11  }
0x1e9: {  	v4 =	vld [tilespmem:s7+$0x2400];
	_ =	sdelay $0x4  }
0x1ea: {  	v5 =	vshll.u32 v4, $0x3  }
0x1eb: {  	v4 =	vand.u32 $0x7, v4;
	v5 =	vand.u32 $0xFFFFFFC0, v5  }
0x1ec: {  	v6 =	vshrl.u32 v1, $0x3;
	v4 =	vor.u32 v4, v5;
	v5 =	vand.u32 $0x7, v1  }
0x1ed: {  	v6 =	vmul.u32 $0x8, v6;
	v7 =	vperm.xlane v4, v5;
	_ =	sdelay $0x1  }
0x1ee: {  	v7 =	vadd.s32 v6, v7;
	_ =	sdelay $0x3  }
0x1ef: {  	vm2 =	vmmov $0xffff  }
0x1f0: {  	v8 =	vor.u32 $0x8, v1;
	[tilespmem:s20], [sflag:$0x1] =	stream.indirect_vreg.gather [hbm4b:s2+s4], $0x80, v7, vm2, $0xb8;
	[tilespmem:$0x13180] =	vst v63  }
0x1f1: {  	s10 =	rddreg [dreg:$0x5];
	v4 =	vperm.xlane v4, v8  }
0x1f2: {  	[tilespmem:s10], [sflag:$0x1] =	stream.indirect_vreg.gather [hbm4b:s12+s4], $0x80, v7, vm2, $0xb8;
	[tilespmem:$0x13180] =	vst v63  }
0x1f3: {  	s1 =	rddreg [dreg:$0x6];
	v4 =	vadd.s32 v6, v4  }
0x1f4: {  	[tilespmem:s1], [sflag:$0x1] =	stream.indirect_vreg.gather [hbm4b:s13+s4], $0x80, v7, vm2, $0xb8;
	[tilespmem:$0x13180] =	vst v63  }
0x1f5: {  	s5 =	rddreg [dreg:$0x7]  }
0x1f6: {  	[tilespmem:s5], [sflag:$0x1] =	stream.indirect_vreg.gather [hbm4b:s14+s4], $0x80, v7, vm2, $0xb8;
	[tilespmem:$0x13180] =	vst v63  }
0x1f7: {  	s1 =	rddreg [dreg:$0x8]  }
0x1f8: {  	[tilespmem:s1], [sflag:$0x1] =	stream.indirect_vreg.gather [hbm4b:s2+s4], $0x80, v4, vm2, $0xb8;
	[tilespmem:$0x13180] =	vst v63  }
0x1f9: {  	s5 =	rddreg [dreg:$0x9]  }
0x1fa: {  	[tilespmem:s5], [sflag:$0x1] =	stream.indirect_vreg.gather [hbm4b:s12+s4], $0x80, v4, vm2, $0xb8;
	[tilespmem:$0x13180] =	vst v63  }
0x1fb: {  	s1 =	rddreg [dreg:$0xa]  }
0x1fc: {  	[tilespmem:s1], [sflag:$0x1] =	stream.indirect_vreg.gather [hbm4b:s13+s4], $0x80, v4, vm2, $0xb8;
	[tilespmem:$0x13180] =	vst v63  }
0x1fd: {  	s5 =	rddreg [dreg:$0xb]  }
0x1fe: {  	[tilespmem:s5], [sflag:$0x1] =	stream.indirect_vreg.gather [hbm4b:s14+s4], $0x80, v4, vm2, $0xb8;
	[tilespmem:$0x13180] =	vst v63  }
0x1ff: {  	v4 =	vld [tilespmem:s7+$0x2410];
	_ =	sdelay $0x4  }
0x200: {  	v61 =	vshll.u32 v4, $0x3  }
0x201: {  	v4 =	vand.u32 $0x7, v4;
	v7 =	vand.u32 $0xFFFFFFC0, v61  }
0x202: {  	v4 =	vor.u32 v4, v7  }
0x203: {  	v7 =	vperm.xlane v4, v5;
	_ =	sdelay $0x1  }
0x204: {  	v7 =	vadd.s32 v6, v7;
	_ =	sdelay $0x3  }
0x205: {  	s5 =	rddreg [dreg:$0xc]  }
0x206: {  	[tilespmem:s5], [sflag:$0x1] =	stream.indirect_vreg.gather [hbm4b:s2+s4], $0x80, v7, vm2, $0xb8;
	[tilespmem:$0x13180] =	vst v63  }
0x207: {  	s10 =	rddreg [dreg:$0xd];
	v4 =	vperm.xlane v4, v8  }
0x208: {  	[tilespmem:s10], [sflag:$0x1] =	stream.indirect_vreg.gather [hbm4b:s12+s4], $0x80, v7, vm2, $0xb8;
	[tilespmem:$0x13180] =	vst v63  }
0x209: {  	v4 =	vadd.s32 v6, v4;
	s5 =	rddreg [dreg:$0xe]  }
0x20a: {  	[tilespmem:s5], [sflag:$0x1] =	stream.indirect_vreg.gather [hbm4b:s13+s4], $0x80, v7, vm2, $0xb8;
	[tilespmem:$0x13180] =	vst v63  }
0x20b: {  	s10 =	rddreg [dreg:$0xf]  }
0x20c: {  	[tilespmem:s10], [sflag:$0x1] =	stream.indirect_vreg.gather [hbm4b:s14+s4], $0x80, v7, vm2, $0xb8;
	[tilespmem:$0x13180] =	vst v63  }
0x20d: {  	s5 =	rddreg [dreg:$0x10]  }
0x20e: {  	[tilespmem:s5], [sflag:$0x1] =	stream.indirect_vreg.gather [hbm4b:s2+s4], $0x80, v4, vm2, $0xb8;
	[tilespmem:$0x13180] =	vst v63  }
0x20f: {  	s10 =	rddreg [dreg:$0x11]  }
0x210: {  	[tilespmem:s10], [sflag:$0x1] =	stream.indirect_vreg.gather [hbm4b:s12+s4], $0x80, v4, vm2, $0xb8;
	[tilespmem:$0x13180] =	vst v63  }
0x211: {  	s1 =	sadd.s32 $0x40, s11;
	s5 =	rddreg [dreg:$0x12]  }
0x212: {  	[tilespmem:s5], [sflag:$0x1] =	stream.indirect_vreg.gather [hbm4b:s13+s4], $0x80, v4, vm2, $0xb8;
	[tilespmem:$0x13180] =	vst v63  }
0x213: {  	p2 =	slt.s32 s1, s18;
	s5 =	smov.u32 s18  }
0x214: {  	s10 =	rddreg [dreg:$0x13];
	s5 =	smov.u32 @p2 s1  }
0x215: {  	[tilespmem:s10], [sflag:$0x1] =	stream.indirect_vreg.gather [hbm4b:s14+s4], $0x80, v4, vm2, $0xb8;
	[tilespmem:$0x13180] =	vst v63  }
0x216: {  	v4 =	vld [tilespmem:s5+$0x2400];
	_ =	sdelay $0x4  }
0x217: {  	v62 =	vshll.u32 v4, $0x3  }
0x218: {  	v4 =	vand.u32 $0x7, v4;
	v7 =	vand.u32 $0xFFFFFFC0, v62  }
0x219: {  	v4 =	vor.u32 v4, v7  }
0x21a: {  	v7 =	vperm.xlane v4, v5;
	_ =	sdelay $0x1  }
0x21b: {  	v7 =	vadd.s32 v6, v7;
	_ =	sdelay $0x4  }
0x21c: {  	[tilespmem:s21], [sflag:$0x2] =	stream.indirect_vreg.gather [hbm4b:s2+s4], $0x80, v7, vm2, $0xb8;
	[tilespmem:$0x13180] =	vst v63  }
0x21d: {  	s1 =	rddreg [dreg:$0x14];
	v4 =	vperm.xlane v4, v8  }
0x21e: {  	[tilespmem:s1], [sflag:$0x2] =	stream.indirect_vreg.gather [hbm4b:s12+s4], $0x80, v7, vm2, $0xb8;
	[tilespmem:$0x13180] =	vst v63  }
0x21f: {  	s10 =	rddreg [dreg:$0x15];
	v4 =	vadd.s32 v6, v4  }
0x220: {  	[tilespmem:s10], [sflag:$0x2] =	stream.indirect_vreg.gather [hbm4b:s13+s4], $0x80, v7, vm2, $0xb8;
	[tilespmem:$0x13180] =	vst v63  }
0x221: {  	s1 =	rddreg [dreg:$0x16]  }
0x222: {  	[tilespmem:s1], [sflag:$0x2] =	stream.indirect_vreg.gather [hbm4b:s14+s4], $0x80, v7, vm2, $0xb8;
	[tilespmem:$0x13180] =	vst v63  }
0x223: {  	s10 =	rddreg [dreg:$0x17]  }
0x224: {  	[tilespmem:s10], [sflag:$0x2] =	stream.indirect_vreg.gather [hbm4b:s2+s4], $0x80, v4, vm2, $0xb8;
	[tilespmem:$0x13180] =	vst v63  }
0x225: {  	s1 =	rddreg [dreg:$0x18]  }
0x226: {  	[tilespmem:s1], [sflag:$0x2] =	stream.indirect_vreg.gather [hbm4b:s12+s4], $0x80, v4, vm2, $0xb8;
	[tilespmem:$0x13180] =	vst v63  }
0x227: {  	s10 =	rddreg [dreg:$0x19]  }
0x228: {  	[tilespmem:s10], [sflag:$0x2] =	stream.indirect_vreg.gather [hbm4b:s13+s4], $0x80, v4, vm2, $0xb8;
	[tilespmem:$0x13180] =	vst v63  }
0x229: {  	s1 =	rddreg [dreg:$0x1a]  }
0x22a: {  	[tilespmem:s1], [sflag:$0x2] =	stream.indirect_vreg.gather [hbm4b:s14+s4], $0x80, v4, vm2, $0xb8;
	[tilespmem:$0x13180] =	vst v63  }
0x22b: {  	v4 =	vld [tilespmem:s5+$0x2410];
	_ =	sdelay $0x4  }
0x22c: {  	v63 =	vshll.u32 v4, $0x3  }
0x22d: {  	v4 =	vand.u32 $0x7, v4;
	v7 =	vand.u32 $0xFFFFFFC0, v63  }
0x22e: {  	v4 =	vor.u32 v4, v7  }
0x22f: {  	v5 =	vperm.xlane v4, v5;
	_ =	sdelay $0x1  }
0x230: {  	v5 =	vadd.s32 v6, v5;
	_ =	sdelay $0x3  }
0x231: {  	s10 =	rddreg [dreg:$0x1b]  }
0x232: {  	[tilespmem:s10], [sflag:$0x2] =	stream.indirect_vreg.gather [hbm4b:s2+s4], $0x80, v5, vm2, $0xb8;
	[tilespmem:$0x13180] =	vst v63  }
0x233: {  	v4 =	vperm.xlane v4, v8  }
0x234: {  	[tilespmem:s22], [sflag:$0x2] =	stream.indirect_vreg.gather [hbm4b:s12+s4], $0x80, v5, vm2, $0xb8;
	[tilespmem:$0x13180] =	vst v63  }
0x235: {  	v4 =	vadd.s32 v6, v4  }
0x236: {  	[tilespmem:s23], [sflag:$0x2] =	stream.indirect_vreg.gather [hbm4b:s13+s4], $0x80, v5, vm2, $0xb8;
	[tilespmem:$0x13180] =	vst v63  }
0x237: {  	_ = 	snop  }
0x238: {  	[tilespmem:s24], [sflag:$0x2] =	stream.indirect_vreg.gather [hbm4b:s14+s4], $0x80, v5, vm2, $0xb8;
	[tilespmem:$0x13180] =	vst v63  }
0x239: {  	_ = 	snop  }
0x23a: {  	[tilespmem:s25], [sflag:$0x2] =	stream.indirect_vreg.gather [hbm4b:s2+s4], $0x80, v4, vm2, $0xb8;
	[tilespmem:$0x13180] =	vst v63  }
0x23b: {  	_ = 	snop  }
0x23c: {  	[tilespmem:s26], [sflag:$0x2] =	stream.indirect_vreg.gather [hbm4b:s12+s4], $0x80, v4, vm2, $0xb8;
	[tilespmem:$0x13180] =	vst v63  }
0x23d: {  	_ = 	snop  }
0x23e: {  	[tilespmem:s28], [sflag:$0x2] =	stream.indirect_vreg.gather [hbm4b:s13+s4], $0x80, v4, vm2, $0xb8;
	[tilespmem:$0x13180] =	vst v63  }
0x23f: {  	_ = 	snop  }
0x240: {  	[tilespmem:s29], [sflag:$0x2] =	stream.indirect_vreg.gather [hbm4b:s14+s4], $0x80, v4, vm2, $0xb8;
	[tilespmem:$0x13180] =	vst v63  }
0x241: {  	s7 =	sadd.s32 s8, s7;
	_ =	swait.ge [sflag:s30], $0x8000  }
0x242: {  	s1 =	sshll.u32 s7, $0x7;
	[sflag:s30] =	ssyncset.done $0x0  }
0x243: {  	s1 =	sadd.s32 s6, s1;
	[sflag:s30] =	ssyncadd.s32 $0xFFFF8000  }
0x244: {  	[hbm4b:s1+s4] =	stream.linear.scatter [tilespmem:s20], [sflag:$0x3], $0x8000, $0x38;
	[tilespmem:$0x13180] =	vst v63  }
0x245: {  	_ =	swait.ge [sflag:s16], $0x8000  }
0x246: {  	[sflag:s16] =	ssyncset.done $0x0  }
0x247: {  	[sflag:s16] =	ssyncadd.s32 $0xFFFF8000  }
0x248: {  	s10 =	sadd.s32 s8, s5;
	_ =	swait.ge [sflag:s31], $0x8000  }
0x249: {  	p2 =	sne.s32 s19, $0x1;
	s1 =	sshll.u32 s10, $0x7;
	[sflag:s31] =	ssyncset.done $0x0  }
.Ltmp8:
0x24a: {  	s1 =	sadd.s32 s6, s1;
	[sflag:s31] =	ssyncadd.s32 $0xFFFF8000;
	(pc) =	sbr.rel @p2 .LBB2_11-.Ltmp8, $4  }
0x24b: {  	[hbm4b:s1+s4] =	stream.linear.scatter [tilespmem:s21], [sflag:$0x3], $0x8000, $0x38;
	[tilespmem:$0x13180] =	vst v63  }
0x24c: {  	_ =	swait.ge [sflag:s16], $0x8000  }
0x24d: {  	[sflag:s16] =	ssyncset.done $0x0  }
0x24e: {  	s11 =	sadd.s32 $0x80, s11;
	s19 =	sadd.s32 $0xFFFFFFFF, s19;
	[sflag:s16] =	ssyncadd.s32 $0xFFFF8000  }
.Ltmp9:
0x24f: {  	_ = 	snop;
	(pc) =	sbr.rel .LBB2_12-.Ltmp9, $1  }
0x250: {  	_ =	sdelay $0x3  }
.LBB2_13:
0x251: {  	_ =	sfence.sel $0x180000  }
0x252: {  	[bflag:$0x0] =	sbarrier.arrive $0xFFFF  }
0x253: {  	_ =	strace $0x90000047  }
0x254: {  	s0 =	stileid.u32;
	[bflag:$0x2] =	sbarrier.arrive $0xFFFF  }
0x255: {  	p0 =	sne.s32 s0, $0x0;
	s0 =	rddreg [dreg:$0x4]  }
0x256: {  	s0 =	sadd.s32 @!p0 $0x100000, s0  }
0x257: {  	[sflag:s0] =	ssyncadd.tile.s32 @!p0 $0x1;
	_ =	shalt  }
.Lfunc_end2:
_tile_overlayer_lowered:
.L_overlay_start_2:
0x258: {  	(tag) =	ssettag $0x2  }
0x259: {  	s0 =	rddreg [dreg:$0x0];
	s2 =	stileid.u32  }
0x25a: {  	s1 =	rddreg [dreg:$0x1];
	p0 =	sne.s32 s2, $0x0  }
0x25b: {  	s3 =	rddreg [dreg:$0x2];
	[bflag:$0x3] =	sbarrier.arrive $0xFFFF;
	s2 =	simm.s32 @!p0 $0x1C03  }
0x25c: {  	[timem:s3], [sflag:s2] =	dma.local @!p0 [hbm:s0], s1  }
0x25d: {  	s0 =	simm.s32 @!p0 $0x3  }
0x25e: {  	_ =	swait.ge @!p0 [sflag:s0], s1  }
0x25f: {  	s1 =	ssub.s32 @!p0 $0x0, s1;
	[sflag:s0] =	ssyncset.done @!p0 $0x0  }
0x260: {  	[sflag:s0] =	ssyncadd.s32 @!p0 s1  }
0x261: {  	[bflag:$0x3] =	sbarrier.arrive $0xFFFF  }
0x262: {  	_ =	shalt  }

</sc_bundles>
